<compile_context>
chip_gen: v7x
topology: tpu7x:2x2x1
jax: 0.10.2.dev20260603
libtpu: 0.0.44.dev20260713+nightly
codegen_flags: <defaults>
</compile_context>

<pallas_src>
import functools

import jax
import jax.numpy as jnp
import numpy as np
from jax import lax
from jax.experimental import pallas as pl
from jax.experimental.pallas import tpu as pltpu
from jax.experimental.pallas import tpu_sc as plsc

_B, _N, _IMH, _IMW = 4, 6, 256, 704
_CAMC = 64
_DS = 16
_FH, _FW = _IMH // _DS, _IMW // _DS
_BN = _B * _N
_PPB = _N * _FH * _FW
_GRID = 256 * 256
_SENT = _GRID

_DXn = np.array([0.4, 0.4, 20.0], dtype=np.float32)
_BXn = np.array([-51.2 + 0.2, -51.2 + 0.2, -10.0 + 10.0], dtype=np.float32)
_OFF = _BXn - _DXn / 2.0


def _frustum():
    xs = np.broadcast_to(
        np.linspace(0.0, _IMW - 1.0, _FW, dtype=np.float32).reshape(1, _FW), (_FH, _FW)
    )
    ys = np.broadcast_to(
        np.linspace(0.0, _IMH - 1.0, _FH, dtype=np.float32).reshape(_FH, 1), (_FH, _FW)
    )
    return np.ascontiguousarray(xs), np.ascontiguousarray(ys)


_FX, _FY = _frustum()


def _tc_pool_body(lid_ref, out_ref):
    x = lid_ref[0]
    m = x.reshape(_FH, _DS, _IMW).max(axis=1)
    mt = m.T
    out_ref[0] = mt.reshape(_FW, _DS, _FH).max(axis=1).T


def _tc_pool(lid):
    return pl.pallas_call(
        _tc_pool_body,
        grid=(_BN,),
        in_specs=[pl.BlockSpec((1, _IMH, _IMW), lambda i: (i, 0, 0))],
        out_specs=pl.BlockSpec((1, _FH, _FW), lambda i: (i, 0, 0)),
        out_shape=jax.ShapeDtypeStruct((_BN, _FH, _FW), jnp.float32),
    )(lid)


@functools.lru_cache(maxsize=None)
def _sc_scatter_kernel():
    mesh = plsc.VectorSubcoreMesh(core_axis_name="c", subcore_axis_name="s")
    return pl.kernel(
        _sc_scatter_body,
        out_type=jax.ShapeDtypeStruct((_B, _CAMC, 256, 256), jnp.float32),
        mesh=mesh,
        scratch_types=[
            pltpu.VMEM((256, 256), jnp.float32),
            pltpu.VMEM((_PPB,), jnp.int32),
            pltpu.VMEM((_PPB,), jnp.float32),
            pltpu.VMEM((_PPB,), jnp.float32),
            pltpu.SemaphoreType.DMA,
            pltpu.SemaphoreType.DMA,
        ],
        compiler_params=pltpu.CompilerParams(needs_layout_passes=False),
    )


def _sc_scatter_body(feat_hbm, vidx_hbm, out_hbm, acc, idxb, val0, val1, semv, semo):
    wid = lax.axis_index("s") * 2 + lax.axis_index("c")
    b = wid // 8
    c0 = (wid % 8) * 8

    pltpu.sync_copy(vidx_hbm.at[pl.ds(b * _PPB, _PPB)], idxb)

    zv = jnp.zeros((16,), jnp.float32)

    def zbody(i, carry):
        for u in range(16):
            acc[i, pl.ds(u * 16, 16)] = zv
        return carry

    lax.fori_loop(0, 256, zbody, 0)

    def start_fetch(c, buf):
        fhw = _FH * _FW
        return [
            pltpu.async_copy(
                feat_hbm.at[pl.ds(((b * _N + n) * _CAMC + c) * fhw, fhw)],
                buf.at[pl.ds(n * fhw, fhw)],
                semv,
            )
            for n in range(_N)
        ]

    def scatter_pass(valb, zero):
        def body(j, carry):
            for u in range(4):
                base = (j * 4 + u) * 16
                iv = idxb[pl.ds(base, 16)]
                mask = iv < _SENT
                ix = lax.shift_right_logical(iv, 8)
                iy = lax.bitwise_and(iv, 255)
                if zero:
                    plsc.store_scatter(acc, [ix, iy], zv, mask=mask)
                else:
                    vv = valb[pl.ds(base, 16)]
                    plsc.addupdate_scatter(acc, [ix, iy], vv, mask=mask)
            return carry

        lax.fori_loop(0, _PPB // (4 * 16), body, 0)

    bufs = (val0, val1)
    hs = start_fetch(c0, val0)
    for k in range(8):
        c = c0 + k
        buf = bufs[k % 2]
        for h in hs:
            h.wait()
        if k < 7:
            hs = start_fetch(c + 1, bufs[(k + 1) % 2])
        scatter_pass(buf, zero=False)
        pltpu.async_copy(acc, out_hbm.at[b, c], semo).wait()
        if k < 7:
            scatter_pass(None, zero=True)


def kernel(x0, lidar_img, rots, trans, intrins, post_rots, post_trans, shape_info):
    lid = lidar_img.reshape(_BN, _IMH, _IMW)
    d = _tc_pool(lid).reshape(_B, _N, _FH, _FW)

    frust = jnp.stack(
        (jnp.asarray(_FX), jnp.asarray(_FY), jnp.ones((_FH, _FW), jnp.float32)), -1
    )
    points = frust[None, None] - post_trans[:, :, None, None, :]
    points = jnp.einsum("bnij,bnhwj->bnhwi", jnp.linalg.inv(post_rots), points)
    d = jnp.where(d == 0.0, 200.0, d)
    points = points * d[..., None]
    combine = jnp.einsum("bnij,bnjk->bnik", rots, jnp.linalg.inv(intrins))
    points = jnp.einsum("bnij,bnhwj->bnhwi", combine, points)
    geom = points + trans[:, :, None, None, :]

    gf = ((geom - jnp.asarray(_OFF)) / jnp.asarray(_DXn)).astype(jnp.int32)
    gfx, gfy, gfz = gf[..., 0], gf[..., 1], gf[..., 2]
    kept = (gfx >= 0) & (gfx < 256) & (gfy >= 0) & (gfy < 256) & (gfz >= 0) & (gfz < 1)
    vidx = jnp.where(kept, gfx * 256 + gfy, _SENT).reshape(_B * _PPB)

    feat = x0.reshape(_BN * _CAMC * _FH * _FW)
    out = _sc_scatter_kernel()(feat, vidx)
    return out.reshape(_B, _CAMC, 256, 256)

# --- scband reference (transcript-rebuilt; emitter-appended) ---
"""Pipeline reference for scband-lidar-projection-88527865905722 (READ-ONLY COPY).

The authoritative reference and input builder live on the scoring server;
editing this copy changes nothing except your own understanding.
"""

import jax, jax.numpy as jnp
import numpy as np

B, N, IMH, IMW = 4, 6, 256, 704
CAMC = 64
DS = 16
FH, FW = IMH // DS, IMW // DS

XB = (-51.2, 51.2, 0.4)
YB = (-51.2, 51.2, 0.4)
ZB = (-10.0, 10.0, 20.0)

DX = jnp.array([XB[2], YB[2], ZB[2]], dtype=jnp.float32)
BX = jnp.array([XB[0] + XB[2] / 2.0, YB[0] + YB[2] / 2.0, ZB[0] + ZB[2] / 2.0], dtype=jnp.float32)
NX = (int(round((XB[1] - XB[0]) / XB[2])), int(round((YB[1] - YB[0]) / YB[2])), int(round((ZB[1] - ZB[0]) / ZB[2])))


def create_frustum():
    xs = jnp.broadcast_to(jnp.linspace(0.0, IMW - 1.0, FW, dtype=jnp.float32).reshape(1, FW), (FH, FW))
    ys = jnp.broadcast_to(jnp.linspace(0.0, IMH - 1.0, FH, dtype=jnp.float32).reshape(FH, 1), (FH, FW))
    ds = jnp.ones_like(xs)
    return jnp.stack((xs, ys, ds), -1)

FRUSTUM = create_frustum()


def setup_inputs(seed: int = 0):
    key = jax.random.key(seed)
    k1, k2, k3 = jax.random.split(key, 3)
    x0 = jax.random.normal(k1, (B * N, CAMC, FH, FW), dtype=jnp.float32)
    lidar_img = jax.random.uniform(k2, (B, N, IMH, IMW), dtype=jnp.float32, minval=0.0, maxval=60.0)
    yaws = jnp.arange(N, dtype=jnp.float32) * (2.0 * np.pi / N)
    c, s = jnp.cos(yaws), jnp.sin(yaws)
    z = jnp.zeros_like(yaws)
    o = jnp.ones_like(yaws)
    Rz = jnp.stack([c, -s, z, s, c, z, z, z, o], -1).reshape(N, 3, 3)
    P = jnp.array([[0.0, 0.0, 1.0], [-1.0, 0.0, 0.0], [0.0, -1.0, 0.0]], dtype=jnp.float32)
    rots = jnp.broadcast_to(jnp.matmul(Rz, P)[None], (B, N, 3, 3)).astype(jnp.float32)
    trans = jnp.tile(jnp.array([0.5, 0.0, 1.5], dtype=jnp.float32), (B, N, 1)) + 0.1 * jax.random.normal(k3, (B, N, 3), dtype=jnp.float32)
    intr = jnp.array([[1120.0, 0.0, 704.0], [0.0, 1120.0, 256.0], [0.0, 0.0, 1.0]], dtype=jnp.float32)
    intrins = jnp.broadcast_to(intr[None, None], (B, N, 3, 3))
    post_rots = jnp.broadcast_to(jnp.diag(jnp.array([0.5, 0.5, 1.0], dtype=jnp.float32))[None, None], (B, N, 3, 3))
    post_trans = jnp.zeros((B, N, 3), dtype=jnp.float32)
    shape_info = jnp.array([B, N, IMH, IMW], dtype=jnp.int32)
    return {'x0': x0, 'lidar_img': lidar_img, 'rots': rots, 'trans': trans, 'intrins': intrins, 'post_rots': post_rots, 'post_trans': post_trans, 'shape_info': shape_info}


def _maxpool(d):
    return d.reshape(B, N, FH, DS, FW, DS).max(axis=(3, 5))


def get_geometry(rots, trans, intrins, post_rots, post_trans, depth_img):
    points = FRUSTUM[None, None] - post_trans[:, :, None, None, :]
    points = jnp.einsum('bnij,bnhwj->bnhwi', jnp.linalg.inv(post_rots), points)
    d = _maxpool(depth_img)
    d = jnp.where(d == 0.0, 200.0, d)
    points = points * d[..., None]
    combine = jnp.einsum('bnij,bnjk->bnik', rots, jnp.linalg.inv(intrins))
    points = jnp.einsum('bnij,bnhwj->bnhwi', combine, points)
    points = points + trans[:, :, None, None, :]
    return points


def voxel_pooling(geom, feat):
    C = feat.shape[-1]
    Np = B * N * FH * FW
    x = feat.reshape(Np, C)
    gf = ((geom - (BX - DX / 2.0)) / DX).astype(jnp.int32).reshape(Np, 3)
    batch_ix = jnp.repeat(jnp.arange(B, dtype=jnp.int32), Np // B)[:, None]
    gf = jnp.concatenate([gf, batch_ix], axis=1)
    kept = ((gf[:, 0] >= 0) & (gf[:, 0] < NX[0]) & (gf[:, 1] >= 0) & (gf[:, 1] < NX[1]) & (gf[:, 2] >= 0) & (gf[:, 2] < NX[2]))
    oob = jnp.array([NX[0], NX[1], NX[2], B], dtype=jnp.int32)
    gf = jnp.where(kept[:, None], gf, oob[None, :])
    ranks = gf[:, 0] * (NX[1] * NX[2] * B) + gf[:, 1] * (NX[2] * B) + gf[:, 2] * B + gf[:, 3]
    sorts = jnp.argsort(ranks)
    x, gf, ranks = x[sorts], gf[sorts], ranks[sorts]
    xc = jnp.cumsum(x, axis=0)
    kept2 = jnp.ones(xc.shape[0], dtype=bool).at[:-1].set(ranks[1:] != ranks[:-1])
    starts = jnp.searchsorted(ranks, ranks, side='left')
    xcp = jnp.concatenate([jnp.zeros((1, C), dtype=xc.dtype), xc], axis=0)
    xout = xc - xcp[starts]
    idx = jnp.where(kept2[:, None], gf, oob[None, :])
    final = jnp.zeros((B, C, NX[2], NX[0], NX[1]), dtype=x.dtype)
    final = final.at[idx[:, 3], :, idx[:, 2], idx[:, 0], idx[:, 1]].set(xout, mode='drop')
    final = jnp.concatenate([final[:, :, zz] for zz in range(NX[2])], axis=1)
    return final


def reference(x0, lidar_img, rots, trans, intrins, post_rots, post_trans, shape_info):
    geom = get_geometry(rots, trans, intrins, post_rots, post_trans, lidar_img)
    feat = x0.reshape(B, N, CAMC, FH, FW).transpose(0, 1, 3, 4, 2)
    return voxel_pooling(geom, feat)

if __name__ == "__main__":
    import jax
    _d = setup_inputs()
    print(jax.jit(kernel)(*tuple(_d.values())))

</pallas_src>

<mosaic_0001>
#map = affine_map<(d0, d1) -> (0)>
#map1 = affine_map<(d0, d1) -> (0, 0, 0, 0)>
module attributes {stable_mosaic.version = 14 : i64} {
  func.func @_sc_scatter_body(%arg0: i32, %arg1: i32, %arg2: memref<1081344xf32, #tpu.memory_space<hbm>>, %arg3: memref<16896xi32, #tpu.memory_space<hbm>>, %arg4: memref<4x64x256x256xf32, #tpu.memory_space<hbm>>, %arg5: memref<256x256xf32, #tpu.memory_space<vmem>>, %arg6: memref<4224xi32, #tpu.memory_space<vmem>>, %arg7: memref<4224xf32, #tpu.memory_space<vmem>>, %arg8: memref<4224xf32, #tpu.memory_space<vmem>>, %arg9: memref<!tpu.dma_semaphore, #tpu.memory_space<semaphore_mem>>, %arg10: memref<!tpu.dma_semaphore, #tpu.memory_space<semaphore_mem>>) attributes {dimension_semantics = [#tpu.dimension_semantics<core_parallel>, #tpu.dimension_semantics<subcore_parallel>], iteration_bounds = array<i64: 2, 16>, scalar_prefetch = 0 : i64, scratch_operands = 6 : i64, tpu.core_type = #tpu.core_type<sc_vector_subcore>, window_params = [{transform_indices = #map}, {transform_indices = #map}, {transform_indices = #map1}]} {
    %mul3A = arith.constant 2 : i32
    %mul3A_0 = arith.muli %arg1, %mul3A : i32
    %add3A = arith.addi %mul3A_0, %arg0 : i32
    %jit3A = arith.constant 8 : i32
    %div3A = arith.divsi %add3A, %jit3A : i32
    %sign3A = arith.constant 0 : i32
    %sign3A_1 = arith.cmpi sgt, %add3A, %sign3A : i32
    %sign3A_2 = arith.extui %sign3A_1 : i1 to i32
    %sign3A_3 = arith.constant 0 : i32
    %sign3A_4 = arith.cmpi slt, %add3A, %sign3A_3 : i32
    %sign3A_5 = arith.extui %sign3A_4 : i1 to i32
    %sign3A_6 = arith.subi %sign3A_2, %sign3A_5 : i32
    %sign3A_7 = arith.constant 0 : i32
    %sign3A_8 = arith.cmpi sgt, %jit3A, %sign3A_7 : i32
    %sign3A_9 = arith.extui %sign3A_8 : i1 to i32
    %sign3A_10 = arith.constant 0 : i32
    %sign3A_11 = arith.cmpi slt, %jit3A, %sign3A_10 : i32
    %sign3A_12 = arith.extui %sign3A_11 : i1 to i32
    %sign3A_13 = arith.subi %sign3A_9, %sign3A_12 : i32
    %ne3A = arith.cmpi ne, %sign3A_6, %sign3A_13 : i32
    %rem3A = arith.remsi %add3A, %jit3A : i32
    %ne3A_14 = arith.constant 0 : i32
    %ne3A_15 = arith.cmpi ne, %rem3A, %ne3A_14 : i32
    %and3A = arith.andi %ne3A, %ne3A_15 : i1
    %sub3A = arith.constant 1 : i32
    %sub3A_16 = arith.subi %div3A, %sub3A : i32
    %select_n3A = arith.select %and3A, %sub3A_16, %div3A : i32
    %jit3A_17 = arith.constant 8 : i32
    %eq3A = arith.constant 0 : i32
    %eq3A_18 = arith.cmpi eq, %jit3A_17, %eq3A : i32
    %jit3A_19 = arith.constant 1 : i32
    %select_n3A_20 = arith.select %eq3A_18, %jit3A_19, %jit3A_17 : i32
    %rem3A_21 = arith.remsi %add3A, %select_n3A_20 : i32
    %ne3A_22 = arith.constant 0 : i32
    %ne3A_23 = arith.cmpi ne, %rem3A_21, %ne3A_22 : i32
    %lt3A = arith.constant 0 : i32
    %lt3A_24 = arith.cmpi slt, %rem3A_21, %lt3A : i32
    %lt3A_25 = arith.constant 0 : i32
    %lt3A_26 = arith.cmpi slt, %select_n3A_20, %lt3A_25 : i32
    %ne3A_27 = arith.xori %lt3A_24, %lt3A_26 : i1
    %and3A_28 = arith.andi %ne3A_27, %ne3A_23 : i1
    %add3A_29 = arith.addi %rem3A_21, %select_n3A_20 : i32
    %select_n3A_30 = arith.select %and3A_28, %add3A_29, %rem3A_21 : i32
    %mul3A_31 = arith.constant 8 : i32
    %mul3A_32 = arith.muli %select_n3A_30, %mul3A_31 : i32
    %mul3A_33 = arith.constant 4224 : i32
    %mul3A_34 = arith.muli %select_n3A, %mul3A_33 : i32
    "tpu.region"() ({
      %run_scoped3A = tpu.sem_alloc : memref<!tpu.dma_semaphore, #tpu.memory_space<semaphore_mem>>
      %dma_start3A_1295 = tpu.memref_slice %arg3[%mul3A_34] : memref<16896xi32, #tpu.memory_space<hbm>> -> memref<4224xi32, #tpu.memory_space<hbm>>
      %dma_start3A_1296 = tpu.memref_slice %arg3[%mul3A_34] : memref<16896xi32, #tpu.memory_space<hbm>> -> memref<4224xi32, #tpu.memory_space<hbm>>
      tpu.enqueue_dma source(%dma_start3A_1296 : memref<4224xi32, #tpu.memory_space<hbm>>) target(%arg6 : memref<4224xi32, #tpu.memory_space<vmem>>) target_semaphore(%run_scoped3A : memref<!tpu.dma_semaphore, #tpu.memory_space<semaphore_mem>>)
      %dma_wait3A_1297 = tpu.memref_slice %arg3[%mul3A_34] : memref<16896xi32, #tpu.memory_space<hbm>> -> memref<4224xi32, #tpu.memory_space<hbm>>
      %dma_wait3A_1298 = tpu.memref_slice %arg3[%mul3A_34] : memref<16896xi32, #tpu.memory_space<hbm>> -> memref<4224xi32, #tpu.memory_space<hbm>>
      tpu.wait_dma2 semaphore(%run_scoped3A : memref<!tpu.dma_semaphore, #tpu.memory_space<semaphore_mem>>) src(%dma_wait3A_1298 : memref<4224xi32, #tpu.memory_space<hbm>>) dst(%arg6 : memref<4224xi32, #tpu.memory_space<vmem>>)
      tpu.yield
    }) : () -> ()
    %broadcast_in_dim3A = arith.constant 0.000000e+00 : f32
    %broadcast_in_dim3A_35 = vector.broadcast %broadcast_in_dim3A : f32 to vector<16xf32>
    %scan3A = arith.constant 0 : i32
    %scan3A_36 = arith.constant 0 : i32
    %scan3A_37 = arith.constant 256 : i32
    %scan3A_38 = arith.addi %scan3A_36, %scan3A_37 : i32
    %scan3A_39 = arith.constant 1 : i32
    scf.for %scan3A_1295 = %scan3A_36 to %scan3A_38 step %scan3A_39  : i32 {
      %swap3A = arith.index_cast %scan3A_1295 : i32 to index
      %swap3A_1296 = arith.constant 0 : index
      %swap3A_1297 = tpu.vector_load %arg5[%swap3A, %swap3A_1296] {strides = array<i32>} : memref<256x256xf32, #tpu.memory_space<vmem>>, vector<16xf32>,
      tpu.vector_store %arg5[%swap3A, %swap3A_1296], %broadcast_in_dim3A_35 {strides = array<i32>} : memref<256x256xf32, #tpu.memory_space<vmem>>, vector<16xf32>,
      %swap3A_1298 = arith.index_cast %scan3A_1295 : i32 to index
      %swap3A_1299 = arith.constant 16 : index
      %swap3A_1300 = tpu.vector_load %arg5[%swap3A_1298, %swap3A_1299] {strides = array<i32>} : memref<256x256xf32, #tpu.memory_space<vmem>>, vector<16xf32>,
      tpu.vector_store %arg5[%swap3A_1298, %swap3A_1299], %broadcast_in_dim3A_35 {strides = array<i32>} : memref<256x256xf32, #tpu.memory_space<vmem>>, vector<16xf32>,
      %swap3A_1301 = arith.index_cast %scan3A_1295 : i32 to index
      %swap3A_1302 = arith.constant 32 : index
      %swap3A_1303 = tpu.vector_load %arg5[%swap3A_1301, %swap3A_1302] {strides = array<i32>} : memref<256x256xf32, #tpu.memory_space<vmem>>, vector<16xf32>,
      tpu.vector_store %arg5[%swap3A_1301, %swap3A_1302], %broadcast_in_dim3A_35 {strides = array<i32>} : memref<256x256xf32, #tpu.memory_space<vmem>>, vector<16xf32>,
      %swap3A_1304 = arith.index_cast %scan3A_1295 : i32 to index
      %swap3A_1305 = arith.constant 48 : index
      %swap3A_1306 = tpu.vector_load %arg5[%swap3A_1304, %swap3A_1305] {strides = array<i32>} : memref<256x256xf32, #tpu.memory_space<vmem>>, vector<16xf32>,
      tpu.vector_store %arg5[%swap3A_1304, %swap3A_1305], %broadcast_in_dim3A_35 {strides = array<i32>} : memref<256x256xf32, #tpu.memory_space<vmem>>, vector<16xf32>,
      %swap3A_1307 = arith.index_cast %scan3A_1295 : i32 to index
      %swap3A_1308 = arith.constant 64 : index
      %swap3A_1309 = tpu.vector_load %arg5[%swap3A_1307, %swap3A_1308] {strides = array<i32>} : memref<256x256xf32, #tpu.memory_space<vmem>>, vector<16xf32>,
      tpu.vector_store %arg5[%swap3A_1307, %swap3A_1308], %broadcast_in_dim3A_35 {strides = array<i32>} : memref<256x256xf32, #tpu.memory_space<vmem>>, vector<16xf32>,
      %swap3A_1310 = arith.index_cast %scan3A_1295 : i32 to index
      %swap3A_1311 = arith.constant 80 : index
      %swap3A_1312 = tpu.vector_load %arg5[%swap3A_1310, %swap3A_1311] {strides = array<i32>} : memref<256x256xf32, #tpu.memory_space<vmem>>, vector<16xf32>,
      tpu.vector_store %arg5[%swap3A_1310, %swap3A_1311], %broadcast_in_dim3A_35 {strides = array<i32>} : memref<256x256xf32, #tpu.memory_space<vmem>>, vector<16xf32>,
      %swap3A_1313 = arith.index_cast %scan3A_1295 : i32 to index
      %swap3A_1314 = arith.constant 96 : index
      %swap3A_1315 = tpu.vector_load %arg5[%swap3A_1313, %swap3A_1314] {strides = array<i32>} : memref<256x256xf32, #tpu.memory_space<vmem>>, vector<16xf32>,
      tpu.vector_store %arg5[%swap3A_1313, %swap3A_1314], %broadcast_in_dim3A_35 {strides = array<i32>} : memref<256x256xf32, #tpu.memory_space<vmem>>, vector<16xf32>,
      %swap3A_1316 = arith.index_cast %scan3A_1295 : i32 to index
      %swap3A_1317 = arith.constant 112 : index
      %swap3A_1318 = tpu.vector_load %arg5[%swap3A_1316, %swap3A_1317] {strides = array<i32>} : memref<256x256xf32, #tpu.memory_space<vmem>>, vector<16xf32>,
      tpu.vector_store %arg5[%swap3A_1316, %swap3A_1317], %broadcast_in_dim3A_35 {strides = array<i32>} : memref<256x256xf32, #tpu.memory_space<vmem>>, vector<16xf32>,
      %swap3A_1319 = arith.index_cast %scan3A_1295 : i32 to index
      %swap3A_1320 = arith.constant 128 : index
      %swap3A_1321 = tpu.vector_load %arg5[%swap3A_1319, %swap3A_1320] {strides = array<i32>} : memref<256x256xf32, #tpu.memory_space<vmem>>, vector<16xf32>,
      tpu.vector_store %arg5[%swap3A_1319, %swap3A_1320], %broadcast_in_dim3A_35 {strides = array<i32>} : memref<256x256xf32, #tpu.memory_space<vmem>>, vector<16xf32>,
      %swap3A_1322 = arith.index_cast %scan3A_1295 : i32 to index
      %swap3A_1323 = arith.constant 144 : index
      %swap3A_1324 = tpu.vector_load %arg5[%swap3A_1322, %swap3A_1323] {strides = array<i32>} : memref<256x256xf32, #tpu.memory_space<vmem>>, vector<16xf32>,
      tpu.vector_store %arg5[%swap3A_1322, %swap3A_1323], %broadcast_in_dim3A_35 {strides = array<i32>} : memref<256x256xf32, #tpu.memory_space<vmem>>, vector<16xf32>,
      %swap3A_1325 = arith.index_cast %scan3A_1295 : i32 to index
      %swap3A_1326 = arith.constant 160 : index
      %swap3A_1327 = tpu.vector_load %arg5[%swap3A_1325, %swap3A_1326] {strides = array<i32>} : memref<256x256xf32, #tpu.memory_space<vmem>>, vector<16xf32>,
      tpu.vector_store %arg5[%swap3A_1325, %swap3A_1326], %broadcast_in_dim3A_35 {strides = array<i32>} : memref<256x256xf32, #tpu.memory_space<vmem>>, vector<16xf32>,
      %swap3A_1328 = arith.index_cast %scan3A_1295 : i32 to index
      %swap3A_1329 = arith.constant 176 : index
      %swap3A_1330 = tpu.vector_load %arg5[%swap3A_1328, %swap3A_1329] {strides = array<i32>} : memref<256x256xf32, #tpu.memory_space<vmem>>, vector<16xf32>,
      tpu.vector_store %arg5[%swap3A_1328, %swap3A_1329], %broadcast_in_dim3A_35 {strides = array<i32>} : memref<256x256xf32, #tpu.memory_space<vmem>>, vector<16xf32>,
      %swap3A_1331 = arith.index_cast %scan3A_1295 : i32 to index
      %swap3A_1332 = arith.constant 192 : index
      %swap3A_1333 = tpu.vector_load %arg5[%swap3A_1331, %swap3A_1332] {strides = array<i32>} : memref<256x256xf32, #tpu.memory_space<vmem>>, vector<16xf32>,
      tpu.vector_store %arg5[%swap3A_1331, %swap3A_1332], %broadcast_in_dim3A_35 {strides = array<i32>} : memref<256x256xf32, #tpu.memory_space<vmem>>, vector<16xf32>,
      %swap3A_1334 = arith.index_cast %scan3A_1295 : i32 to index
      %swap3A_1335 = arith.constant 208 : index
      %swap3A_1336 = tpu.vector_load %arg5[%swap3A_1334, %swap3A_1335] {strides = array<i32>} : memref<256x256xf32, #tpu.memory_space<vmem>>, vector<16xf32>,
      tpu.vector_store %arg5[%swap3A_1334, %swap3A_1335], %broadcast_in_dim3A_35 {strides = array<i32>} : memref<256x256xf32, #tpu.memory_space<vmem>>, vector<16xf32>,
      %swap3A_1337 = arith.index_cast %scan3A_1295 : i32 to index
      %swap3A_1338 = arith.constant 224 : index
      %swap3A_1339 = tpu.vector_load %arg5[%swap3A_1337, %swap3A_1338] {strides = array<i32>} : memref<256x256xf32, #tpu.memory_space<vmem>>, vector<16xf32>,
      tpu.vector_store %arg5[%swap3A_1337, %swap3A_1338], %broadcast_in_dim3A_35 {strides = array<i32>} : memref<256x256xf32, #tpu.memory_space<vmem>>, vector<16xf32>,
      %swap3A_1340 = arith.index_cast %scan3A_1295 : i32 to index
      %swap3A_1341 = arith.constant 240 : index
      %swap3A_1342 = tpu.vector_load %arg5[%swap3A_1340, %swap3A_1341] {strides = array<i32>} : memref<256x256xf32, #tpu.memory_space<vmem>>, vector<16xf32>,
      tpu.vector_store %arg5[%swap3A_1340, %swap3A_1341], %broadcast_in_dim3A_35 {strides = array<i32>} : memref<256x256xf32, #tpu.memory_space<vmem>>, vector<16xf32>,
    }
    %scan3A_40 = arith.constant 256 : i32
    %mul3A_41 = arith.constant 6 : i32
    %mul3A_42 = arith.muli %select_n3A, %mul3A_41 : i32
    %add3A_43 = arith.constant 0 : i32
    %add3A_44 = arith.addi %mul3A_42, %add3A_43 : i32
    %mul3A_45 = arith.constant 64 : i32
    %mul3A_46 = arith.muli %add3A_44, %mul3A_45 : i32
    %add3A_47 = arith.addi %mul3A_46, %mul3A_32 : i32
    %mul3A_48 = arith.constant 704 : i32
    %mul3A_49 = arith.muli %add3A_47, %mul3A_48 : i32
    %dma_start3A = arith.constant 0 : i32
    %dma_start3A_50 = tpu.memref_slice %arg7[%dma_start3A] : memref<4224xf32, #tpu.memory_space<vmem>> -> memref<704xf32, #tpu.memory_space<vmem>>
    %dma_start3A_51 = tpu.memref_slice %arg2[%mul3A_49] : memref<1081344xf32, #tpu.memory_space<hbm>> -> memref<704xf32, #tpu.memory_space<hbm>>
    %dma_start3A_52 = arith.constant 0 : i32
    %dma_start3A_53 = tpu.memref_slice %arg7[%dma_start3A_52] : memref<4224xf32, #tpu.memory_space<vmem>> -> memref<704xf32, #tpu.memory_space<vmem>>
    %dma_start3A_54 = tpu.memref_slice %arg2[%mul3A_49] : memref<1081344xf32, #tpu.memory_space<hbm>> -> memref<704xf32, #tpu.memory_space<hbm>>
    tpu.enqueue_dma source(%dma_start3A_54 : memref<704xf32, #tpu.memory_space<hbm>>) target(%dma_start3A_53 : memref<704xf32, #tpu.memory_space<vmem>>) target_semaphore(%arg9 : memref<!tpu.dma_semaphore, #tpu.memory_space<semaphore_mem>>)
    %mul3A_55 = arith.constant 6 : i32
    %mul3A_56 = arith.muli %select_n3A, %mul3A_55 : i32
    %add3A_57 = arith.constant 1 : i32
    %add3A_58 = arith.addi %mul3A_56, %add3A_57 : i32
    %mul3A_59 = arith.constant 64 : i32
    %mul3A_60 = arith.muli %add3A_58, %mul3A_59 : i32
    %add3A_61 = arith.addi %mul3A_60, %mul3A_32 : i32
    %mul3A_62 = arith.constant 704 : i32
    %mul3A_63 = arith.muli %add3A_61, %mul3A_62 : i32
    %dma_start3A_64 = arith.constant 704 : i32
    %dma_start3A_65 = tpu.memref_slice %arg7[%dma_start3A_64] : memref<4224xf32, #tpu.memory_space<vmem>> -> memref<704xf32, #tpu.memory_space<vmem>>
    %dma_start3A_66 = tpu.memref_slice %arg2[%mul3A_63] : memref<1081344xf32, #tpu.memory_space<hbm>> -> memref<704xf32, #tpu.memory_space<hbm>>
    %dma_start3A_67 = arith.constant 704 : i32
    %dma_start3A_68 = tpu.memref_slice %arg7[%dma_start3A_67] : memref<4224xf32, #tpu.memory_space<vmem>> -> memref<704xf32, #tpu.memory_space<vmem>>
    %dma_start3A_69 = tpu.memref_slice %arg2[%mul3A_63] : memref<1081344xf32, #tpu.memory_space<hbm>> -> memref<704xf32, #tpu.memory_space<hbm>>
    tpu.enqueue_dma source(%dma_start3A_69 : memref<704xf32, #tpu.memory_space<hbm>>) target(%dma_start3A_68 : memref<704xf32, #tpu.memory_space<vmem>>) target_semaphore(%arg9 : memref<!tpu.dma_semaphore, #tpu.memory_space<semaphore_mem>>)
    %mul3A_70 = arith.constant 6 : i32
    %mul3A_71 = arith.muli %select_n3A, %mul3A_70 : i32
    %add3A_72 = arith.constant 2 : i32
    %add3A_73 = arith.addi %mul3A_71, %add3A_72 : i32
    %mul3A_74 = arith.constant 64 : i32
    %mul3A_75 = arith.muli %add3A_73, %mul3A_74 : i32
    %add3A_76 = arith.addi %mul3A_75, %mul3A_32 : i32
    %mul3A_77 = arith.constant 704 : i32
    %mul3A_78 = arith.muli %add3A_76, %mul3A_77 : i32
    %dma_start3A_79 = arith.constant 1408 : i32
    %dma_start3A_80 = tpu.memref_slice %arg7[%dma_start3A_79] : memref<4224xf32, #tpu.memory_space<vmem>> -> memref<704xf32, #tpu.memory_space<vmem>>
    %dma_start3A_81 = tpu.memref_slice %arg2[%mul3A_78] : memref<1081344xf32, #tpu.memory_space<hbm>> -> memref<704xf32, #tpu.memory_space<hbm>>
    %dma_start3A_82 = arith.constant 1408 : i32
    %dma_start3A_83 = tpu.memref_slice %arg7[%dma_start3A_82] : memref<4224xf32, #tpu.memory_space<vmem>> -> memref<704xf32, #tpu.memory_space<vmem>>
    %dma_start3A_84 = tpu.memref_slice %arg2[%mul3A_78] : memref<1081344xf32, #tpu.memory_space<hbm>> -> memref<704xf32, #tpu.memory_space<hbm>>
    tpu.enqueue_dma source(%dma_start3A_84 : memref<704xf32, #tpu.memory_space<hbm>>) target(%dma_start3A_83 : memref<704xf32, #tpu.memory_space<vmem>>) target_semaphore(%arg9 : memref<!tpu.dma_semaphore, #tpu.memory_space<semaphore_mem>>)
    %mul3A_85 = arith.constant 6 : i32
    %mul3A_86 = arith.muli %select_n3A, %mul3A_85 : i32
    %add3A_87 = arith.constant 3 : i32
    %add3A_88 = arith.addi %mul3A_86, %add3A_87 : i32
    %mul3A_89 = arith.constant 64 : i32
    %mul3A_90 = arith.muli %add3A_88, %mul3A_89 : i32
    %add3A_91 = arith.addi %mul3A_90, %mul3A_32 : i32
    %mul3A_92 = arith.constant 704 : i32
    %mul3A_93 = arith.muli %add3A_91, %mul3A_92 : i32
    %dma_start3A_94 = arith.constant 2112 : i32
    %dma_start3A_95 = tpu.memref_slice %arg7[%dma_start3A_94] : memref<4224xf32, #tpu.memory_space<vmem>> -> memref<704xf32, #tpu.memory_space<vmem>>
    %dma_start3A_96 = tpu.memref_slice %arg2[%mul3A_93] : memref<1081344xf32, #tpu.memory_space<hbm>> -> memref<704xf32, #tpu.memory_space<hbm>>
    %dma_start3A_97 = arith.constant 2112 : i32
    %dma_start3A_98 = tpu.memref_slice %arg7[%dma_start3A_97] : memref<4224xf32, #tpu.memory_space<vmem>> -> memref<704xf32, #tpu.memory_space<vmem>>
    %dma_start3A_99 = tpu.memref_slice %arg2[%mul3A_93] : memref<1081344xf32, #tpu.memory_space<hbm>> -> memref<704xf32, #tpu.memory_space<hbm>>
    tpu.enqueue_dma source(%dma_start3A_99 : memref<704xf32, #tpu.memory_space<hbm>>) target(%dma_start3A_98 : memref<704xf32, #tpu.memory_space<vmem>>) target_semaphore(%arg9 : memref<!tpu.dma_semaphore, #tpu.memory_space<semaphore_mem>>)
    %mul3A_100 = arith.constant 6 : i32
    %mul3A_101 = arith.muli %select_n3A, %mul3A_100 : i32
    %add3A_102 = arith.constant 4 : i32
    %add3A_103 = arith.addi %mul3A_101, %add3A_102 : i32
    %mul3A_104 = arith.constant 64 : i32
    %mul3A_105 = arith.muli %add3A_103, %mul3A_104 : i32
    %add3A_106 = arith.addi %mul3A_105, %mul3A_32 : i32
    %mul3A_107 = arith.constant 704 : i32
    %mul3A_108 = arith.muli %add3A_106, %mul3A_107 : i32
    %dma_start3A_109 = arith.constant 2816 : i32
    %dma_start3A_110 = tpu.memref_slice %arg7[%dma_start3A_109] : memref<4224xf32, #tpu.memory_space<vmem>> -> memref<704xf32, #tpu.memory_space<vmem>>
    %dma_start3A_111 = tpu.memref_slice %arg2[%mul3A_108] : memref<1081344xf32, #tpu.memory_space<hbm>> -> memref<704xf32, #tpu.memory_space<hbm>>
    %dma_start3A_112 = arith.constant 2816 : i32
    %dma_start3A_113 = tpu.memref_slice %arg7[%dma_start3A_112] : memref<4224xf32, #tpu.memory_space<vmem>> -> memref<704xf32, #tpu.memory_space<vmem>>
    %dma_start3A_114 = tpu.memref_slice %arg2[%mul3A_108] : memref<1081344xf32, #tpu.memory_space<hbm>> -> memref<704xf32, #tpu.memory_space<hbm>>
    tpu.enqueue_dma source(%dma_start3A_114 : memref<704xf32, #tpu.memory_space<hbm>>) target(%dma_start3A_113 : memref<704xf32, #tpu.memory_space<vmem>>) target_semaphore(%arg9 : memref<!tpu.dma_semaphore, #tpu.memory_space<semaphore_mem>>)
    %mul3A_115 = arith.constant 6 : i32
    %mul3A_116 = arith.muli %select_n3A, %mul3A_115 : i32
    %add3A_117 = arith.constant 5 : i32
    %add3A_118 = arith.addi %mul3A_116, %add3A_117 : i32
    %mul3A_119 = arith.constant 64 : i32
    %mul3A_120 = arith.muli %add3A_118, %mul3A_119 : i32
    %add3A_121 = arith.addi %mul3A_120, %mul3A_32 : i32
    %mul3A_122 = arith.constant 704 : i32
    %mul3A_123 = arith.muli %add3A_121, %mul3A_122 : i32
    %dma_start3A_124 = arith.constant 3520 : i32
    %dma_start3A_125 = tpu.memref_slice %arg7[%dma_start3A_124] : memref<4224xf32, #tpu.memory_space<vmem>> -> memref<704xf32, #tpu.memory_space<vmem>>
    %dma_start3A_126 = tpu.memref_slice %arg2[%mul3A_123] : memref<1081344xf32, #tpu.memory_space<hbm>> -> memref<704xf32, #tpu.memory_space<hbm>>
    %dma_start3A_127 = arith.constant 3520 : i32
    %dma_start3A_128 = tpu.memref_slice %arg7[%dma_start3A_127] : memref<4224xf32, #tpu.memory_space<vmem>> -> memref<704xf32, #tpu.memory_space<vmem>>
    %dma_start3A_129 = tpu.memref_slice %arg2[%mul3A_123] : memref<1081344xf32, #tpu.memory_space<hbm>> -> memref<704xf32, #tpu.memory_space<hbm>>
    tpu.enqueue_dma source(%dma_start3A_129 : memref<704xf32, #tpu.memory_space<hbm>>) target(%dma_start3A_128 : memref<704xf32, #tpu.memory_space<vmem>>) target_semaphore(%arg9 : memref<!tpu.dma_semaphore, #tpu.memory_space<semaphore_mem>>)
    %add3A_130 = arith.constant 0 : i32
    %add3A_131 = arith.addi %mul3A_32, %add3A_130 : i32
    %dma_wait3A = arith.constant 0 : i32
    %dma_wait3A_132 = tpu.memref_slice %arg7[%dma_wait3A] : memref<4224xf32, #tpu.memory_space<vmem>> -> memref<704xf32, #tpu.memory_space<vmem>>
    %dma_wait3A_133 = tpu.memref_slice %arg2[%mul3A_49] : memref<1081344xf32, #tpu.memory_space<hbm>> -> memref<704xf32, #tpu.memory_space<hbm>>
    %dma_wait3A_134 = arith.constant 0 : i32
    %dma_wait3A_135 = tpu.memref_slice %arg7[%dma_wait3A_134] : memref<4224xf32, #tpu.memory_space<vmem>> -> memref<704xf32, #tpu.memory_space<vmem>>
    %dma_wait3A_136 = tpu.memref_slice %arg2[%mul3A_49] : memref<1081344xf32, #tpu.memory_space<hbm>> -> memref<704xf32, #tpu.memory_space<hbm>>
    tpu.wait_dma2 semaphore(%arg9 : memref<!tpu.dma_semaphore, #tpu.memory_space<semaphore_mem>>) src(%dma_wait3A_136 : memref<704xf32, #tpu.memory_space<hbm>>) dst(%dma_wait3A_135 : memref<704xf32, #tpu.memory_space<vmem>>)
    %dma_wait3A_137 = arith.constant 704 : i32
    %dma_wait3A_138 = tpu.memref_slice %arg7[%dma_wait3A_137] : memref<4224xf32, #tpu.memory_space<vmem>> -> memref<704xf32, #tpu.memory_space<vmem>>
    %dma_wait3A_139 = tpu.memref_slice %arg2[%mul3A_63] : memref<1081344xf32, #tpu.memory_space<hbm>> -> memref<704xf32, #tpu.memory_space<hbm>>
    %dma_wait3A_140 = arith.constant 704 : i32
    %dma_wait3A_141 = tpu.memref_slice %arg7[%dma_wait3A_140] : memref<4224xf32, #tpu.memory_space<vmem>> -> memref<704xf32, #tpu.memory_space<vmem>>
    %dma_wait3A_142 = tpu.memref_slice %arg2[%mul3A_63] : memref<1081344xf32, #tpu.memory_space<hbm>> -> memref<704xf32, #tpu.memory_space<hbm>>
    tpu.wait_dma2 semaphore(%arg9 : memref<!tpu.dma_semaphore, #tpu.memory_space<semaphore_mem>>) src(%dma_wait3A_142 : memref<704xf32, #tpu.memory_space<hbm>>) dst(%dma_wait3A_141 : memref<704xf32, #tpu.memory_space<vmem>>)
    %dma_wait3A_143 = arith.constant 1408 : i32
    %dma_wait3A_144 = tpu.memref_slice %arg7[%dma_wait3A_143] : memref<4224xf32, #tpu.memory_space<vmem>> -> memref<704xf32, #tpu.memory_space<vmem>>
    %dma_wait3A_145 = tpu.memref_slice %arg2[%mul3A_78] : memref<1081344xf32, #tpu.memory_space<hbm>> -> memref<704xf32, #tpu.memory_space<hbm>>
    %dma_wait3A_146 = arith.constant 1408 : i32
    %dma_wait3A_147 = tpu.memref_slice %arg7[%dma_wait3A_146] : memref<4224xf32, #tpu.memory_space<vmem>> -> memref<704xf32, #tpu.memory_space<vmem>>
    %dma_wait3A_148 = tpu.memref_slice %arg2[%mul3A_78] : memref<1081344xf32, #tpu.memory_space<hbm>> -> memref<704xf32, #tpu.memory_space<hbm>>
    tpu.wait_dma2 semaphore(%arg9 : memref<!tpu.dma_semaphore, #tpu.memory_space<semaphore_mem>>) src(%dma_wait3A_148 : memref<704xf32, #tpu.memory_space<hbm>>) dst(%dma_wait3A_147 : memref<704xf32, #tpu.memory_space<vmem>>)
    %dma_wait3A_149 = arith.constant 2112 : i32
    %dma_wait3A_150 = tpu.memref_slice %arg7[%dma_wait3A_149] : memref<4224xf32, #tpu.memory_space<vmem>> -> memref<704xf32, #tpu.memory_space<vmem>>
    %dma_wait3A_151 = tpu.memref_slice %arg2[%mul3A_93] : memref<1081344xf32, #tpu.memory_space<hbm>> -> memref<704xf32, #tpu.memory_space<hbm>>
    %dma_wait3A_152 = arith.constant 2112 : i32
    %dma_wait3A_153 = tpu.memref_slice %arg7[%dma_wait3A_152] : memref<4224xf32, #tpu.memory_space<vmem>> -> memref<704xf32, #tpu.memory_space<vmem>>
    %dma_wait3A_154 = tpu.memref_slice %arg2[%mul3A_93] : memref<1081344xf32, #tpu.memory_space<hbm>> -> memref<704xf32, #tpu.memory_space<hbm>>
    tpu.wait_dma2 semaphore(%arg9 : memref<!tpu.dma_semaphore, #tpu.memory_space<semaphore_mem>>) src(%dma_wait3A_154 : memref<704xf32, #tpu.memory_space<hbm>>) dst(%dma_wait3A_153 : memref<704xf32, #tpu.memory_space<vmem>>)
    %dma_wait3A_155 = arith.constant 2816 : i32
    %dma_wait3A_156 = tpu.memref_slice %arg7[%dma_wait3A_155] : memref<4224xf32, #tpu.memory_space<vmem>> -> memref<704xf32, #tpu.memory_space<vmem>>
    %dma_wait3A_157 = tpu.memref_slice %arg2[%mul3A_108] : memref<1081344xf32, #tpu.memory_space<hbm>> -> memref<704xf32, #tpu.memory_space<hbm>>
    %dma_wait3A_158 = arith.constant 2816 : i32
    %dma_wait3A_159 = tpu.memref_slice %arg7[%dma_wait3A_158] : memref<4224xf32, #tpu.memory_space<vmem>> -> memref<704xf32, #tpu.memory_space<vmem>>
    %dma_wait3A_160 = tpu.memref_slice %arg2[%mul3A_108] : memref<1081344xf32, #tpu.memory_space<hbm>> -> memref<704xf32, #tpu.memory_space<hbm>>
    tpu.wait_dma2 semaphore(%arg9 : memref<!tpu.dma_semaphore, #tpu.memory_space<semaphore_mem>>) src(%dma_wait3A_160 : memref<704xf32, #tpu.memory_space<hbm>>) dst(%dma_wait3A_159 : memref<704xf32, #tpu.memory_space<vmem>>)
    %dma_wait3A_161 = arith.constant 3520 : i32
    %dma_wait3A_162 = tpu.memref_slice %arg7[%dma_wait3A_161] : memref<4224xf32, #tpu.memory_space<vmem>> -> memref<704xf32, #tpu.memory_space<vmem>>
    %dma_wait3A_163 = tpu.memref_slice %arg2[%mul3A_123] : memref<1081344xf32, #tpu.memory_space<hbm>> -> memref<704xf32, #tpu.memory_space<hbm>>
    %dma_wait3A_164 = arith.constant 3520 : i32
    %dma_wait3A_165 = tpu.memref_slice %arg7[%dma_wait3A_164] : memref<4224xf32, #tpu.memory_space<vmem>> -> memref<704xf32, #tpu.memory_space<vmem>>
    %dma_wait3A_166 = tpu.memref_slice %arg2[%mul3A_123] : memref<1081344xf32, #tpu.memory_space<hbm>> -> memref<704xf32, #tpu.memory_space<hbm>>
    tpu.wait_dma2 semaphore(%arg9 : memref<!tpu.dma_semaphore, #tpu.memory_space<semaphore_mem>>) src(%dma_wait3A_166 : memref<704xf32, #tpu.memory_space<hbm>>) dst(%dma_wait3A_165 : memref<704xf32, #tpu.memory_space<vmem>>)
    %add3A_167 = arith.constant 1 : i32
    %add3A_168 = arith.addi %add3A_131, %add3A_167 : i32
    %mul3A_169 = arith.constant 6 : i32
    %mul3A_170 = arith.muli %select_n3A, %mul3A_169 : i32
    %add3A_171 = arith.constant 0 : i32
    %add3A_172 = arith.addi %mul3A_170, %add3A_171 : i32
    %mul3A_173 = arith.constant 64 : i32
    %mul3A_174 = arith.muli %add3A_172, %mul3A_173 : i32
    %add3A_175 = arith.addi %mul3A_174, %add3A_168 : i32
    %mul3A_176 = arith.constant 704 : i32
    %mul3A_177 = arith.muli %add3A_175, %mul3A_176 : i32
    %dma_start3A_178 = arith.constant 0 : i32
    %dma_start3A_179 = tpu.memref_slice %arg8[%dma_start3A_178] : memref<4224xf32, #tpu.memory_space<vmem>> -> memref<704xf32, #tpu.memory_space<vmem>>
    %dma_start3A_180 = tpu.memref_slice %arg2[%mul3A_177] : memref<1081344xf32, #tpu.memory_space<hbm>> -> memref<704xf32, #tpu.memory_space<hbm>>
    %dma_start3A_181 = arith.constant 0 : i32
    %dma_start3A_182 = tpu.memref_slice %arg8[%dma_start3A_181] : memref<4224xf32, #tpu.memory_space<vmem>> -> memref<704xf32, #tpu.memory_space<vmem>>
    %dma_start3A_183 = tpu.memref_slice %arg2[%mul3A_177] : memref<1081344xf32, #tpu.memory_space<hbm>> -> memref<704xf32, #tpu.memory_space<hbm>>
    tpu.enqueue_dma source(%dma_start3A_183 : memref<704xf32, #tpu.memory_space<hbm>>) target(%dma_start3A_182 : memref<704xf32, #tpu.memory_space<vmem>>) target_semaphore(%arg9 : memref<!tpu.dma_semaphore, #tpu.memory_space<semaphore_mem>>)
    %mul3A_184 = arith.constant 6 : i32
    %mul3A_185 = arith.muli %select_n3A, %mul3A_184 : i32
    %add3A_186 = arith.constant 1 : i32
    %add3A_187 = arith.addi %mul3A_185, %add3A_186 : i32
    %mul3A_188 = arith.constant 64 : i32
    %mul3A_189 = arith.muli %add3A_187, %mul3A_188 : i32
    %add3A_190 = arith.addi %mul3A_189, %add3A_168 : i32
    %mul3A_191 = arith.constant 704 : i32
    %mul3A_192 = arith.muli %add3A_190, %mul3A_191 : i32
    %dma_start3A_193 = arith.constant 704 : i32
    %dma_start3A_194 = tpu.memref_slice %arg8[%dma_start3A_193] : memref<4224xf32, #tpu.memory_space<vmem>> -> memref<704xf32, #tpu.memory_space<vmem>>
    %dma_start3A_195 = tpu.memref_slice %arg2[%mul3A_192] : memref<1081344xf32, #tpu.memory_space<hbm>> -> memref<704xf32, #tpu.memory_space<hbm>>
    %dma_start3A_196 = arith.constant 704 : i32
    %dma_start3A_197 = tpu.memref_slice %arg8[%dma_start3A_196] : memref<4224xf32, #tpu.memory_space<vmem>> -> memref<704xf32, #tpu.memory_space<vmem>>
    %dma_start3A_198 = tpu.memref_slice %arg2[%mul3A_192] : memref<1081344xf32, #tpu.memory_space<hbm>> -> memref<704xf32, #tpu.memory_space<hbm>>
    tpu.enqueue_dma source(%dma_start3A_198 : memref<704xf32, #tpu.memory_space<hbm>>) target(%dma_start3A_197 : memref<704xf32, #tpu.memory_space<vmem>>) target_semaphore(%arg9 : memref<!tpu.dma_semaphore, #tpu.memory_space<semaphore_mem>>)
    %mul3A_199 = arith.constant 6 : i32
    %mul3A_200 = arith.muli %select_n3A, %mul3A_199 : i32
    %add3A_201 = arith.constant 2 : i32
    %add3A_202 = arith.addi %mul3A_200, %add3A_201 : i32
    %mul3A_203 = arith.constant 64 : i32
    %mul3A_204 = arith.muli %add3A_202, %mul3A_203 : i32
    %add3A_205 = arith.addi %mul3A_204, %add3A_168 : i32
    %mul3A_206 = arith.constant 704 : i32
    %mul3A_207 = arith.muli %add3A_205, %mul3A_206 : i32
    %dma_start3A_208 = arith.constant 1408 : i32
    %dma_start3A_209 = tpu.memref_slice %arg8[%dma_start3A_208] : memref<4224xf32, #tpu.memory_space<vmem>> -> memref<704xf32, #tpu.memory_space<vmem>>
    %dma_start3A_210 = tpu.memref_slice %arg2[%mul3A_207] : memref<1081344xf32, #tpu.memory_space<hbm>> -> memref<704xf32, #tpu.memory_space<hbm>>
    %dma_start3A_211 = arith.constant 1408 : i32
    %dma_start3A_212 = tpu.memref_slice %arg8[%dma_start3A_211] : memref<4224xf32, #tpu.memory_space<vmem>> -> memref<704xf32, #tpu.memory_space<vmem>>
    %dma_start3A_213 = tpu.memref_slice %arg2[%mul3A_207] : memref<1081344xf32, #tpu.memory_space<hbm>> -> memref<704xf32, #tpu.memory_space<hbm>>
    tpu.enqueue_dma source(%dma_start3A_213 : memref<704xf32, #tpu.memory_space<hbm>>) target(%dma_start3A_212 : memref<704xf32, #tpu.memory_space<vmem>>) target_semaphore(%arg9 : memref<!tpu.dma_semaphore, #tpu.memory_space<semaphore_mem>>)
    %mul3A_214 = arith.constant 6 : i32
    %mul3A_215 = arith.muli %select_n3A, %mul3A_214 : i32
    %add3A_216 = arith.constant 3 : i32
    %add3A_217 = arith.addi %mul3A_215, %add3A_216 : i32
    %mul3A_218 = arith.constant 64 : i32
    %mul3A_219 = arith.muli %add3A_217, %mul3A_218 : i32
    %add3A_220 = arith.addi %mul3A_219, %add3A_168 : i32
    %mul3A_221 = arith.constant 704 : i32
    %mul3A_222 = arith.muli %add3A_220, %mul3A_221 : i32
    %dma_start3A_223 = arith.constant 2112 : i32
    %dma_start3A_224 = tpu.memref_slice %arg8[%dma_start3A_223] : memref<4224xf32, #tpu.memory_space<vmem>> -> memref<704xf32, #tpu.memory_space<vmem>>
    %dma_start3A_225 = tpu.memref_slice %arg2[%mul3A_222] : memref<1081344xf32, #tpu.memory_space<hbm>> -> memref<704xf32, #tpu.memory_space<hbm>>
    %dma_start3A_226 = arith.constant 2112 : i32
    %dma_start3A_227 = tpu.memref_slice %arg8[%dma_start3A_226] : memref<4224xf32, #tpu.memory_space<vmem>> -> memref<704xf32, #tpu.memory_space<vmem>>
    %dma_start3A_228 = tpu.memref_slice %arg2[%mul3A_222] : memref<1081344xf32, #tpu.memory_space<hbm>> -> memref<704xf32, #tpu.memory_space<hbm>>
    tpu.enqueue_dma source(%dma_start3A_228 : memref<704xf32, #tpu.memory_space<hbm>>) target(%dma_start3A_227 : memref<704xf32, #tpu.memory_space<vmem>>) target_semaphore(%arg9 : memref<!tpu.dma_semaphore, #tpu.memory_space<semaphore_mem>>)
    %mul3A_229 = arith.constant 6 : i32
    %mul3A_230 = arith.muli %select_n3A, %mul3A_229 : i32
    %add3A_231 = arith.constant 4 : i32
    %add3A_232 = arith.addi %mul3A_230, %add3A_231 : i32
    %mul3A_233 = arith.constant 64 : i32
    %mul3A_234 = arith.muli %add3A_232, %mul3A_233 : i32
    %add3A_235 = arith.addi %mul3A_234, %add3A_168 : i32
    %mul3A_236 = arith.constant 704 : i32
    %mul3A_237 = arith.muli %add3A_235, %mul3A_236 : i32
    %dma_start3A_238 = arith.constant 2816 : i32
    %dma_start3A_239 = tpu.memref_slice %arg8[%dma_start3A_238] : memref<4224xf32, #tpu.memory_space<vmem>> -> memref<704xf32, #tpu.memory_space<vmem>>
    %dma_start3A_240 = tpu.memref_slice %arg2[%mul3A_237] : memref<1081344xf32, #tpu.memory_space<hbm>> -> memref<704xf32, #tpu.memory_space<hbm>>
    %dma_start3A_241 = arith.constant 2816 : i32
    %dma_start3A_242 = tpu.memref_slice %arg8[%dma_start3A_241] : memref<4224xf32, #tpu.memory_space<vmem>> -> memref<704xf32, #tpu.memory_space<vmem>>
    %dma_start3A_243 = tpu.memref_slice %arg2[%mul3A_237] : memref<1081344xf32, #tpu.memory_space<hbm>> -> memref<704xf32, #tpu.memory_space<hbm>>
    tpu.enqueue_dma source(%dma_start3A_243 : memref<704xf32, #tpu.memory_space<hbm>>) target(%dma_start3A_242 : memref<704xf32, #tpu.memory_space<vmem>>) target_semaphore(%arg9 : memref<!tpu.dma_semaphore, #tpu.memory_space<semaphore_mem>>)
    %mul3A_244 = arith.constant 6 : i32
    %mul3A_245 = arith.muli %select_n3A, %mul3A_244 : i32
    %add3A_246 = arith.constant 5 : i32
    %add3A_247 = arith.addi %mul3A_245, %add3A_246 : i32
    %mul3A_248 = arith.constant 64 : i32
    %mul3A_249 = arith.muli %add3A_247, %mul3A_248 : i32
    %add3A_250 = arith.addi %mul3A_249, %add3A_168 : i32
    %mul3A_251 = arith.constant 704 : i32
    %mul3A_252 = arith.muli %add3A_250, %mul3A_251 : i32
    %dma_start3A_253 = arith.constant 3520 : i32
    %dma_start3A_254 = tpu.memref_slice %arg8[%dma_start3A_253] : memref<4224xf32, #tpu.memory_space<vmem>> -> memref<704xf32, #tpu.memory_space<vmem>>
    %dma_start3A_255 = tpu.memref_slice %arg2[%mul3A_252] : memref<1081344xf32, #tpu.memory_space<hbm>> -> memref<704xf32, #tpu.memory_space<hbm>>
    %dma_start3A_256 = arith.constant 3520 : i32
    %dma_start3A_257 = tpu.memref_slice %arg8[%dma_start3A_256] : memref<4224xf32, #tpu.memory_space<vmem>> -> memref<704xf32, #tpu.memory_space<vmem>>
    %dma_start3A_258 = tpu.memref_slice %arg2[%mul3A_252] : memref<1081344xf32, #tpu.memory_space<hbm>> -> memref<704xf32, #tpu.memory_space<hbm>>
    tpu.enqueue_dma source(%dma_start3A_258 : memref<704xf32, #tpu.memory_space<hbm>>) target(%dma_start3A_257 : memref<704xf32, #tpu.memory_space<vmem>>) target_semaphore(%arg9 : memref<!tpu.dma_semaphore, #tpu.memory_space<semaphore_mem>>)
    %scan3A_259 = arith.constant 0 : i32
    %scan3A_260 = arith.constant 0 : i32
    %scan3A_261 = arith.constant 66 : i32
    %scan3A_262 = arith.addi %scan3A_260, %scan3A_261 : i32
    %scan3A_263 = arith.constant 1 : i32
    scf.for %scan3A_1295 = %scan3A_260 to %scan3A_262 step %scan3A_263  : i32 {
      %mul3A_1296 = arith.constant 4 : i32
      %mul3A_1297 = arith.muli %scan3A_1295, %mul3A_1296 : i32
      %add3A_1298 = arith.constant 0 : i32
      %add3A_1299 = arith.addi %mul3A_1297, %add3A_1298 : i32
      %mul3A_1300 = arith.constant 16 : i32
      %mul3A_1301 = arith.muli %add3A_1299, %mul3A_1300 : i32
      %get3A = arith.index_cast %mul3A_1301 : i32 to index
      %get3A_1302 = tpu.vector_load %arg6[%get3A] {strides = array<i32>} : memref<4224xi32, #tpu.memory_space<vmem>>, vector<16xi32>,
      %lt3A_1303 = arith.constant 65536 : i32
      %lt3A_1304 = vector.broadcast %lt3A_1303 : i32 to vector<16xi32>
      %lt3A_1305 = arith.cmpi slt, %get3A_1302, %lt3A_1304 : vector<16xi32>
      %shift_right_logical3A = arith.constant 8 : i32
      %shift_right_logical3A_1306 = vector.broadcast %shift_right_logical3A : i32 to vector<16xi32>
      %shift_right_logical3A_1307 = arith.shrui %get3A_1302, %shift_right_logical3A_1306 : vector<16xi32>
      %and3A_1308 = arith.constant 255 : i32
      %and3A_1309 = vector.broadcast %and3A_1308 : i32 to vector<16xi32>
      %and3A_1310 = arith.andi %get3A_1302, %and3A_1309 : vector<16xi32>
      %get3A_1311 = arith.index_cast %mul3A_1301 : i32 to index
      %get3A_1312 = tpu.vector_load %arg7[%get3A_1311] {strides = array<i32>} : memref<4224xf32, #tpu.memory_space<vmem>>, vector<16xf32>,
      tpu.vector_store_idx %arg5[%shift_right_logical3A_1307, %and3A_1310], %get3A_1312 masked %lt3A_1305 {add = true} : memref<256x256xf32, #tpu.memory_space<vmem>>[vector<16xi32>, vector<16xi32>], vector<16xf32>, vector<16xi1>
      %mul3A_1313 = arith.constant 4 : i32
      %mul3A_1314 = arith.muli %scan3A_1295, %mul3A_1313 : i32
      %add3A_1315 = arith.constant 1 : i32
      %add3A_1316 = arith.addi %mul3A_1314, %add3A_1315 : i32
      %mul3A_1317 = arith.constant 16 : i32
      %mul3A_1318 = arith.muli %add3A_1316, %mul3A_1317 : i32
      %get3A_1319 = arith.index_cast %mul3A_1318 : i32 to index
      %get3A_1320 = tpu.vector_load %arg6[%get3A_1319] {strides = array<i32>} : memref<4224xi32, #tpu.memory_space<vmem>>, vector<16xi32>,
      %lt3A_1321 = arith.constant 65536 : i32
      %lt3A_1322 = vector.broadcast %lt3A_1321 : i32 to vector<16xi32>
      %lt3A_1323 = arith.cmpi slt, %get3A_1320, %lt3A_1322 : vector<16xi32>
      %shift_right_logical3A_1324 = arith.constant 8 : i32
      %shift_right_logical3A_1325 = vector.broadcast %shift_right_logical3A_1324 : i32 to vector<16xi32>
      %shift_right_logical3A_1326 = arith.shrui %get3A_1320, %shift_right_logical3A_1325 : vector<16xi32>
      %and3A_1327 = arith.constant 255 : i32
      %and3A_1328 = vector.broadcast %and3A_1327 : i32 to vector<16xi32>
      %and3A_1329 = arith.andi %get3A_1320, %and3A_1328 : vector<16xi32>
      %get3A_1330 = arith.index_cast %mul3A_1318 : i32 to index
      %get3A_1331 = tpu.vector_load %arg7[%get3A_1330] {strides = array<i32>} : memref<4224xf32, #tpu.memory_space<vmem>>, vector<16xf32>,
      tpu.vector_store_idx %arg5[%shift_right_logical3A_1326, %and3A_1329], %get3A_1331 masked %lt3A_1323 {add = true} : memref<256x256xf32, #tpu.memory_space<vmem>>[vector<16xi32>, vector<16xi32>], vector<16xf32>, vector<16xi1>
      %mul3A_1332 = arith.constant 4 : i32
      %mul3A_1333 = arith.muli %scan3A_1295, %mul3A_1332 : i32
      %add3A_1334 = arith.constant 2 : i32
      %add3A_1335 = arith.addi %mul3A_1333, %add3A_1334 : i32
      %mul3A_1336 = arith.constant 16 : i32
      %mul3A_1337 = arith.muli %add3A_1335, %mul3A_1336 : i32
      %get3A_1338 = arith.index_cast %mul3A_1337 : i32 to index
      %get3A_1339 = tpu.vector_load %arg6[%get3A_1338] {strides = array<i32>} : memref<4224xi32, #tpu.memory_space<vmem>>, vector<16xi32>,
      %lt3A_1340 = arith.constant 65536 : i32
      %lt3A_1341 = vector.broadcast %lt3A_1340 : i32 to vector<16xi32>
      %lt3A_1342 = arith.cmpi slt, %get3A_1339, %lt3A_1341 : vector<16xi32>
      %shift_right_logical3A_1343 = arith.constant 8 : i32
      %shift_right_logical3A_1344 = vector.broadcast %shift_right_logical3A_1343 : i32 to vector<16xi32>
      %shift_right_logical3A_1345 = arith.shrui %get3A_1339, %shift_right_logical3A_1344 : vector<16xi32>
      %and3A_1346 = arith.constant 255 : i32
      %and3A_1347 = vector.broadcast %and3A_1346 : i32 to vector<16xi32>
      %and3A_1348 = arith.andi %get3A_1339, %and3A_1347 : vector<16xi32>
      %get3A_1349 = arith.index_cast %mul3A_1337 : i32 to index
      %get3A_1350 = tpu.vector_load %arg7[%get3A_1349] {strides = array<i32>} : memref<4224xf32, #tpu.memory_space<vmem>>, vector<16xf32>,
      tpu.vector_store_idx %arg5[%shift_right_logical3A_1345, %and3A_1348], %get3A_1350 masked %lt3A_1342 {add = true} : memref<256x256xf32, #tpu.memory_space<vmem>>[vector<16xi32>, vector<16xi32>], vector<16xf32>, vector<16xi1>
      %mul3A_1351 = arith.constant 4 : i32
      %mul3A_1352 = arith.muli %scan3A_1295, %mul3A_1351 : i32
      %add3A_1353 = arith.constant 3 : i32
      %add3A_1354 = arith.addi %mul3A_1352, %add3A_1353 : i32
      %mul3A_1355 = arith.constant 16 : i32
      %mul3A_1356 = arith.muli %add3A_1354, %mul3A_1355 : i32
      %get3A_1357 = arith.index_cast %mul3A_1356 : i32 to index
      %get3A_1358 = tpu.vector_load %arg6[%get3A_1357] {strides = array<i32>} : memref<4224xi32, #tpu.memory_space<vmem>>, vector<16xi32>,
      %lt3A_1359 = arith.constant 65536 : i32
      %lt3A_1360 = vector.broadcast %lt3A_1359 : i32 to vector<16xi32>
      %lt3A_1361 = arith.cmpi slt, %get3A_1358, %lt3A_1360 : vector<16xi32>
      %shift_right_logical3A_1362 = arith.constant 8 : i32
      %shift_right_logical3A_1363 = vector.broadcast %shift_right_logical3A_1362 : i32 to vector<16xi32>
      %shift_right_logical3A_1364 = arith.shrui %get3A_1358, %shift_right_logical3A_1363 : vector<16xi32>
      %and3A_1365 = arith.constant 255 : i32
      %and3A_1366 = vector.broadcast %and3A_1365 : i32 to vector<16xi32>
      %and3A_1367 = arith.andi %get3A_1358, %and3A_1366 : vector<16xi32>
      %get3A_1368 = arith.index_cast %mul3A_1356 : i32 to index
      %get3A_1369 = tpu.vector_load %arg7[%get3A_1368] {strides = array<i32>} : memref<4224xf32, #tpu.memory_space<vmem>>, vector<16xf32>,
      tpu.vector_store_idx %arg5[%shift_right_logical3A_1364, %and3A_1367], %get3A_1369 masked %lt3A_1361 {add = true} : memref<256x256xf32, #tpu.memory_space<vmem>>[vector<16xi32>, vector<16xi32>], vector<16xf32>, vector<16xi1>
    }
    %scan3A_264 = arith.constant 66 : i32
    %dma_start3A_265 = arith.constant 0 : i32
    %dma_start3A_266 = arith.constant 0 : i32
    %dma_start3A_267 = tpu.memref_slice %arg4[%select_n3A, %add3A_131, %dma_start3A_265, %dma_start3A_266] : memref<4x64x256x256xf32, #tpu.memory_space<hbm>> -> memref<1x1x256x256xf32, #tpu.memory_space<hbm>>
    %dma_start3A_268 = tpu.memref_squeeze %dma_start3A_267 : memref<1x1x256x256xf32, #tpu.memory_space<hbm>> -> memref<256x256xf32, #tpu.memory_space<hbm>>
    %dma_start3A_269 = arith.constant 0 : i32
    %dma_start3A_270 = arith.constant 0 : i32
    %dma_start3A_271 = tpu.memref_slice %arg4[%select_n3A, %add3A_131, %dma_start3A_269, %dma_start3A_270] : memref<4x64x256x256xf32, #tpu.memory_space<hbm>> -> memref<1x1x256x256xf32, #tpu.memory_space<hbm>>
    %dma_start3A_272 = tpu.memref_squeeze %dma_start3A_271 : memref<1x1x256x256xf32, #tpu.memory_space<hbm>> -> memref<256x256xf32, #tpu.memory_space<hbm>>
    tpu.enqueue_dma source(%arg5 : memref<256x256xf32, #tpu.memory_space<vmem>>) target(%dma_start3A_272 : memref<256x256xf32, #tpu.memory_space<hbm>>) target_semaphore(%arg10 : memref<!tpu.dma_semaphore, #tpu.memory_space<semaphore_mem>>)
    %dma_wait3A_273 = arith.constant 0 : i32
    %dma_wait3A_274 = arith.constant 0 : i32
    %dma_wait3A_275 = tpu.memref_slice %arg4[%select_n3A, %add3A_131, %dma_wait3A_273, %dma_wait3A_274] : memref<4x64x256x256xf32, #tpu.memory_space<hbm>> -> memref<1x1x256x256xf32, #tpu.memory_space<hbm>>
    %dma_wait3A_276 = tpu.memref_squeeze %dma_wait3A_275 : memref<1x1x256x256xf32, #tpu.memory_space<hbm>> -> memref<256x256xf32, #tpu.memory_space<hbm>>
    %dma_wait3A_277 = arith.constant 0 : i32
    %dma_wait3A_278 = arith.constant 0 : i32
    %dma_wait3A_279 = tpu.memref_slice %arg4[%select_n3A, %add3A_131, %dma_wait3A_277, %dma_wait3A_278] : memref<4x64x256x256xf32, #tpu.memory_space<hbm>> -> memref<1x1x256x256xf32, #tpu.memory_space<hbm>>
    %dma_wait3A_280 = tpu.memref_squeeze %dma_wait3A_279 : memref<1x1x256x256xf32, #tpu.memory_space<hbm>> -> memref<256x256xf32, #tpu.memory_space<hbm>>
    tpu.wait_dma2 semaphore(%arg10 : memref<!tpu.dma_semaphore, #tpu.memory_space<semaphore_mem>>) src(%arg5 : memref<256x256xf32, #tpu.memory_space<vmem>>) dst(%dma_wait3A_280 : memref<256x256xf32, #tpu.memory_space<hbm>>)
    %scan3A_281 = arith.constant 0 : i32
    %scan3A_282 = arith.constant 0 : i32
    %scan3A_283 = arith.constant 66 : i32
    %scan3A_284 = arith.addi %scan3A_282, %scan3A_283 : i32
    %scan3A_285 = arith.constant 1 : i32
    scf.for %scan3A_1295 = %scan3A_282 to %scan3A_284 step %scan3A_285  : i32 {
      %mul3A_1296 = arith.constant 4 : i32
      %mul3A_1297 = arith.muli %scan3A_1295, %mul3A_1296 : i32
      %add3A_1298 = arith.constant 0 : i32
      %add3A_1299 = arith.addi %mul3A_1297, %add3A_1298 : i32
      %mul3A_1300 = arith.constant 16 : i32
      %mul3A_1301 = arith.muli %add3A_1299, %mul3A_1300 : i32
      %get3A = arith.index_cast %mul3A_1301 : i32 to index
      %get3A_1302 = tpu.vector_load %arg6[%get3A] {strides = array<i32>} : memref<4224xi32, #tpu.memory_space<vmem>>, vector<16xi32>,
      %lt3A_1303 = arith.constant 65536 : i32
      %lt3A_1304 = vector.broadcast %lt3A_1303 : i32 to vector<16xi32>
      %lt3A_1305 = arith.cmpi slt, %get3A_1302, %lt3A_1304 : vector<16xi32>
      %shift_right_logical3A = arith.constant 8 : i32
      %shift_right_logical3A_1306 = vector.broadcast %shift_right_logical3A : i32 to vector<16xi32>
      %shift_right_logical3A_1307 = arith.shrui %get3A_1302, %shift_right_logical3A_1306 : vector<16xi32>
      %and3A_1308 = arith.constant 255 : i32
      %and3A_1309 = vector.broadcast %and3A_1308 : i32 to vector<16xi32>
      %and3A_1310 = arith.andi %get3A_1302, %and3A_1309 : vector<16xi32>
      tpu.vector_store_idx %arg5[%shift_right_logical3A_1307, %and3A_1310], %broadcast_in_dim3A_35 masked %lt3A_1305 : memref<256x256xf32, #tpu.memory_space<vmem>>[vector<16xi32>, vector<16xi32>], vector<16xf32>, vector<16xi1>
      %mul3A_1311 = arith.constant 4 : i32
      %mul3A_1312 = arith.muli %scan3A_1295, %mul3A_1311 : i32
      %add3A_1313 = arith.constant 1 : i32
      %add3A_1314 = arith.addi %mul3A_1312, %add3A_1313 : i32
      %mul3A_1315 = arith.constant 16 : i32
      %mul3A_1316 = arith.muli %add3A_1314, %mul3A_1315 : i32
      %get3A_1317 = arith.index_cast %mul3A_1316 : i32 to index
      %get3A_1318 = tpu.vector_load %arg6[%get3A_1317] {strides = array<i32>} : memref<4224xi32, #tpu.memory_space<vmem>>, vector<16xi32>,
      %lt3A_1319 = arith.constant 65536 : i32
      %lt3A_1320 = vector.broadcast %lt3A_1319 : i32 to vector<16xi32>
      %lt3A_1321 = arith.cmpi slt, %get3A_1318, %lt3A_1320 : vector<16xi32>
      %shift_right_logical3A_1322 = arith.constant 8 : i32
      %shift_right_logical3A_1323 = vector.broadcast %shift_right_logical3A_1322 : i32 to vector<16xi32>
      %shift_right_logical3A_1324 = arith.shrui %get3A_1318, %shift_right_logical3A_1323 : vector<16xi32>
      %and3A_1325 = arith.constant 255 : i32
      %and3A_1326 = vector.broadcast %and3A_1325 : i32 to vector<16xi32>
      %and3A_1327 = arith.andi %get3A_1318, %and3A_1326 : vector<16xi32>
      tpu.vector_store_idx %arg5[%shift_right_logical3A_1324, %and3A_1327], %broadcast_in_dim3A_35 masked %lt3A_1321 : memref<256x256xf32, #tpu.memory_space<vmem>>[vector<16xi32>, vector<16xi32>], vector<16xf32>, vector<16xi1>
      %mul3A_1328 = arith.constant 4 : i32
      %mul3A_1329 = arith.muli %scan3A_1295, %mul3A_1328 : i32
      %add3A_1330 = arith.constant 2 : i32
      %add3A_1331 = arith.addi %mul3A_1329, %add3A_1330 : i32
      %mul3A_1332 = arith.constant 16 : i32
      %mul3A_1333 = arith.muli %add3A_1331, %mul3A_1332 : i32
      %get3A_1334 = arith.index_cast %mul3A_1333 : i32 to index
      %get3A_1335 = tpu.vector_load %arg6[%get3A_1334] {strides = array<i32>} : memref<4224xi32, #tpu.memory_space<vmem>>, vector<16xi32>,
      %lt3A_1336 = arith.constant 65536 : i32
      %lt3A_1337 = vector.broadcast %lt3A_1336 : i32 to vector<16xi32>
      %lt3A_1338 = arith.cmpi slt, %get3A_1335, %lt3A_1337 : vector<16xi32>
      %shift_right_logical3A_1339 = arith.constant 8 : i32
      %shift_right_logical3A_1340 = vector.broadcast %shift_right_logical3A_1339 : i32 to vector<16xi32>
      %shift_right_logical3A_1341 = arith.shrui %get3A_1335, %shift_right_logical3A_1340 : vector<16xi32>
      %and3A_1342 = arith.constant 255 : i32
      %and3A_1343 = vector.broadcast %and3A_1342 : i32 to vector<16xi32>
      %and3A_1344 = arith.andi %get3A_1335, %and3A_1343 : vector<16xi32>
      tpu.vector_store_idx %arg5[%shift_right_logical3A_1341, %and3A_1344], %broadcast_in_dim3A_35 masked %lt3A_1338 : memref<256x256xf32, #tpu.memory_space<vmem>>[vector<16xi32>, vector<16xi32>], vector<16xf32>, vector<16xi1>
      %mul3A_1345 = arith.constant 4 : i32
      %mul3A_1346 = arith.muli %scan3A_1295, %mul3A_1345 : i32
      %add3A_1347 = arith.constant 3 : i32
      %add3A_1348 = arith.addi %mul3A_1346, %add3A_1347 : i32
      %mul3A_1349 = arith.constant 16 : i32
      %mul3A_1350 = arith.muli %add3A_1348, %mul3A_1349 : i32
      %get3A_1351 = arith.index_cast %mul3A_1350 : i32 to index
      %get3A_1352 = tpu.vector_load %arg6[%get3A_1351] {strides = array<i32>} : memref<4224xi32, #tpu.memory_space<vmem>>, vector<16xi32>,
      %lt3A_1353 = arith.constant 65536 : i32
      %lt3A_1354 = vector.broadcast %lt3A_1353 : i32 to vector<16xi32>
      %lt3A_1355 = arith.cmpi slt, %get3A_1352, %lt3A_1354 : vector<16xi32>
      %shift_right_logical3A_1356 = arith.constant 8 : i32
      %shift_right_logical3A_1357 = vector.broadcast %shift_right_logical3A_1356 : i32 to vector<16xi32>
      %shift_right_logical3A_1358 = arith.shrui %get3A_1352, %shift_right_logical3A_1357 : vector<16xi32>
      %and3A_1359 = arith.constant 255 : i32
      %and3A_1360 = vector.broadcast %and3A_1359 : i32 to vector<16xi32>
      %and3A_1361 = arith.andi %get3A_1352, %and3A_1360 : vector<16xi32>
      tpu.vector_store_idx %arg5[%shift_right_logical3A_1358, %and3A_1361], %broadcast_in_dim3A_35 masked %lt3A_1355 : memref<256x256xf32, #tpu.memory_space<vmem>>[vector<16xi32>, vector<16xi32>], vector<16xf32>, vector<16xi1>
    }
    %scan3A_286 = arith.constant 66 : i32
    %add3A_287 = arith.constant 1 : i32
    %add3A_288 = arith.addi %mul3A_32, %add3A_287 : i32
    %dma_wait3A_289 = arith.constant 0 : i32
    %dma_wait3A_290 = tpu.memref_slice %arg8[%dma_wait3A_289] : memref<4224xf32, #tpu.memory_space<vmem>> -> memref<704xf32, #tpu.memory_space<vmem>>
    %dma_wait3A_291 = tpu.memref_slice %arg2[%mul3A_177] : memref<1081344xf32, #tpu.memory_space<hbm>> -> memref<704xf32, #tpu.memory_space<hbm>>
    %dma_wait3A_292 = arith.constant 0 : i32
    %dma_wait3A_293 = tpu.memref_slice %arg8[%dma_wait3A_292] : memref<4224xf32, #tpu.memory_space<vmem>> -> memref<704xf32, #tpu.memory_space<vmem>>
    %dma_wait3A_294 = tpu.memref_slice %arg2[%mul3A_177] : memref<1081344xf32, #tpu.memory_space<hbm>> -> memref<704xf32, #tpu.memory_space<hbm>>
    tpu.wait_dma2 semaphore(%arg9 : memref<!tpu.dma_semaphore, #tpu.memory_space<semaphore_mem>>) src(%dma_wait3A_294 : memref<704xf32, #tpu.memory_space<hbm>>) dst(%dma_wait3A_293 : memref<704xf32, #tpu.memory_space<vmem>>)
    %dma_wait3A_295 = arith.constant 704 : i32
    %dma_wait3A_296 = tpu.memref_slice %arg8[%dma_wait3A_295] : memref<4224xf32, #tpu.memory_space<vmem>> -> memref<704xf32, #tpu.memory_space<vmem>>
    %dma_wait3A_297 = tpu.memref_slice %arg2[%mul3A_192] : memref<1081344xf32, #tpu.memory_space<hbm>> -> memref<704xf32, #tpu.memory_space<hbm>>
    %dma_wait3A_298 = arith.constant 704 : i32
    %dma_wait3A_299 = tpu.memref_slice %arg8[%dma_wait3A_298] : memref<4224xf32, #tpu.memory_space<vmem>> -> memref<704xf32, #tpu.memory_space<vmem>>
    %dma_wait3A_300 = tpu.memref_slice %arg2[%mul3A_192] : memref<1081344xf32, #tpu.memory_space<hbm>> -> memref<704xf32, #tpu.memory_space<hbm>>
    tpu.wait_dma2 semaphore(%arg9 : memref<!tpu.dma_semaphore, #tpu.memory_space<semaphore_mem>>) src(%dma_wait3A_300 : memref<704xf32, #tpu.memory_space<hbm>>) dst(%dma_wait3A_299 : memref<704xf32, #tpu.memory_space<vmem>>)
    %dma_wait3A_301 = arith.constant 1408 : i32
    %dma_wait3A_302 = tpu.memref_slice %arg8[%dma_wait3A_301] : memref<4224xf32, #tpu.memory_space<vmem>> -> memref<704xf32, #tpu.memory_space<vmem>>
    %dma_wait3A_303 = tpu.memref_slice %arg2[%mul3A_207] : memref<1081344xf32, #tpu.memory_space<hbm>> -> memref<704xf32, #tpu.memory_space<hbm>>
    %dma_wait3A_304 = arith.constant 1408 : i32
    %dma_wait3A_305 = tpu.memref_slice %arg8[%dma_wait3A_304] : memref<4224xf32, #tpu.memory_space<vmem>> -> memref<704xf32, #tpu.memory_space<vmem>>
    %dma_wait3A_306 = tpu.memref_slice %arg2[%mul3A_207] : memref<1081344xf32, #tpu.memory_space<hbm>> -> memref<704xf32, #tpu.memory_space<hbm>>
    tpu.wait_dma2 semaphore(%arg9 : memref<!tpu.dma_semaphore, #tpu.memory_space<semaphore_mem>>) src(%dma_wait3A_306 : memref<704xf32, #tpu.memory_space<hbm>>) dst(%dma_wait3A_305 : memref<704xf32, #tpu.memory_space<vmem>>)
    %dma_wait3A_307 = arith.constant 2112 : i32
    %dma_wait3A_308 = tpu.memref_slice %arg8[%dma_wait3A_307] : memref<4224xf32, #tpu.memory_space<vmem>> -> memref<704xf32, #tpu.memory_space<vmem>>
    %dma_wait3A_309 = tpu.memref_slice %arg2[%mul3A_222] : memref<1081344xf32, #tpu.memory_space<hbm>> -> memref<704xf32, #tpu.memory_space<hbm>>
    %dma_wait3A_310 = arith.constant 2112 : i32
    %dma_wait3A_311 = tpu.memref_slice %arg8[%dma_wait3A_310] : memref<4224xf32, #tpu.memory_space<vmem>> -> memref<704xf32, #tpu.memory_space<vmem>>
    %dma_wait3A_312 = tpu.memref_slice %arg2[%mul3A_222] : memref<1081344xf32, #tpu.memory_space<hbm>> -> memref<704xf32, #tpu.memory_space<hbm>>
    tpu.wait_dma2 semaphore(%arg9 : memref<!tpu.dma_semaphore, #tpu.memory_space<semaphore_mem>>) src(%dma_wait3A_312 : memref<704xf32, #tpu.memory_space<hbm>>) dst(%dma_wait3A_311 : memref<704xf32, #tpu.memory_space<vmem>>)
    %dma_wait3A_313 = arith.constant 2816 : i32
    %dma_wait3A_314 = tpu.memref_slice %arg8[%dma_wait3A_313] : memref<4224xf32, #tpu.memory_space<vmem>> -> memref<704xf32, #tpu.memory_space<vmem>>
    %dma_wait3A_315 = tpu.memref_slice %arg2[%mul3A_237] : memref<1081344xf32, #tpu.memory_space<hbm>> -> memref<704xf32, #tpu.memory_space<hbm>>
    %dma_wait3A_316 = arith.constant 2816 : i32
    %dma_wait3A_317 = tpu.memref_slice %arg8[%dma_wait3A_316] : memref<4224xf32, #tpu.memory_space<vmem>> -> memref<704xf32, #tpu.memory_space<vmem>>
    %dma_wait3A_318 = tpu.memref_slice %arg2[%mul3A_237] : memref<1081344xf32, #tpu.memory_space<hbm>> -> memref<704xf32, #tpu.memory_space<hbm>>
    tpu.wait_dma2 semaphore(%arg9 : memref<!tpu.dma_semaphore, #tpu.memory_space<semaphore_mem>>) src(%dma_wait3A_318 : memref<704xf32, #tpu.memory_space<hbm>>) dst(%dma_wait3A_317 : memref<704xf32, #tpu.memory_space<vmem>>)
    %dma_wait3A_319 = arith.constant 3520 : i32
    %dma_wait3A_320 = tpu.memref_slice %arg8[%dma_wait3A_319] : memref<4224xf32, #tpu.memory_space<vmem>> -> memref<704xf32, #tpu.memory_space<vmem>>
    %dma_wait3A_321 = tpu.memref_slice %arg2[%mul3A_252] : memref<1081344xf32, #tpu.memory_space<hbm>> -> memref<704xf32, #tpu.memory_space<hbm>>
    %dma_wait3A_322 = arith.constant 3520 : i32
    %dma_wait3A_323 = tpu.memref_slice %arg8[%dma_wait3A_322] : memref<4224xf32, #tpu.memory_space<vmem>> -> memref<704xf32, #tpu.memory_space<vmem>>
    %dma_wait3A_324 = tpu.memref_slice %arg2[%mul3A_252] : memref<1081344xf32, #tpu.memory_space<hbm>> -> memref<704xf32, #tpu.memory_space<hbm>>
    tpu.wait_dma2 semaphore(%arg9 : memref<!tpu.dma_semaphore, #tpu.memory_space<semaphore_mem>>) src(%dma_wait3A_324 : memref<704xf32, #tpu.memory_space<hbm>>) dst(%dma_wait3A_323 : memref<704xf32, #tpu.memory_space<vmem>>)
    %add3A_325 = arith.constant 1 : i32
    %add3A_326 = arith.addi %add3A_288, %add3A_325 : i32
    %mul3A_327 = arith.constant 6 : i32
    %mul3A_328 = arith.muli %select_n3A, %mul3A_327 : i32
    %add3A_329 = arith.constant 0 : i32
    %add3A_330 = arith.addi %mul3A_328, %add3A_329 : i32
    %mul3A_331 = arith.constant 64 : i32
    %mul3A_332 = arith.muli %add3A_330, %mul3A_331 : i32
    %add3A_333 = arith.addi %mul3A_332, %add3A_326 : i32
    %mul3A_334 = arith.constant 704 : i32
    %mul3A_335 = arith.muli %add3A_333, %mul3A_334 : i32
    %dma_start3A_336 = arith.constant 0 : i32
    %dma_start3A_337 = tpu.memref_slice %arg7[%dma_start3A_336] : memref<4224xf32, #tpu.memory_space<vmem>> -> memref<704xf32, #tpu.memory_space<vmem>>
    %dma_start3A_338 = tpu.memref_slice %arg2[%mul3A_335] : memref<1081344xf32, #tpu.memory_space<hbm>> -> memref<704xf32, #tpu.memory_space<hbm>>
    %dma_start3A_339 = arith.constant 0 : i32
    %dma_start3A_340 = tpu.memref_slice %arg7[%dma_start3A_339] : memref<4224xf32, #tpu.memory_space<vmem>> -> memref<704xf32, #tpu.memory_space<vmem>>
    %dma_start3A_341 = tpu.memref_slice %arg2[%mul3A_335] : memref<1081344xf32, #tpu.memory_space<hbm>> -> memref<704xf32, #tpu.memory_space<hbm>>
    tpu.enqueue_dma source(%dma_start3A_341 : memref<704xf32, #tpu.memory_space<hbm>>) target(%dma_start3A_340 : memref<704xf32, #tpu.memory_space<vmem>>) target_semaphore(%arg9 : memref<!tpu.dma_semaphore, #tpu.memory_space<semaphore_mem>>)
    %mul3A_342 = arith.constant 6 : i32
    %mul3A_343 = arith.muli %select_n3A, %mul3A_342 : i32
    %add3A_344 = arith.constant 1 : i32
    %add3A_345 = arith.addi %mul3A_343, %add3A_344 : i32
    %mul3A_346 = arith.constant 64 : i32
    %mul3A_347 = arith.muli %add3A_345, %mul3A_346 : i32
    %add3A_348 = arith.addi %mul3A_347, %add3A_326 : i32
    %mul3A_349 = arith.constant 704 : i32
    %mul3A_350 = arith.muli %add3A_348, %mul3A_349 : i32
    %dma_start3A_351 = arith.constant 704 : i32
    %dma_start3A_352 = tpu.memref_slice %arg7[%dma_start3A_351] : memref<4224xf32, #tpu.memory_space<vmem>> -> memref<704xf32, #tpu.memory_space<vmem>>
    %dma_start3A_353 = tpu.memref_slice %arg2[%mul3A_350] : memref<1081344xf32, #tpu.memory_space<hbm>> -> memref<704xf32, #tpu.memory_space<hbm>>
    %dma_start3A_354 = arith.constant 704 : i32
    %dma_start3A_355 = tpu.memref_slice %arg7[%dma_start3A_354] : memref<4224xf32, #tpu.memory_space<vmem>> -> memref<704xf32, #tpu.memory_space<vmem>>
    %dma_start3A_356 = tpu.memref_slice %arg2[%mul3A_350] : memref<1081344xf32, #tpu.memory_space<hbm>> -> memref<704xf32, #tpu.memory_space<hbm>>
    tpu.enqueue_dma source(%dma_start3A_356 : memref<704xf32, #tpu.memory_space<hbm>>) target(%dma_start3A_355 : memref<704xf32, #tpu.memory_space<vmem>>) target_semaphore(%arg9 : memref<!tpu.dma_semaphore, #tpu.memory_space<semaphore_mem>>)
    %mul3A_357 = arith.constant 6 : i32
    %mul3A_358 = arith.muli %select_n3A, %mul3A_357 : i32
    %add3A_359 = arith.constant 2 : i32
    %add3A_360 = arith.addi %mul3A_358, %add3A_359 : i32
    %mul3A_361 = arith.constant 64 : i32
    %mul3A_362 = arith.muli %add3A_360, %mul3A_361 : i32
    %add3A_363 = arith.addi %mul3A_362, %add3A_326 : i32
    %mul3A_364 = arith.constant 704 : i32
    %mul3A_365 = arith.muli %add3A_363, %mul3A_364 : i32
    %dma_start3A_366 = arith.constant 1408 : i32
    %dma_start3A_367 = tpu.memref_slice %arg7[%dma_start3A_366] : memref<4224xf32, #tpu.memory_space<vmem>> -> memref<704xf32, #tpu.memory_space<vmem>>
    %dma_start3A_368 = tpu.memref_slice %arg2[%mul3A_365] : memref<1081344xf32, #tpu.memory_space<hbm>> -> memref<704xf32, #tpu.memory_space<hbm>>
    %dma_start3A_369 = arith.constant 1408 : i32
    %dma_start3A_370 = tpu.memref_slice %arg7[%dma_start3A_369] : memref<4224xf32, #tpu.memory_space<vmem>> -> memref<704xf32, #tpu.memory_space<vmem>>
    %dma_start3A_371 = tpu.memref_slice %arg2[%mul3A_365] : memref<1081344xf32, #tpu.memory_space<hbm>> -> memref<704xf32, #tpu.memory_space<hbm>>
    tpu.enqueue_dma source(%dma_start3A_371 : memref<704xf32, #tpu.memory_space<hbm>>) target(%dma_start3A_370 : memref<704xf32, #tpu.memory_space<vmem>>) target_semaphore(%arg9 : memref<!tpu.dma_semaphore, #tpu.memory_space<semaphore_mem>>)
    %mul3A_372 = arith.constant 6 : i32
    %mul3A_373 = arith.muli %select_n3A, %mul3A_372 : i32
    %add3A_374 = arith.constant 3 : i32
    %add3A_375 = arith.addi %mul3A_373, %add3A_374 : i32
    %mul3A_376 = arith.constant 64 : i32
    %mul3A_377 = arith.muli %add3A_375, %mul3A_376 : i32
    %add3A_378 = arith.addi %mul3A_377, %add3A_326 : i32
    %mul3A_379 = arith.constant 704 : i32
    %mul3A_380 = arith.muli %add3A_378, %mul3A_379 : i32
    %dma_start3A_381 = arith.constant 2112 : i32
    %dma_start3A_382 = tpu.memref_slice %arg7[%dma_start3A_381] : memref<4224xf32, #tpu.memory_space<vmem>> -> memref<704xf32, #tpu.memory_space<vmem>>
    %dma_start3A_383 = tpu.memref_slice %arg2[%mul3A_380] : memref<1081344xf32, #tpu.memory_space<hbm>> -> memref<704xf32, #tpu.memory_space<hbm>>
    %dma_start3A_384 = arith.constant 2112 : i32
    %dma_start3A_385 = tpu.memref_slice %arg7[%dma_start3A_384] : memref<4224xf32, #tpu.memory_space<vmem>> -> memref<704xf32, #tpu.memory_space<vmem>>
    %dma_start3A_386 = tpu.memref_slice %arg2[%mul3A_380] : memref<1081344xf32, #tpu.memory_space<hbm>> -> memref<704xf32, #tpu.memory_space<hbm>>
    tpu.enqueue_dma source(%dma_start3A_386 : memref<704xf32, #tpu.memory_space<hbm>>) target(%dma_start3A_385 : memref<704xf32, #tpu.memory_space<vmem>>) target_semaphore(%arg9 : memref<!tpu.dma_semaphore, #tpu.memory_space<semaphore_mem>>)
    %mul3A_387 = arith.constant 6 : i32
    %mul3A_388 = arith.muli %select_n3A, %mul3A_387 : i32
    %add3A_389 = arith.constant 4 : i32
    %add3A_390 = arith.addi %mul3A_388, %add3A_389 : i32
    %mul3A_391 = arith.constant 64 : i32
    %mul3A_392 = arith.muli %add3A_390, %mul3A_391 : i32
    %add3A_393 = arith.addi %mul3A_392, %add3A_326 : i32
    %mul3A_394 = arith.constant 704 : i32
    %mul3A_395 = arith.muli %add3A_393, %mul3A_394 : i32
    %dma_start3A_396 = arith.constant 2816 : i32
    %dma_start3A_397 = tpu.memref_slice %arg7[%dma_start3A_396] : memref<4224xf32, #tpu.memory_space<vmem>> -> memref<704xf32, #tpu.memory_space<vmem>>
    %dma_start3A_398 = tpu.memref_slice %arg2[%mul3A_395] : memref<1081344xf32, #tpu.memory_space<hbm>> -> memref<704xf32, #tpu.memory_space<hbm>>
    %dma_start3A_399 = arith.constant 2816 : i32
    %dma_start3A_400 = tpu.memref_slice %arg7[%dma_start3A_399] : memref<4224xf32, #tpu.memory_space<vmem>> -> memref<704xf32, #tpu.memory_space<vmem>>
    %dma_start3A_401 = tpu.memref_slice %arg2[%mul3A_395] : memref<1081344xf32, #tpu.memory_space<hbm>> -> memref<704xf32, #tpu.memory_space<hbm>>
    tpu.enqueue_dma source(%dma_start3A_401 : memref<704xf32, #tpu.memory_space<hbm>>) target(%dma_start3A_400 : memref<704xf32, #tpu.memory_space<vmem>>) target_semaphore(%arg9 : memref<!tpu.dma_semaphore, #tpu.memory_space<semaphore_mem>>)
    %mul3A_402 = arith.constant 6 : i32
    %mul3A_403 = arith.muli %select_n3A, %mul3A_402 : i32
    %add3A_404 = arith.constant 5 : i32
    %add3A_405 = arith.addi %mul3A_403, %add3A_404 : i32
    %mul3A_406 = arith.constant 64 : i32
    %mul3A_407 = arith.muli %add3A_405, %mul3A_406 : i32
    %add3A_408 = arith.addi %mul3A_407, %add3A_326 : i32
    %mul3A_409 = arith.constant 704 : i32
    %mul3A_410 = arith.muli %add3A_408, %mul3A_409 : i32
    %dma_start3A_411 = arith.constant 3520 : i32
    %dma_start3A_412 = tpu.memref_slice %arg7[%dma_start3A_411] : memref<4224xf32, #tpu.memory_space<vmem>> -> memref<704xf32, #tpu.memory_space<vmem>>
    %dma_start3A_413 = tpu.memref_slice %arg2[%mul3A_410] : memref<1081344xf32, #tpu.memory_space<hbm>> -> memref<704xf32, #tpu.memory_space<hbm>>
    %dma_start3A_414 = arith.constant 3520 : i32
    %dma_start3A_415 = tpu.memref_slice %arg7[%dma_start3A_414] : memref<4224xf32, #tpu.memory_space<vmem>> -> memref<704xf32, #tpu.memory_space<vmem>>
    %dma_start3A_416 = tpu.memref_slice %arg2[%mul3A_410] : memref<1081344xf32, #tpu.memory_space<hbm>> -> memref<704xf32, #tpu.memory_space<hbm>>
    tpu.enqueue_dma source(%dma_start3A_416 : memref<704xf32, #tpu.memory_space<hbm>>) target(%dma_start3A_415 : memref<704xf32, #tpu.memory_space<vmem>>) target_semaphore(%arg9 : memref<!tpu.dma_semaphore, #tpu.memory_space<semaphore_mem>>)
    %scan3A_417 = arith.constant 0 : i32
    %scan3A_418 = arith.constant 0 : i32
    %scan3A_419 = arith.constant 66 : i32
    %scan3A_420 = arith.addi %scan3A_418, %scan3A_419 : i32
    %scan3A_421 = arith.constant 1 : i32
    scf.for %scan3A_1295 = %scan3A_418 to %scan3A_420 step %scan3A_421  : i32 {
      %mul3A_1296 = arith.constant 4 : i32
      %mul3A_1297 = arith.muli %scan3A_1295, %mul3A_1296 : i32
      %add3A_1298 = arith.constant 0 : i32
      %add3A_1299 = arith.addi %mul3A_1297, %add3A_1298 : i32
      %mul3A_1300 = arith.constant 16 : i32
      %mul3A_1301 = arith.muli %add3A_1299, %mul3A_1300 : i32
      %get3A = arith.index_cast %mul3A_1301 : i32 to index
      %get3A_1302 = tpu.vector_load %arg6[%get3A] {strides = array<i32>} : memref<4224xi32, #tpu.memory_space<vmem>>, vector<16xi32>,
      %lt3A_1303 = arith.constant 65536 : i32
      %lt3A_1304 = vector.broadcast %lt3A_1303 : i32 to vector<16xi32>
      %lt3A_1305 = arith.cmpi slt, %get3A_1302, %lt3A_1304 : vector<16xi32>
      %shift_right_logical3A = arith.constant 8 : i32
      %shift_right_logical3A_1306 = vector.broadcast %shift_right_logical3A : i32 to vector<16xi32>
      %shift_right_logical3A_1307 = arith.shrui %get3A_1302, %shift_right_logical3A_1306 : vector<16xi32>
      %and3A_1308 = arith.constant 255 : i32
      %and3A_1309 = vector.broadcast %and3A_1308 : i32 to vector<16xi32>
      %and3A_1310 = arith.andi %get3A_1302, %and3A_1309 : vector<16xi32>
      %get3A_1311 = arith.index_cast %mul3A_1301 : i32 to index
      %get3A_1312 = tpu.vector_load %arg8[%get3A_1311] {strides = array<i32>} : memref<4224xf32, #tpu.memory_space<vmem>>, vector<16xf32>,
      tpu.vector_store_idx %arg5[%shift_right_logical3A_1307, %and3A_1310], %get3A_1312 masked %lt3A_1305 {add = true} : memref<256x256xf32, #tpu.memory_space<vmem>>[vector<16xi32>, vector<16xi32>], vector<16xf32>, vector<16xi1>
      %mul3A_1313 = arith.constant 4 : i32
      %mul3A_1314 = arith.muli %scan3A_1295, %mul3A_1313 : i32
      %add3A_1315 = arith.constant 1 : i32
      %add3A_1316 = arith.addi %mul3A_1314, %add3A_1315 : i32
      %mul3A_1317 = arith.constant 16 : i32
      %mul3A_1318 = arith.muli %add3A_1316, %mul3A_1317 : i32
      %get3A_1319 = arith.index_cast %mul3A_1318 : i32 to index
      %get3A_1320 = tpu.vector_load %arg6[%get3A_1319] {strides = array<i32>} : memref<4224xi32, #tpu.memory_space<vmem>>, vector<16xi32>,
      %lt3A_1321 = arith.constant 65536 : i32
      %lt3A_1322 = vector.broadcast %lt3A_1321 : i32 to vector<16xi32>
      %lt3A_1323 = arith.cmpi slt, %get3A_1320, %lt3A_1322 : vector<16xi32>
      %shift_right_logical3A_1324 = arith.constant 8 : i32
      %shift_right_logical3A_1325 = vector.broadcast %shift_right_logical3A_1324 : i32 to vector<16xi32>
      %shift_right_logical3A_1326 = arith.shrui %get3A_1320, %shift_right_logical3A_1325 : vector<16xi32>
      %and3A_1327 = arith.constant 255 : i32
      %and3A_1328 = vector.broadcast %and3A_1327 : i32 to vector<16xi32>
      %and3A_1329 = arith.andi %get3A_1320, %and3A_1328 : vector<16xi32>
      %get3A_1330 = arith.index_cast %mul3A_1318 : i32 to index
      %get3A_1331 = tpu.vector_load %arg8[%get3A_1330] {strides = array<i32>} : memref<4224xf32, #tpu.memory_space<vmem>>, vector<16xf32>,
      tpu.vector_store_idx %arg5[%shift_right_logical3A_1326, %and3A_1329], %get3A_1331 masked %lt3A_1323 {add = true} : memref<256x256xf32, #tpu.memory_space<vmem>>[vector<16xi32>, vector<16xi32>], vector<16xf32>, vector<16xi1>
      %mul3A_1332 = arith.constant 4 : i32
      %mul3A_1333 = arith.muli %scan3A_1295, %mul3A_1332 : i32
      %add3A_1334 = arith.constant 2 : i32
      %add3A_1335 = arith.addi %mul3A_1333, %add3A_1334 : i32
      %mul3A_1336 = arith.constant 16 : i32
      %mul3A_1337 = arith.muli %add3A_1335, %mul3A_1336 : i32
      %get3A_1338 = arith.index_cast %mul3A_1337 : i32 to index
      %get3A_1339 = tpu.vector_load %arg6[%get3A_1338] {strides = array<i32>} : memref<4224xi32, #tpu.memory_space<vmem>>, vector<16xi32>,
      %lt3A_1340 = arith.constant 65536 : i32
      %lt3A_1341 = vector.broadcast %lt3A_1340 : i32 to vector<16xi32>
      %lt3A_1342 = arith.cmpi slt, %get3A_1339, %lt3A_1341 : vector<16xi32>
      %shift_right_logical3A_1343 = arith.constant 8 : i32
      %shift_right_logical3A_1344 = vector.broadcast %shift_right_logical3A_1343 : i32 to vector<16xi32>
      %shift_right_logical3A_1345 = arith.shrui %get3A_1339, %shift_right_logical3A_1344 : vector<16xi32>
      %and3A_1346 = arith.constant 255 : i32
      %and3A_1347 = vector.broadcast %and3A_1346 : i32 to vector<16xi32>
      %and3A_1348 = arith.andi %get3A_1339, %and3A_1347 : vector<16xi32>
      %get3A_1349 = arith.index_cast %mul3A_1337 : i32 to index
      %get3A_1350 = tpu.vector_load %arg8[%get3A_1349] {strides = array<i32>} : memref<4224xf32, #tpu.memory_space<vmem>>, vector<16xf32>,
      tpu.vector_store_idx %arg5[%shift_right_logical3A_1345, %and3A_1348], %get3A_1350 masked %lt3A_1342 {add = true} : memref<256x256xf32, #tpu.memory_space<vmem>>[vector<16xi32>, vector<16xi32>], vector<16xf32>, vector<16xi1>
      %mul3A_1351 = arith.constant 4 : i32
      %mul3A_1352 = arith.muli %scan3A_1295, %mul3A_1351 : i32
      %add3A_1353 = arith.constant 3 : i32
      %add3A_1354 = arith.addi %mul3A_1352, %add3A_1353 : i32
      %mul3A_1355 = arith.constant 16 : i32
      %mul3A_1356 = arith.muli %add3A_1354, %mul3A_1355 : i32
      %get3A_1357 = arith.index_cast %mul3A_1356 : i32 to index
      %get3A_1358 = tpu.vector_load %arg6[%get3A_1357] {strides = array<i32>} : memref<4224xi32, #tpu.memory_space<vmem>>, vector<16xi32>,
      %lt3A_1359 = arith.constant 65536 : i32
      %lt3A_1360 = vector.broadcast %lt3A_1359 : i32 to vector<16xi32>
      %lt3A_1361 = arith.cmpi slt, %get3A_1358, %lt3A_1360 : vector<16xi32>
      %shift_right_logical3A_1362 = arith.constant 8 : i32
      %shift_right_logical3A_1363 = vector.broadcast %shift_right_logical3A_1362 : i32 to vector<16xi32>
      %shift_right_logical3A_1364 = arith.shrui %get3A_1358, %shift_right_logical3A_1363 : vector<16xi32>
      %and3A_1365 = arith.constant 255 : i32
      %and3A_1366 = vector.broadcast %and3A_1365 : i32 to vector<16xi32>
      %and3A_1367 = arith.andi %get3A_1358, %and3A_1366 : vector<16xi32>
      %get3A_1368 = arith.index_cast %mul3A_1356 : i32 to index
      %get3A_1369 = tpu.vector_load %arg8[%get3A_1368] {strides = array<i32>} : memref<4224xf32, #tpu.memory_space<vmem>>, vector<16xf32>,
      tpu.vector_store_idx %arg5[%shift_right_logical3A_1364, %and3A_1367], %get3A_1369 masked %lt3A_1361 {add = true} : memref<256x256xf32, #tpu.memory_space<vmem>>[vector<16xi32>, vector<16xi32>], vector<16xf32>, vector<16xi1>
    }
    %scan3A_422 = arith.constant 66 : i32
    %dma_start3A_423 = arith.constant 0 : i32
    %dma_start3A_424 = arith.constant 0 : i32
    %dma_start3A_425 = tpu.memref_slice %arg4[%select_n3A, %add3A_288, %dma_start3A_423, %dma_start3A_424] : memref<4x64x256x256xf32, #tpu.memory_space<hbm>> -> memref<1x1x256x256xf32, #tpu.memory_space<hbm>>
    %dma_start3A_426 = tpu.memref_squeeze %dma_start3A_425 : memref<1x1x256x256xf32, #tpu.memory_space<hbm>> -> memref<256x256xf32, #tpu.memory_space<hbm>>
    %dma_start3A_427 = arith.constant 0 : i32
    %dma_start3A_428 = arith.constant 0 : i32
    %dma_start3A_429 = tpu.memref_slice %arg4[%select_n3A, %add3A_288, %dma_start3A_427, %dma_start3A_428] : memref<4x64x256x256xf32, #tpu.memory_space<hbm>> -> memref<1x1x256x256xf32, #tpu.memory_space<hbm>>
    %dma_start3A_430 = tpu.memref_squeeze %dma_start3A_429 : memref<1x1x256x256xf32, #tpu.memory_space<hbm>> -> memref<256x256xf32, #tpu.memory_space<hbm>>
    tpu.enqueue_dma source(%arg5 : memref<256x256xf32, #tpu.memory_space<vmem>>) target(%dma_start3A_430 : memref<256x256xf32, #tpu.memory_space<hbm>>) target_semaphore(%arg10 : memref<!tpu.dma_semaphore, #tpu.memory_space<semaphore_mem>>)
    %dma_wait3A_431 = arith.constant 0 : i32
    %dma_wait3A_432 = arith.constant 0 : i32
    %dma_wait3A_433 = tpu.memref_slice %arg4[%select_n3A, %add3A_288, %dma_wait3A_431, %dma_wait3A_432] : memref<4x64x256x256xf32, #tpu.memory_space<hbm>> -> memref<1x1x256x256xf32, #tpu.memory_space<hbm>>
    %dma_wait3A_434 = tpu.memref_squeeze %dma_wait3A_433 : memref<1x1x256x256xf32, #tpu.memory_space<hbm>> -> memref<256x256xf32, #tpu.memory_space<hbm>>
    %dma_wait3A_435 = arith.constant 0 : i32
    %dma_wait3A_436 = arith.constant 0 : i32
    %dma_wait3A_437 = tpu.memref_slice %arg4[%select_n3A, %add3A_288, %dma_wait3A_435, %dma_wait3A_436] : memref<4x64x256x256xf32, #tpu.memory_space<hbm>> -> memref<1x1x256x256xf32, #tpu.memory_space<hbm>>
    %dma_wait3A_438 = tpu.memref_squeeze %dma_wait3A_437 : memref<1x1x256x256xf32, #tpu.memory_space<hbm>> -> memref<256x256xf32, #tpu.memory_space<hbm>>
    tpu.wait_dma2 semaphore(%arg10 : memref<!tpu.dma_semaphore, #tpu.memory_space<semaphore_mem>>) src(%arg5 : memref<256x256xf32, #tpu.memory_space<vmem>>) dst(%dma_wait3A_438 : memref<256x256xf32, #tpu.memory_space<hbm>>)
    %scan3A_439 = arith.constant 0 : i32
    %scan3A_440 = arith.constant 0 : i32
    %scan3A_441 = arith.constant 66 : i32
    %scan3A_442 = arith.addi %scan3A_440, %scan3A_441 : i32
    %scan3A_443 = arith.constant 1 : i32
    scf.for %scan3A_1295 = %scan3A_440 to %scan3A_442 step %scan3A_443  : i32 {
      %mul3A_1296 = arith.constant 4 : i32
      %mul3A_1297 = arith.muli %scan3A_1295, %mul3A_1296 : i32
      %add3A_1298 = arith.constant 0 : i32
      %add3A_1299 = arith.addi %mul3A_1297, %add3A_1298 : i32
      %mul3A_1300 = arith.constant 16 : i32
      %mul3A_1301 = arith.muli %add3A_1299, %mul3A_1300 : i32
      %get3A = arith.index_cast %mul3A_1301 : i32 to index
      %get3A_1302 = tpu.vector_load %arg6[%get3A] {strides = array<i32>} : memref<4224xi32, #tpu.memory_space<vmem>>, vector<16xi32>,
      %lt3A_1303 = arith.constant 65536 : i32
      %lt3A_1304 = vector.broadcast %lt3A_1303 : i32 to vector<16xi32>
      %lt3A_1305 = arith.cmpi slt, %get3A_1302, %lt3A_1304 : vector<16xi32>
      %shift_right_logical3A = arith.constant 8 : i32
      %shift_right_logical3A_1306 = vector.broadcast %shift_right_logical3A : i32 to vector<16xi32>
      %shift_right_logical3A_1307 = arith.shrui %get3A_1302, %shift_right_logical3A_1306 : vector<16xi32>
      %and3A_1308 = arith.constant 255 : i32
      %and3A_1309 = vector.broadcast %and3A_1308 : i32 to vector<16xi32>
      %and3A_1310 = arith.andi %get3A_1302, %and3A_1309 : vector<16xi32>
      tpu.vector_store_idx %arg5[%shift_right_logical3A_1307, %and3A_1310], %broadcast_in_dim3A_35 masked %lt3A_1305 : memref<256x256xf32, #tpu.memory_space<vmem>>[vector<16xi32>, vector<16xi32>], vector<16xf32>, vector<16xi1>
      %mul3A_1311 = arith.constant 4 : i32
      %mul3A_1312 = arith.muli %scan3A_1295, %mul3A_1311 : i32
      %add3A_1313 = arith.constant 1 : i32
      %add3A_1314 = arith.addi %mul3A_1312, %add3A_1313 : i32
      %mul3A_1315 = arith.constant 16 : i32
      %mul3A_1316 = arith.muli %add3A_1314, %mul3A_1315 : i32
      %get3A_1317 = arith.index_cast %mul3A_1316 : i32 to index
      %get3A_1318 = tpu.vector_load %arg6[%get3A_1317] {strides = array<i32>} : memref<4224xi32, #tpu.memory_space<vmem>>, vector<16xi32>,
      %lt3A_1319 = arith.constant 65536 : i32
      %lt3A_1320 = vector.broadcast %lt3A_1319 : i32 to vector<16xi32>
      %lt3A_1321 = arith.cmpi slt, %get3A_1318, %lt3A_1320 : vector<16xi32>
      %shift_right_logical3A_1322 = arith.constant 8 : i32
      %shift_right_logical3A_1323 = vector.broadcast %shift_right_logical3A_1322 : i32 to vector<16xi32>
      %shift_right_logical3A_1324 = arith.shrui %get3A_1318, %shift_right_logical3A_1323 : vector<16xi32>
      %and3A_1325 = arith.constant 255 : i32
      %and3A_1326 = vector.broadcast %and3A_1325 : i32 to vector<16xi32>
      %and3A_1327 = arith.andi %get3A_1318, %and3A_1326 : vector<16xi32>
      tpu.vector_store_idx %arg5[%shift_right_logical3A_1324, %and3A_1327], %broadcast_in_dim3A_35 masked %lt3A_1321 : memref<256x256xf32, #tpu.memory_space<vmem>>[vector<16xi32>, vector<16xi32>], vector<16xf32>, vector<16xi1>
      %mul3A_1328 = arith.constant 4 : i32
      %mul3A_1329 = arith.muli %scan3A_1295, %mul3A_1328 : i32
      %add3A_1330 = arith.constant 2 : i32
      %add3A_1331 = arith.addi %mul3A_1329, %add3A_1330 : i32
      %mul3A_1332 = arith.constant 16 : i32
      %mul3A_1333 = arith.muli %add3A_1331, %mul3A_1332 : i32
      %get3A_1334 = arith.index_cast %mul3A_1333 : i32 to index
      %get3A_1335 = tpu.vector_load %arg6[%get3A_1334] {strides = array<i32>} : memref<4224xi32, #tpu.memory_space<vmem>>, vector<16xi32>,
      %lt3A_1336 = arith.constant 65536 : i32
      %lt3A_1337 = vector.broadcast %lt3A_1336 : i32 to vector<16xi32>
      %lt3A_1338 = arith.cmpi slt, %get3A_1335, %lt3A_1337 : vector<16xi32>
      %shift_right_logical3A_1339 = arith.constant 8 : i32
      %shift_right_logical3A_1340 = vector.broadcast %shift_right_logical3A_1339 : i32 to vector<16xi32>
      %shift_right_logical3A_1341 = arith.shrui %get3A_1335, %shift_right_logical3A_1340 : vector<16xi32>
      %and3A_1342 = arith.constant 255 : i32
      %and3A_1343 = vector.broadcast %and3A_1342 : i32 to vector<16xi32>
      %and3A_1344 = arith.andi %get3A_1335, %and3A_1343 : vector<16xi32>
      tpu.vector_store_idx %arg5[%shift_right_logical3A_1341, %and3A_1344], %broadcast_in_dim3A_35 masked %lt3A_1338 : memref<256x256xf32, #tpu.memory_space<vmem>>[vector<16xi32>, vector<16xi32>], vector<16xf32>, vector<16xi1>
      %mul3A_1345 = arith.constant 4 : i32
      %mul3A_1346 = arith.muli %scan3A_1295, %mul3A_1345 : i32
      %add3A_1347 = arith.constant 3 : i32
      %add3A_1348 = arith.addi %mul3A_1346, %add3A_1347 : i32
      %mul3A_1349 = arith.constant 16 : i32
      %mul3A_1350 = arith.muli %add3A_1348, %mul3A_1349 : i32
      %get3A_1351 = arith.index_cast %mul3A_1350 : i32 to index
      %get3A_1352 = tpu.vector_load %arg6[%get3A_1351] {strides = array<i32>} : memref<4224xi32, #tpu.memory_space<vmem>>, vector<16xi32>,
      %lt3A_1353 = arith.constant 65536 : i32
      %lt3A_1354 = vector.broadcast %lt3A_1353 : i32 to vector<16xi32>
      %lt3A_1355 = arith.cmpi slt, %get3A_1352, %lt3A_1354 : vector<16xi32>
      %shift_right_logical3A_1356 = arith.constant 8 : i32
      %shift_right_logical3A_1357 = vector.broadcast %shift_right_logical3A_1356 : i32 to vector<16xi32>
      %shift_right_logical3A_1358 = arith.shrui %get3A_1352, %shift_right_logical3A_1357 : vector<16xi32>
      %and3A_1359 = arith.constant 255 : i32
      %and3A_1360 = vector.broadcast %and3A_1359 : i32 to vector<16xi32>
      %and3A_1361 = arith.andi %get3A_1352, %and3A_1360 : vector<16xi32>
      tpu.vector_store_idx %arg5[%shift_right_logical3A_1358, %and3A_1361], %broadcast_in_dim3A_35 masked %lt3A_1355 : memref<256x256xf32, #tpu.memory_space<vmem>>[vector<16xi32>, vector<16xi32>], vector<16xf32>, vector<16xi1>
    }
    %scan3A_444 = arith.constant 66 : i32
    %add3A_445 = arith.constant 2 : i32
    %add3A_446 = arith.addi %mul3A_32, %add3A_445 : i32
    %dma_wait3A_447 = arith.constant 0 : i32
    %dma_wait3A_448 = tpu.memref_slice %arg7[%dma_wait3A_447] : memref<4224xf32, #tpu.memory_space<vmem>> -> memref<704xf32, #tpu.memory_space<vmem>>
    %dma_wait3A_449 = tpu.memref_slice %arg2[%mul3A_335] : memref<1081344xf32, #tpu.memory_space<hbm>> -> memref<704xf32, #tpu.memory_space<hbm>>
    %dma_wait3A_450 = arith.constant 0 : i32
    %dma_wait3A_451 = tpu.memref_slice %arg7[%dma_wait3A_450] : memref<4224xf32, #tpu.memory_space<vmem>> -> memref<704xf32, #tpu.memory_space<vmem>>
    %dma_wait3A_452 = tpu.memref_slice %arg2[%mul3A_335] : memref<1081344xf32, #tpu.memory_space<hbm>> -> memref<704xf32, #tpu.memory_space<hbm>>
    tpu.wait_dma2 semaphore(%arg9 : memref<!tpu.dma_semaphore, #tpu.memory_space<semaphore_mem>>) src(%dma_wait3A_452 : memref<704xf32, #tpu.memory_space<hbm>>) dst(%dma_wait3A_451 : memref<704xf32, #tpu.memory_space<vmem>>)
    %dma_wait3A_453 = arith.constant 704 : i32
    %dma_wait3A_454 = tpu.memref_slice %arg7[%dma_wait3A_453] : memref<4224xf32, #tpu.memory_space<vmem>> -> memref<704xf32, #tpu.memory_space<vmem>>
    %dma_wait3A_455 = tpu.memref_slice %arg2[%mul3A_350] : memref<1081344xf32, #tpu.memory_space<hbm>> -> memref<704xf32, #tpu.memory_space<hbm>>
    %dma_wait3A_456 = arith.constant 704 : i32
    %dma_wait3A_457 = tpu.memref_slice %arg7[%dma_wait3A_456] : memref<4224xf32, #tpu.memory_space<vmem>> -> memref<704xf32, #tpu.memory_space<vmem>>
    %dma_wait3A_458 = tpu.memref_slice %arg2[%mul3A_350] : memref<1081344xf32, #tpu.memory_space<hbm>> -> memref<704xf32, #tpu.memory_space<hbm>>
    tpu.wait_dma2 semaphore(%arg9 : memref<!tpu.dma_semaphore, #tpu.memory_space<semaphore_mem>>) src(%dma_wait3A_458 : memref<704xf32, #tpu.memory_space<hbm>>) dst(%dma_wait3A_457 : memref<704xf32, #tpu.memory_space<vmem>>)
    %dma_wait3A_459 = arith.constant 1408 : i32
    %dma_wait3A_460 = tpu.memref_slice %arg7[%dma_wait3A_459] : memref<4224xf32, #tpu.memory_space<vmem>> -> memref<704xf32, #tpu.memory_space<vmem>>
    %dma_wait3A_461 = tpu.memref_slice %arg2[%mul3A_365] : memref<1081344xf32, #tpu.memory_space<hbm>> -> memref<704xf32, #tpu.memory_space<hbm>>
    %dma_wait3A_462 = arith.constant 1408 : i32
    %dma_wait3A_463 = tpu.memref_slice %arg7[%dma_wait3A_462] : memref<4224xf32, #tpu.memory_space<vmem>> -> memref<704xf32, #tpu.memory_space<vmem>>
    %dma_wait3A_464 = tpu.memref_slice %arg2[%mul3A_365] : memref<1081344xf32, #tpu.memory_space<hbm>> -> memref<704xf32, #tpu.memory_space<hbm>>
    tpu.wait_dma2 semaphore(%arg9 : memref<!tpu.dma_semaphore, #tpu.memory_space<semaphore_mem>>) src(%dma_wait3A_464 : memref<704xf32, #tpu.memory_space<hbm>>) dst(%dma_wait3A_463 : memref<704xf32, #tpu.memory_space<vmem>>)
    %dma_wait3A_465 = arith.constant 2112 : i32
    %dma_wait3A_466 = tpu.memref_slice %arg7[%dma_wait3A_465] : memref<4224xf32, #tpu.memory_space<vmem>> -> memref<704xf32, #tpu.memory_space<vmem>>
    %dma_wait3A_467 = tpu.memref_slice %arg2[%mul3A_380] : memref<1081344xf32, #tpu.memory_space<hbm>> -> memref<704xf32, #tpu.memory_space<hbm>>
    %dma_wait3A_468 = arith.constant 2112 : i32
    %dma_wait3A_469 = tpu.memref_slice %arg7[%dma_wait3A_468] : memref<4224xf32, #tpu.memory_space<vmem>> -> memref<704xf32, #tpu.memory_space<vmem>>
    %dma_wait3A_470 = tpu.memref_slice %arg2[%mul3A_380] : memref<1081344xf32, #tpu.memory_space<hbm>> -> memref<704xf32, #tpu.memory_space<hbm>>
    tpu.wait_dma2 semaphore(%arg9 : memref<!tpu.dma_semaphore, #tpu.memory_space<semaphore_mem>>) src(%dma_wait3A_470 : memref<704xf32, #tpu.memory_space<hbm>>) dst(%dma_wait3A_469 : memref<704xf32, #tpu.memory_space<vmem>>)
    %dma_wait3A_471 = arith.constant 2816 : i32
    %dma_wait3A_472 = tpu.memref_slice %arg7[%dma_wait3A_471] : memref<4224xf32, #tpu.memory_space<vmem>> -> memref<704xf32, #tpu.memory_space<vmem>>
    %dma_wait3A_473 = tpu.memref_slice %arg2[%mul3A_395] : memref<1081344xf32, #tpu.memory_space<hbm>> -> memref<704xf32, #tpu.memory_space<hbm>>
    %dma_wait3A_474 = arith.constant 2816 : i32
    %dma_wait3A_475 = tpu.memref_slice %arg7[%dma_wait3A_474] : memref<4224xf32, #tpu.memory_space<vmem>> -> memref<704xf32, #tpu.memory_space<vmem>>
    %dma_wait3A_476 = tpu.memref_slice %arg2[%mul3A_395] : memref<1081344xf32, #tpu.memory_space<hbm>> -> memref<704xf32, #tpu.memory_space<hbm>>
    tpu.wait_dma2 semaphore(%arg9 : memref<!tpu.dma_semaphore, #tpu.memory_space<semaphore_mem>>) src(%dma_wait3A_476 : memref<704xf32, #tpu.memory_space<hbm>>) dst(%dma_wait3A_475 : memref<704xf32, #tpu.memory_space<vmem>>)
    %dma_wait3A_477 = arith.constant 3520 : i32
    %dma_wait3A_478 = tpu.memref_slice %arg7[%dma_wait3A_477] : memref<4224xf32, #tpu.memory_space<vmem>> -> memref<704xf32, #tpu.memory_space<vmem>>
    %dma_wait3A_479 = tpu.memref_slice %arg2[%mul3A_410] : memref<1081344xf32, #tpu.memory_space<hbm>> -> memref<704xf32, #tpu.memory_space<hbm>>
    %dma_wait3A_480 = arith.constant 3520 : i32
    %dma_wait3A_481 = tpu.memref_slice %arg7[%dma_wait3A_480] : memref<4224xf32, #tpu.memory_space<vmem>> -> memref<704xf32, #tpu.memory_space<vmem>>
    %dma_wait3A_482 = tpu.memref_slice %arg2[%mul3A_410] : memref<1081344xf32, #tpu.memory_space<hbm>> -> memref<704xf32, #tpu.memory_space<hbm>>
    tpu.wait_dma2 semaphore(%arg9 : memref<!tpu.dma_semaphore, #tpu.memory_space<semaphore_mem>>) src(%dma_wait3A_482 : memref<704xf32, #tpu.memory_space<hbm>>) dst(%dma_wait3A_481 : memref<704xf32, #tpu.memory_space<vmem>>)
    %add3A_483 = arith.constant 1 : i32
    %add3A_484 = arith.addi %add3A_446, %add3A_483 : i32
    %mul3A_485 = arith.constant 6 : i32
    %mul3A_486 = arith.muli %select_n3A, %mul3A_485 : i32
    %add3A_487 = arith.constant 0 : i32
    %add3A_488 = arith.addi %mul3A_486, %add3A_487 : i32
    %mul3A_489 = arith.constant 64 : i32
    %mul3A_490 = arith.muli %add3A_488, %mul3A_489 : i32
    %add3A_491 = arith.addi %mul3A_490, %add3A_484 : i32
    %mul3A_492 = arith.constant 704 : i32
    %mul3A_493 = arith.muli %add3A_491, %mul3A_492 : i32
    %dma_start3A_494 = arith.constant 0 : i32
    %dma_start3A_495 = tpu.memref_slice %arg8[%dma_start3A_494] : memref<4224xf32, #tpu.memory_space<vmem>> -> memref<704xf32, #tpu.memory_space<vmem>>
    %dma_start3A_496 = tpu.memref_slice %arg2[%mul3A_493] : memref<1081344xf32, #tpu.memory_space<hbm>> -> memref<704xf32, #tpu.memory_space<hbm>>
    %dma_start3A_497 = arith.constant 0 : i32
    %dma_start3A_498 = tpu.memref_slice %arg8[%dma_start3A_497] : memref<4224xf32, #tpu.memory_space<vmem>> -> memref<704xf32, #tpu.memory_space<vmem>>
    %dma_start3A_499 = tpu.memref_slice %arg2[%mul3A_493] : memref<1081344xf32, #tpu.memory_space<hbm>> -> memref<704xf32, #tpu.memory_space<hbm>>
    tpu.enqueue_dma source(%dma_start3A_499 : memref<704xf32, #tpu.memory_space<hbm>>) target(%dma_start3A_498 : memref<704xf32, #tpu.memory_space<vmem>>) target_semaphore(%arg9 : memref<!tpu.dma_semaphore, #tpu.memory_space<semaphore_mem>>)
    %mul3A_500 = arith.constant 6 : i32
    %mul3A_501 = arith.muli %select_n3A, %mul3A_500 : i32
    %add3A_502 = arith.constant 1 : i32
    %add3A_503 = arith.addi %mul3A_501, %add3A_502 : i32
    %mul3A_504 = arith.constant 64 : i32
    %mul3A_505 = arith.muli %add3A_503, %mul3A_504 : i32
    %add3A_506 = arith.addi %mul3A_505, %add3A_484 : i32
    %mul3A_507 = arith.constant 704 : i32
    %mul3A_508 = arith.muli %add3A_506, %mul3A_507 : i32
    %dma_start3A_509 = arith.constant 704 : i32
    %dma_start3A_510 = tpu.memref_slice %arg8[%dma_start3A_509] : memref<4224xf32, #tpu.memory_space<vmem>> -> memref<704xf32, #tpu.memory_space<vmem>>
    %dma_start3A_511 = tpu.memref_slice %arg2[%mul3A_508] : memref<1081344xf32, #tpu.memory_space<hbm>> -> memref<704xf32, #tpu.memory_space<hbm>>
    %dma_start3A_512 = arith.constant 704 : i32
    %dma_start3A_513 = tpu.memref_slice %arg8[%dma_start3A_512] : memref<4224xf32, #tpu.memory_space<vmem>> -> memref<704xf32, #tpu.memory_space<vmem>>
    %dma_start3A_514 = tpu.memref_slice %arg2[%mul3A_508] : memref<1081344xf32, #tpu.memory_space<hbm>> -> memref<704xf32, #tpu.memory_space<hbm>>
    tpu.enqueue_dma source(%dma_start3A_514 : memref<704xf32, #tpu.memory_space<hbm>>) target(%dma_start3A_513 : memref<704xf32, #tpu.memory_space<vmem>>) target_semaphore(%arg9 : memref<!tpu.dma_semaphore, #tpu.memory_space<semaphore_mem>>)
    %mul3A_515 = arith.constant 6 : i32
    %mul3A_516 = arith.muli %select_n3A, %mul3A_515 : i32
    %add3A_517 = arith.constant 2 : i32
    %add3A_518 = arith.addi %mul3A_516, %add3A_517 : i32
    %mul3A_519 = arith.constant 64 : i32
    %mul3A_520 = arith.muli %add3A_518, %mul3A_519 : i32
    %add3A_521 = arith.addi %mul3A_520, %add3A_484 : i32
    %mul3A_522 = arith.constant 704 : i32
    %mul3A_523 = arith.muli %add3A_521, %mul3A_522 : i32
    %dma_start3A_524 = arith.constant 1408 : i32
    %dma_start3A_525 = tpu.memref_slice %arg8[%dma_start3A_524] : memref<4224xf32, #tpu.memory_space<vmem>> -> memref<704xf32, #tpu.memory_space<vmem>>
    %dma_start3A_526 = tpu.memref_slice %arg2[%mul3A_523] : memref<1081344xf32, #tpu.memory_space<hbm>> -> memref<704xf32, #tpu.memory_space<hbm>>
    %dma_start3A_527 = arith.constant 1408 : i32
    %dma_start3A_528 = tpu.memref_slice %arg8[%dma_start3A_527] : memref<4224xf32, #tpu.memory_space<vmem>> -> memref<704xf32, #tpu.memory_space<vmem>>
    %dma_start3A_529 = tpu.memref_slice %arg2[%mul3A_523] : memref<1081344xf32, #tpu.memory_space<hbm>> -> memref<704xf32, #tpu.memory_space<hbm>>
    tpu.enqueue_dma source(%dma_start3A_529 : memref<704xf32, #tpu.memory_space<hbm>>) target(%dma_start3A_528 : memref<704xf32, #tpu.memory_space<vmem>>) target_semaphore(%arg9 : memref<!tpu.dma_semaphore, #tpu.memory_space<semaphore_mem>>)
    %mul3A_530 = arith.constant 6 : i32
    %mul3A_531 = arith.muli %select_n3A, %mul3A_530 : i32
    %add3A_532 = arith.constant 3 : i32
    %add3A_533 = arith.addi %mul3A_531, %add3A_532 : i32
    %mul3A_534 = arith.constant 64 : i32
    %mul3A_535 = arith.muli %add3A_533, %mul3A_534 : i32
    %add3A_536 = arith.addi %mul3A_535, %add3A_484 : i32
    %mul3A_537 = arith.constant 704 : i32
    %mul3A_538 = arith.muli %add3A_536, %mul3A_537 : i32
    %dma_start3A_539 = arith.constant 2112 : i32
    %dma_start3A_540 = tpu.memref_slice %arg8[%dma_start3A_539] : memref<4224xf32, #tpu.memory_space<vmem>> -> memref<704xf32, #tpu.memory_space<vmem>>
    %dma_start3A_541 = tpu.memref_slice %arg2[%mul3A_538] : memref<1081344xf32, #tpu.memory_space<hbm>> -> memref<704xf32, #tpu.memory_space<hbm>>
    %dma_start3A_542 = arith.constant 2112 : i32
    %dma_start3A_543 = tpu.memref_slice %arg8[%dma_start3A_542] : memref<4224xf32, #tpu.memory_space<vmem>> -> memref<704xf32, #tpu.memory_space<vmem>>
    %dma_start3A_544 = tpu.memref_slice %arg2[%mul3A_538] : memref<1081344xf32, #tpu.memory_space<hbm>> -> memref<704xf32, #tpu.memory_space<hbm>>
    tpu.enqueue_dma source(%dma_start3A_544 : memref<704xf32, #tpu.memory_space<hbm>>) target(%dma_start3A_543 : memref<704xf32, #tpu.memory_space<vmem>>) target_semaphore(%arg9 : memref<!tpu.dma_semaphore, #tpu.memory_space<semaphore_mem>>)
    %mul3A_545 = arith.constant 6 : i32
    %mul3A_546 = arith.muli %select_n3A, %mul3A_545 : i32
    %add3A_547 = arith.constant 4 : i32
    %add3A_548 = arith.addi %mul3A_546, %add3A_547 : i32
    %mul3A_549 = arith.constant 64 : i32
    %mul3A_550 = arith.muli %add3A_548, %mul3A_549 : i32
    %add3A_551 = arith.addi %mul3A_550, %add3A_484 : i32
    %mul3A_552 = arith.constant 704 : i32
    %mul3A_553 = arith.muli %add3A_551, %mul3A_552 : i32
    %dma_start3A_554 = arith.constant 2816 : i32
    %dma_start3A_555 = tpu.memref_slice %arg8[%dma_start3A_554] : memref<4224xf32, #tpu.memory_space<vmem>> -> memref<704xf32, #tpu.memory_space<vmem>>
    %dma_start3A_556 = tpu.memref_slice %arg2[%mul3A_553] : memref<1081344xf32, #tpu.memory_space<hbm>> -> memref<704xf32, #tpu.memory_space<hbm>>
    %dma_start3A_557 = arith.constant 2816 : i32
    %dma_start3A_558 = tpu.memref_slice %arg8[%dma_start3A_557] : memref<4224xf32, #tpu.memory_space<vmem>> -> memref<704xf32, #tpu.memory_space<vmem>>
    %dma_start3A_559 = tpu.memref_slice %arg2[%mul3A_553] : memref<1081344xf32, #tpu.memory_space<hbm>> -> memref<704xf32, #tpu.memory_space<hbm>>
    tpu.enqueue_dma source(%dma_start3A_559 : memref<704xf32, #tpu.memory_space<hbm>>) target(%dma_start3A_558 : memref<704xf32, #tpu.memory_space<vmem>>) target_semaphore(%arg9 : memref<!tpu.dma_semaphore, #tpu.memory_space<semaphore_mem>>)
    %mul3A_560 = arith.constant 6 : i32
    %mul3A_561 = arith.muli %select_n3A, %mul3A_560 : i32
    %add3A_562 = arith.constant 5 : i32
    %add3A_563 = arith.addi %mul3A_561, %add3A_562 : i32
    %mul3A_564 = arith.constant 64 : i32
    %mul3A_565 = arith.muli %add3A_563, %mul3A_564 : i32
    %add3A_566 = arith.addi %mul3A_565, %add3A_484 : i32
    %mul3A_567 = arith.constant 704 : i32
    %mul3A_568 = arith.muli %add3A_566, %mul3A_567 : i32
    %dma_start3A_569 = arith.constant 3520 : i32
    %dma_start3A_570 = tpu.memref_slice %arg8[%dma_start3A_569] : memref<4224xf32, #tpu.memory_space<vmem>> -> memref<704xf32, #tpu.memory_space<vmem>>
    %dma_start3A_571 = tpu.memref_slice %arg2[%mul3A_568] : memref<1081344xf32, #tpu.memory_space<hbm>> -> memref<704xf32, #tpu.memory_space<hbm>>
    %dma_start3A_572 = arith.constant 3520 : i32
    %dma_start3A_573 = tpu.memref_slice %arg8[%dma_start3A_572] : memref<4224xf32, #tpu.memory_space<vmem>> -> memref<704xf32, #tpu.memory_space<vmem>>
    %dma_start3A_574 = tpu.memref_slice %arg2[%mul3A_568] : memref<1081344xf32, #tpu.memory_space<hbm>> -> memref<704xf32, #tpu.memory_space<hbm>>
    tpu.enqueue_dma source(%dma_start3A_574 : memref<704xf32, #tpu.memory_space<hbm>>) target(%dma_start3A_573 : memref<704xf32, #tpu.memory_space<vmem>>) target_semaphore(%arg9 : memref<!tpu.dma_semaphore, #tpu.memory_space<semaphore_mem>>)
    %scan3A_575 = arith.constant 0 : i32
    %scan3A_576 = arith.constant 0 : i32
    %scan3A_577 = arith.constant 66 : i32
    %scan3A_578 = arith.addi %scan3A_576, %scan3A_577 : i32
    %scan3A_579 = arith.constant 1 : i32
    scf.for %scan3A_1295 = %scan3A_576 to %scan3A_578 step %scan3A_579  : i32 {
      %mul3A_1296 = arith.constant 4 : i32
      %mul3A_1297 = arith.muli %scan3A_1295, %mul3A_1296 : i32
      %add3A_1298 = arith.constant 0 : i32
      %add3A_1299 = arith.addi %mul3A_1297, %add3A_1298 : i32
      %mul3A_1300 = arith.constant 16 : i32
      %mul3A_1301 = arith.muli %add3A_1299, %mul3A_1300 : i32
      %get3A = arith.index_cast %mul3A_1301 : i32 to index
      %get3A_1302 = tpu.vector_load %arg6[%get3A] {strides = array<i32>} : memref<4224xi32, #tpu.memory_space<vmem>>, vector<16xi32>,
      %lt3A_1303 = arith.constant 65536 : i32
      %lt3A_1304 = vector.broadcast %lt3A_1303 : i32 to vector<16xi32>
      %lt3A_1305 = arith.cmpi slt, %get3A_1302, %lt3A_1304 : vector<16xi32>
      %shift_right_logical3A = arith.constant 8 : i32
      %shift_right_logical3A_1306 = vector.broadcast %shift_right_logical3A : i32 to vector<16xi32>
      %shift_right_logical3A_1307 = arith.shrui %get3A_1302, %shift_right_logical3A_1306 : vector<16xi32>
      %and3A_1308 = arith.constant 255 : i32
      %and3A_1309 = vector.broadcast %and3A_1308 : i32 to vector<16xi32>
      %and3A_1310 = arith.andi %get3A_1302, %and3A_1309 : vector<16xi32>
      %get3A_1311 = arith.index_cast %mul3A_1301 : i32 to index
      %get3A_1312 = tpu.vector_load %arg7[%get3A_1311] {strides = array<i32>} : memref<4224xf32, #tpu.memory_space<vmem>>, vector<16xf32>,
      tpu.vector_store_idx %arg5[%shift_right_logical3A_1307, %and3A_1310], %get3A_1312 masked %lt3A_1305 {add = true} : memref<256x256xf32, #tpu.memory_space<vmem>>[vector<16xi32>, vector<16xi32>], vector<16xf32>, vector<16xi1>
      %mul3A_1313 = arith.constant 4 : i32
      %mul3A_1314 = arith.muli %scan3A_1295, %mul3A_1313 : i32
      %add3A_1315 = arith.constant 1 : i32
      %add3A_1316 = arith.addi %mul3A_1314, %add3A_1315 : i32
      %mul3A_1317 = arith.constant 16 : i32
      %mul3A_1318 = arith.muli %add3A_1316, %mul3A_1317 : i32
      %get3A_1319 = arith.index_cast %mul3A_1318 : i32 to index
      %get3A_1320 = tpu.vector_load %arg6[%get3A_1319] {strides = array<i32>} : memref<4224xi32, #tpu.memory_space<vmem>>, vector<16xi32>,
      %lt3A_1321 = arith.constant 65536 : i32
      %lt3A_1322 = vector.broadcast %lt3A_1321 : i32 to vector<16xi32>
      %lt3A_1323 = arith.cmpi slt, %get3A_1320, %lt3A_1322 : vector<16xi32>
      %shift_right_logical3A_1324 = arith.constant 8 : i32
      %shift_right_logical3A_1325 = vector.broadcast %shift_right_logical3A_1324 : i32 to vector<16xi32>
      %shift_right_logical3A_1326 = arith.shrui %get3A_1320, %shift_right_logical3A_1325 : vector<16xi32>
      %and3A_1327 = arith.constant 255 : i32
      %and3A_1328 = vector.broadcast %and3A_1327 : i32 to vector<16xi32>
      %and3A_1329 = arith.andi %get3A_1320, %and3A_1328 : vector<16xi32>
      %get3A_1330 = arith.index_cast %mul3A_1318 : i32 to index
      %get3A_1331 = tpu.vector_load %arg7[%get3A_1330] {strides = array<i32>} : memref<4224xf32, #tpu.memory_space<vmem>>, vector<16xf32>,
      tpu.vector_store_idx %arg5[%shift_right_logical3A_1326, %and3A_1329], %get3A_1331 masked %lt3A_1323 {add = true} : memref<256x256xf32, #tpu.memory_space<vmem>>[vector<16xi32>, vector<16xi32>], vector<16xf32>, vector<16xi1>
      %mul3A_1332 = arith.constant 4 : i32
      %mul3A_1333 = arith.muli %scan3A_1295, %mul3A_1332 : i32
      %add3A_1334 = arith.constant 2 : i32
      %add3A_1335 = arith.addi %mul3A_1333, %add3A_1334 : i32
      %mul3A_1336 = arith.constant 16 : i32
      %mul3A_1337 = arith.muli %add3A_1335, %mul3A_1336 : i32
      %get3A_1338 = arith.index_cast %mul3A_1337 : i32 to index
      %get3A_1339 = tpu.vector_load %arg6[%get3A_1338] {strides = array<i32>} : memref<4224xi32, #tpu.memory_space<vmem>>, vector<16xi32>,
      %lt3A_1340 = arith.constant 65536 : i32
      %lt3A_1341 = vector.broadcast %lt3A_1340 : i32 to vector<16xi32>
      %lt3A_1342 = arith.cmpi slt, %get3A_1339, %lt3A_1341 : vector<16xi32>
      %shift_right_logical3A_1343 = arith.constant 8 : i32
      %shift_right_logical3A_1344 = vector.broadcast %shift_right_logical3A_1343 : i32 to vector<16xi32>
      %shift_right_logical3A_1345 = arith.shrui %get3A_1339, %shift_right_logical3A_1344 : vector<16xi32>
      %and3A_1346 = arith.constant 255 : i32
      %and3A_1347 = vector.broadcast %and3A_1346 : i32 to vector<16xi32>
      %and3A_1348 = arith.andi %get3A_1339, %and3A_1347 : vector<16xi32>
      %get3A_1349 = arith.index_cast %mul3A_1337 : i32 to index
      %get3A_1350 = tpu.vector_load %arg7[%get3A_1349] {strides = array<i32>} : memref<4224xf32, #tpu.memory_space<vmem>>, vector<16xf32>,
      tpu.vector_store_idx %arg5[%shift_right_logical3A_1345, %and3A_1348], %get3A_1350 masked %lt3A_1342 {add = true} : memref<256x256xf32, #tpu.memory_space<vmem>>[vector<16xi32>, vector<16xi32>], vector<16xf32>, vector<16xi1>
      %mul3A_1351 = arith.constant 4 : i32
      %mul3A_1352 = arith.muli %scan3A_1295, %mul3A_1351 : i32
      %add3A_1353 = arith.constant 3 : i32
      %add3A_1354 = arith.addi %mul3A_1352, %add3A_1353 : i32
      %mul3A_1355 = arith.constant 16 : i32
      %mul3A_1356 = arith.muli %add3A_1354, %mul3A_1355 : i32
      %get3A_1357 = arith.index_cast %mul3A_1356 : i32 to index
      %get3A_1358 = tpu.vector_load %arg6[%get3A_1357] {strides = array<i32>} : memref<4224xi32, #tpu.memory_space<vmem>>, vector<16xi32>,
      %lt3A_1359 = arith.constant 65536 : i32
      %lt3A_1360 = vector.broadcast %lt3A_1359 : i32 to vector<16xi32>
      %lt3A_1361 = arith.cmpi slt, %get3A_1358, %lt3A_1360 : vector<16xi32>
      %shift_right_logical3A_1362 = arith.constant 8 : i32
      %shift_right_logical3A_1363 = vector.broadcast %shift_right_logical3A_1362 : i32 to vector<16xi32>
      %shift_right_logical3A_1364 = arith.shrui %get3A_1358, %shift_right_logical3A_1363 : vector<16xi32>
      %and3A_1365 = arith.constant 255 : i32
      %and3A_1366 = vector.broadcast %and3A_1365 : i32 to vector<16xi32>
      %and3A_1367 = arith.andi %get3A_1358, %and3A_1366 : vector<16xi32>
      %get3A_1368 = arith.index_cast %mul3A_1356 : i32 to index
      %get3A_1369 = tpu.vector_load %arg7[%get3A_1368] {strides = array<i32>} : memref<4224xf32, #tpu.memory_space<vmem>>, vector<16xf32>,
      tpu.vector_store_idx %arg5[%shift_right_logical3A_1364, %and3A_1367], %get3A_1369 masked %lt3A_1361 {add = true} : memref<256x256xf32, #tpu.memory_space<vmem>>[vector<16xi32>, vector<16xi32>], vector<16xf32>, vector<16xi1>
    }
    %scan3A_580 = arith.constant 66 : i32
    %dma_start3A_581 = arith.constant 0 : i32
    %dma_start3A_582 = arith.constant 0 : i32
    %dma_start3A_583 = tpu.memref_slice %arg4[%select_n3A, %add3A_446, %dma_start3A_581, %dma_start3A_582] : memref<4x64x256x256xf32, #tpu.memory_space<hbm>> -> memref<1x1x256x256xf32, #tpu.memory_space<hbm>>
    %dma_start3A_584 = tpu.memref_squeeze %dma_start3A_583 : memref<1x1x256x256xf32, #tpu.memory_space<hbm>> -> memref<256x256xf32, #tpu.memory_space<hbm>>
    %dma_start3A_585 = arith.constant 0 : i32
    %dma_start3A_586 = arith.constant 0 : i32
    %dma_start3A_587 = tpu.memref_slice %arg4[%select_n3A, %add3A_446, %dma_start3A_585, %dma_start3A_586] : memref<4x64x256x256xf32, #tpu.memory_space<hbm>> -> memref<1x1x256x256xf32, #tpu.memory_space<hbm>>
    %dma_start3A_588 = tpu.memref_squeeze %dma_start3A_587 : memref<1x1x256x256xf32, #tpu.memory_space<hbm>> -> memref<256x256xf32, #tpu.memory_space<hbm>>
    tpu.enqueue_dma source(%arg5 : memref<256x256xf32, #tpu.memory_space<vmem>>) target(%dma_start3A_588 : memref<256x256xf32, #tpu.memory_space<hbm>>) target_semaphore(%arg10 : memref<!tpu.dma_semaphore, #tpu.memory_space<semaphore_mem>>)
    %dma_wait3A_589 = arith.constant 0 : i32
    %dma_wait3A_590 = arith.constant 0 : i32
    %dma_wait3A_591 = tpu.memref_slice %arg4[%select_n3A, %add3A_446, %dma_wait3A_589, %dma_wait3A_590] : memref<4x64x256x256xf32, #tpu.memory_space<hbm>> -> memref<1x1x256x256xf32, #tpu.memory_space<hbm>>
    %dma_wait3A_592 = tpu.memref_squeeze %dma_wait3A_591 : memref<1x1x256x256xf32, #tpu.memory_space<hbm>> -> memref<256x256xf32, #tpu.memory_space<hbm>>
    %dma_wait3A_593 = arith.constant 0 : i32
    %dma_wait3A_594 = arith.constant 0 : i32
    %dma_wait3A_595 = tpu.memref_slice %arg4[%select_n3A, %add3A_446, %dma_wait3A_593, %dma_wait3A_594] : memref<4x64x256x256xf32, #tpu.memory_space<hbm>> -> memref<1x1x256x256xf32, #tpu.memory_space<hbm>>
    %dma_wait3A_596 = tpu.memref_squeeze %dma_wait3A_595 : memref<1x1x256x256xf32, #tpu.memory_space<hbm>> -> memref<256x256xf32, #tpu.memory_space<hbm>>
    tpu.wait_dma2 semaphore(%arg10 : memref<!tpu.dma_semaphore, #tpu.memory_space<semaphore_mem>>) src(%arg5 : memref<256x256xf32, #tpu.memory_space<vmem>>) dst(%dma_wait3A_596 : memref<256x256xf32, #tpu.memory_space<hbm>>)
    %scan3A_597 = arith.constant 0 : i32
    %scan3A_598 = arith.constant 0 : i32
    %scan3A_599 = arith.constant 66 : i32
    %scan3A_600 = arith.addi %scan3A_598, %scan3A_599 : i32
    %scan3A_601 = arith.constant 1 : i32
    scf.for %scan3A_1295 = %scan3A_598 to %scan3A_600 step %scan3A_601  : i32 {
      %mul3A_1296 = arith.constant 4 : i32
      %mul3A_1297 = arith.muli %scan3A_1295, %mul3A_1296 : i32
      %add3A_1298 = arith.constant 0 : i32
      %add3A_1299 = arith.addi %mul3A_1297, %add3A_1298 : i32
      %mul3A_1300 = arith.constant 16 : i32
      %mul3A_1301 = arith.muli %add3A_1299, %mul3A_1300 : i32
      %get3A = arith.index_cast %mul3A_1301 : i32 to index
      %get3A_1302 = tpu.vector_load %arg6[%get3A] {strides = array<i32>} : memref<4224xi32, #tpu.memory_space<vmem>>, vector<16xi32>,
      %lt3A_1303 = arith.constant 65536 : i32
      %lt3A_1304 = vector.broadcast %lt3A_1303 : i32 to vector<16xi32>
      %lt3A_1305 = arith.cmpi slt, %get3A_1302, %lt3A_1304 : vector<16xi32>
      %shift_right_logical3A = arith.constant 8 : i32
      %shift_right_logical3A_1306 = vector.broadcast %shift_right_logical3A : i32 to vector<16xi32>
      %shift_right_logical3A_1307 = arith.shrui %get3A_1302, %shift_right_logical3A_1306 : vector<16xi32>
      %and3A_1308 = arith.constant 255 : i32
      %and3A_1309 = vector.broadcast %and3A_1308 : i32 to vector<16xi32>
      %and3A_1310 = arith.andi %get3A_1302, %and3A_1309 : vector<16xi32>
      tpu.vector_store_idx %arg5[%shift_right_logical3A_1307, %and3A_1310], %broadcast_in_dim3A_35 masked %lt3A_1305 : memref<256x256xf32, #tpu.memory_space<vmem>>[vector<16xi32>, vector<16xi32>], vector<16xf32>, vector<16xi1>
      %mul3A_1311 = arith.constant 4 : i32
      %mul3A_1312 = arith.muli %scan3A_1295, %mul3A_1311 : i32
      %add3A_1313 = arith.constant 1 : i32
      %add3A_1314 = arith.addi %mul3A_1312, %add3A_1313 : i32
      %mul3A_1315 = arith.constant 16 : i32
      %mul3A_1316 = arith.muli %add3A_1314, %mul3A_1315 : i32
      %get3A_1317 = arith.index_cast %mul3A_1316 : i32 to index
      %get3A_1318 = tpu.vector_load %arg6[%get3A_1317] {strides = array<i32>} : memref<4224xi32, #tpu.memory_space<vmem>>, vector<16xi32>,
      %lt3A_1319 = arith.constant 65536 : i32
      %lt3A_1320 = vector.broadcast %lt3A_1319 : i32 to vector<16xi32>
      %lt3A_1321 = arith.cmpi slt, %get3A_1318, %lt3A_1320 : vector<16xi32>
      %shift_right_logical3A_1322 = arith.constant 8 : i32
      %shift_right_logical3A_1323 = vector.broadcast %shift_right_logical3A_1322 : i32 to vector<16xi32>
      %shift_right_logical3A_1324 = arith.shrui %get3A_1318, %shift_right_logical3A_1323 : vector<16xi32>
      %and3A_1325 = arith.constant 255 : i32
      %and3A_1326 = vector.broadcast %and3A_1325 : i32 to vector<16xi32>
      %and3A_1327 = arith.andi %get3A_1318, %and3A_1326 : vector<16xi32>
      tpu.vector_store_idx %arg5[%shift_right_logical3A_1324, %and3A_1327], %broadcast_in_dim3A_35 masked %lt3A_1321 : memref<256x256xf32, #tpu.memory_space<vmem>>[vector<16xi32>, vector<16xi32>], vector<16xf32>, vector<16xi1>
      %mul3A_1328 = arith.constant 4 : i32
      %mul3A_1329 = arith.muli %scan3A_1295, %mul3A_1328 : i32
      %add3A_1330 = arith.constant 2 : i32
      %add3A_1331 = arith.addi %mul3A_1329, %add3A_1330 : i32
      %mul3A_1332 = arith.constant 16 : i32
      %mul3A_1333 = arith.muli %add3A_1331, %mul3A_1332 : i32
      %get3A_1334 = arith.index_cast %mul3A_1333 : i32 to index
      %get3A_1335 = tpu.vector_load %arg6[%get3A_1334] {strides = array<i32>} : memref<4224xi32, #tpu.memory_space<vmem>>, vector<16xi32>,
      %lt3A_1336 = arith.constant 65536 : i32
      %lt3A_1337 = vector.broadcast %lt3A_1336 : i32 to vector<16xi32>
      %lt3A_1338 = arith.cmpi slt, %get3A_1335, %lt3A_1337 : vector<16xi32>
      %shift_right_logical3A_1339 = arith.constant 8 : i32
      %shift_right_logical3A_1340 = vector.broadcast %shift_right_logical3A_1339 : i32 to vector<16xi32>
      %shift_right_logical3A_1341 = arith.shrui %get3A_1335, %shift_right_logical3A_1340 : vector<16xi32>
      %and3A_1342 = arith.constant 255 : i32
      %and3A_1343 = vector.broadcast %and3A_1342 : i32 to vector<16xi32>
      %and3A_1344 = arith.andi %get3A_1335, %and3A_1343 : vector<16xi32>
      tpu.vector_store_idx %arg5[%shift_right_logical3A_1341, %and3A_1344], %broadcast_in_dim3A_35 masked %lt3A_1338 : memref<256x256xf32, #tpu.memory_space<vmem>>[vector<16xi32>, vector<16xi32>], vector<16xf32>, vector<16xi1>
      %mul3A_1345 = arith.constant 4 : i32
      %mul3A_1346 = arith.muli %scan3A_1295, %mul3A_1345 : i32
      %add3A_1347 = arith.constant 3 : i32
      %add3A_1348 = arith.addi %mul3A_1346, %add3A_1347 : i32
      %mul3A_1349 = arith.constant 16 : i32
      %mul3A_1350 = arith.muli %add3A_1348, %mul3A_1349 : i32
      %get3A_1351 = arith.index_cast %mul3A_1350 : i32 to index
      %get3A_1352 = tpu.vector_load %arg6[%get3A_1351] {strides = array<i32>} : memref<4224xi32, #tpu.memory_space<vmem>>, vector<16xi32>,
      %lt3A_1353 = arith.constant 65536 : i32
      %lt3A_1354 = vector.broadcast %lt3A_1353 : i32 to vector<16xi32>
      %lt3A_1355 = arith.cmpi slt, %get3A_1352, %lt3A_1354 : vector<16xi32>
      %shift_right_logical3A_1356 = arith.constant 8 : i32
      %shift_right_logical3A_1357 = vector.broadcast %shift_right_logical3A_1356 : i32 to vector<16xi32>
      %shift_right_logical3A_1358 = arith.shrui %get3A_1352, %shift_right_logical3A_1357 : vector<16xi32>
      %and3A_1359 = arith.constant 255 : i32
      %and3A_1360 = vector.broadcast %and3A_1359 : i32 to vector<16xi32>
      %and3A_1361 = arith.andi %get3A_1352, %and3A_1360 : vector<16xi32>
      tpu.vector_store_idx %arg5[%shift_right_logical3A_1358, %and3A_1361], %broadcast_in_dim3A_35 masked %lt3A_1355 : memref<256x256xf32, #tpu.memory_space<vmem>>[vector<16xi32>, vector<16xi32>], vector<16xf32>, vector<16xi1>
    }
    %scan3A_602 = arith.constant 66 : i32
    %add3A_603 = arith.constant 3 : i32
    %add3A_604 = arith.addi %mul3A_32, %add3A_603 : i32
    %dma_wait3A_605 = arith.constant 0 : i32
    %dma_wait3A_606 = tpu.memref_slice %arg8[%dma_wait3A_605] : memref<4224xf32, #tpu.memory_space<vmem>> -> memref<704xf32, #tpu.memory_space<vmem>>
    %dma_wait3A_607 = tpu.memref_slice %arg2[%mul3A_493] : memref<1081344xf32, #tpu.memory_space<hbm>> -> memref<704xf32, #tpu.memory_space<hbm>>
    %dma_wait3A_608 = arith.constant 0 : i32
    %dma_wait3A_609 = tpu.memref_slice %arg8[%dma_wait3A_608] : memref<4224xf32, #tpu.memory_space<vmem>> -> memref<704xf32, #tpu.memory_space<vmem>>
    %dma_wait3A_610 = tpu.memref_slice %arg2[%mul3A_493] : memref<1081344xf32, #tpu.memory_space<hbm>> -> memref<704xf32, #tpu.memory_space<hbm>>
    tpu.wait_dma2 semaphore(%arg9 : memref<!tpu.dma_semaphore, #tpu.memory_space<semaphore_mem>>) src(%dma_wait3A_610 : memref<704xf32, #tpu.memory_space<hbm>>) dst(%dma_wait3A_609 : memref<704xf32, #tpu.memory_space<vmem>>)
    %dma_wait3A_611 = arith.constant 704 : i32
    %dma_wait3A_612 = tpu.memref_slice %arg8[%dma_wait3A_611] : memref<4224xf32, #tpu.memory_space<vmem>> -> memref<704xf32, #tpu.memory_space<vmem>>
    %dma_wait3A_613 = tpu.memref_slice %arg2[%mul3A_508] : memref<1081344xf32, #tpu.memory_space<hbm>> -> memref<704xf32, #tpu.memory_space<hbm>>
    %dma_wait3A_614 = arith.constant 704 : i32
    %dma_wait3A_615 = tpu.memref_slice %arg8[%dma_wait3A_614] : memref<4224xf32, #tpu.memory_space<vmem>> -> memref<704xf32, #tpu.memory_space<vmem>>
    %dma_wait3A_616 = tpu.memref_slice %arg2[%mul3A_508] : memref<1081344xf32, #tpu.memory_space<hbm>> -> memref<704xf32, #tpu.memory_space<hbm>>
    tpu.wait_dma2 semaphore(%arg9 : memref<!tpu.dma_semaphore, #tpu.memory_space<semaphore_mem>>) src(%dma_wait3A_616 : memref<704xf32, #tpu.memory_space<hbm>>) dst(%dma_wait3A_615 : memref<704xf32, #tpu.memory_space<vmem>>)
    %dma_wait3A_617 = arith.constant 1408 : i32
    %dma_wait3A_618 = tpu.memref_slice %arg8[%dma_wait3A_617] : memref<4224xf32, #tpu.memory_space<vmem>> -> memref<704xf32, #tpu.memory_space<vmem>>
    %dma_wait3A_619 = tpu.memref_slice %arg2[%mul3A_523] : memref<1081344xf32, #tpu.memory_space<hbm>> -> memref<704xf32, #tpu.memory_space<hbm>>
    %dma_wait3A_620 = arith.constant 1408 : i32
    %dma_wait3A_621 = tpu.memref_slice %arg8[%dma_wait3A_620] : memref<4224xf32, #tpu.memory_space<vmem>> -> memref<704xf32, #tpu.memory_space<vmem>>
    %dma_wait3A_622 = tpu.memref_slice %arg2[%mul3A_523] : memref<1081344xf32, #tpu.memory_space<hbm>> -> memref<704xf32, #tpu.memory_space<hbm>>
    tpu.wait_dma2 semaphore(%arg9 : memref<!tpu.dma_semaphore, #tpu.memory_space<semaphore_mem>>) src(%dma_wait3A_622 : memref<704xf32, #tpu.memory_space<hbm>>) dst(%dma_wait3A_621 : memref<704xf32, #tpu.memory_space<vmem>>)
    %dma_wait3A_623 = arith.constant 2112 : i32
    %dma_wait3A_624 = tpu.memref_slice %arg8[%dma_wait3A_623] : memref<4224xf32, #tpu.memory_space<vmem>> -> memref<704xf32, #tpu.memory_space<vmem>>
    %dma_wait3A_625 = tpu.memref_slice %arg2[%mul3A_538] : memref<1081344xf32, #tpu.memory_space<hbm>> -> memref<704xf32, #tpu.memory_space<hbm>>
    %dma_wait3A_626 = arith.constant 2112 : i32
    %dma_wait3A_627 = tpu.memref_slice %arg8[%dma_wait3A_626] : memref<4224xf32, #tpu.memory_space<vmem>> -> memref<704xf32, #tpu.memory_space<vmem>>
    %dma_wait3A_628 = tpu.memref_slice %arg2[%mul3A_538] : memref<1081344xf32, #tpu.memory_space<hbm>> -> memref<704xf32, #tpu.memory_space<hbm>>
    tpu.wait_dma2 semaphore(%arg9 : memref<!tpu.dma_semaphore, #tpu.memory_space<semaphore_mem>>) src(%dma_wait3A_628 : memref<704xf32, #tpu.memory_space<hbm>>) dst(%dma_wait3A_627 : memref<704xf32, #tpu.memory_space<vmem>>)
    %dma_wait3A_629 = arith.constant 2816 : i32
    %dma_wait3A_630 = tpu.memref_slice %arg8[%dma_wait3A_629] : memref<4224xf32, #tpu.memory_space<vmem>> -> memref<704xf32, #tpu.memory_space<vmem>>
    %dma_wait3A_631 = tpu.memref_slice %arg2[%mul3A_553] : memref<1081344xf32, #tpu.memory_space<hbm>> -> memref<704xf32, #tpu.memory_space<hbm>>
    %dma_wait3A_632 = arith.constant 2816 : i32
    %dma_wait3A_633 = tpu.memref_slice %arg8[%dma_wait3A_632] : memref<4224xf32, #tpu.memory_space<vmem>> -> memref<704xf32, #tpu.memory_space<vmem>>
    %dma_wait3A_634 = tpu.memref_slice %arg2[%mul3A_553] : memref<1081344xf32, #tpu.memory_space<hbm>> -> memref<704xf32, #tpu.memory_space<hbm>>
    tpu.wait_dma2 semaphore(%arg9 : memref<!tpu.dma_semaphore, #tpu.memory_space<semaphore_mem>>) src(%dma_wait3A_634 : memref<704xf32, #tpu.memory_space<hbm>>) dst(%dma_wait3A_633 : memref<704xf32, #tpu.memory_space<vmem>>)
    %dma_wait3A_635 = arith.constant 3520 : i32
    %dma_wait3A_636 = tpu.memref_slice %arg8[%dma_wait3A_635] : memref<4224xf32, #tpu.memory_space<vmem>> -> memref<704xf32, #tpu.memory_space<vmem>>
    %dma_wait3A_637 = tpu.memref_slice %arg2[%mul3A_568] : memref<1081344xf32, #tpu.memory_space<hbm>> -> memref<704xf32, #tpu.memory_space<hbm>>
    %dma_wait3A_638 = arith.constant 3520 : i32
    %dma_wait3A_639 = tpu.memref_slice %arg8[%dma_wait3A_638] : memref<4224xf32, #tpu.memory_space<vmem>> -> memref<704xf32, #tpu.memory_space<vmem>>
    %dma_wait3A_640 = tpu.memref_slice %arg2[%mul3A_568] : memref<1081344xf32, #tpu.memory_space<hbm>> -> memref<704xf32, #tpu.memory_space<hbm>>
    tpu.wait_dma2 semaphore(%arg9 : memref<!tpu.dma_semaphore, #tpu.memory_space<semaphore_mem>>) src(%dma_wait3A_640 : memref<704xf32, #tpu.memory_space<hbm>>) dst(%dma_wait3A_639 : memref<704xf32, #tpu.memory_space<vmem>>)
    %add3A_641 = arith.constant 1 : i32
    %add3A_642 = arith.addi %add3A_604, %add3A_641 : i32
    %mul3A_643 = arith.constant 6 : i32
    %mul3A_644 = arith.muli %select_n3A, %mul3A_643 : i32
    %add3A_645 = arith.constant 0 : i32
    %add3A_646 = arith.addi %mul3A_644, %add3A_645 : i32
    %mul3A_647 = arith.constant 64 : i32
    %mul3A_648 = arith.muli %add3A_646, %mul3A_647 : i32
    %add3A_649 = arith.addi %mul3A_648, %add3A_642 : i32
    %mul3A_650 = arith.constant 704 : i32
    %mul3A_651 = arith.muli %add3A_649, %mul3A_650 : i32
    %dma_start3A_652 = arith.constant 0 : i32
    %dma_start3A_653 = tpu.memref_slice %arg7[%dma_start3A_652] : memref<4224xf32, #tpu.memory_space<vmem>> -> memref<704xf32, #tpu.memory_space<vmem>>
    %dma_start3A_654 = tpu.memref_slice %arg2[%mul3A_651] : memref<1081344xf32, #tpu.memory_space<hbm>> -> memref<704xf32, #tpu.memory_space<hbm>>
    %dma_start3A_655 = arith.constant 0 : i32
    %dma_start3A_656 = tpu.memref_slice %arg7[%dma_start3A_655] : memref<4224xf32, #tpu.memory_space<vmem>> -> memref<704xf32, #tpu.memory_space<vmem>>
    %dma_start3A_657 = tpu.memref_slice %arg2[%mul3A_651] : memref<1081344xf32, #tpu.memory_space<hbm>> -> memref<704xf32, #tpu.memory_space<hbm>>
    tpu.enqueue_dma source(%dma_start3A_657 : memref<704xf32, #tpu.memory_space<hbm>>) target(%dma_start3A_656 : memref<704xf32, #tpu.memory_space<vmem>>) target_semaphore(%arg9 : memref<!tpu.dma_semaphore, #tpu.memory_space<semaphore_mem>>)
    %mul3A_658 = arith.constant 6 : i32
    %mul3A_659 = arith.muli %select_n3A, %mul3A_658 : i32
    %add3A_660 = arith.constant 1 : i32
    %add3A_661 = arith.addi %mul3A_659, %add3A_660 : i32
    %mul3A_662 = arith.constant 64 : i32
    %mul3A_663 = arith.muli %add3A_661, %mul3A_662 : i32
    %add3A_664 = arith.addi %mul3A_663, %add3A_642 : i32
    %mul3A_665 = arith.constant 704 : i32
    %mul3A_666 = arith.muli %add3A_664, %mul3A_665 : i32
    %dma_start3A_667 = arith.constant 704 : i32
    %dma_start3A_668 = tpu.memref_slice %arg7[%dma_start3A_667] : memref<4224xf32, #tpu.memory_space<vmem>> -> memref<704xf32, #tpu.memory_space<vmem>>
    %dma_start3A_669 = tpu.memref_slice %arg2[%mul3A_666] : memref<1081344xf32, #tpu.memory_space<hbm>> -> memref<704xf32, #tpu.memory_space<hbm>>
    %dma_start3A_670 = arith.constant 704 : i32
    %dma_start3A_671 = tpu.memref_slice %arg7[%dma_start3A_670] : memref<4224xf32, #tpu.memory_space<vmem>> -> memref<704xf32, #tpu.memory_space<vmem>>
    %dma_start3A_672 = tpu.memref_slice %arg2[%mul3A_666] : memref<1081344xf32, #tpu.memory_space<hbm>> -> memref<704xf32, #tpu.memory_space<hbm>>
    tpu.enqueue_dma source(%dma_start3A_672 : memref<704xf32, #tpu.memory_space<hbm>>) target(%dma_start3A_671 : memref<704xf32, #tpu.memory_space<vmem>>) target_semaphore(%arg9 : memref<!tpu.dma_semaphore, #tpu.memory_space<semaphore_mem>>)
    %mul3A_673 = arith.constant 6 : i32
    %mul3A_674 = arith.muli %select_n3A, %mul3A_673 : i32
    %add3A_675 = arith.constant 2 : i32
    %add3A_676 = arith.addi %mul3A_674, %add3A_675 : i32
    %mul3A_677 = arith.constant 64 : i32
    %mul3A_678 = arith.muli %add3A_676, %mul3A_677 : i32
    %add3A_679 = arith.addi %mul3A_678, %add3A_642 : i32
    %mul3A_680 = arith.constant 704 : i32
    %mul3A_681 = arith.muli %add3A_679, %mul3A_680 : i32
    %dma_start3A_682 = arith.constant 1408 : i32
    %dma_start3A_683 = tpu.memref_slice %arg7[%dma_start3A_682] : memref<4224xf32, #tpu.memory_space<vmem>> -> memref<704xf32, #tpu.memory_space<vmem>>
    %dma_start3A_684 = tpu.memref_slice %arg2[%mul3A_681] : memref<1081344xf32, #tpu.memory_space<hbm>> -> memref<704xf32, #tpu.memory_space<hbm>>
    %dma_start3A_685 = arith.constant 1408 : i32
    %dma_start3A_686 = tpu.memref_slice %arg7[%dma_start3A_685] : memref<4224xf32, #tpu.memory_space<vmem>> -> memref<704xf32, #tpu.memory_space<vmem>>
    %dma_start3A_687 = tpu.memref_slice %arg2[%mul3A_681] : memref<1081344xf32, #tpu.memory_space<hbm>> -> memref<704xf32, #tpu.memory_space<hbm>>
    tpu.enqueue_dma source(%dma_start3A_687 : memref<704xf32, #tpu.memory_space<hbm>>) target(%dma_start3A_686 : memref<704xf32, #tpu.memory_space<vmem>>) target_semaphore(%arg9 : memref<!tpu.dma_semaphore, #tpu.memory_space<semaphore_mem>>)
    %mul3A_688 = arith.constant 6 : i32
    %mul3A_689 = arith.muli %select_n3A, %mul3A_688 : i32
    %add3A_690 = arith.constant 3 : i32
    %add3A_691 = arith.addi %mul3A_689, %add3A_690 : i32
    %mul3A_692 = arith.constant 64 : i32
    %mul3A_693 = arith.muli %add3A_691, %mul3A_692 : i32
    %add3A_694 = arith.addi %mul3A_693, %add3A_642 : i32
    %mul3A_695 = arith.constant 704 : i32
    %mul3A_696 = arith.muli %add3A_694, %mul3A_695 : i32
    %dma_start3A_697 = arith.constant 2112 : i32
    %dma_start3A_698 = tpu.memref_slice %arg7[%dma_start3A_697] : memref<4224xf32, #tpu.memory_space<vmem>> -> memref<704xf32, #tpu.memory_space<vmem>>
    %dma_start3A_699 = tpu.memref_slice %arg2[%mul3A_696] : memref<1081344xf32, #tpu.memory_space<hbm>> -> memref<704xf32, #tpu.memory_space<hbm>>
    %dma_start3A_700 = arith.constant 2112 : i32
    %dma_start3A_701 = tpu.memref_slice %arg7[%dma_start3A_700] : memref<4224xf32, #tpu.memory_space<vmem>> -> memref<704xf32, #tpu.memory_space<vmem>>
    %dma_start3A_702 = tpu.memref_slice %arg2[%mul3A_696] : memref<1081344xf32, #tpu.memory_space<hbm>> -> memref<704xf32, #tpu.memory_space<hbm>>
    tpu.enqueue_dma source(%dma_start3A_702 : memref<704xf32, #tpu.memory_space<hbm>>) target(%dma_start3A_701 : memref<704xf32, #tpu.memory_space<vmem>>) target_semaphore(%arg9 : memref<!tpu.dma_semaphore, #tpu.memory_space<semaphore_mem>>)
    %mul3A_703 = arith.constant 6 : i32
    %mul3A_704 = arith.muli %select_n3A, %mul3A_703 : i32
    %add3A_705 = arith.constant 4 : i32
    %add3A_706 = arith.addi %mul3A_704, %add3A_705 : i32
    %mul3A_707 = arith.constant 64 : i32
    %mul3A_708 = arith.muli %add3A_706, %mul3A_707 : i32
    %add3A_709 = arith.addi %mul3A_708, %add3A_642 : i32
    %mul3A_710 = arith.constant 704 : i32
    %mul3A_711 = arith.muli %add3A_709, %mul3A_710 : i32
    %dma_start3A_712 = arith.constant 2816 : i32
    %dma_start3A_713 = tpu.memref_slice %arg7[%dma_start3A_712] : memref<4224xf32, #tpu.memory_space<vmem>> -> memref<704xf32, #tpu.memory_space<vmem>>
    %dma_start3A_714 = tpu.memref_slice %arg2[%mul3A_711] : memref<1081344xf32, #tpu.memory_space<hbm>> -> memref<704xf32, #tpu.memory_space<hbm>>
    %dma_start3A_715 = arith.constant 2816 : i32
    %dma_start3A_716 = tpu.memref_slice %arg7[%dma_start3A_715] : memref<4224xf32, #tpu.memory_space<vmem>> -> memref<704xf32, #tpu.memory_space<vmem>>
    %dma_start3A_717 = tpu.memref_slice %arg2[%mul3A_711] : memref<1081344xf32, #tpu.memory_space<hbm>> -> memref<704xf32, #tpu.memory_space<hbm>>
    tpu.enqueue_dma source(%dma_start3A_717 : memref<704xf32, #tpu.memory_space<hbm>>) target(%dma_start3A_716 : memref<704xf32, #tpu.memory_space<vmem>>) target_semaphore(%arg9 : memref<!tpu.dma_semaphore, #tpu.memory_space<semaphore_mem>>)
    %mul3A_718 = arith.constant 6 : i32
    %mul3A_719 = arith.muli %select_n3A, %mul3A_718 : i32
    %add3A_720 = arith.constant 5 : i32
    %add3A_721 = arith.addi %mul3A_719, %add3A_720 : i32
    %mul3A_722 = arith.constant 64 : i32
    %mul3A_723 = arith.muli %add3A_721, %mul3A_722 : i32
    %add3A_724 = arith.addi %mul3A_723, %add3A_642 : i32
    %mul3A_725 = arith.constant 704 : i32
    %mul3A_726 = arith.muli %add3A_724, %mul3A_725 : i32
    %dma_start3A_727 = arith.constant 3520 : i32
    %dma_start3A_728 = tpu.memref_slice %arg7[%dma_start3A_727] : memref<4224xf32, #tpu.memory_space<vmem>> -> memref<704xf32, #tpu.memory_space<vmem>>
    %dma_start3A_729 = tpu.memref_slice %arg2[%mul3A_726] : memref<1081344xf32, #tpu.memory_space<hbm>> -> memref<704xf32, #tpu.memory_space<hbm>>
    %dma_start3A_730 = arith.constant 3520 : i32
    %dma_start3A_731 = tpu.memref_slice %arg7[%dma_start3A_730] : memref<4224xf32, #tpu.memory_space<vmem>> -> memref<704xf32, #tpu.memory_space<vmem>>
    %dma_start3A_732 = tpu.memref_slice %arg2[%mul3A_726] : memref<1081344xf32, #tpu.memory_space<hbm>> -> memref<704xf32, #tpu.memory_space<hbm>>
    tpu.enqueue_dma source(%dma_start3A_732 : memref<704xf32, #tpu.memory_space<hbm>>) target(%dma_start3A_731 : memref<704xf32, #tpu.memory_space<vmem>>) target_semaphore(%arg9 : memref<!tpu.dma_semaphore, #tpu.memory_space<semaphore_mem>>)
    %scan3A_733 = arith.constant 0 : i32
    %scan3A_734 = arith.constant 0 : i32
    %scan3A_735 = arith.constant 66 : i32
    %scan3A_736 = arith.addi %scan3A_734, %scan3A_735 : i32
    %scan3A_737 = arith.constant 1 : i32
    scf.for %scan3A_1295 = %scan3A_734 to %scan3A_736 step %scan3A_737  : i32 {
      %mul3A_1296 = arith.constant 4 : i32
      %mul3A_1297 = arith.muli %scan3A_1295, %mul3A_1296 : i32
      %add3A_1298 = arith.constant 0 : i32
      %add3A_1299 = arith.addi %mul3A_1297, %add3A_1298 : i32
      %mul3A_1300 = arith.constant 16 : i32
      %mul3A_1301 = arith.muli %add3A_1299, %mul3A_1300 : i32
      %get3A = arith.index_cast %mul3A_1301 : i32 to index
      %get3A_1302 = tpu.vector_load %arg6[%get3A] {strides = array<i32>} : memref<4224xi32, #tpu.memory_space<vmem>>, vector<16xi32>,
      %lt3A_1303 = arith.constant 65536 : i32
      %lt3A_1304 = vector.broadcast %lt3A_1303 : i32 to vector<16xi32>
      %lt3A_1305 = arith.cmpi slt, %get3A_1302, %lt3A_1304 : vector<16xi32>
      %shift_right_logical3A = arith.constant 8 : i32
      %shift_right_logical3A_1306 = vector.broadcast %shift_right_logical3A : i32 to vector<16xi32>
      %shift_right_logical3A_1307 = arith.shrui %get3A_1302, %shift_right_logical3A_1306 : vector<16xi32>
      %and3A_1308 = arith.constant 255 : i32
      %and3A_1309 = vector.broadcast %and3A_1308 : i32 to vector<16xi32>
      %and3A_1310 = arith.andi %get3A_1302, %and3A_1309 : vector<16xi32>
      %get3A_1311 = arith.index_cast %mul3A_1301 : i32 to index
      %get3A_1312 = tpu.vector_load %arg8[%get3A_1311] {strides = array<i32>} : memref<4224xf32, #tpu.memory_space<vmem>>, vector<16xf32>,
      tpu.vector_store_idx %arg5[%shift_right_logical3A_1307, %and3A_1310], %get3A_1312 masked %lt3A_1305 {add = true} : memref<256x256xf32, #tpu.memory_space<vmem>>[vector<16xi32>, vector<16xi32>], vector<16xf32>, vector<16xi1>
      %mul3A_1313 = arith.constant 4 : i32
      %mul3A_1314 = arith.muli %scan3A_1295, %mul3A_1313 : i32
      %add3A_1315 = arith.constant 1 : i32
      %add3A_1316 = arith.addi %mul3A_1314, %add3A_1315 : i32
      %mul3A_1317 = arith.constant 16 : i32
      %mul3A_1318 = arith.muli %add3A_1316, %mul3A_1317 : i32
      %get3A_1319 = arith.index_cast %mul3A_1318 : i32 to index
      %get3A_1320 = tpu.vector_load %arg6[%get3A_1319] {strides = array<i32>} : memref<4224xi32, #tpu.memory_space<vmem>>, vector<16xi32>,
      %lt3A_1321 = arith.constant 65536 : i32
      %lt3A_1322 = vector.broadcast %lt3A_1321 : i32 to vector<16xi32>
      %lt3A_1323 = arith.cmpi slt, %get3A_1320, %lt3A_1322 : vector<16xi32>
      %shift_right_logical3A_1324 = arith.constant 8 : i32
      %shift_right_logical3A_1325 = vector.broadcast %shift_right_logical3A_1324 : i32 to vector<16xi32>
      %shift_right_logical3A_1326 = arith.shrui %get3A_1320, %shift_right_logical3A_1325 : vector<16xi32>
      %and3A_1327 = arith.constant 255 : i32
      %and3A_1328 = vector.broadcast %and3A_1327 : i32 to vector<16xi32>
      %and3A_1329 = arith.andi %get3A_1320, %and3A_1328 : vector<16xi32>
      %get3A_1330 = arith.index_cast %mul3A_1318 : i32 to index
      %get3A_1331 = tpu.vector_load %arg8[%get3A_1330] {strides = array<i32>} : memref<4224xf32, #tpu.memory_space<vmem>>, vector<16xf32>,
      tpu.vector_store_idx %arg5[%shift_right_logical3A_1326, %and3A_1329], %get3A_1331 masked %lt3A_1323 {add = true} : memref<256x256xf32, #tpu.memory_space<vmem>>[vector<16xi32>, vector<16xi32>], vector<16xf32>, vector<16xi1>
      %mul3A_1332 = arith.constant 4 : i32
      %mul3A_1333 = arith.muli %scan3A_1295, %mul3A_1332 : i32
      %add3A_1334 = arith.constant 2 : i32
      %add3A_1335 = arith.addi %mul3A_1333, %add3A_1334 : i32
      %mul3A_1336 = arith.constant 16 : i32
      %mul3A_1337 = arith.muli %add3A_1335, %mul3A_1336 : i32
      %get3A_1338 = arith.index_cast %mul3A_1337 : i32 to index
      %get3A_1339 = tpu.vector_load %arg6[%get3A_1338] {strides = array<i32>} : memref<4224xi32, #tpu.memory_space<vmem>>, vector<16xi32>,
      %lt3A_1340 = arith.constant 65536 : i32
      %lt3A_1341 = vector.broadcast %lt3A_1340 : i32 to vector<16xi32>
      %lt3A_1342 = arith.cmpi slt, %get3A_1339, %lt3A_1341 : vector<16xi32>
      %shift_right_logical3A_1343 = arith.constant 8 : i32
      %shift_right_logical3A_1344 = vector.broadcast %shift_right_logical3A_1343 : i32 to vector<16xi32>
      %shift_right_logical3A_1345 = arith.shrui %get3A_1339, %shift_right_logical3A_1344 : vector<16xi32>
      %and3A_1346 = arith.constant 255 : i32
      %and3A_1347 = vector.broadcast %and3A_1346 : i32 to vector<16xi32>
      %and3A_1348 = arith.andi %get3A_1339, %and3A_1347 : vector<16xi32>
      %get3A_1349 = arith.index_cast %mul3A_1337 : i32 to index
      %get3A_1350 = tpu.vector_load %arg8[%get3A_1349] {strides = array<i32>} : memref<4224xf32, #tpu.memory_space<vmem>>, vector<16xf32>,
      tpu.vector_store_idx %arg5[%shift_right_logical3A_1345, %and3A_1348], %get3A_1350 masked %lt3A_1342 {add = true} : memref<256x256xf32, #tpu.memory_space<vmem>>[vector<16xi32>, vector<16xi32>], vector<16xf32>, vector<16xi1>
      %mul3A_1351 = arith.constant 4 : i32
      %mul3A_1352 = arith.muli %scan3A_1295, %mul3A_1351 : i32
      %add3A_1353 = arith.constant 3 : i32
      %add3A_1354 = arith.addi %mul3A_1352, %add3A_1353 : i32
      %mul3A_1355 = arith.constant 16 : i32
      %mul3A_1356 = arith.muli %add3A_1354, %mul3A_1355 : i32
      %get3A_1357 = arith.index_cast %mul3A_1356 : i32 to index
      %get3A_1358 = tpu.vector_load %arg6[%get3A_1357] {strides = array<i32>} : memref<4224xi32, #tpu.memory_space<vmem>>, vector<16xi32>,
      %lt3A_1359 = arith.constant 65536 : i32
      %lt3A_1360 = vector.broadcast %lt3A_1359 : i32 to vector<16xi32>
      %lt3A_1361 = arith.cmpi slt, %get3A_1358, %lt3A_1360 : vector<16xi32>
      %shift_right_logical3A_1362 = arith.constant 8 : i32
      %shift_right_logical3A_1363 = vector.broadcast %shift_right_logical3A_1362 : i32 to vector<16xi32>
      %shift_right_logical3A_1364 = arith.shrui %get3A_1358, %shift_right_logical3A_1363 : vector<16xi32>
      %and3A_1365 = arith.constant 255 : i32
      %and3A_1366 = vector.broadcast %and3A_1365 : i32 to vector<16xi32>
      %and3A_1367 = arith.andi %get3A_1358, %and3A_1366 : vector<16xi32>
      %get3A_1368 = arith.index_cast %mul3A_1356 : i32 to index
      %get3A_1369 = tpu.vector_load %arg8[%get3A_1368] {strides = array<i32>} : memref<4224xf32, #tpu.memory_space<vmem>>, vector<16xf32>,
      tpu.vector_store_idx %arg5[%shift_right_logical3A_1364, %and3A_1367], %get3A_1369 masked %lt3A_1361 {add = true} : memref<256x256xf32, #tpu.memory_space<vmem>>[vector<16xi32>, vector<16xi32>], vector<16xf32>, vector<16xi1>
    }
    %scan3A_738 = arith.constant 66 : i32
    %dma_start3A_739 = arith.constant 0 : i32
    %dma_start3A_740 = arith.constant 0 : i32
    %dma_start3A_741 = tpu.memref_slice %arg4[%select_n3A, %add3A_604, %dma_start3A_739, %dma_start3A_740] : memref<4x64x256x256xf32, #tpu.memory_space<hbm>> -> memref<1x1x256x256xf32, #tpu.memory_space<hbm>>
    %dma_start3A_742 = tpu.memref_squeeze %dma_start3A_741 : memref<1x1x256x256xf32, #tpu.memory_space<hbm>> -> memref<256x256xf32, #tpu.memory_space<hbm>>
    %dma_start3A_743 = arith.constant 0 : i32
    %dma_start3A_744 = arith.constant 0 : i32
    %dma_start3A_745 = tpu.memref_slice %arg4[%select_n3A, %add3A_604, %dma_start3A_743, %dma_start3A_744] : memref<4x64x256x256xf32, #tpu.memory_space<hbm>> -> memref<1x1x256x256xf32, #tpu.memory_space<hbm>>
    %dma_start3A_746 = tpu.memref_squeeze %dma_start3A_745 : memref<1x1x256x256xf32, #tpu.memory_space<hbm>> -> memref<256x256xf32, #tpu.memory_space<hbm>>
    tpu.enqueue_dma source(%arg5 : memref<256x256xf32, #tpu.memory_space<vmem>>) target(%dma_start3A_746 : memref<256x256xf32, #tpu.memory_space<hbm>>) target_semaphore(%arg10 : memref<!tpu.dma_semaphore, #tpu.memory_space<semaphore_mem>>)
    %dma_wait3A_747 = arith.constant 0 : i32
    %dma_wait3A_748 = arith.constant 0 : i32
    %dma_wait3A_749 = tpu.memref_slice %arg4[%select_n3A, %add3A_604, %dma_wait3A_747, %dma_wait3A_748] : memref<4x64x256x256xf32, #tpu.memory_space<hbm>> -> memref<1x1x256x256xf32, #tpu.memory_space<hbm>>
    %dma_wait3A_750 = tpu.memref_squeeze %dma_wait3A_749 : memref<1x1x256x256xf32, #tpu.memory_space<hbm>> -> memref<256x256xf32, #tpu.memory_space<hbm>>
    %dma_wait3A_751 = arith.constant 0 : i32
    %dma_wait3A_752 = arith.constant 0 : i32
    %dma_wait3A_753 = tpu.memref_slice %arg4[%select_n3A, %add3A_604, %dma_wait3A_751, %dma_wait3A_752] : memref<4x64x256x256xf32, #tpu.memory_space<hbm>> -> memref<1x1x256x256xf32, #tpu.memory_space<hbm>>
    %dma_wait3A_754 = tpu.memref_squeeze %dma_wait3A_753 : memref<1x1x256x256xf32, #tpu.memory_space<hbm>> -> memref<256x256xf32, #tpu.memory_space<hbm>>
    tpu.wait_dma2 semaphore(%arg10 : memref<!tpu.dma_semaphore, #tpu.memory_space<semaphore_mem>>) src(%arg5 : memref<256x256xf32, #tpu.memory_space<vmem>>) dst(%dma_wait3A_754 : memref<256x256xf32, #tpu.memory_space<hbm>>)
    %scan3A_755 = arith.constant 0 : i32
    %scan3A_756 = arith.constant 0 : i32
    %scan3A_757 = arith.constant 66 : i32
    %scan3A_758 = arith.addi %scan3A_756, %scan3A_757 : i32
    %scan3A_759 = arith.constant 1 : i32
    scf.for %scan3A_1295 = %scan3A_756 to %scan3A_758 step %scan3A_759  : i32 {
      %mul3A_1296 = arith.constant 4 : i32
      %mul3A_1297 = arith.muli %scan3A_1295, %mul3A_1296 : i32
      %add3A_1298 = arith.constant 0 : i32
      %add3A_1299 = arith.addi %mul3A_1297, %add3A_1298 : i32
      %mul3A_1300 = arith.constant 16 : i32
      %mul3A_1301 = arith.muli %add3A_1299, %mul3A_1300 : i32
      %get3A = arith.index_cast %mul3A_1301 : i32 to index
      %get3A_1302 = tpu.vector_load %arg6[%get3A] {strides = array<i32>} : memref<4224xi32, #tpu.memory_space<vmem>>, vector<16xi32>,
      %lt3A_1303 = arith.constant 65536 : i32
      %lt3A_1304 = vector.broadcast %lt3A_1303 : i32 to vector<16xi32>
      %lt3A_1305 = arith.cmpi slt, %get3A_1302, %lt3A_1304 : vector<16xi32>
      %shift_right_logical3A = arith.constant 8 : i32
      %shift_right_logical3A_1306 = vector.broadcast %shift_right_logical3A : i32 to vector<16xi32>
      %shift_right_logical3A_1307 = arith.shrui %get3A_1302, %shift_right_logical3A_1306 : vector<16xi32>
      %and3A_1308 = arith.constant 255 : i32
      %and3A_1309 = vector.broadcast %and3A_1308 : i32 to vector<16xi32>
      %and3A_1310 = arith.andi %get3A_1302, %and3A_1309 : vector<16xi32>
      tpu.vector_store_idx %arg5[%shift_right_logical3A_1307, %and3A_1310], %broadcast_in_dim3A_35 masked %lt3A_1305 : memref<256x256xf32, #tpu.memory_space<vmem>>[vector<16xi32>, vector<16xi32>], vector<16xf32>, vector<16xi1>
      %mul3A_1311 = arith.constant 4 : i32
      %mul3A_1312 = arith.muli %scan3A_1295, %mul3A_1311 : i32
      %add3A_1313 = arith.constant 1 : i32
      %add3A_1314 = arith.addi %mul3A_1312, %add3A_1313 : i32
      %mul3A_1315 = arith.constant 16 : i32
      %mul3A_1316 = arith.muli %add3A_1314, %mul3A_1315 : i32
      %get3A_1317 = arith.index_cast %mul3A_1316 : i32 to index
      %get3A_1318 = tpu.vector_load %arg6[%get3A_1317] {strides = array<i32>} : memref<4224xi32, #tpu.memory_space<vmem>>, vector<16xi32>,
      %lt3A_1319 = arith.constant 65536 : i32
      %lt3A_1320 = vector.broadcast %lt3A_1319 : i32 to vector<16xi32>
      %lt3A_1321 = arith.cmpi slt, %get3A_1318, %lt3A_1320 : vector<16xi32>
      %shift_right_logical3A_1322 = arith.constant 8 : i32
      %shift_right_logical3A_1323 = vector.broadcast %shift_right_logical3A_1322 : i32 to vector<16xi32>
      %shift_right_logical3A_1324 = arith.shrui %get3A_1318, %shift_right_logical3A_1323 : vector<16xi32>
      %and3A_1325 = arith.constant 255 : i32
      %and3A_1326 = vector.broadcast %and3A_1325 : i32 to vector<16xi32>
      %and3A_1327 = arith.andi %get3A_1318, %and3A_1326 : vector<16xi32>
      tpu.vector_store_idx %arg5[%shift_right_logical3A_1324, %and3A_1327], %broadcast_in_dim3A_35 masked %lt3A_1321 : memref<256x256xf32, #tpu.memory_space<vmem>>[vector<16xi32>, vector<16xi32>], vector<16xf32>, vector<16xi1>
      %mul3A_1328 = arith.constant 4 : i32
      %mul3A_1329 = arith.muli %scan3A_1295, %mul3A_1328 : i32
      %add3A_1330 = arith.constant 2 : i32
      %add3A_1331 = arith.addi %mul3A_1329, %add3A_1330 : i32
      %mul3A_1332 = arith.constant 16 : i32
      %mul3A_1333 = arith.muli %add3A_1331, %mul3A_1332 : i32
      %get3A_1334 = arith.index_cast %mul3A_1333 : i32 to index
      %get3A_1335 = tpu.vector_load %arg6[%get3A_1334] {strides = array<i32>} : memref<4224xi32, #tpu.memory_space<vmem>>, vector<16xi32>,
      %lt3A_1336 = arith.constant 65536 : i32
      %lt3A_1337 = vector.broadcast %lt3A_1336 : i32 to vector<16xi32>
      %lt3A_1338 = arith.cmpi slt, %get3A_1335, %lt3A_1337 : vector<16xi32>
      %shift_right_logical3A_1339 = arith.constant 8 : i32
      %shift_right_logical3A_1340 = vector.broadcast %shift_right_logical3A_1339 : i32 to vector<16xi32>
      %shift_right_logical3A_1341 = arith.shrui %get3A_1335, %shift_right_logical3A_1340 : vector<16xi32>
      %and3A_1342 = arith.constant 255 : i32
      %and3A_1343 = vector.broadcast %and3A_1342 : i32 to vector<16xi32>
      %and3A_1344 = arith.andi %get3A_1335, %and3A_1343 : vector<16xi32>
      tpu.vector_store_idx %arg5[%shift_right_logical3A_1341, %and3A_1344], %broadcast_in_dim3A_35 masked %lt3A_1338 : memref<256x256xf32, #tpu.memory_space<vmem>>[vector<16xi32>, vector<16xi32>], vector<16xf32>, vector<16xi1>
      %mul3A_1345 = arith.constant 4 : i32
      %mul3A_1346 = arith.muli %scan3A_1295, %mul3A_1345 : i32
      %add3A_1347 = arith.constant 3 : i32
      %add3A_1348 = arith.addi %mul3A_1346, %add3A_1347 : i32
      %mul3A_1349 = arith.constant 16 : i32
      %mul3A_1350 = arith.muli %add3A_1348, %mul3A_1349 : i32
      %get3A_1351 = arith.index_cast %mul3A_1350 : i32 to index
      %get3A_1352 = tpu.vector_load %arg6[%get3A_1351] {strides = array<i32>} : memref<4224xi32, #tpu.memory_space<vmem>>, vector<16xi32>,
      %lt3A_1353 = arith.constant 65536 : i32
      %lt3A_1354 = vector.broadcast %lt3A_1353 : i32 to vector<16xi32>
      %lt3A_1355 = arith.cmpi slt, %get3A_1352, %lt3A_1354 : vector<16xi32>
      %shift_right_logical3A_1356 = arith.constant 8 : i32
      %shift_right_logical3A_1357 = vector.broadcast %shift_right_logical3A_1356 : i32 to vector<16xi32>
      %shift_right_logical3A_1358 = arith.shrui %get3A_1352, %shift_right_logical3A_1357 : vector<16xi32>
      %and3A_1359 = arith.constant 255 : i32
      %and3A_1360 = vector.broadcast %and3A_1359 : i32 to vector<16xi32>
      %and3A_1361 = arith.andi %get3A_1352, %and3A_1360 : vector<16xi32>
      tpu.vector_store_idx %arg5[%shift_right_logical3A_1358, %and3A_1361], %broadcast_in_dim3A_35 masked %lt3A_1355 : memref<256x256xf32, #tpu.memory_space<vmem>>[vector<16xi32>, vector<16xi32>], vector<16xf32>, vector<16xi1>
    }
    %scan3A_760 = arith.constant 66 : i32
    %add3A_761 = arith.constant 4 : i32
    %add3A_762 = arith.addi %mul3A_32, %add3A_761 : i32
    %dma_wait3A_763 = arith.constant 0 : i32
    %dma_wait3A_764 = tpu.memref_slice %arg7[%dma_wait3A_763] : memref<4224xf32, #tpu.memory_space<vmem>> -> memref<704xf32, #tpu.memory_space<vmem>>
    %dma_wait3A_765 = tpu.memref_slice %arg2[%mul3A_651] : memref<1081344xf32, #tpu.memory_space<hbm>> -> memref<704xf32, #tpu.memory_space<hbm>>
    %dma_wait3A_766 = arith.constant 0 : i32
    %dma_wait3A_767 = tpu.memref_slice %arg7[%dma_wait3A_766] : memref<4224xf32, #tpu.memory_space<vmem>> -> memref<704xf32, #tpu.memory_space<vmem>>
    %dma_wait3A_768 = tpu.memref_slice %arg2[%mul3A_651] : memref<1081344xf32, #tpu.memory_space<hbm>> -> memref<704xf32, #tpu.memory_space<hbm>>
    tpu.wait_dma2 semaphore(%arg9 : memref<!tpu.dma_semaphore, #tpu.memory_space<semaphore_mem>>) src(%dma_wait3A_768 : memref<704xf32, #tpu.memory_space<hbm>>) dst(%dma_wait3A_767 : memref<704xf32, #tpu.memory_space<vmem>>)
    %dma_wait3A_769 = arith.constant 704 : i32
    %dma_wait3A_770 = tpu.memref_slice %arg7[%dma_wait3A_769] : memref<4224xf32, #tpu.memory_space<vmem>> -> memref<704xf32, #tpu.memory_space<vmem>>
    %dma_wait3A_771 = tpu.memref_slice %arg2[%mul3A_666] : memref<1081344xf32, #tpu.memory_space<hbm>> -> memref<704xf32, #tpu.memory_space<hbm>>
    %dma_wait3A_772 = arith.constant 704 : i32
    %dma_wait3A_773 = tpu.memref_slice %arg7[%dma_wait3A_772] : memref<4224xf32, #tpu.memory_space<vmem>> -> memref<704xf32, #tpu.memory_space<vmem>>
    %dma_wait3A_774 = tpu.memref_slice %arg2[%mul3A_666] : memref<1081344xf32, #tpu.memory_space<hbm>> -> memref<704xf32, #tpu.memory_space<hbm>>
    tpu.wait_dma2 semaphore(%arg9 : memref<!tpu.dma_semaphore, #tpu.memory_space<semaphore_mem>>) src(%dma_wait3A_774 : memref<704xf32, #tpu.memory_space<hbm>>) dst(%dma_wait3A_773 : memref<704xf32, #tpu.memory_space<vmem>>)
    %dma_wait3A_775 = arith.constant 1408 : i32
    %dma_wait3A_776 = tpu.memref_slice %arg7[%dma_wait3A_775] : memref<4224xf32, #tpu.memory_space<vmem>> -> memref<704xf32, #tpu.memory_space<vmem>>
    %dma_wait3A_777 = tpu.memref_slice %arg2[%mul3A_681] : memref<1081344xf32, #tpu.memory_space<hbm>> -> memref<704xf32, #tpu.memory_space<hbm>>
    %dma_wait3A_778 = arith.constant 1408 : i32
    %dma_wait3A_779 = tpu.memref_slice %arg7[%dma_wait3A_778] : memref<4224xf32, #tpu.memory_space<vmem>> -> memref<704xf32, #tpu.memory_space<vmem>>
    %dma_wait3A_780 = tpu.memref_slice %arg2[%mul3A_681] : memref<1081344xf32, #tpu.memory_space<hbm>> -> memref<704xf32, #tpu.memory_space<hbm>>
    tpu.wait_dma2 semaphore(%arg9 : memref<!tpu.dma_semaphore, #tpu.memory_space<semaphore_mem>>) src(%dma_wait3A_780 : memref<704xf32, #tpu.memory_space<hbm>>) dst(%dma_wait3A_779 : memref<704xf32, #tpu.memory_space<vmem>>)
    %dma_wait3A_781 = arith.constant 2112 : i32
    %dma_wait3A_782 = tpu.memref_slice %arg7[%dma_wait3A_781] : memref<4224xf32, #tpu.memory_space<vmem>> -> memref<704xf32, #tpu.memory_space<vmem>>
    %dma_wait3A_783 = tpu.memref_slice %arg2[%mul3A_696] : memref<1081344xf32, #tpu.memory_space<hbm>> -> memref<704xf32, #tpu.memory_space<hbm>>
    %dma_wait3A_784 = arith.constant 2112 : i32
    %dma_wait3A_785 = tpu.memref_slice %arg7[%dma_wait3A_784] : memref<4224xf32, #tpu.memory_space<vmem>> -> memref<704xf32, #tpu.memory_space<vmem>>
    %dma_wait3A_786 = tpu.memref_slice %arg2[%mul3A_696] : memref<1081344xf32, #tpu.memory_space<hbm>> -> memref<704xf32, #tpu.memory_space<hbm>>
    tpu.wait_dma2 semaphore(%arg9 : memref<!tpu.dma_semaphore, #tpu.memory_space<semaphore_mem>>) src(%dma_wait3A_786 : memref<704xf32, #tpu.memory_space<hbm>>) dst(%dma_wait3A_785 : memref<704xf32, #tpu.memory_space<vmem>>)
    %dma_wait3A_787 = arith.constant 2816 : i32
    %dma_wait3A_788 = tpu.memref_slice %arg7[%dma_wait3A_787] : memref<4224xf32, #tpu.memory_space<vmem>> -> memref<704xf32, #tpu.memory_space<vmem>>
    %dma_wait3A_789 = tpu.memref_slice %arg2[%mul3A_711] : memref<1081344xf32, #tpu.memory_space<hbm>> -> memref<704xf32, #tpu.memory_space<hbm>>
    %dma_wait3A_790 = arith.constant 2816 : i32
    %dma_wait3A_791 = tpu.memref_slice %arg7[%dma_wait3A_790] : memref<4224xf32, #tpu.memory_space<vmem>> -> memref<704xf32, #tpu.memory_space<vmem>>
    %dma_wait3A_792 = tpu.memref_slice %arg2[%mul3A_711] : memref<1081344xf32, #tpu.memory_space<hbm>> -> memref<704xf32, #tpu.memory_space<hbm>>
    tpu.wait_dma2 semaphore(%arg9 : memref<!tpu.dma_semaphore, #tpu.memory_space<semaphore_mem>>) src(%dma_wait3A_792 : memref<704xf32, #tpu.memory_space<hbm>>) dst(%dma_wait3A_791 : memref<704xf32, #tpu.memory_space<vmem>>)
    %dma_wait3A_793 = arith.constant 3520 : i32
    %dma_wait3A_794 = tpu.memref_slice %arg7[%dma_wait3A_793] : memref<4224xf32, #tpu.memory_space<vmem>> -> memref<704xf32, #tpu.memory_space<vmem>>
    %dma_wait3A_795 = tpu.memref_slice %arg2[%mul3A_726] : memref<1081344xf32, #tpu.memory_space<hbm>> -> memref<704xf32, #tpu.memory_space<hbm>>
    %dma_wait3A_796 = arith.constant 3520 : i32
    %dma_wait3A_797 = tpu.memref_slice %arg7[%dma_wait3A_796] : memref<4224xf32, #tpu.memory_space<vmem>> -> memref<704xf32, #tpu.memory_space<vmem>>
    %dma_wait3A_798 = tpu.memref_slice %arg2[%mul3A_726] : memref<1081344xf32, #tpu.memory_space<hbm>> -> memref<704xf32, #tpu.memory_space<hbm>>
    tpu.wait_dma2 semaphore(%arg9 : memref<!tpu.dma_semaphore, #tpu.memory_space<semaphore_mem>>) src(%dma_wait3A_798 : memref<704xf32, #tpu.memory_space<hbm>>) dst(%dma_wait3A_797 : memref<704xf32, #tpu.memory_space<vmem>>)
    %add3A_799 = arith.constant 1 : i32
    %add3A_800 = arith.addi %add3A_762, %add3A_799 : i32
    %mul3A_801 = arith.constant 6 : i32
    %mul3A_802 = arith.muli %select_n3A, %mul3A_801 : i32
    %add3A_803 = arith.constant 0 : i32
    %add3A_804 = arith.addi %mul3A_802, %add3A_803 : i32
    %mul3A_805 = arith.constant 64 : i32
    %mul3A_806 = arith.muli %add3A_804, %mul3A_805 : i32
    %add3A_807 = arith.addi %mul3A_806, %add3A_800 : i32
    %mul3A_808 = arith.constant 704 : i32
    %mul3A_809 = arith.muli %add3A_807, %mul3A_808 : i32
    %dma_start3A_810 = arith.constant 0 : i32
    %dma_start3A_811 = tpu.memref_slice %arg8[%dma_start3A_810] : memref<4224xf32, #tpu.memory_space<vmem>> -> memref<704xf32, #tpu.memory_space<vmem>>
    %dma_start3A_812 = tpu.memref_slice %arg2[%mul3A_809] : memref<1081344xf32, #tpu.memory_space<hbm>> -> memref<704xf32, #tpu.memory_space<hbm>>
    %dma_start3A_813 = arith.constant 0 : i32
    %dma_start3A_814 = tpu.memref_slice %arg8[%dma_start3A_813] : memref<4224xf32, #tpu.memory_space<vmem>> -> memref<704xf32, #tpu.memory_space<vmem>>
    %dma_start3A_815 = tpu.memref_slice %arg2[%mul3A_809] : memref<1081344xf32, #tpu.memory_space<hbm>> -> memref<704xf32, #tpu.memory_space<hbm>>
    tpu.enqueue_dma source(%dma_start3A_815 : memref<704xf32, #tpu.memory_space<hbm>>) target(%dma_start3A_814 : memref<704xf32, #tpu.memory_space<vmem>>) target_semaphore(%arg9 : memref<!tpu.dma_semaphore, #tpu.memory_space<semaphore_mem>>)
    %mul3A_816 = arith.constant 6 : i32
    %mul3A_817 = arith.muli %select_n3A, %mul3A_816 : i32
    %add3A_818 = arith.constant 1 : i32
    %add3A_819 = arith.addi %mul3A_817, %add3A_818 : i32
    %mul3A_820 = arith.constant 64 : i32
    %mul3A_821 = arith.muli %add3A_819, %mul3A_820 : i32
    %add3A_822 = arith.addi %mul3A_821, %add3A_800 : i32
    %mul3A_823 = arith.constant 704 : i32
    %mul3A_824 = arith.muli %add3A_822, %mul3A_823 : i32
    %dma_start3A_825 = arith.constant 704 : i32
    %dma_start3A_826 = tpu.memref_slice %arg8[%dma_start3A_825] : memref<4224xf32, #tpu.memory_space<vmem>> -> memref<704xf32, #tpu.memory_space<vmem>>
    %dma_start3A_827 = tpu.memref_slice %arg2[%mul3A_824] : memref<1081344xf32, #tpu.memory_space<hbm>> -> memref<704xf32, #tpu.memory_space<hbm>>
    %dma_start3A_828 = arith.constant 704 : i32
    %dma_start3A_829 = tpu.memref_slice %arg8[%dma_start3A_828] : memref<4224xf32, #tpu.memory_space<vmem>> -> memref<704xf32, #tpu.memory_space<vmem>>
    %dma_start3A_830 = tpu.memref_slice %arg2[%mul3A_824] : memref<1081344xf32, #tpu.memory_space<hbm>> -> memref<704xf32, #tpu.memory_space<hbm>>
    tpu.enqueue_dma source(%dma_start3A_830 : memref<704xf32, #tpu.memory_space<hbm>>) target(%dma_start3A_829 : memref<704xf32, #tpu.memory_space<vmem>>) target_semaphore(%arg9 : memref<!tpu.dma_semaphore, #tpu.memory_space<semaphore_mem>>)
    %mul3A_831 = arith.constant 6 : i32
    %mul3A_832 = arith.muli %select_n3A, %mul3A_831 : i32
    %add3A_833 = arith.constant 2 : i32
    %add3A_834 = arith.addi %mul3A_832, %add3A_833 : i32
    %mul3A_835 = arith.constant 64 : i32
    %mul3A_836 = arith.muli %add3A_834, %mul3A_835 : i32
    %add3A_837 = arith.addi %mul3A_836, %add3A_800 : i32
    %mul3A_838 = arith.constant 704 : i32
    %mul3A_839 = arith.muli %add3A_837, %mul3A_838 : i32
    %dma_start3A_840 = arith.constant 1408 : i32
    %dma_start3A_841 = tpu.memref_slice %arg8[%dma_start3A_840] : memref<4224xf32, #tpu.memory_space<vmem>> -> memref<704xf32, #tpu.memory_space<vmem>>
    %dma_start3A_842 = tpu.memref_slice %arg2[%mul3A_839] : memref<1081344xf32, #tpu.memory_space<hbm>> -> memref<704xf32, #tpu.memory_space<hbm>>
    %dma_start3A_843 = arith.constant 1408 : i32
    %dma_start3A_844 = tpu.memref_slice %arg8[%dma_start3A_843] : memref<4224xf32, #tpu.memory_space<vmem>> -> memref<704xf32, #tpu.memory_space<vmem>>
    %dma_start3A_845 = tpu.memref_slice %arg2[%mul3A_839] : memref<1081344xf32, #tpu.memory_space<hbm>> -> memref<704xf32, #tpu.memory_space<hbm>>
    tpu.enqueue_dma source(%dma_start3A_845 : memref<704xf32, #tpu.memory_space<hbm>>) target(%dma_start3A_844 : memref<704xf32, #tpu.memory_space<vmem>>) target_semaphore(%arg9 : memref<!tpu.dma_semaphore, #tpu.memory_space<semaphore_mem>>)
    %mul3A_846 = arith.constant 6 : i32
    %mul3A_847 = arith.muli %select_n3A, %mul3A_846 : i32
    %add3A_848 = arith.constant 3 : i32
    %add3A_849 = arith.addi %mul3A_847, %add3A_848 : i32
    %mul3A_850 = arith.constant 64 : i32
    %mul3A_851 = arith.muli %add3A_849, %mul3A_850 : i32
    %add3A_852 = arith.addi %mul3A_851, %add3A_800 : i32
    %mul3A_853 = arith.constant 704 : i32
    %mul3A_854 = arith.muli %add3A_852, %mul3A_853 : i32
    %dma_start3A_855 = arith.constant 2112 : i32
    %dma_start3A_856 = tpu.memref_slice %arg8[%dma_start3A_855] : memref<4224xf32, #tpu.memory_space<vmem>> -> memref<704xf32, #tpu.memory_space<vmem>>
    %dma_start3A_857 = tpu.memref_slice %arg2[%mul3A_854] : memref<1081344xf32, #tpu.memory_space<hbm>> -> memref<704xf32, #tpu.memory_space<hbm>>
    %dma_start3A_858 = arith.constant 2112 : i32
    %dma_start3A_859 = tpu.memref_slice %arg8[%dma_start3A_858] : memref<4224xf32, #tpu.memory_space<vmem>> -> memref<704xf32, #tpu.memory_space<vmem>>
    %dma_start3A_860 = tpu.memref_slice %arg2[%mul3A_854] : memref<1081344xf32, #tpu.memory_space<hbm>> -> memref<704xf32, #tpu.memory_space<hbm>>
    tpu.enqueue_dma source(%dma_start3A_860 : memref<704xf32, #tpu.memory_space<hbm>>) target(%dma_start3A_859 : memref<704xf32, #tpu.memory_space<vmem>>) target_semaphore(%arg9 : memref<!tpu.dma_semaphore, #tpu.memory_space<semaphore_mem>>)
    %mul3A_861 = arith.constant 6 : i32
    %mul3A_862 = arith.muli %select_n3A, %mul3A_861 : i32
    %add3A_863 = arith.constant 4 : i32
    %add3A_864 = arith.addi %mul3A_862, %add3A_863 : i32
    %mul3A_865 = arith.constant 64 : i32
    %mul3A_866 = arith.muli %add3A_864, %mul3A_865 : i32
    %add3A_867 = arith.addi %mul3A_866, %add3A_800 : i32
    %mul3A_868 = arith.constant 704 : i32
    %mul3A_869 = arith.muli %add3A_867, %mul3A_868 : i32
    %dma_start3A_870 = arith.constant 2816 : i32
    %dma_start3A_871 = tpu.memref_slice %arg8[%dma_start3A_870] : memref<4224xf32, #tpu.memory_space<vmem>> -> memref<704xf32, #tpu.memory_space<vmem>>
    %dma_start3A_872 = tpu.memref_slice %arg2[%mul3A_869] : memref<1081344xf32, #tpu.memory_space<hbm>> -> memref<704xf32, #tpu.memory_space<hbm>>
    %dma_start3A_873 = arith.constant 2816 : i32
    %dma_start3A_874 = tpu.memref_slice %arg8[%dma_start3A_873] : memref<4224xf32, #tpu.memory_space<vmem>> -> memref<704xf32, #tpu.memory_space<vmem>>
    %dma_start3A_875 = tpu.memref_slice %arg2[%mul3A_869] : memref<1081344xf32, #tpu.memory_space<hbm>> -> memref<704xf32, #tpu.memory_space<hbm>>
    tpu.enqueue_dma source(%dma_start3A_875 : memref<704xf32, #tpu.memory_space<hbm>>) target(%dma_start3A_874 : memref<704xf32, #tpu.memory_space<vmem>>) target_semaphore(%arg9 : memref<!tpu.dma_semaphore, #tpu.memory_space<semaphore_mem>>)
    %mul3A_876 = arith.constant 6 : i32
    %mul3A_877 = arith.muli %select_n3A, %mul3A_876 : i32
    %add3A_878 = arith.constant 5 : i32
    %add3A_879 = arith.addi %mul3A_877, %add3A_878 : i32
    %mul3A_880 = arith.constant 64 : i32
    %mul3A_881 = arith.muli %add3A_879, %mul3A_880 : i32
    %add3A_882 = arith.addi %mul3A_881, %add3A_800 : i32
    %mul3A_883 = arith.constant 704 : i32
    %mul3A_884 = arith.muli %add3A_882, %mul3A_883 : i32
    %dma_start3A_885 = arith.constant 3520 : i32
    %dma_start3A_886 = tpu.memref_slice %arg8[%dma_start3A_885] : memref<4224xf32, #tpu.memory_space<vmem>> -> memref<704xf32, #tpu.memory_space<vmem>>
    %dma_start3A_887 = tpu.memref_slice %arg2[%mul3A_884] : memref<1081344xf32, #tpu.memory_space<hbm>> -> memref<704xf32, #tpu.memory_space<hbm>>
    %dma_start3A_888 = arith.constant 3520 : i32
    %dma_start3A_889 = tpu.memref_slice %arg8[%dma_start3A_888] : memref<4224xf32, #tpu.memory_space<vmem>> -> memref<704xf32, #tpu.memory_space<vmem>>
    %dma_start3A_890 = tpu.memref_slice %arg2[%mul3A_884] : memref<1081344xf32, #tpu.memory_space<hbm>> -> memref<704xf32, #tpu.memory_space<hbm>>
    tpu.enqueue_dma source(%dma_start3A_890 : memref<704xf32, #tpu.memory_space<hbm>>) target(%dma_start3A_889 : memref<704xf32, #tpu.memory_space<vmem>>) target_semaphore(%arg9 : memref<!tpu.dma_semaphore, #tpu.memory_space<semaphore_mem>>)
    %scan3A_891 = arith.constant 0 : i32
    %scan3A_892 = arith.constant 0 : i32
    %scan3A_893 = arith.constant 66 : i32
    %scan3A_894 = arith.addi %scan3A_892, %scan3A_893 : i32
    %scan3A_895 = arith.constant 1 : i32
    scf.for %scan3A_1295 = %scan3A_892 to %scan3A_894 step %scan3A_895  : i32 {
      %mul3A_1296 = arith.constant 4 : i32
      %mul3A_1297 = arith.muli %scan3A_1295, %mul3A_1296 : i32
      %add3A_1298 = arith.constant 0 : i32
      %add3A_1299 = arith.addi %mul3A_1297, %add3A_1298 : i32
      %mul3A_1300 = arith.constant 16 : i32
      %mul3A_1301 = arith.muli %add3A_1299, %mul3A_1300 : i32
      %get3A = arith.index_cast %mul3A_1301 : i32 to index
      %get3A_1302 = tpu.vector_load %arg6[%get3A] {strides = array<i32>} : memref<4224xi32, #tpu.memory_space<vmem>>, vector<16xi32>,
      %lt3A_1303 = arith.constant 65536 : i32
      %lt3A_1304 = vector.broadcast %lt3A_1303 : i32 to vector<16xi32>
      %lt3A_1305 = arith.cmpi slt, %get3A_1302, %lt3A_1304 : vector<16xi32>
      %shift_right_logical3A = arith.constant 8 : i32
      %shift_right_logical3A_1306 = vector.broadcast %shift_right_logical3A : i32 to vector<16xi32>
      %shift_right_logical3A_1307 = arith.shrui %get3A_1302, %shift_right_logical3A_1306 : vector<16xi32>
      %and3A_1308 = arith.constant 255 : i32
      %and3A_1309 = vector.broadcast %and3A_1308 : i32 to vector<16xi32>
      %and3A_1310 = arith.andi %get3A_1302, %and3A_1309 : vector<16xi32>
      %get3A_1311 = arith.index_cast %mul3A_1301 : i32 to index
      %get3A_1312 = tpu.vector_load %arg7[%get3A_1311] {strides = array<i32>} : memref<4224xf32, #tpu.memory_space<vmem>>, vector<16xf32>,
      tpu.vector_store_idx %arg5[%shift_right_logical3A_1307, %and3A_1310], %get3A_1312 masked %lt3A_1305 {add = true} : memref<256x256xf32, #tpu.memory_space<vmem>>[vector<16xi32>, vector<16xi32>], vector<16xf32>, vector<16xi1>
      %mul3A_1313 = arith.constant 4 : i32
      %mul3A_1314 = arith.muli %scan3A_1295, %mul3A_1313 : i32
      %add3A_1315 = arith.constant 1 : i32
      %add3A_1316 = arith.addi %mul3A_1314, %add3A_1315 : i32
      %mul3A_1317 = arith.constant 16 : i32
      %mul3A_1318 = arith.muli %add3A_1316, %mul3A_1317 : i32
      %get3A_1319 = arith.index_cast %mul3A_1318 : i32 to index
      %get3A_1320 = tpu.vector_load %arg6[%get3A_1319] {strides = array<i32>} : memref<4224xi32, #tpu.memory_space<vmem>>, vector<16xi32>,
      %lt3A_1321 = arith.constant 65536 : i32
      %lt3A_1322 = vector.broadcast %lt3A_1321 : i32 to vector<16xi32>
      %lt3A_1323 = arith.cmpi slt, %get3A_1320, %lt3A_1322 : vector<16xi32>
      %shift_right_logical3A_1324 = arith.constant 8 : i32
      %shift_right_logical3A_1325 = vector.broadcast %shift_right_logical3A_1324 : i32 to vector<16xi32>
      %shift_right_logical3A_1326 = arith.shrui %get3A_1320, %shift_right_logical3A_1325 : vector<16xi32>
      %and3A_1327 = arith.constant 255 : i32
      %and3A_1328 = vector.broadcast %and3A_1327 : i32 to vector<16xi32>
      %and3A_1329 = arith.andi %get3A_1320, %and3A_1328 : vector<16xi32>
      %get3A_1330 = arith.index_cast %mul3A_1318 : i32 to index
      %get3A_1331 = tpu.vector_load %arg7[%get3A_1330] {strides = array<i32>} : memref<4224xf32, #tpu.memory_space<vmem>>, vector<16xf32>,
      tpu.vector_store_idx %arg5[%shift_right_logical3A_1326, %and3A_1329], %get3A_1331 masked %lt3A_1323 {add = true} : memref<256x256xf32, #tpu.memory_space<vmem>>[vector<16xi32>, vector<16xi32>], vector<16xf32>, vector<16xi1>
      %mul3A_1332 = arith.constant 4 : i32
      %mul3A_1333 = arith.muli %scan3A_1295, %mul3A_1332 : i32
      %add3A_1334 = arith.constant 2 : i32
      %add3A_1335 = arith.addi %mul3A_1333, %add3A_1334 : i32
      %mul3A_1336 = arith.constant 16 : i32
      %mul3A_1337 = arith.muli %add3A_1335, %mul3A_1336 : i32
      %get3A_1338 = arith.index_cast %mul3A_1337 : i32 to index
      %get3A_1339 = tpu.vector_load %arg6[%get3A_1338] {strides = array<i32>} : memref<4224xi32, #tpu.memory_space<vmem>>, vector<16xi32>,
      %lt3A_1340 = arith.constant 65536 : i32
      %lt3A_1341 = vector.broadcast %lt3A_1340 : i32 to vector<16xi32>
      %lt3A_1342 = arith.cmpi slt, %get3A_1339, %lt3A_1341 : vector<16xi32>
      %shift_right_logical3A_1343 = arith.constant 8 : i32
      %shift_right_logical3A_1344 = vector.broadcast %shift_right_logical3A_1343 : i32 to vector<16xi32>
      %shift_right_logical3A_1345 = arith.shrui %get3A_1339, %shift_right_logical3A_1344 : vector<16xi32>
      %and3A_1346 = arith.constant 255 : i32
      %and3A_1347 = vector.broadcast %and3A_1346 : i32 to vector<16xi32>
      %and3A_1348 = arith.andi %get3A_1339, %and3A_1347 : vector<16xi32>
      %get3A_1349 = arith.index_cast %mul3A_1337 : i32 to index
      %get3A_1350 = tpu.vector_load %arg7[%get3A_1349] {strides = array<i32>} : memref<4224xf32, #tpu.memory_space<vmem>>, vector<16xf32>,
      tpu.vector_store_idx %arg5[%shift_right_logical3A_1345, %and3A_1348], %get3A_1350 masked %lt3A_1342 {add = true} : memref<256x256xf32, #tpu.memory_space<vmem>>[vector<16xi32>, vector<16xi32>], vector<16xf32>, vector<16xi1>
      %mul3A_1351 = arith.constant 4 : i32
      %mul3A_1352 = arith.muli %scan3A_1295, %mul3A_1351 : i32
      %add3A_1353 = arith.constant 3 : i32
      %add3A_1354 = arith.addi %mul3A_1352, %add3A_1353 : i32
      %mul3A_1355 = arith.constant 16 : i32
      %mul3A_1356 = arith.muli %add3A_1354, %mul3A_1355 : i32
      %get3A_1357 = arith.index_cast %mul3A_1356 : i32 to index
      %get3A_1358 = tpu.vector_load %arg6[%get3A_1357] {strides = array<i32>} : memref<4224xi32, #tpu.memory_space<vmem>>, vector<16xi32>,
      %lt3A_1359 = arith.constant 65536 : i32
      %lt3A_1360 = vector.broadcast %lt3A_1359 : i32 to vector<16xi32>
      %lt3A_1361 = arith.cmpi slt, %get3A_1358, %lt3A_1360 : vector<16xi32>
      %shift_right_logical3A_1362 = arith.constant 8 : i32
      %shift_right_logical3A_1363 = vector.broadcast %shift_right_logical3A_1362 : i32 to vector<16xi32>
      %shift_right_logical3A_1364 = arith.shrui %get3A_1358, %shift_right_logical3A_1363 : vector<16xi32>
      %and3A_1365 = arith.constant 255 : i32
      %and3A_1366 = vector.broadcast %and3A_1365 : i32 to vector<16xi32>
      %and3A_1367 = arith.andi %get3A_1358, %and3A_1366 : vector<16xi32>
      %get3A_1368 = arith.index_cast %mul3A_1356 : i32 to index
      %get3A_1369 = tpu.vector_load %arg7[%get3A_1368] {strides = array<i32>} : memref<4224xf32, #tpu.memory_space<vmem>>, vector<16xf32>,
      tpu.vector_store_idx %arg5[%shift_right_logical3A_1364, %and3A_1367], %get3A_1369 masked %lt3A_1361 {add = true} : memref<256x256xf32, #tpu.memory_space<vmem>>[vector<16xi32>, vector<16xi32>], vector<16xf32>, vector<16xi1>
    }
    %scan3A_896 = arith.constant 66 : i32
    %dma_start3A_897 = arith.constant 0 : i32
    %dma_start3A_898 = arith.constant 0 : i32
    %dma_start3A_899 = tpu.memref_slice %arg4[%select_n3A, %add3A_762, %dma_start3A_897, %dma_start3A_898] : memref<4x64x256x256xf32, #tpu.memory_space<hbm>> -> memref<1x1x256x256xf32, #tpu.memory_space<hbm>>
    %dma_start3A_900 = tpu.memref_squeeze %dma_start3A_899 : memref<1x1x256x256xf32, #tpu.memory_space<hbm>> -> memref<256x256xf32, #tpu.memory_space<hbm>>
    %dma_start3A_901 = arith.constant 0 : i32
    %dma_start3A_902 = arith.constant 0 : i32
    %dma_start3A_903 = tpu.memref_slice %arg4[%select_n3A, %add3A_762, %dma_start3A_901, %dma_start3A_902] : memref<4x64x256x256xf32, #tpu.memory_space<hbm>> -> memref<1x1x256x256xf32, #tpu.memory_space<hbm>>
    %dma_start3A_904 = tpu.memref_squeeze %dma_start3A_903 : memref<1x1x256x256xf32, #tpu.memory_space<hbm>> -> memref<256x256xf32, #tpu.memory_space<hbm>>
    tpu.enqueue_dma source(%arg5 : memref<256x256xf32, #tpu.memory_space<vmem>>) target(%dma_start3A_904 : memref<256x256xf32, #tpu.memory_space<hbm>>) target_semaphore(%arg10 : memref<!tpu.dma_semaphore, #tpu.memory_space<semaphore_mem>>)
    %dma_wait3A_905 = arith.constant 0 : i32
    %dma_wait3A_906 = arith.constant 0 : i32
    %dma_wait3A_907 = tpu.memref_slice %arg4[%select_n3A, %add3A_762, %dma_wait3A_905, %dma_wait3A_906] : memref<4x64x256x256xf32, #tpu.memory_space<hbm>> -> memref<1x1x256x256xf32, #tpu.memory_space<hbm>>
    %dma_wait3A_908 = tpu.memref_squeeze %dma_wait3A_907 : memref<1x1x256x256xf32, #tpu.memory_space<hbm>> -> memref<256x256xf32, #tpu.memory_space<hbm>>
    %dma_wait3A_909 = arith.constant 0 : i32
    %dma_wait3A_910 = arith.constant 0 : i32
    %dma_wait3A_911 = tpu.memref_slice %arg4[%select_n3A, %add3A_762, %dma_wait3A_909, %dma_wait3A_910] : memref<4x64x256x256xf32, #tpu.memory_space<hbm>> -> memref<1x1x256x256xf32, #tpu.memory_space<hbm>>
    %dma_wait3A_912 = tpu.memref_squeeze %dma_wait3A_911 : memref<1x1x256x256xf32, #tpu.memory_space<hbm>> -> memref<256x256xf32, #tpu.memory_space<hbm>>
    tpu.wait_dma2 semaphore(%arg10 : memref<!tpu.dma_semaphore, #tpu.memory_space<semaphore_mem>>) src(%arg5 : memref<256x256xf32, #tpu.memory_space<vmem>>) dst(%dma_wait3A_912 : memref<256x256xf32, #tpu.memory_space<hbm>>)
    %scan3A_913 = arith.constant 0 : i32
    %scan3A_914 = arith.constant 0 : i32
    %scan3A_915 = arith.constant 66 : i32
    %scan3A_916 = arith.addi %scan3A_914, %scan3A_915 : i32
    %scan3A_917 = arith.constant 1 : i32
    scf.for %scan3A_1295 = %scan3A_914 to %scan3A_916 step %scan3A_917  : i32 {
      %mul3A_1296 = arith.constant 4 : i32
      %mul3A_1297 = arith.muli %scan3A_1295, %mul3A_1296 : i32
      %add3A_1298 = arith.constant 0 : i32
      %add3A_1299 = arith.addi %mul3A_1297, %add3A_1298 : i32
      %mul3A_1300 = arith.constant 16 : i32
      %mul3A_1301 = arith.muli %add3A_1299, %mul3A_1300 : i32
      %get3A = arith.index_cast %mul3A_1301 : i32 to index
      %get3A_1302 = tpu.vector_load %arg6[%get3A] {strides = array<i32>} : memref<4224xi32, #tpu.memory_space<vmem>>, vector<16xi32>,
      %lt3A_1303 = arith.constant 65536 : i32
      %lt3A_1304 = vector.broadcast %lt3A_1303 : i32 to vector<16xi32>
      %lt3A_1305 = arith.cmpi slt, %get3A_1302, %lt3A_1304 : vector<16xi32>
      %shift_right_logical3A = arith.constant 8 : i32
      %shift_right_logical3A_1306 = vector.broadcast %shift_right_logical3A : i32 to vector<16xi32>
      %shift_right_logical3A_1307 = arith.shrui %get3A_1302, %shift_right_logical3A_1306 : vector<16xi32>
      %and3A_1308 = arith.constant 255 : i32
      %and3A_1309 = vector.broadcast %and3A_1308 : i32 to vector<16xi32>
      %and3A_1310 = arith.andi %get3A_1302, %and3A_1309 : vector<16xi32>
      tpu.vector_store_idx %arg5[%shift_right_logical3A_1307, %and3A_1310], %broadcast_in_dim3A_35 masked %lt3A_1305 : memref<256x256xf32, #tpu.memory_space<vmem>>[vector<16xi32>, vector<16xi32>], vector<16xf32>, vector<16xi1>
      %mul3A_1311 = arith.constant 4 : i32
      %mul3A_1312 = arith.muli %scan3A_1295, %mul3A_1311 : i32
      %add3A_1313 = arith.constant 1 : i32
      %add3A_1314 = arith.addi %mul3A_1312, %add3A_1313 : i32
      %mul3A_1315 = arith.constant 16 : i32
      %mul3A_1316 = arith.muli %add3A_1314, %mul3A_1315 : i32
      %get3A_1317 = arith.index_cast %mul3A_1316 : i32 to index
      %get3A_1318 = tpu.vector_load %arg6[%get3A_1317] {strides = array<i32>} : memref<4224xi32, #tpu.memory_space<vmem>>, vector<16xi32>,
      %lt3A_1319 = arith.constant 65536 : i32
      %lt3A_1320 = vector.broadcast %lt3A_1319 : i32 to vector<16xi32>
      %lt3A_1321 = arith.cmpi slt, %get3A_1318, %lt3A_1320 : vector<16xi32>
      %shift_right_logical3A_1322 = arith.constant 8 : i32
      %shift_right_logical3A_1323 = vector.broadcast %shift_right_logical3A_1322 : i32 to vector<16xi32>
      %shift_right_logical3A_1324 = arith.shrui %get3A_1318, %shift_right_logical3A_1323 : vector<16xi32>
      %and3A_1325 = arith.constant 255 : i32
      %and3A_1326 = vector.broadcast %and3A_1325 : i32 to vector<16xi32>
      %and3A_1327 = arith.andi %get3A_1318, %and3A_1326 : vector<16xi32>
      tpu.vector_store_idx %arg5[%shift_right_logical3A_1324, %and3A_1327], %broadcast_in_dim3A_35 masked %lt3A_1321 : memref<256x256xf32, #tpu.memory_space<vmem>>[vector<16xi32>, vector<16xi32>], vector<16xf32>, vector<16xi1>
      %mul3A_1328 = arith.constant 4 : i32
      %mul3A_1329 = arith.muli %scan3A_1295, %mul3A_1328 : i32
      %add3A_1330 = arith.constant 2 : i32
      %add3A_1331 = arith.addi %mul3A_1329, %add3A_1330 : i32
      %mul3A_1332 = arith.constant 16 : i32
      %mul3A_1333 = arith.muli %add3A_1331, %mul3A_1332 : i32
      %get3A_1334 = arith.index_cast %mul3A_1333 : i32 to index
      %get3A_1335 = tpu.vector_load %arg6[%get3A_1334] {strides = array<i32>} : memref<4224xi32, #tpu.memory_space<vmem>>, vector<16xi32>,
      %lt3A_1336 = arith.constant 65536 : i32
      %lt3A_1337 = vector.broadcast %lt3A_1336 : i32 to vector<16xi32>
      %lt3A_1338 = arith.cmpi slt, %get3A_1335, %lt3A_1337 : vector<16xi32>
      %shift_right_logical3A_1339 = arith.constant 8 : i32
      %shift_right_logical3A_1340 = vector.broadcast %shift_right_logical3A_1339 : i32 to vector<16xi32>
      %shift_right_logical3A_1341 = arith.shrui %get3A_1335, %shift_right_logical3A_1340 : vector<16xi32>
      %and3A_1342 = arith.constant 255 : i32
      %and3A_1343 = vector.broadcast %and3A_1342 : i32 to vector<16xi32>
      %and3A_1344 = arith.andi %get3A_1335, %and3A_1343 : vector<16xi32>
      tpu.vector_store_idx %arg5[%shift_right_logical3A_1341, %and3A_1344], %broadcast_in_dim3A_35 masked %lt3A_1338 : memref<256x256xf32, #tpu.memory_space<vmem>>[vector<16xi32>, vector<16xi32>], vector<16xf32>, vector<16xi1>
      %mul3A_1345 = arith.constant 4 : i32
      %mul3A_1346 = arith.muli %scan3A_1295, %mul3A_1345 : i32
      %add3A_1347 = arith.constant 3 : i32
      %add3A_1348 = arith.addi %mul3A_1346, %add3A_1347 : i32
      %mul3A_1349 = arith.constant 16 : i32
      %mul3A_1350 = arith.muli %add3A_1348, %mul3A_1349 : i32
      %get3A_1351 = arith.index_cast %mul3A_1350 : i32 to index
      %get3A_1352 = tpu.vector_load %arg6[%get3A_1351] {strides = array<i32>} : memref<4224xi32, #tpu.memory_space<vmem>>, vector<16xi32>,
      %lt3A_1353 = arith.constant 65536 : i32
      %lt3A_1354 = vector.broadcast %lt3A_1353 : i32 to vector<16xi32>
      %lt3A_1355 = arith.cmpi slt, %get3A_1352, %lt3A_1354 : vector<16xi32>
      %shift_right_logical3A_1356 = arith.constant 8 : i32
      %shift_right_logical3A_1357 = vector.broadcast %shift_right_logical3A_1356 : i32 to vector<16xi32>
      %shift_right_logical3A_1358 = arith.shrui %get3A_1352, %shift_right_logical3A_1357 : vector<16xi32>
      %and3A_1359 = arith.constant 255 : i32
      %and3A_1360 = vector.broadcast %and3A_1359 : i32 to vector<16xi32>
      %and3A_1361 = arith.andi %get3A_1352, %and3A_1360 : vector<16xi32>
      tpu.vector_store_idx %arg5[%shift_right_logical3A_1358, %and3A_1361], %broadcast_in_dim3A_35 masked %lt3A_1355 : memref<256x256xf32, #tpu.memory_space<vmem>>[vector<16xi32>, vector<16xi32>], vector<16xf32>, vector<16xi1>
    }
    %scan3A_918 = arith.constant 66 : i32
    %add3A_919 = arith.constant 5 : i32
    %add3A_920 = arith.addi %mul3A_32, %add3A_919 : i32
    %dma_wait3A_921 = arith.constant 0 : i32
    %dma_wait3A_922 = tpu.memref_slice %arg8[%dma_wait3A_921] : memref<4224xf32, #tpu.memory_space<vmem>> -> memref<704xf32, #tpu.memory_space<vmem>>
    %dma_wait3A_923 = tpu.memref_slice %arg2[%mul3A_809] : memref<1081344xf32, #tpu.memory_space<hbm>> -> memref<704xf32, #tpu.memory_space<hbm>>
    %dma_wait3A_924 = arith.constant 0 : i32
    %dma_wait3A_925 = tpu.memref_slice %arg8[%dma_wait3A_924] : memref<4224xf32, #tpu.memory_space<vmem>> -> memref<704xf32, #tpu.memory_space<vmem>>
    %dma_wait3A_926 = tpu.memref_slice %arg2[%mul3A_809] : memref<1081344xf32, #tpu.memory_space<hbm>> -> memref<704xf32, #tpu.memory_space<hbm>>
    tpu.wait_dma2 semaphore(%arg9 : memref<!tpu.dma_semaphore, #tpu.memory_space<semaphore_mem>>) src(%dma_wait3A_926 : memref<704xf32, #tpu.memory_space<hbm>>) dst(%dma_wait3A_925 : memref<704xf32, #tpu.memory_space<vmem>>)
    %dma_wait3A_927 = arith.constant 704 : i32
    %dma_wait3A_928 = tpu.memref_slice %arg8[%dma_wait3A_927] : memref<4224xf32, #tpu.memory_space<vmem>> -> memref<704xf32, #tpu.memory_space<vmem>>
    %dma_wait3A_929 = tpu.memref_slice %arg2[%mul3A_824] : memref<1081344xf32, #tpu.memory_space<hbm>> -> memref<704xf32, #tpu.memory_space<hbm>>
    %dma_wait3A_930 = arith.constant 704 : i32
    %dma_wait3A_931 = tpu.memref_slice %arg8[%dma_wait3A_930] : memref<4224xf32, #tpu.memory_space<vmem>> -> memref<704xf32, #tpu.memory_space<vmem>>
    %dma_wait3A_932 = tpu.memref_slice %arg2[%mul3A_824] : memref<1081344xf32, #tpu.memory_space<hbm>> -> memref<704xf32, #tpu.memory_space<hbm>>
    tpu.wait_dma2 semaphore(%arg9 : memref<!tpu.dma_semaphore, #tpu.memory_space<semaphore_mem>>) src(%dma_wait3A_932 : memref<704xf32, #tpu.memory_space<hbm>>) dst(%dma_wait3A_931 : memref<704xf32, #tpu.memory_space<vmem>>)
    %dma_wait3A_933 = arith.constant 1408 : i32
    %dma_wait3A_934 = tpu.memref_slice %arg8[%dma_wait3A_933] : memref<4224xf32, #tpu.memory_space<vmem>> -> memref<704xf32, #tpu.memory_space<vmem>>
    %dma_wait3A_935 = tpu.memref_slice %arg2[%mul3A_839] : memref<1081344xf32, #tpu.memory_space<hbm>> -> memref<704xf32, #tpu.memory_space<hbm>>
    %dma_wait3A_936 = arith.constant 1408 : i32
    %dma_wait3A_937 = tpu.memref_slice %arg8[%dma_wait3A_936] : memref<4224xf32, #tpu.memory_space<vmem>> -> memref<704xf32, #tpu.memory_space<vmem>>
    %dma_wait3A_938 = tpu.memref_slice %arg2[%mul3A_839] : memref<1081344xf32, #tpu.memory_space<hbm>> -> memref<704xf32, #tpu.memory_space<hbm>>
    tpu.wait_dma2 semaphore(%arg9 : memref<!tpu.dma_semaphore, #tpu.memory_space<semaphore_mem>>) src(%dma_wait3A_938 : memref<704xf32, #tpu.memory_space<hbm>>) dst(%dma_wait3A_937 : memref<704xf32, #tpu.memory_space<vmem>>)
    %dma_wait3A_939 = arith.constant 2112 : i32
    %dma_wait3A_940 = tpu.memref_slice %arg8[%dma_wait3A_939] : memref<4224xf32, #tpu.memory_space<vmem>> -> memref<704xf32, #tpu.memory_space<vmem>>
    %dma_wait3A_941 = tpu.memref_slice %arg2[%mul3A_854] : memref<1081344xf32, #tpu.memory_space<hbm>> -> memref<704xf32, #tpu.memory_space<hbm>>
    %dma_wait3A_942 = arith.constant 2112 : i32
    %dma_wait3A_943 = tpu.memref_slice %arg8[%dma_wait3A_942] : memref<4224xf32, #tpu.memory_space<vmem>> -> memref<704xf32, #tpu.memory_space<vmem>>
    %dma_wait3A_944 = tpu.memref_slice %arg2[%mul3A_854] : memref<1081344xf32, #tpu.memory_space<hbm>> -> memref<704xf32, #tpu.memory_space<hbm>>
    tpu.wait_dma2 semaphore(%arg9 : memref<!tpu.dma_semaphore, #tpu.memory_space<semaphore_mem>>) src(%dma_wait3A_944 : memref<704xf32, #tpu.memory_space<hbm>>) dst(%dma_wait3A_943 : memref<704xf32, #tpu.memory_space<vmem>>)
    %dma_wait3A_945 = arith.constant 2816 : i32
    %dma_wait3A_946 = tpu.memref_slice %arg8[%dma_wait3A_945] : memref<4224xf32, #tpu.memory_space<vmem>> -> memref<704xf32, #tpu.memory_space<vmem>>
    %dma_wait3A_947 = tpu.memref_slice %arg2[%mul3A_869] : memref<1081344xf32, #tpu.memory_space<hbm>> -> memref<704xf32, #tpu.memory_space<hbm>>
    %dma_wait3A_948 = arith.constant 2816 : i32
    %dma_wait3A_949 = tpu.memref_slice %arg8[%dma_wait3A_948] : memref<4224xf32, #tpu.memory_space<vmem>> -> memref<704xf32, #tpu.memory_space<vmem>>
    %dma_wait3A_950 = tpu.memref_slice %arg2[%mul3A_869] : memref<1081344xf32, #tpu.memory_space<hbm>> -> memref<704xf32, #tpu.memory_space<hbm>>
    tpu.wait_dma2 semaphore(%arg9 : memref<!tpu.dma_semaphore, #tpu.memory_space<semaphore_mem>>) src(%dma_wait3A_950 : memref<704xf32, #tpu.memory_space<hbm>>) dst(%dma_wait3A_949 : memref<704xf32, #tpu.memory_space<vmem>>)
    %dma_wait3A_951 = arith.constant 3520 : i32
    %dma_wait3A_952 = tpu.memref_slice %arg8[%dma_wait3A_951] : memref<4224xf32, #tpu.memory_space<vmem>> -> memref<704xf32, #tpu.memory_space<vmem>>
    %dma_wait3A_953 = tpu.memref_slice %arg2[%mul3A_884] : memref<1081344xf32, #tpu.memory_space<hbm>> -> memref<704xf32, #tpu.memory_space<hbm>>
    %dma_wait3A_954 = arith.constant 3520 : i32
    %dma_wait3A_955 = tpu.memref_slice %arg8[%dma_wait3A_954] : memref<4224xf32, #tpu.memory_space<vmem>> -> memref<704xf32, #tpu.memory_space<vmem>>
    %dma_wait3A_956 = tpu.memref_slice %arg2[%mul3A_884] : memref<1081344xf32, #tpu.memory_space<hbm>> -> memref<704xf32, #tpu.memory_space<hbm>>
    tpu.wait_dma2 semaphore(%arg9 : memref<!tpu.dma_semaphore, #tpu.memory_space<semaphore_mem>>) src(%dma_wait3A_956 : memref<704xf32, #tpu.memory_space<hbm>>) dst(%dma_wait3A_955 : memref<704xf32, #tpu.memory_space<vmem>>)
    %add3A_957 = arith.constant 1 : i32
    %add3A_958 = arith.addi %add3A_920, %add3A_957 : i32
    %mul3A_959 = arith.constant 6 : i32
    %mul3A_960 = arith.muli %select_n3A, %mul3A_959 : i32
    %add3A_961 = arith.constant 0 : i32
    %add3A_962 = arith.addi %mul3A_960, %add3A_961 : i32
    %mul3A_963 = arith.constant 64 : i32
    %mul3A_964 = arith.muli %add3A_962, %mul3A_963 : i32
    %add3A_965 = arith.addi %mul3A_964, %add3A_958 : i32
    %mul3A_966 = arith.constant 704 : i32
    %mul3A_967 = arith.muli %add3A_965, %mul3A_966 : i32
    %dma_start3A_968 = arith.constant 0 : i32
    %dma_start3A_969 = tpu.memref_slice %arg7[%dma_start3A_968] : memref<4224xf32, #tpu.memory_space<vmem>> -> memref<704xf32, #tpu.memory_space<vmem>>
    %dma_start3A_970 = tpu.memref_slice %arg2[%mul3A_967] : memref<1081344xf32, #tpu.memory_space<hbm>> -> memref<704xf32, #tpu.memory_space<hbm>>
    %dma_start3A_971 = arith.constant 0 : i32
    %dma_start3A_972 = tpu.memref_slice %arg7[%dma_start3A_971] : memref<4224xf32, #tpu.memory_space<vmem>> -> memref<704xf32, #tpu.memory_space<vmem>>
    %dma_start3A_973 = tpu.memref_slice %arg2[%mul3A_967] : memref<1081344xf32, #tpu.memory_space<hbm>> -> memref<704xf32, #tpu.memory_space<hbm>>
    tpu.enqueue_dma source(%dma_start3A_973 : memref<704xf32, #tpu.memory_space<hbm>>) target(%dma_start3A_972 : memref<704xf32, #tpu.memory_space<vmem>>) target_semaphore(%arg9 : memref<!tpu.dma_semaphore, #tpu.memory_space<semaphore_mem>>)
    %mul3A_974 = arith.constant 6 : i32
    %mul3A_975 = arith.muli %select_n3A, %mul3A_974 : i32
    %add3A_976 = arith.constant 1 : i32
    %add3A_977 = arith.addi %mul3A_975, %add3A_976 : i32
    %mul3A_978 = arith.constant 64 : i32
    %mul3A_979 = arith.muli %add3A_977, %mul3A_978 : i32
    %add3A_980 = arith.addi %mul3A_979, %add3A_958 : i32
    %mul3A_981 = arith.constant 704 : i32
    %mul3A_982 = arith.muli %add3A_980, %mul3A_981 : i32
    %dma_start3A_983 = arith.constant 704 : i32
    %dma_start3A_984 = tpu.memref_slice %arg7[%dma_start3A_983] : memref<4224xf32, #tpu.memory_space<vmem>> -> memref<704xf32, #tpu.memory_space<vmem>>
    %dma_start3A_985 = tpu.memref_slice %arg2[%mul3A_982] : memref<1081344xf32, #tpu.memory_space<hbm>> -> memref<704xf32, #tpu.memory_space<hbm>>
    %dma_start3A_986 = arith.constant 704 : i32
    %dma_start3A_987 = tpu.memref_slice %arg7[%dma_start3A_986] : memref<4224xf32, #tpu.memory_space<vmem>> -> memref<704xf32, #tpu.memory_space<vmem>>
    %dma_start3A_988 = tpu.memref_slice %arg2[%mul3A_982] : memref<1081344xf32, #tpu.memory_space<hbm>> -> memref<704xf32, #tpu.memory_space<hbm>>
    tpu.enqueue_dma source(%dma_start3A_988 : memref<704xf32, #tpu.memory_space<hbm>>) target(%dma_start3A_987 : memref<704xf32, #tpu.memory_space<vmem>>) target_semaphore(%arg9 : memref<!tpu.dma_semaphore, #tpu.memory_space<semaphore_mem>>)
    %mul3A_989 = arith.constant 6 : i32
    %mul3A_990 = arith.muli %select_n3A, %mul3A_989 : i32
    %add3A_991 = arith.constant 2 : i32
    %add3A_992 = arith.addi %mul3A_990, %add3A_991 : i32
    %mul3A_993 = arith.constant 64 : i32
    %mul3A_994 = arith.muli %add3A_992, %mul3A_993 : i32
    %add3A_995 = arith.addi %mul3A_994, %add3A_958 : i32
    %mul3A_996 = arith.constant 704 : i32
    %mul3A_997 = arith.muli %add3A_995, %mul3A_996 : i32
    %dma_start3A_998 = arith.constant 1408 : i32
    %dma_start3A_999 = tpu.memref_slice %arg7[%dma_start3A_998] : memref<4224xf32, #tpu.memory_space<vmem>> -> memref<704xf32, #tpu.memory_space<vmem>>
    %dma_start3A_1000 = tpu.memref_slice %arg2[%mul3A_997] : memref<1081344xf32, #tpu.memory_space<hbm>> -> memref<704xf32, #tpu.memory_space<hbm>>
    %dma_start3A_1001 = arith.constant 1408 : i32
    %dma_start3A_1002 = tpu.memref_slice %arg7[%dma_start3A_1001] : memref<4224xf32, #tpu.memory_space<vmem>> -> memref<704xf32, #tpu.memory_space<vmem>>
    %dma_start3A_1003 = tpu.memref_slice %arg2[%mul3A_997] : memref<1081344xf32, #tpu.memory_space<hbm>> -> memref<704xf32, #tpu.memory_space<hbm>>
    tpu.enqueue_dma source(%dma_start3A_1003 : memref<704xf32, #tpu.memory_space<hbm>>) target(%dma_start3A_1002 : memref<704xf32, #tpu.memory_space<vmem>>) target_semaphore(%arg9 : memref<!tpu.dma_semaphore, #tpu.memory_space<semaphore_mem>>)
    %mul3A_1004 = arith.constant 6 : i32
    %mul3A_1005 = arith.muli %select_n3A, %mul3A_1004 : i32
    %add3A_1006 = arith.constant 3 : i32
    %add3A_1007 = arith.addi %mul3A_1005, %add3A_1006 : i32
    %mul3A_1008 = arith.constant 64 : i32
    %mul3A_1009 = arith.muli %add3A_1007, %mul3A_1008 : i32
    %add3A_1010 = arith.addi %mul3A_1009, %add3A_958 : i32
    %mul3A_1011 = arith.constant 704 : i32
    %mul3A_1012 = arith.muli %add3A_1010, %mul3A_1011 : i32
    %dma_start3A_1013 = arith.constant 2112 : i32
    %dma_start3A_1014 = tpu.memref_slice %arg7[%dma_start3A_1013] : memref<4224xf32, #tpu.memory_space<vmem>> -> memref<704xf32, #tpu.memory_space<vmem>>
    %dma_start3A_1015 = tpu.memref_slice %arg2[%mul3A_1012] : memref<1081344xf32, #tpu.memory_space<hbm>> -> memref<704xf32, #tpu.memory_space<hbm>>
    %dma_start3A_1016 = arith.constant 2112 : i32
    %dma_start3A_1017 = tpu.memref_slice %arg7[%dma_start3A_1016] : memref<4224xf32, #tpu.memory_space<vmem>> -> memref<704xf32, #tpu.memory_space<vmem>>
    %dma_start3A_1018 = tpu.memref_slice %arg2[%mul3A_1012] : memref<1081344xf32, #tpu.memory_space<hbm>> -> memref<704xf32, #tpu.memory_space<hbm>>
    tpu.enqueue_dma source(%dma_start3A_1018 : memref<704xf32, #tpu.memory_space<hbm>>) target(%dma_start3A_1017 : memref<704xf32, #tpu.memory_space<vmem>>) target_semaphore(%arg9 : memref<!tpu.dma_semaphore, #tpu.memory_space<semaphore_mem>>)
    %mul3A_1019 = arith.constant 6 : i32
    %mul3A_1020 = arith.muli %select_n3A, %mul3A_1019 : i32
    %add3A_1021 = arith.constant 4 : i32
    %add3A_1022 = arith.addi %mul3A_1020, %add3A_1021 : i32
    %mul3A_1023 = arith.constant 64 : i32
    %mul3A_1024 = arith.muli %add3A_1022, %mul3A_1023 : i32
    %add3A_1025 = arith.addi %mul3A_1024, %add3A_958 : i32
    %mul3A_1026 = arith.constant 704 : i32
    %mul3A_1027 = arith.muli %add3A_1025, %mul3A_1026 : i32
    %dma_start3A_1028 = arith.constant 2816 : i32
    %dma_start3A_1029 = tpu.memref_slice %arg7[%dma_start3A_1028] : memref<4224xf32, #tpu.memory_space<vmem>> -> memref<704xf32, #tpu.memory_space<vmem>>
    %dma_start3A_1030 = tpu.memref_slice %arg2[%mul3A_1027] : memref<1081344xf32, #tpu.memory_space<hbm>> -> memref<704xf32, #tpu.memory_space<hbm>>
    %dma_start3A_1031 = arith.constant 2816 : i32
    %dma_start3A_1032 = tpu.memref_slice %arg7[%dma_start3A_1031] : memref<4224xf32, #tpu.memory_space<vmem>> -> memref<704xf32, #tpu.memory_space<vmem>>
    %dma_start3A_1033 = tpu.memref_slice %arg2[%mul3A_1027] : memref<1081344xf32, #tpu.memory_space<hbm>> -> memref<704xf32, #tpu.memory_space<hbm>>
    tpu.enqueue_dma source(%dma_start3A_1033 : memref<704xf32, #tpu.memory_space<hbm>>) target(%dma_start3A_1032 : memref<704xf32, #tpu.memory_space<vmem>>) target_semaphore(%arg9 : memref<!tpu.dma_semaphore, #tpu.memory_space<semaphore_mem>>)
    %mul3A_1034 = arith.constant 6 : i32
    %mul3A_1035 = arith.muli %select_n3A, %mul3A_1034 : i32
    %add3A_1036 = arith.constant 5 : i32
    %add3A_1037 = arith.addi %mul3A_1035, %add3A_1036 : i32
    %mul3A_1038 = arith.constant 64 : i32
    %mul3A_1039 = arith.muli %add3A_1037, %mul3A_1038 : i32
    %add3A_1040 = arith.addi %mul3A_1039, %add3A_958 : i32
    %mul3A_1041 = arith.constant 704 : i32
    %mul3A_1042 = arith.muli %add3A_1040, %mul3A_1041 : i32
    %dma_start3A_1043 = arith.constant 3520 : i32
    %dma_start3A_1044 = tpu.memref_slice %arg7[%dma_start3A_1043] : memref<4224xf32, #tpu.memory_space<vmem>> -> memref<704xf32, #tpu.memory_space<vmem>>
    %dma_start3A_1045 = tpu.memref_slice %arg2[%mul3A_1042] : memref<1081344xf32, #tpu.memory_space<hbm>> -> memref<704xf32, #tpu.memory_space<hbm>>
    %dma_start3A_1046 = arith.constant 3520 : i32
    %dma_start3A_1047 = tpu.memref_slice %arg7[%dma_start3A_1046] : memref<4224xf32, #tpu.memory_space<vmem>> -> memref<704xf32, #tpu.memory_space<vmem>>
    %dma_start3A_1048 = tpu.memref_slice %arg2[%mul3A_1042] : memref<1081344xf32, #tpu.memory_space<hbm>> -> memref<704xf32, #tpu.memory_space<hbm>>
    tpu.enqueue_dma source(%dma_start3A_1048 : memref<704xf32, #tpu.memory_space<hbm>>) target(%dma_start3A_1047 : memref<704xf32, #tpu.memory_space<vmem>>) target_semaphore(%arg9 : memref<!tpu.dma_semaphore, #tpu.memory_space<semaphore_mem>>)
    %scan3A_1049 = arith.constant 0 : i32
    %scan3A_1050 = arith.constant 0 : i32
    %scan3A_1051 = arith.constant 66 : i32
    %scan3A_1052 = arith.addi %scan3A_1050, %scan3A_1051 : i32
    %scan3A_1053 = arith.constant 1 : i32
    scf.for %scan3A_1295 = %scan3A_1050 to %scan3A_1052 step %scan3A_1053  : i32 {
      %mul3A_1296 = arith.constant 4 : i32
      %mul3A_1297 = arith.muli %scan3A_1295, %mul3A_1296 : i32
      %add3A_1298 = arith.constant 0 : i32
      %add3A_1299 = arith.addi %mul3A_1297, %add3A_1298 : i32
      %mul3A_1300 = arith.constant 16 : i32
      %mul3A_1301 = arith.muli %add3A_1299, %mul3A_1300 : i32
      %get3A = arith.index_cast %mul3A_1301 : i32 to index
      %get3A_1302 = tpu.vector_load %arg6[%get3A] {strides = array<i32>} : memref<4224xi32, #tpu.memory_space<vmem>>, vector<16xi32>,
      %lt3A_1303 = arith.constant 65536 : i32
      %lt3A_1304 = vector.broadcast %lt3A_1303 : i32 to vector<16xi32>
      %lt3A_1305 = arith.cmpi slt, %get3A_1302, %lt3A_1304 : vector<16xi32>
      %shift_right_logical3A = arith.constant 8 : i32
      %shift_right_logical3A_1306 = vector.broadcast %shift_right_logical3A : i32 to vector<16xi32>
      %shift_right_logical3A_1307 = arith.shrui %get3A_1302, %shift_right_logical3A_1306 : vector<16xi32>
      %and3A_1308 = arith.constant 255 : i32
      %and3A_1309 = vector.broadcast %and3A_1308 : i32 to vector<16xi32>
      %and3A_1310 = arith.andi %get3A_1302, %and3A_1309 : vector<16xi32>
      %get3A_1311 = arith.index_cast %mul3A_1301 : i32 to index
      %get3A_1312 = tpu.vector_load %arg8[%get3A_1311] {strides = array<i32>} : memref<4224xf32, #tpu.memory_space<vmem>>, vector<16xf32>,
      tpu.vector_store_idx %arg5[%shift_right_logical3A_1307, %and3A_1310], %get3A_1312 masked %lt3A_1305 {add = true} : memref<256x256xf32, #tpu.memory_space<vmem>>[vector<16xi32>, vector<16xi32>], vector<16xf32>, vector<16xi1>
      %mul3A_1313 = arith.constant 4 : i32
      %mul3A_1314 = arith.muli %scan3A_1295, %mul3A_1313 : i32
      %add3A_1315 = arith.constant 1 : i32
      %add3A_1316 = arith.addi %mul3A_1314, %add3A_1315 : i32
      %mul3A_1317 = arith.constant 16 : i32
      %mul3A_1318 = arith.muli %add3A_1316, %mul3A_1317 : i32
      %get3A_1319 = arith.index_cast %mul3A_1318 : i32 to index
      %get3A_1320 = tpu.vector_load %arg6[%get3A_1319] {strides = array<i32>} : memref<4224xi32, #tpu.memory_space<vmem>>, vector<16xi32>,
      %lt3A_1321 = arith.constant 65536 : i32
      %lt3A_1322 = vector.broadcast %lt3A_1321 : i32 to vector<16xi32>
      %lt3A_1323 = arith.cmpi slt, %get3A_1320, %lt3A_1322 : vector<16xi32>
      %shift_right_logical3A_1324 = arith.constant 8 : i32
      %shift_right_logical3A_1325 = vector.broadcast %shift_right_logical3A_1324 : i32 to vector<16xi32>
      %shift_right_logical3A_1326 = arith.shrui %get3A_1320, %shift_right_logical3A_1325 : vector<16xi32>
      %and3A_1327 = arith.constant 255 : i32
      %and3A_1328 = vector.broadcast %and3A_1327 : i32 to vector<16xi32>
      %and3A_1329 = arith.andi %get3A_1320, %and3A_1328 : vector<16xi32>
      %get3A_1330 = arith.index_cast %mul3A_1318 : i32 to index
      %get3A_1331 = tpu.vector_load %arg8[%get3A_1330] {strides = array<i32>} : memref<4224xf32, #tpu.memory_space<vmem>>, vector<16xf32>,
      tpu.vector_store_idx %arg5[%shift_right_logical3A_1326, %and3A_1329], %get3A_1331 masked %lt3A_1323 {add = true} : memref<256x256xf32, #tpu.memory_space<vmem>>[vector<16xi32>, vector<16xi32>], vector<16xf32>, vector<16xi1>
      %mul3A_1332 = arith.constant 4 : i32
      %mul3A_1333 = arith.muli %scan3A_1295, %mul3A_1332 : i32
      %add3A_1334 = arith.constant 2 : i32
      %add3A_1335 = arith.addi %mul3A_1333, %add3A_1334 : i32
      %mul3A_1336 = arith.constant 16 : i32
      %mul3A_1337 = arith.muli %add3A_1335, %mul3A_1336 : i32
      %get3A_1338 = arith.index_cast %mul3A_1337 : i32 to index
      %get3A_1339 = tpu.vector_load %arg6[%get3A_1338] {strides = array<i32>} : memref<4224xi32, #tpu.memory_space<vmem>>, vector<16xi32>,
      %lt3A_1340 = arith.constant 65536 : i32
      %lt3A_1341 = vector.broadcast %lt3A_1340 : i32 to vector<16xi32>
      %lt3A_1342 = arith.cmpi slt, %get3A_1339, %lt3A_1341 : vector<16xi32>
      %shift_right_logical3A_1343 = arith.constant 8 : i32
      %shift_right_logical3A_1344 = vector.broadcast %shift_right_logical3A_1343 : i32 to vector<16xi32>
      %shift_right_logical3A_1345 = arith.shrui %get3A_1339, %shift_right_logical3A_1344 : vector<16xi32>
      %and3A_1346 = arith.constant 255 : i32
      %and3A_1347 = vector.broadcast %and3A_1346 : i32 to vector<16xi32>
      %and3A_1348 = arith.andi %get3A_1339, %and3A_1347 : vector<16xi32>
      %get3A_1349 = arith.index_cast %mul3A_1337 : i32 to index
      %get3A_1350 = tpu.vector_load %arg8[%get3A_1349] {strides = array<i32>} : memref<4224xf32, #tpu.memory_space<vmem>>, vector<16xf32>,
      tpu.vector_store_idx %arg5[%shift_right_logical3A_1345, %and3A_1348], %get3A_1350 masked %lt3A_1342 {add = true} : memref<256x256xf32, #tpu.memory_space<vmem>>[vector<16xi32>, vector<16xi32>], vector<16xf32>, vector<16xi1>
      %mul3A_1351 = arith.constant 4 : i32
      %mul3A_1352 = arith.muli %scan3A_1295, %mul3A_1351 : i32
      %add3A_1353 = arith.constant 3 : i32
      %add3A_1354 = arith.addi %mul3A_1352, %add3A_1353 : i32
      %mul3A_1355 = arith.constant 16 : i32
      %mul3A_1356 = arith.muli %add3A_1354, %mul3A_1355 : i32
      %get3A_1357 = arith.index_cast %mul3A_1356 : i32 to index
      %get3A_1358 = tpu.vector_load %arg6[%get3A_1357] {strides = array<i32>} : memref<4224xi32, #tpu.memory_space<vmem>>, vector<16xi32>,
      %lt3A_1359 = arith.constant 65536 : i32
      %lt3A_1360 = vector.broadcast %lt3A_1359 : i32 to vector<16xi32>
      %lt3A_1361 = arith.cmpi slt, %get3A_1358, %lt3A_1360 : vector<16xi32>
      %shift_right_logical3A_1362 = arith.constant 8 : i32
      %shift_right_logical3A_1363 = vector.broadcast %shift_right_logical3A_1362 : i32 to vector<16xi32>
      %shift_right_logical3A_1364 = arith.shrui %get3A_1358, %shift_right_logical3A_1363 : vector<16xi32>
      %and3A_1365 = arith.constant 255 : i32
      %and3A_1366 = vector.broadcast %and3A_1365 : i32 to vector<16xi32>
      %and3A_1367 = arith.andi %get3A_1358, %and3A_1366 : vector<16xi32>
      %get3A_1368 = arith.index_cast %mul3A_1356 : i32 to index
      %get3A_1369 = tpu.vector_load %arg8[%get3A_1368] {strides = array<i32>} : memref<4224xf32, #tpu.memory_space<vmem>>, vector<16xf32>,
      tpu.vector_store_idx %arg5[%shift_right_logical3A_1364, %and3A_1367], %get3A_1369 masked %lt3A_1361 {add = true} : memref<256x256xf32, #tpu.memory_space<vmem>>[vector<16xi32>, vector<16xi32>], vector<16xf32>, vector<16xi1>
    }
    %scan3A_1054 = arith.constant 66 : i32
    %dma_start3A_1055 = arith.constant 0 : i32
    %dma_start3A_1056 = arith.constant 0 : i32
    %dma_start3A_1057 = tpu.memref_slice %arg4[%select_n3A, %add3A_920, %dma_start3A_1055, %dma_start3A_1056] : memref<4x64x256x256xf32, #tpu.memory_space<hbm>> -> memref<1x1x256x256xf32, #tpu.memory_space<hbm>>
    %dma_start3A_1058 = tpu.memref_squeeze %dma_start3A_1057 : memref<1x1x256x256xf32, #tpu.memory_space<hbm>> -> memref<256x256xf32, #tpu.memory_space<hbm>>
    %dma_start3A_1059 = arith.constant 0 : i32
    %dma_start3A_1060 = arith.constant 0 : i32
    %dma_start3A_1061 = tpu.memref_slice %arg4[%select_n3A, %add3A_920, %dma_start3A_1059, %dma_start3A_1060] : memref<4x64x256x256xf32, #tpu.memory_space<hbm>> -> memref<1x1x256x256xf32, #tpu.memory_space<hbm>>
    %dma_start3A_1062 = tpu.memref_squeeze %dma_start3A_1061 : memref<1x1x256x256xf32, #tpu.memory_space<hbm>> -> memref<256x256xf32, #tpu.memory_space<hbm>>
    tpu.enqueue_dma source(%arg5 : memref<256x256xf32, #tpu.memory_space<vmem>>) target(%dma_start3A_1062 : memref<256x256xf32, #tpu.memory_space<hbm>>) target_semaphore(%arg10 : memref<!tpu.dma_semaphore, #tpu.memory_space<semaphore_mem>>)
    %dma_wait3A_1063 = arith.constant 0 : i32
    %dma_wait3A_1064 = arith.constant 0 : i32
    %dma_wait3A_1065 = tpu.memref_slice %arg4[%select_n3A, %add3A_920, %dma_wait3A_1063, %dma_wait3A_1064] : memref<4x64x256x256xf32, #tpu.memory_space<hbm>> -> memref<1x1x256x256xf32, #tpu.memory_space<hbm>>
    %dma_wait3A_1066 = tpu.memref_squeeze %dma_wait3A_1065 : memref<1x1x256x256xf32, #tpu.memory_space<hbm>> -> memref<256x256xf32, #tpu.memory_space<hbm>>
    %dma_wait3A_1067 = arith.constant 0 : i32
    %dma_wait3A_1068 = arith.constant 0 : i32
    %dma_wait3A_1069 = tpu.memref_slice %arg4[%select_n3A, %add3A_920, %dma_wait3A_1067, %dma_wait3A_1068] : memref<4x64x256x256xf32, #tpu.memory_space<hbm>> -> memref<1x1x256x256xf32, #tpu.memory_space<hbm>>
    %dma_wait3A_1070 = tpu.memref_squeeze %dma_wait3A_1069 : memref<1x1x256x256xf32, #tpu.memory_space<hbm>> -> memref<256x256xf32, #tpu.memory_space<hbm>>
    tpu.wait_dma2 semaphore(%arg10 : memref<!tpu.dma_semaphore, #tpu.memory_space<semaphore_mem>>) src(%arg5 : memref<256x256xf32, #tpu.memory_space<vmem>>) dst(%dma_wait3A_1070 : memref<256x256xf32, #tpu.memory_space<hbm>>)
    %scan3A_1071 = arith.constant 0 : i32
    %scan3A_1072 = arith.constant 0 : i32
    %scan3A_1073 = arith.constant 66 : i32
    %scan3A_1074 = arith.addi %scan3A_1072, %scan3A_1073 : i32
    %scan3A_1075 = arith.constant 1 : i32
    scf.for %scan3A_1295 = %scan3A_1072 to %scan3A_1074 step %scan3A_1075  : i32 {
      %mul3A_1296 = arith.constant 4 : i32
      %mul3A_1297 = arith.muli %scan3A_1295, %mul3A_1296 : i32
      %add3A_1298 = arith.constant 0 : i32
      %add3A_1299 = arith.addi %mul3A_1297, %add3A_1298 : i32
      %mul3A_1300 = arith.constant 16 : i32
      %mul3A_1301 = arith.muli %add3A_1299, %mul3A_1300 : i32
      %get3A = arith.index_cast %mul3A_1301 : i32 to index
      %get3A_1302 = tpu.vector_load %arg6[%get3A] {strides = array<i32>} : memref<4224xi32, #tpu.memory_space<vmem>>, vector<16xi32>,
      %lt3A_1303 = arith.constant 65536 : i32
      %lt3A_1304 = vector.broadcast %lt3A_1303 : i32 to vector<16xi32>
      %lt3A_1305 = arith.cmpi slt, %get3A_1302, %lt3A_1304 : vector<16xi32>
      %shift_right_logical3A = arith.constant 8 : i32
      %shift_right_logical3A_1306 = vector.broadcast %shift_right_logical3A : i32 to vector<16xi32>
      %shift_right_logical3A_1307 = arith.shrui %get3A_1302, %shift_right_logical3A_1306 : vector<16xi32>
      %and3A_1308 = arith.constant 255 : i32
      %and3A_1309 = vector.broadcast %and3A_1308 : i32 to vector<16xi32>
      %and3A_1310 = arith.andi %get3A_1302, %and3A_1309 : vector<16xi32>
      tpu.vector_store_idx %arg5[%shift_right_logical3A_1307, %and3A_1310], %broadcast_in_dim3A_35 masked %lt3A_1305 : memref<256x256xf32, #tpu.memory_space<vmem>>[vector<16xi32>, vector<16xi32>], vector<16xf32>, vector<16xi1>
      %mul3A_1311 = arith.constant 4 : i32
      %mul3A_1312 = arith.muli %scan3A_1295, %mul3A_1311 : i32
      %add3A_1313 = arith.constant 1 : i32
      %add3A_1314 = arith.addi %mul3A_1312, %add3A_1313 : i32
      %mul3A_1315 = arith.constant 16 : i32
      %mul3A_1316 = arith.muli %add3A_1314, %mul3A_1315 : i32
      %get3A_1317 = arith.index_cast %mul3A_1316 : i32 to index
      %get3A_1318 = tpu.vector_load %arg6[%get3A_1317] {strides = array<i32>} : memref<4224xi32, #tpu.memory_space<vmem>>, vector<16xi32>,
      %lt3A_1319 = arith.constant 65536 : i32
      %lt3A_1320 = vector.broadcast %lt3A_1319 : i32 to vector<16xi32>
      %lt3A_1321 = arith.cmpi slt, %get3A_1318, %lt3A_1320 : vector<16xi32>
      %shift_right_logical3A_1322 = arith.constant 8 : i32
      %shift_right_logical3A_1323 = vector.broadcast %shift_right_logical3A_1322 : i32 to vector<16xi32>
      %shift_right_logical3A_1324 = arith.shrui %get3A_1318, %shift_right_logical3A_1323 : vector<16xi32>
      %and3A_1325 = arith.constant 255 : i32
      %and3A_1326 = vector.broadcast %and3A_1325 : i32 to vector<16xi32>
      %and3A_1327 = arith.andi %get3A_1318, %and3A_1326 : vector<16xi32>
      tpu.vector_store_idx %arg5[%shift_right_logical3A_1324, %and3A_1327], %broadcast_in_dim3A_35 masked %lt3A_1321 : memref<256x256xf32, #tpu.memory_space<vmem>>[vector<16xi32>, vector<16xi32>], vector<16xf32>, vector<16xi1>
      %mul3A_1328 = arith.constant 4 : i32
      %mul3A_1329 = arith.muli %scan3A_1295, %mul3A_1328 : i32
      %add3A_1330 = arith.constant 2 : i32
      %add3A_1331 = arith.addi %mul3A_1329, %add3A_1330 : i32
      %mul3A_1332 = arith.constant 16 : i32
      %mul3A_1333 = arith.muli %add3A_1331, %mul3A_1332 : i32
      %get3A_1334 = arith.index_cast %mul3A_1333 : i32 to index
      %get3A_1335 = tpu.vector_load %arg6[%get3A_1334] {strides = array<i32>} : memref<4224xi32, #tpu.memory_space<vmem>>, vector<16xi32>,
      %lt3A_1336 = arith.constant 65536 : i32
      %lt3A_1337 = vector.broadcast %lt3A_1336 : i32 to vector<16xi32>
      %lt3A_1338 = arith.cmpi slt, %get3A_1335, %lt3A_1337 : vector<16xi32>
      %shift_right_logical3A_1339 = arith.constant 8 : i32
      %shift_right_logical3A_1340 = vector.broadcast %shift_right_logical3A_1339 : i32 to vector<16xi32>
      %shift_right_logical3A_1341 = arith.shrui %get3A_1335, %shift_right_logical3A_1340 : vector<16xi32>
      %and3A_1342 = arith.constant 255 : i32
      %and3A_1343 = vector.broadcast %and3A_1342 : i32 to vector<16xi32>
      %and3A_1344 = arith.andi %get3A_1335, %and3A_1343 : vector<16xi32>
      tpu.vector_store_idx %arg5[%shift_right_logical3A_1341, %and3A_1344], %broadcast_in_dim3A_35 masked %lt3A_1338 : memref<256x256xf32, #tpu.memory_space<vmem>>[vector<16xi32>, vector<16xi32>], vector<16xf32>, vector<16xi1>
      %mul3A_1345 = arith.constant 4 : i32
      %mul3A_1346 = arith.muli %scan3A_1295, %mul3A_1345 : i32
      %add3A_1347 = arith.constant 3 : i32
      %add3A_1348 = arith.addi %mul3A_1346, %add3A_1347 : i32
      %mul3A_1349 = arith.constant 16 : i32
      %mul3A_1350 = arith.muli %add3A_1348, %mul3A_1349 : i32
      %get3A_1351 = arith.index_cast %mul3A_1350 : i32 to index
      %get3A_1352 = tpu.vector_load %arg6[%get3A_1351] {strides = array<i32>} : memref<4224xi32, #tpu.memory_space<vmem>>, vector<16xi32>,
      %lt3A_1353 = arith.constant 65536 : i32
      %lt3A_1354 = vector.broadcast %lt3A_1353 : i32 to vector<16xi32>
      %lt3A_1355 = arith.cmpi slt, %get3A_1352, %lt3A_1354 : vector<16xi32>
      %shift_right_logical3A_1356 = arith.constant 8 : i32
      %shift_right_logical3A_1357 = vector.broadcast %shift_right_logical3A_1356 : i32 to vector<16xi32>
      %shift_right_logical3A_1358 = arith.shrui %get3A_1352, %shift_right_logical3A_1357 : vector<16xi32>
      %and3A_1359 = arith.constant 255 : i32
      %and3A_1360 = vector.broadcast %and3A_1359 : i32 to vector<16xi32>
      %and3A_1361 = arith.andi %get3A_1352, %and3A_1360 : vector<16xi32>
      tpu.vector_store_idx %arg5[%shift_right_logical3A_1358, %and3A_1361], %broadcast_in_dim3A_35 masked %lt3A_1355 : memref<256x256xf32, #tpu.memory_space<vmem>>[vector<16xi32>, vector<16xi32>], vector<16xf32>, vector<16xi1>
    }
    %scan3A_1076 = arith.constant 66 : i32
    %add3A_1077 = arith.constant 6 : i32
    %add3A_1078 = arith.addi %mul3A_32, %add3A_1077 : i32
    %dma_wait3A_1079 = arith.constant 0 : i32
    %dma_wait3A_1080 = tpu.memref_slice %arg7[%dma_wait3A_1079] : memref<4224xf32, #tpu.memory_space<vmem>> -> memref<704xf32, #tpu.memory_space<vmem>>
    %dma_wait3A_1081 = tpu.memref_slice %arg2[%mul3A_967] : memref<1081344xf32, #tpu.memory_space<hbm>> -> memref<704xf32, #tpu.memory_space<hbm>>
    %dma_wait3A_1082 = arith.constant 0 : i32
    %dma_wait3A_1083 = tpu.memref_slice %arg7[%dma_wait3A_1082] : memref<4224xf32, #tpu.memory_space<vmem>> -> memref<704xf32, #tpu.memory_space<vmem>>
    %dma_wait3A_1084 = tpu.memref_slice %arg2[%mul3A_967] : memref<1081344xf32, #tpu.memory_space<hbm>> -> memref<704xf32, #tpu.memory_space<hbm>>
    tpu.wait_dma2 semaphore(%arg9 : memref<!tpu.dma_semaphore, #tpu.memory_space<semaphore_mem>>) src(%dma_wait3A_1084 : memref<704xf32, #tpu.memory_space<hbm>>) dst(%dma_wait3A_1083 : memref<704xf32, #tpu.memory_space<vmem>>)
    %dma_wait3A_1085 = arith.constant 704 : i32
    %dma_wait3A_1086 = tpu.memref_slice %arg7[%dma_wait3A_1085] : memref<4224xf32, #tpu.memory_space<vmem>> -> memref<704xf32, #tpu.memory_space<vmem>>
    %dma_wait3A_1087 = tpu.memref_slice %arg2[%mul3A_982] : memref<1081344xf32, #tpu.memory_space<hbm>> -> memref<704xf32, #tpu.memory_space<hbm>>
    %dma_wait3A_1088 = arith.constant 704 : i32
    %dma_wait3A_1089 = tpu.memref_slice %arg7[%dma_wait3A_1088] : memref<4224xf32, #tpu.memory_space<vmem>> -> memref<704xf32, #tpu.memory_space<vmem>>
    %dma_wait3A_1090 = tpu.memref_slice %arg2[%mul3A_982] : memref<1081344xf32, #tpu.memory_space<hbm>> -> memref<704xf32, #tpu.memory_space<hbm>>
    tpu.wait_dma2 semaphore(%arg9 : memref<!tpu.dma_semaphore, #tpu.memory_space<semaphore_mem>>) src(%dma_wait3A_1090 : memref<704xf32, #tpu.memory_space<hbm>>) dst(%dma_wait3A_1089 : memref<704xf32, #tpu.memory_space<vmem>>)
    %dma_wait3A_1091 = arith.constant 1408 : i32
    %dma_wait3A_1092 = tpu.memref_slice %arg7[%dma_wait3A_1091] : memref<4224xf32, #tpu.memory_space<vmem>> -> memref<704xf32, #tpu.memory_space<vmem>>
    %dma_wait3A_1093 = tpu.memref_slice %arg2[%mul3A_997] : memref<1081344xf32, #tpu.memory_space<hbm>> -> memref<704xf32, #tpu.memory_space<hbm>>
    %dma_wait3A_1094 = arith.constant 1408 : i32
    %dma_wait3A_1095 = tpu.memref_slice %arg7[%dma_wait3A_1094] : memref<4224xf32, #tpu.memory_space<vmem>> -> memref<704xf32, #tpu.memory_space<vmem>>
    %dma_wait3A_1096 = tpu.memref_slice %arg2[%mul3A_997] : memref<1081344xf32, #tpu.memory_space<hbm>> -> memref<704xf32, #tpu.memory_space<hbm>>
    tpu.wait_dma2 semaphore(%arg9 : memref<!tpu.dma_semaphore, #tpu.memory_space<semaphore_mem>>) src(%dma_wait3A_1096 : memref<704xf32, #tpu.memory_space<hbm>>) dst(%dma_wait3A_1095 : memref<704xf32, #tpu.memory_space<vmem>>)
    %dma_wait3A_1097 = arith.constant 2112 : i32
    %dma_wait3A_1098 = tpu.memref_slice %arg7[%dma_wait3A_1097] : memref<4224xf32, #tpu.memory_space<vmem>> -> memref<704xf32, #tpu.memory_space<vmem>>
    %dma_wait3A_1099 = tpu.memref_slice %arg2[%mul3A_1012] : memref<1081344xf32, #tpu.memory_space<hbm>> -> memref<704xf32, #tpu.memory_space<hbm>>
    %dma_wait3A_1100 = arith.constant 2112 : i32
    %dma_wait3A_1101 = tpu.memref_slice %arg7[%dma_wait3A_1100] : memref<4224xf32, #tpu.memory_space<vmem>> -> memref<704xf32, #tpu.memory_space<vmem>>
    %dma_wait3A_1102 = tpu.memref_slice %arg2[%mul3A_1012] : memref<1081344xf32, #tpu.memory_space<hbm>> -> memref<704xf32, #tpu.memory_space<hbm>>
    tpu.wait_dma2 semaphore(%arg9 : memref<!tpu.dma_semaphore, #tpu.memory_space<semaphore_mem>>) src(%dma_wait3A_1102 : memref<704xf32, #tpu.memory_space<hbm>>) dst(%dma_wait3A_1101 : memref<704xf32, #tpu.memory_space<vmem>>)
    %dma_wait3A_1103 = arith.constant 2816 : i32
    %dma_wait3A_1104 = tpu.memref_slice %arg7[%dma_wait3A_1103] : memref<4224xf32, #tpu.memory_space<vmem>> -> memref<704xf32, #tpu.memory_space<vmem>>
    %dma_wait3A_1105 = tpu.memref_slice %arg2[%mul3A_1027] : memref<1081344xf32, #tpu.memory_space<hbm>> -> memref<704xf32, #tpu.memory_space<hbm>>
    %dma_wait3A_1106 = arith.constant 2816 : i32
    %dma_wait3A_1107 = tpu.memref_slice %arg7[%dma_wait3A_1106] : memref<4224xf32, #tpu.memory_space<vmem>> -> memref<704xf32, #tpu.memory_space<vmem>>
    %dma_wait3A_1108 = tpu.memref_slice %arg2[%mul3A_1027] : memref<1081344xf32, #tpu.memory_space<hbm>> -> memref<704xf32, #tpu.memory_space<hbm>>
    tpu.wait_dma2 semaphore(%arg9 : memref<!tpu.dma_semaphore, #tpu.memory_space<semaphore_mem>>) src(%dma_wait3A_1108 : memref<704xf32, #tpu.memory_space<hbm>>) dst(%dma_wait3A_1107 : memref<704xf32, #tpu.memory_space<vmem>>)
    %dma_wait3A_1109 = arith.constant 3520 : i32
    %dma_wait3A_1110 = tpu.memref_slice %arg7[%dma_wait3A_1109] : memref<4224xf32, #tpu.memory_space<vmem>> -> memref<704xf32, #tpu.memory_space<vmem>>
    %dma_wait3A_1111 = tpu.memref_slice %arg2[%mul3A_1042] : memref<1081344xf32, #tpu.memory_space<hbm>> -> memref<704xf32, #tpu.memory_space<hbm>>
    %dma_wait3A_1112 = arith.constant 3520 : i32
    %dma_wait3A_1113 = tpu.memref_slice %arg7[%dma_wait3A_1112] : memref<4224xf32, #tpu.memory_space<vmem>> -> memref<704xf32, #tpu.memory_space<vmem>>
    %dma_wait3A_1114 = tpu.memref_slice %arg2[%mul3A_1042] : memref<1081344xf32, #tpu.memory_space<hbm>> -> memref<704xf32, #tpu.memory_space<hbm>>
    tpu.wait_dma2 semaphore(%arg9 : memref<!tpu.dma_semaphore, #tpu.memory_space<semaphore_mem>>) src(%dma_wait3A_1114 : memref<704xf32, #tpu.memory_space<hbm>>) dst(%dma_wait3A_1113 : memref<704xf32, #tpu.memory_space<vmem>>)
    %add3A_1115 = arith.constant 1 : i32
    %add3A_1116 = arith.addi %add3A_1078, %add3A_1115 : i32
    %mul3A_1117 = arith.constant 6 : i32
    %mul3A_1118 = arith.muli %select_n3A, %mul3A_1117 : i32
    %add3A_1119 = arith.constant 0 : i32
    %add3A_1120 = arith.addi %mul3A_1118, %add3A_1119 : i32
    %mul3A_1121 = arith.constant 64 : i32
    %mul3A_1122 = arith.muli %add3A_1120, %mul3A_1121 : i32
    %add3A_1123 = arith.addi %mul3A_1122, %add3A_1116 : i32
    %mul3A_1124 = arith.constant 704 : i32
    %mul3A_1125 = arith.muli %add3A_1123, %mul3A_1124 : i32
    %dma_start3A_1126 = arith.constant 0 : i32
    %dma_start3A_1127 = tpu.memref_slice %arg8[%dma_start3A_1126] : memref<4224xf32, #tpu.memory_space<vmem>> -> memref<704xf32, #tpu.memory_space<vmem>>
    %dma_start3A_1128 = tpu.memref_slice %arg2[%mul3A_1125] : memref<1081344xf32, #tpu.memory_space<hbm>> -> memref<704xf32, #tpu.memory_space<hbm>>
    %dma_start3A_1129 = arith.constant 0 : i32
    %dma_start3A_1130 = tpu.memref_slice %arg8[%dma_start3A_1129] : memref<4224xf32, #tpu.memory_space<vmem>> -> memref<704xf32, #tpu.memory_space<vmem>>
    %dma_start3A_1131 = tpu.memref_slice %arg2[%mul3A_1125] : memref<1081344xf32, #tpu.memory_space<hbm>> -> memref<704xf32, #tpu.memory_space<hbm>>
    tpu.enqueue_dma source(%dma_start3A_1131 : memref<704xf32, #tpu.memory_space<hbm>>) target(%dma_start3A_1130 : memref<704xf32, #tpu.memory_space<vmem>>) target_semaphore(%arg9 : memref<!tpu.dma_semaphore, #tpu.memory_space<semaphore_mem>>)
    %mul3A_1132 = arith.constant 6 : i32
    %mul3A_1133 = arith.muli %select_n3A, %mul3A_1132 : i32
    %add3A_1134 = arith.constant 1 : i32
    %add3A_1135 = arith.addi %mul3A_1133, %add3A_1134 : i32
    %mul3A_1136 = arith.constant 64 : i32
    %mul3A_1137 = arith.muli %add3A_1135, %mul3A_1136 : i32
    %add3A_1138 = arith.addi %mul3A_1137, %add3A_1116 : i32
    %mul3A_1139 = arith.constant 704 : i32
    %mul3A_1140 = arith.muli %add3A_1138, %mul3A_1139 : i32
    %dma_start3A_1141 = arith.constant 704 : i32
    %dma_start3A_1142 = tpu.memref_slice %arg8[%dma_start3A_1141] : memref<4224xf32, #tpu.memory_space<vmem>> -> memref<704xf32, #tpu.memory_space<vmem>>
    %dma_start3A_1143 = tpu.memref_slice %arg2[%mul3A_1140] : memref<1081344xf32, #tpu.memory_space<hbm>> -> memref<704xf32, #tpu.memory_space<hbm>>
    %dma_start3A_1144 = arith.constant 704 : i32
    %dma_start3A_1145 = tpu.memref_slice %arg8[%dma_start3A_1144] : memref<4224xf32, #tpu.memory_space<vmem>> -> memref<704xf32, #tpu.memory_space<vmem>>
    %dma_start3A_1146 = tpu.memref_slice %arg2[%mul3A_1140] : memref<1081344xf32, #tpu.memory_space<hbm>> -> memref<704xf32, #tpu.memory_space<hbm>>
    tpu.enqueue_dma source(%dma_start3A_1146 : memref<704xf32, #tpu.memory_space<hbm>>) target(%dma_start3A_1145 : memref<704xf32, #tpu.memory_space<vmem>>) target_semaphore(%arg9 : memref<!tpu.dma_semaphore, #tpu.memory_space<semaphore_mem>>)
    %mul3A_1147 = arith.constant 6 : i32
    %mul3A_1148 = arith.muli %select_n3A, %mul3A_1147 : i32
    %add3A_1149 = arith.constant 2 : i32
    %add3A_1150 = arith.addi %mul3A_1148, %add3A_1149 : i32
    %mul3A_1151 = arith.constant 64 : i32
    %mul3A_1152 = arith.muli %add3A_1150, %mul3A_1151 : i32
    %add3A_1153 = arith.addi %mul3A_1152, %add3A_1116 : i32
    %mul3A_1154 = arith.constant 704 : i32
    %mul3A_1155 = arith.muli %add3A_1153, %mul3A_1154 : i32
    %dma_start3A_1156 = arith.constant 1408 : i32
    %dma_start3A_1157 = tpu.memref_slice %arg8[%dma_start3A_1156] : memref<4224xf32, #tpu.memory_space<vmem>> -> memref<704xf32, #tpu.memory_space<vmem>>
    %dma_start3A_1158 = tpu.memref_slice %arg2[%mul3A_1155] : memref<1081344xf32, #tpu.memory_space<hbm>> -> memref<704xf32, #tpu.memory_space<hbm>>
    %dma_start3A_1159 = arith.constant 1408 : i32
    %dma_start3A_1160 = tpu.memref_slice %arg8[%dma_start3A_1159] : memref<4224xf32, #tpu.memory_space<vmem>> -> memref<704xf32, #tpu.memory_space<vmem>>
    %dma_start3A_1161 = tpu.memref_slice %arg2[%mul3A_1155] : memref<1081344xf32, #tpu.memory_space<hbm>> -> memref<704xf32, #tpu.memory_space<hbm>>
    tpu.enqueue_dma source(%dma_start3A_1161 : memref<704xf32, #tpu.memory_space<hbm>>) target(%dma_start3A_1160 : memref<704xf32, #tpu.memory_space<vmem>>) target_semaphore(%arg9 : memref<!tpu.dma_semaphore, #tpu.memory_space<semaphore_mem>>)
    %mul3A_1162 = arith.constant 6 : i32
    %mul3A_1163 = arith.muli %select_n3A, %mul3A_1162 : i32
    %add3A_1164 = arith.constant 3 : i32
    %add3A_1165 = arith.addi %mul3A_1163, %add3A_1164 : i32
    %mul3A_1166 = arith.constant 64 : i32
    %mul3A_1167 = arith.muli %add3A_1165, %mul3A_1166 : i32
    %add3A_1168 = arith.addi %mul3A_1167, %add3A_1116 : i32
    %mul3A_1169 = arith.constant 704 : i32
    %mul3A_1170 = arith.muli %add3A_1168, %mul3A_1169 : i32
    %dma_start3A_1171 = arith.constant 2112 : i32
    %dma_start3A_1172 = tpu.memref_slice %arg8[%dma_start3A_1171] : memref<4224xf32, #tpu.memory_space<vmem>> -> memref<704xf32, #tpu.memory_space<vmem>>
    %dma_start3A_1173 = tpu.memref_slice %arg2[%mul3A_1170] : memref<1081344xf32, #tpu.memory_space<hbm>> -> memref<704xf32, #tpu.memory_space<hbm>>
    %dma_start3A_1174 = arith.constant 2112 : i32
    %dma_start3A_1175 = tpu.memref_slice %arg8[%dma_start3A_1174] : memref<4224xf32, #tpu.memory_space<vmem>> -> memref<704xf32, #tpu.memory_space<vmem>>
    %dma_start3A_1176 = tpu.memref_slice %arg2[%mul3A_1170] : memref<1081344xf32, #tpu.memory_space<hbm>> -> memref<704xf32, #tpu.memory_space<hbm>>
    tpu.enqueue_dma source(%dma_start3A_1176 : memref<704xf32, #tpu.memory_space<hbm>>) target(%dma_start3A_1175 : memref<704xf32, #tpu.memory_space<vmem>>) target_semaphore(%arg9 : memref<!tpu.dma_semaphore, #tpu.memory_space<semaphore_mem>>)
    %mul3A_1177 = arith.constant 6 : i32
    %mul3A_1178 = arith.muli %select_n3A, %mul3A_1177 : i32
    %add3A_1179 = arith.constant 4 : i32
    %add3A_1180 = arith.addi %mul3A_1178, %add3A_1179 : i32
    %mul3A_1181 = arith.constant 64 : i32
    %mul3A_1182 = arith.muli %add3A_1180, %mul3A_1181 : i32
    %add3A_1183 = arith.addi %mul3A_1182, %add3A_1116 : i32
    %mul3A_1184 = arith.constant 704 : i32
    %mul3A_1185 = arith.muli %add3A_1183, %mul3A_1184 : i32
    %dma_start3A_1186 = arith.constant 2816 : i32
    %dma_start3A_1187 = tpu.memref_slice %arg8[%dma_start3A_1186] : memref<4224xf32, #tpu.memory_space<vmem>> -> memref<704xf32, #tpu.memory_space<vmem>>
    %dma_start3A_1188 = tpu.memref_slice %arg2[%mul3A_1185] : memref<1081344xf32, #tpu.memory_space<hbm>> -> memref<704xf32, #tpu.memory_space<hbm>>
    %dma_start3A_1189 = arith.constant 2816 : i32
    %dma_start3A_1190 = tpu.memref_slice %arg8[%dma_start3A_1189] : memref<4224xf32, #tpu.memory_space<vmem>> -> memref<704xf32, #tpu.memory_space<vmem>>
    %dma_start3A_1191 = tpu.memref_slice %arg2[%mul3A_1185] : memref<1081344xf32, #tpu.memory_space<hbm>> -> memref<704xf32, #tpu.memory_space<hbm>>
    tpu.enqueue_dma source(%dma_start3A_1191 : memref<704xf32, #tpu.memory_space<hbm>>) target(%dma_start3A_1190 : memref<704xf32, #tpu.memory_space<vmem>>) target_semaphore(%arg9 : memref<!tpu.dma_semaphore, #tpu.memory_space<semaphore_mem>>)
    %mul3A_1192 = arith.constant 6 : i32
    %mul3A_1193 = arith.muli %select_n3A, %mul3A_1192 : i32
    %add3A_1194 = arith.constant 5 : i32
    %add3A_1195 = arith.addi %mul3A_1193, %add3A_1194 : i32
    %mul3A_1196 = arith.constant 64 : i32
    %mul3A_1197 = arith.muli %add3A_1195, %mul3A_1196 : i32
    %add3A_1198 = arith.addi %mul3A_1197, %add3A_1116 : i32
    %mul3A_1199 = arith.constant 704 : i32
    %mul3A_1200 = arith.muli %add3A_1198, %mul3A_1199 : i32
    %dma_start3A_1201 = arith.constant 3520 : i32
    %dma_start3A_1202 = tpu.memref_slice %arg8[%dma_start3A_1201] : memref<4224xf32, #tpu.memory_space<vmem>> -> memref<704xf32, #tpu.memory_space<vmem>>
    %dma_start3A_1203 = tpu.memref_slice %arg2[%mul3A_1200] : memref<1081344xf32, #tpu.memory_space<hbm>> -> memref<704xf32, #tpu.memory_space<hbm>>
    %dma_start3A_1204 = arith.constant 3520 : i32
    %dma_start3A_1205 = tpu.memref_slice %arg8[%dma_start3A_1204] : memref<4224xf32, #tpu.memory_space<vmem>> -> memref<704xf32, #tpu.memory_space<vmem>>
    %dma_start3A_1206 = tpu.memref_slice %arg2[%mul3A_1200] : memref<1081344xf32, #tpu.memory_space<hbm>> -> memref<704xf32, #tpu.memory_space<hbm>>
    tpu.enqueue_dma source(%dma_start3A_1206 : memref<704xf32, #tpu.memory_space<hbm>>) target(%dma_start3A_1205 : memref<704xf32, #tpu.memory_space<vmem>>) target_semaphore(%arg9 : memref<!tpu.dma_semaphore, #tpu.memory_space<semaphore_mem>>)
    %scan3A_1207 = arith.constant 0 : i32
    %scan3A_1208 = arith.constant 0 : i32
    %scan3A_1209 = arith.constant 66 : i32
    %scan3A_1210 = arith.addi %scan3A_1208, %scan3A_1209 : i32
    %scan3A_1211 = arith.constant 1 : i32
    scf.for %scan3A_1295 = %scan3A_1208 to %scan3A_1210 step %scan3A_1211  : i32 {
      %mul3A_1296 = arith.constant 4 : i32
      %mul3A_1297 = arith.muli %scan3A_1295, %mul3A_1296 : i32
      %add3A_1298 = arith.constant 0 : i32
      %add3A_1299 = arith.addi %mul3A_1297, %add3A_1298 : i32
      %mul3A_1300 = arith.constant 16 : i32
      %mul3A_1301 = arith.muli %add3A_1299, %mul3A_1300 : i32
      %get3A = arith.index_cast %mul3A_1301 : i32 to index
      %get3A_1302 = tpu.vector_load %arg6[%get3A] {strides = array<i32>} : memref<4224xi32, #tpu.memory_space<vmem>>, vector<16xi32>,
      %lt3A_1303 = arith.constant 65536 : i32
      %lt3A_1304 = vector.broadcast %lt3A_1303 : i32 to vector<16xi32>
      %lt3A_1305 = arith.cmpi slt, %get3A_1302, %lt3A_1304 : vector<16xi32>
      %shift_right_logical3A = arith.constant 8 : i32
      %shift_right_logical3A_1306 = vector.broadcast %shift_right_logical3A : i32 to vector<16xi32>
      %shift_right_logical3A_1307 = arith.shrui %get3A_1302, %shift_right_logical3A_1306 : vector<16xi32>
      %and3A_1308 = arith.constant 255 : i32
      %and3A_1309 = vector.broadcast %and3A_1308 : i32 to vector<16xi32>
      %and3A_1310 = arith.andi %get3A_1302, %and3A_1309 : vector<16xi32>
      %get3A_1311 = arith.index_cast %mul3A_1301 : i32 to index
      %get3A_1312 = tpu.vector_load %arg7[%get3A_1311] {strides = array<i32>} : memref<4224xf32, #tpu.memory_space<vmem>>, vector<16xf32>,
      tpu.vector_store_idx %arg5[%shift_right_logical3A_1307, %and3A_1310], %get3A_1312 masked %lt3A_1305 {add = true} : memref<256x256xf32, #tpu.memory_space<vmem>>[vector<16xi32>, vector<16xi32>], vector<16xf32>, vector<16xi1>
      %mul3A_1313 = arith.constant 4 : i32
      %mul3A_1314 = arith.muli %scan3A_1295, %mul3A_1313 : i32
      %add3A_1315 = arith.constant 1 : i32
      %add3A_1316 = arith.addi %mul3A_1314, %add3A_1315 : i32
      %mul3A_1317 = arith.constant 16 : i32
      %mul3A_1318 = arith.muli %add3A_1316, %mul3A_1317 : i32
      %get3A_1319 = arith.index_cast %mul3A_1318 : i32 to index
      %get3A_1320 = tpu.vector_load %arg6[%get3A_1319] {strides = array<i32>} : memref<4224xi32, #tpu.memory_space<vmem>>, vector<16xi32>,
      %lt3A_1321 = arith.constant 65536 : i32
      %lt3A_1322 = vector.broadcast %lt3A_1321 : i32 to vector<16xi32>
      %lt3A_1323 = arith.cmpi slt, %get3A_1320, %lt3A_1322 : vector<16xi32>
      %shift_right_logical3A_1324 = arith.constant 8 : i32
      %shift_right_logical3A_1325 = vector.broadcast %shift_right_logical3A_1324 : i32 to vector<16xi32>
      %shift_right_logical3A_1326 = arith.shrui %get3A_1320, %shift_right_logical3A_1325 : vector<16xi32>
      %and3A_1327 = arith.constant 255 : i32
      %and3A_1328 = vector.broadcast %and3A_1327 : i32 to vector<16xi32>
      %and3A_1329 = arith.andi %get3A_1320, %and3A_1328 : vector<16xi32>
      %get3A_1330 = arith.index_cast %mul3A_1318 : i32 to index
      %get3A_1331 = tpu.vector_load %arg7[%get3A_1330] {strides = array<i32>} : memref<4224xf32, #tpu.memory_space<vmem>>, vector<16xf32>,
      tpu.vector_store_idx %arg5[%shift_right_logical3A_1326, %and3A_1329], %get3A_1331 masked %lt3A_1323 {add = true} : memref<256x256xf32, #tpu.memory_space<vmem>>[vector<16xi32>, vector<16xi32>], vector<16xf32>, vector<16xi1>
      %mul3A_1332 = arith.constant 4 : i32
      %mul3A_1333 = arith.muli %scan3A_1295, %mul3A_1332 : i32
      %add3A_1334 = arith.constant 2 : i32
      %add3A_1335 = arith.addi %mul3A_1333, %add3A_1334 : i32
      %mul3A_1336 = arith.constant 16 : i32
      %mul3A_1337 = arith.muli %add3A_1335, %mul3A_1336 : i32
      %get3A_1338 = arith.index_cast %mul3A_1337 : i32 to index
      %get3A_1339 = tpu.vector_load %arg6[%get3A_1338] {strides = array<i32>} : memref<4224xi32, #tpu.memory_space<vmem>>, vector<16xi32>,
      %lt3A_1340 = arith.constant 65536 : i32
      %lt3A_1341 = vector.broadcast %lt3A_1340 : i32 to vector<16xi32>
      %lt3A_1342 = arith.cmpi slt, %get3A_1339, %lt3A_1341 : vector<16xi32>
      %shift_right_logical3A_1343 = arith.constant 8 : i32
      %shift_right_logical3A_1344 = vector.broadcast %shift_right_logical3A_1343 : i32 to vector<16xi32>
      %shift_right_logical3A_1345 = arith.shrui %get3A_1339, %shift_right_logical3A_1344 : vector<16xi32>
      %and3A_1346 = arith.constant 255 : i32
      %and3A_1347 = vector.broadcast %and3A_1346 : i32 to vector<16xi32>
      %and3A_1348 = arith.andi %get3A_1339, %and3A_1347 : vector<16xi32>
      %get3A_1349 = arith.index_cast %mul3A_1337 : i32 to index
      %get3A_1350 = tpu.vector_load %arg7[%get3A_1349] {strides = array<i32>} : memref<4224xf32, #tpu.memory_space<vmem>>, vector<16xf32>,
      tpu.vector_store_idx %arg5[%shift_right_logical3A_1345, %and3A_1348], %get3A_1350 masked %lt3A_1342 {add = true} : memref<256x256xf32, #tpu.memory_space<vmem>>[vector<16xi32>, vector<16xi32>], vector<16xf32>, vector<16xi1>
      %mul3A_1351 = arith.constant 4 : i32
      %mul3A_1352 = arith.muli %scan3A_1295, %mul3A_1351 : i32
      %add3A_1353 = arith.constant 3 : i32
      %add3A_1354 = arith.addi %mul3A_1352, %add3A_1353 : i32
      %mul3A_1355 = arith.constant 16 : i32
      %mul3A_1356 = arith.muli %add3A_1354, %mul3A_1355 : i32
      %get3A_1357 = arith.index_cast %mul3A_1356 : i32 to index
      %get3A_1358 = tpu.vector_load %arg6[%get3A_1357] {strides = array<i32>} : memref<4224xi32, #tpu.memory_space<vmem>>, vector<16xi32>,
      %lt3A_1359 = arith.constant 65536 : i32
      %lt3A_1360 = vector.broadcast %lt3A_1359 : i32 to vector<16xi32>
      %lt3A_1361 = arith.cmpi slt, %get3A_1358, %lt3A_1360 : vector<16xi32>
      %shift_right_logical3A_1362 = arith.constant 8 : i32
      %shift_right_logical3A_1363 = vector.broadcast %shift_right_logical3A_1362 : i32 to vector<16xi32>
      %shift_right_logical3A_1364 = arith.shrui %get3A_1358, %shift_right_logical3A_1363 : vector<16xi32>
      %and3A_1365 = arith.constant 255 : i32
      %and3A_1366 = vector.broadcast %and3A_1365 : i32 to vector<16xi32>
      %and3A_1367 = arith.andi %get3A_1358, %and3A_1366 : vector<16xi32>
      %get3A_1368 = arith.index_cast %mul3A_1356 : i32 to index
      %get3A_1369 = tpu.vector_load %arg7[%get3A_1368] {strides = array<i32>} : memref<4224xf32, #tpu.memory_space<vmem>>, vector<16xf32>,
      tpu.vector_store_idx %arg5[%shift_right_logical3A_1364, %and3A_1367], %get3A_1369 masked %lt3A_1361 {add = true} : memref<256x256xf32, #tpu.memory_space<vmem>>[vector<16xi32>, vector<16xi32>], vector<16xf32>, vector<16xi1>
    }
    %scan3A_1212 = arith.constant 66 : i32
    %dma_start3A_1213 = arith.constant 0 : i32
    %dma_start3A_1214 = arith.constant 0 : i32
    %dma_start3A_1215 = tpu.memref_slice %arg4[%select_n3A, %add3A_1078, %dma_start3A_1213, %dma_start3A_1214] : memref<4x64x256x256xf32, #tpu.memory_space<hbm>> -> memref<1x1x256x256xf32, #tpu.memory_space<hbm>>
    %dma_start3A_1216 = tpu.memref_squeeze %dma_start3A_1215 : memref<1x1x256x256xf32, #tpu.memory_space<hbm>> -> memref<256x256xf32, #tpu.memory_space<hbm>>
    %dma_start3A_1217 = arith.constant 0 : i32
    %dma_start3A_1218 = arith.constant 0 : i32
    %dma_start3A_1219 = tpu.memref_slice %arg4[%select_n3A, %add3A_1078, %dma_start3A_1217, %dma_start3A_1218] : memref<4x64x256x256xf32, #tpu.memory_space<hbm>> -> memref<1x1x256x256xf32, #tpu.memory_space<hbm>>
    %dma_start3A_1220 = tpu.memref_squeeze %dma_start3A_1219 : memref<1x1x256x256xf32, #tpu.memory_space<hbm>> -> memref<256x256xf32, #tpu.memory_space<hbm>>
    tpu.enqueue_dma source(%arg5 : memref<256x256xf32, #tpu.memory_space<vmem>>) target(%dma_start3A_1220 : memref<256x256xf32, #tpu.memory_space<hbm>>) target_semaphore(%arg10 : memref<!tpu.dma_semaphore, #tpu.memory_space<semaphore_mem>>)
    %dma_wait3A_1221 = arith.constant 0 : i32
    %dma_wait3A_1222 = arith.constant 0 : i32
    %dma_wait3A_1223 = tpu.memref_slice %arg4[%select_n3A, %add3A_1078, %dma_wait3A_1221, %dma_wait3A_1222] : memref<4x64x256x256xf32, #tpu.memory_space<hbm>> -> memref<1x1x256x256xf32, #tpu.memory_space<hbm>>
    %dma_wait3A_1224 = tpu.memref_squeeze %dma_wait3A_1223 : memref<1x1x256x256xf32, #tpu.memory_space<hbm>> -> memref<256x256xf32, #tpu.memory_space<hbm>>
    %dma_wait3A_1225 = arith.constant 0 : i32
    %dma_wait3A_1226 = arith.constant 0 : i32
    %dma_wait3A_1227 = tpu.memref_slice %arg4[%select_n3A, %add3A_1078, %dma_wait3A_1225, %dma_wait3A_1226] : memref<4x64x256x256xf32, #tpu.memory_space<hbm>> -> memref<1x1x256x256xf32, #tpu.memory_space<hbm>>
    %dma_wait3A_1228 = tpu.memref_squeeze %dma_wait3A_1227 : memref<1x1x256x256xf32, #tpu.memory_space<hbm>> -> memref<256x256xf32, #tpu.memory_space<hbm>>
    tpu.wait_dma2 semaphore(%arg10 : memref<!tpu.dma_semaphore, #tpu.memory_space<semaphore_mem>>) src(%arg5 : memref<256x256xf32, #tpu.memory_space<vmem>>) dst(%dma_wait3A_1228 : memref<256x256xf32, #tpu.memory_space<hbm>>)
    %scan3A_1229 = arith.constant 0 : i32
    %scan3A_1230 = arith.constant 0 : i32
    %scan3A_1231 = arith.constant 66 : i32
    %scan3A_1232 = arith.addi %scan3A_1230, %scan3A_1231 : i32
    %scan3A_1233 = arith.constant 1 : i32
    scf.for %scan3A_1295 = %scan3A_1230 to %scan3A_1232 step %scan3A_1233  : i32 {
      %mul3A_1296 = arith.constant 4 : i32
      %mul3A_1297 = arith.muli %scan3A_1295, %mul3A_1296 : i32
      %add3A_1298 = arith.constant 0 : i32
      %add3A_1299 = arith.addi %mul3A_1297, %add3A_1298 : i32
      %mul3A_1300 = arith.constant 16 : i32
      %mul3A_1301 = arith.muli %add3A_1299, %mul3A_1300 : i32
      %get3A = arith.index_cast %mul3A_1301 : i32 to index
      %get3A_1302 = tpu.vector_load %arg6[%get3A] {strides = array<i32>} : memref<4224xi32, #tpu.memory_space<vmem>>, vector<16xi32>,
      %lt3A_1303 = arith.constant 65536 : i32
      %lt3A_1304 = vector.broadcast %lt3A_1303 : i32 to vector<16xi32>
      %lt3A_1305 = arith.cmpi slt, %get3A_1302, %lt3A_1304 : vector<16xi32>
      %shift_right_logical3A = arith.constant 8 : i32
      %shift_right_logical3A_1306 = vector.broadcast %shift_right_logical3A : i32 to vector<16xi32>
      %shift_right_logical3A_1307 = arith.shrui %get3A_1302, %shift_right_logical3A_1306 : vector<16xi32>
      %and3A_1308 = arith.constant 255 : i32
      %and3A_1309 = vector.broadcast %and3A_1308 : i32 to vector<16xi32>
      %and3A_1310 = arith.andi %get3A_1302, %and3A_1309 : vector<16xi32>
      tpu.vector_store_idx %arg5[%shift_right_logical3A_1307, %and3A_1310], %broadcast_in_dim3A_35 masked %lt3A_1305 : memref<256x256xf32, #tpu.memory_space<vmem>>[vector<16xi32>, vector<16xi32>], vector<16xf32>, vector<16xi1>
      %mul3A_1311 = arith.constant 4 : i32
      %mul3A_1312 = arith.muli %scan3A_1295, %mul3A_1311 : i32
      %add3A_1313 = arith.constant 1 : i32
      %add3A_1314 = arith.addi %mul3A_1312, %add3A_1313 : i32
      %mul3A_1315 = arith.constant 16 : i32
      %mul3A_1316 = arith.muli %add3A_1314, %mul3A_1315 : i32
      %get3A_1317 = arith.index_cast %mul3A_1316 : i32 to index
      %get3A_1318 = tpu.vector_load %arg6[%get3A_1317] {strides = array<i32>} : memref<4224xi32, #tpu.memory_space<vmem>>, vector<16xi32>,
      %lt3A_1319 = arith.constant 65536 : i32
      %lt3A_1320 = vector.broadcast %lt3A_1319 : i32 to vector<16xi32>
      %lt3A_1321 = arith.cmpi slt, %get3A_1318, %lt3A_1320 : vector<16xi32>
      %shift_right_logical3A_1322 = arith.constant 8 : i32
      %shift_right_logical3A_1323 = vector.broadcast %shift_right_logical3A_1322 : i32 to vector<16xi32>
      %shift_right_logical3A_1324 = arith.shrui %get3A_1318, %shift_right_logical3A_1323 : vector<16xi32>
      %and3A_1325 = arith.constant 255 : i32
      %and3A_1326 = vector.broadcast %and3A_1325 : i32 to vector<16xi32>
      %and3A_1327 = arith.andi %get3A_1318, %and3A_1326 : vector<16xi32>
      tpu.vector_store_idx %arg5[%shift_right_logical3A_1324, %and3A_1327], %broadcast_in_dim3A_35 masked %lt3A_1321 : memref<256x256xf32, #tpu.memory_space<vmem>>[vector<16xi32>, vector<16xi32>], vector<16xf32>, vector<16xi1>
      %mul3A_1328 = arith.constant 4 : i32
      %mul3A_1329 = arith.muli %scan3A_1295, %mul3A_1328 : i32
      %add3A_1330 = arith.constant 2 : i32
      %add3A_1331 = arith.addi %mul3A_1329, %add3A_1330 : i32
      %mul3A_1332 = arith.constant 16 : i32
      %mul3A_1333 = arith.muli %add3A_1331, %mul3A_1332 : i32
      %get3A_1334 = arith.index_cast %mul3A_1333 : i32 to index
      %get3A_1335 = tpu.vector_load %arg6[%get3A_1334] {strides = array<i32>} : memref<4224xi32, #tpu.memory_space<vmem>>, vector<16xi32>,
      %lt3A_1336 = arith.constant 65536 : i32
      %lt3A_1337 = vector.broadcast %lt3A_1336 : i32 to vector<16xi32>
      %lt3A_1338 = arith.cmpi slt, %get3A_1335, %lt3A_1337 : vector<16xi32>
      %shift_right_logical3A_1339 = arith.constant 8 : i32
      %shift_right_logical3A_1340 = vector.broadcast %shift_right_logical3A_1339 : i32 to vector<16xi32>
      %shift_right_logical3A_1341 = arith.shrui %get3A_1335, %shift_right_logical3A_1340 : vector<16xi32>
      %and3A_1342 = arith.constant 255 : i32
      %and3A_1343 = vector.broadcast %and3A_1342 : i32 to vector<16xi32>
      %and3A_1344 = arith.andi %get3A_1335, %and3A_1343 : vector<16xi32>
      tpu.vector_store_idx %arg5[%shift_right_logical3A_1341, %and3A_1344], %broadcast_in_dim3A_35 masked %lt3A_1338 : memref<256x256xf32, #tpu.memory_space<vmem>>[vector<16xi32>, vector<16xi32>], vector<16xf32>, vector<16xi1>
      %mul3A_1345 = arith.constant 4 : i32
      %mul3A_1346 = arith.muli %scan3A_1295, %mul3A_1345 : i32
      %add3A_1347 = arith.constant 3 : i32
      %add3A_1348 = arith.addi %mul3A_1346, %add3A_1347 : i32
      %mul3A_1349 = arith.constant 16 : i32
      %mul3A_1350 = arith.muli %add3A_1348, %mul3A_1349 : i32
      %get3A_1351 = arith.index_cast %mul3A_1350 : i32 to index
      %get3A_1352 = tpu.vector_load %arg6[%get3A_1351] {strides = array<i32>} : memref<4224xi32, #tpu.memory_space<vmem>>, vector<16xi32>,
      %lt3A_1353 = arith.constant 65536 : i32
      %lt3A_1354 = vector.broadcast %lt3A_1353 : i32 to vector<16xi32>
      %lt3A_1355 = arith.cmpi slt, %get3A_1352, %lt3A_1354 : vector<16xi32>
      %shift_right_logical3A_1356 = arith.constant 8 : i32
      %shift_right_logical3A_1357 = vector.broadcast %shift_right_logical3A_1356 : i32 to vector<16xi32>
      %shift_right_logical3A_1358 = arith.shrui %get3A_1352, %shift_right_logical3A_1357 : vector<16xi32>
      %and3A_1359 = arith.constant 255 : i32
      %and3A_1360 = vector.broadcast %and3A_1359 : i32 to vector<16xi32>
      %and3A_1361 = arith.andi %get3A_1352, %and3A_1360 : vector<16xi32>
      tpu.vector_store_idx %arg5[%shift_right_logical3A_1358, %and3A_1361], %broadcast_in_dim3A_35 masked %lt3A_1355 : memref<256x256xf32, #tpu.memory_space<vmem>>[vector<16xi32>, vector<16xi32>], vector<16xf32>, vector<16xi1>
    }
    %scan3A_1234 = arith.constant 66 : i32
    %add3A_1235 = arith.constant 7 : i32
    %add3A_1236 = arith.addi %mul3A_32, %add3A_1235 : i32
    %dma_wait3A_1237 = arith.constant 0 : i32
    %dma_wait3A_1238 = tpu.memref_slice %arg8[%dma_wait3A_1237] : memref<4224xf32, #tpu.memory_space<vmem>> -> memref<704xf32, #tpu.memory_space<vmem>>
    %dma_wait3A_1239 = tpu.memref_slice %arg2[%mul3A_1125] : memref<1081344xf32, #tpu.memory_space<hbm>> -> memref<704xf32, #tpu.memory_space<hbm>>
    %dma_wait3A_1240 = arith.constant 0 : i32
    %dma_wait3A_1241 = tpu.memref_slice %arg8[%dma_wait3A_1240] : memref<4224xf32, #tpu.memory_space<vmem>> -> memref<704xf32, #tpu.memory_space<vmem>>
    %dma_wait3A_1242 = tpu.memref_slice %arg2[%mul3A_1125] : memref<1081344xf32, #tpu.memory_space<hbm>> -> memref<704xf32, #tpu.memory_space<hbm>>
    tpu.wait_dma2 semaphore(%arg9 : memref<!tpu.dma_semaphore, #tpu.memory_space<semaphore_mem>>) src(%dma_wait3A_1242 : memref<704xf32, #tpu.memory_space<hbm>>) dst(%dma_wait3A_1241 : memref<704xf32, #tpu.memory_space<vmem>>)
    %dma_wait3A_1243 = arith.constant 704 : i32
    %dma_wait3A_1244 = tpu.memref_slice %arg8[%dma_wait3A_1243] : memref<4224xf32, #tpu.memory_space<vmem>> -> memref<704xf32, #tpu.memory_space<vmem>>
    %dma_wait3A_1245 = tpu.memref_slice %arg2[%mul3A_1140] : memref<1081344xf32, #tpu.memory_space<hbm>> -> memref<704xf32, #tpu.memory_space<hbm>>
    %dma_wait3A_1246 = arith.constant 704 : i32
    %dma_wait3A_1247 = tpu.memref_slice %arg8[%dma_wait3A_1246] : memref<4224xf32, #tpu.memory_space<vmem>> -> memref<704xf32, #tpu.memory_space<vmem>>
    %dma_wait3A_1248 = tpu.memref_slice %arg2[%mul3A_1140] : memref<1081344xf32, #tpu.memory_space<hbm>> -> memref<704xf32, #tpu.memory_space<hbm>>
    tpu.wait_dma2 semaphore(%arg9 : memref<!tpu.dma_semaphore, #tpu.memory_space<semaphore_mem>>) src(%dma_wait3A_1248 : memref<704xf32, #tpu.memory_space<hbm>>) dst(%dma_wait3A_1247 : memref<704xf32, #tpu.memory_space<vmem>>)
    %dma_wait3A_1249 = arith.constant 1408 : i32
    %dma_wait3A_1250 = tpu.memref_slice %arg8[%dma_wait3A_1249] : memref<4224xf32, #tpu.memory_space<vmem>> -> memref<704xf32, #tpu.memory_space<vmem>>
    %dma_wait3A_1251 = tpu.memref_slice %arg2[%mul3A_1155] : memref<1081344xf32, #tpu.memory_space<hbm>> -> memref<704xf32, #tpu.memory_space<hbm>>
    %dma_wait3A_1252 = arith.constant 1408 : i32
    %dma_wait3A_1253 = tpu.memref_slice %arg8[%dma_wait3A_1252] : memref<4224xf32, #tpu.memory_space<vmem>> -> memref<704xf32, #tpu.memory_space<vmem>>
    %dma_wait3A_1254 = tpu.memref_slice %arg2[%mul3A_1155] : memref<1081344xf32, #tpu.memory_space<hbm>> -> memref<704xf32, #tpu.memory_space<hbm>>
    tpu.wait_dma2 semaphore(%arg9 : memref<!tpu.dma_semaphore, #tpu.memory_space<semaphore_mem>>) src(%dma_wait3A_1254 : memref<704xf32, #tpu.memory_space<hbm>>) dst(%dma_wait3A_1253 : memref<704xf32, #tpu.memory_space<vmem>>)
    %dma_wait3A_1255 = arith.constant 2112 : i32
    %dma_wait3A_1256 = tpu.memref_slice %arg8[%dma_wait3A_1255] : memref<4224xf32, #tpu.memory_space<vmem>> -> memref<704xf32, #tpu.memory_space<vmem>>
    %dma_wait3A_1257 = tpu.memref_slice %arg2[%mul3A_1170] : memref<1081344xf32, #tpu.memory_space<hbm>> -> memref<704xf32, #tpu.memory_space<hbm>>
    %dma_wait3A_1258 = arith.constant 2112 : i32
    %dma_wait3A_1259 = tpu.memref_slice %arg8[%dma_wait3A_1258] : memref<4224xf32, #tpu.memory_space<vmem>> -> memref<704xf32, #tpu.memory_space<vmem>>
    %dma_wait3A_1260 = tpu.memref_slice %arg2[%mul3A_1170] : memref<1081344xf32, #tpu.memory_space<hbm>> -> memref<704xf32, #tpu.memory_space<hbm>>
    tpu.wait_dma2 semaphore(%arg9 : memref<!tpu.dma_semaphore, #tpu.memory_space<semaphore_mem>>) src(%dma_wait3A_1260 : memref<704xf32, #tpu.memory_space<hbm>>) dst(%dma_wait3A_1259 : memref<704xf32, #tpu.memory_space<vmem>>)
    %dma_wait3A_1261 = arith.constant 2816 : i32
    %dma_wait3A_1262 = tpu.memref_slice %arg8[%dma_wait3A_1261] : memref<4224xf32, #tpu.memory_space<vmem>> -> memref<704xf32, #tpu.memory_space<vmem>>
    %dma_wait3A_1263 = tpu.memref_slice %arg2[%mul3A_1185] : memref<1081344xf32, #tpu.memory_space<hbm>> -> memref<704xf32, #tpu.memory_space<hbm>>
    %dma_wait3A_1264 = arith.constant 2816 : i32
    %dma_wait3A_1265 = tpu.memref_slice %arg8[%dma_wait3A_1264] : memref<4224xf32, #tpu.memory_space<vmem>> -> memref<704xf32, #tpu.memory_space<vmem>>
    %dma_wait3A_1266 = tpu.memref_slice %arg2[%mul3A_1185] : memref<1081344xf32, #tpu.memory_space<hbm>> -> memref<704xf32, #tpu.memory_space<hbm>>
    tpu.wait_dma2 semaphore(%arg9 : memref<!tpu.dma_semaphore, #tpu.memory_space<semaphore_mem>>) src(%dma_wait3A_1266 : memref<704xf32, #tpu.memory_space<hbm>>) dst(%dma_wait3A_1265 : memref<704xf32, #tpu.memory_space<vmem>>)
    %dma_wait3A_1267 = arith.constant 3520 : i32
    %dma_wait3A_1268 = tpu.memref_slice %arg8[%dma_wait3A_1267] : memref<4224xf32, #tpu.memory_space<vmem>> -> memref<704xf32, #tpu.memory_space<vmem>>
    %dma_wait3A_1269 = tpu.memref_slice %arg2[%mul3A_1200] : memref<1081344xf32, #tpu.memory_space<hbm>> -> memref<704xf32, #tpu.memory_space<hbm>>
    %dma_wait3A_1270 = arith.constant 3520 : i32
    %dma_wait3A_1271 = tpu.memref_slice %arg8[%dma_wait3A_1270] : memref<4224xf32, #tpu.memory_space<vmem>> -> memref<704xf32, #tpu.memory_space<vmem>>
    %dma_wait3A_1272 = tpu.memref_slice %arg2[%mul3A_1200] : memref<1081344xf32, #tpu.memory_space<hbm>> -> memref<704xf32, #tpu.memory_space<hbm>>
    tpu.wait_dma2 semaphore(%arg9 : memref<!tpu.dma_semaphore, #tpu.memory_space<semaphore_mem>>) src(%dma_wait3A_1272 : memref<704xf32, #tpu.memory_space<hbm>>) dst(%dma_wait3A_1271 : memref<704xf32, #tpu.memory_space<vmem>>)
    %scan3A_1273 = arith.constant 0 : i32
    %scan3A_1274 = arith.constant 0 : i32
    %scan3A_1275 = arith.constant 66 : i32
    %scan3A_1276 = arith.addi %scan3A_1274, %scan3A_1275 : i32
    %scan3A_1277 = arith.constant 1 : i32
    scf.for %scan3A_1295 = %scan3A_1274 to %scan3A_1276 step %scan3A_1277  : i32 {
      %mul3A_1296 = arith.constant 4 : i32
      %mul3A_1297 = arith.muli %scan3A_1295, %mul3A_1296 : i32
      %add3A_1298 = arith.constant 0 : i32
      %add3A_1299 = arith.addi %mul3A_1297, %add3A_1298 : i32
      %mul3A_1300 = arith.constant 16 : i32
      %mul3A_1301 = arith.muli %add3A_1299, %mul3A_1300 : i32
      %get3A = arith.index_cast %mul3A_1301 : i32 to index
      %get3A_1302 = tpu.vector_load %arg6[%get3A] {strides = array<i32>} : memref<4224xi32, #tpu.memory_space<vmem>>, vector<16xi32>,
      %lt3A_1303 = arith.constant 65536 : i32
      %lt3A_1304 = vector.broadcast %lt3A_1303 : i32 to vector<16xi32>
      %lt3A_1305 = arith.cmpi slt, %get3A_1302, %lt3A_1304 : vector<16xi32>
      %shift_right_logical3A = arith.constant 8 : i32
      %shift_right_logical3A_1306 = vector.broadcast %shift_right_logical3A : i32 to vector<16xi32>
      %shift_right_logical3A_1307 = arith.shrui %get3A_1302, %shift_right_logical3A_1306 : vector<16xi32>
      %and3A_1308 = arith.constant 255 : i32
      %and3A_1309 = vector.broadcast %and3A_1308 : i32 to vector<16xi32>
      %and3A_1310 = arith.andi %get3A_1302, %and3A_1309 : vector<16xi32>
      %get3A_1311 = arith.index_cast %mul3A_1301 : i32 to index
      %get3A_1312 = tpu.vector_load %arg8[%get3A_1311] {strides = array<i32>} : memref<4224xf32, #tpu.memory_space<vmem>>, vector<16xf32>,
      tpu.vector_store_idx %arg5[%shift_right_logical3A_1307, %and3A_1310], %get3A_1312 masked %lt3A_1305 {add = true} : memref<256x256xf32, #tpu.memory_space<vmem>>[vector<16xi32>, vector<16xi32>], vector<16xf32>, vector<16xi1>
      %mul3A_1313 = arith.constant 4 : i32
      %mul3A_1314 = arith.muli %scan3A_1295, %mul3A_1313 : i32
      %add3A_1315 = arith.constant 1 : i32
      %add3A_1316 = arith.addi %mul3A_1314, %add3A_1315 : i32
      %mul3A_1317 = arith.constant 16 : i32
      %mul3A_1318 = arith.muli %add3A_1316, %mul3A_1317 : i32
      %get3A_1319 = arith.index_cast %mul3A_1318 : i32 to index
      %get3A_1320 = tpu.vector_load %arg6[%get3A_1319] {strides = array<i32>} : memref<4224xi32, #tpu.memory_space<vmem>>, vector<16xi32>,
      %lt3A_1321 = arith.constant 65536 : i32
      %lt3A_1322 = vector.broadcast %lt3A_1321 : i32 to vector<16xi32>
      %lt3A_1323 = arith.cmpi slt, %get3A_1320, %lt3A_1322 : vector<16xi32>
      %shift_right_logical3A_1324 = arith.constant 8 : i32
      %shift_right_logical3A_1325 = vector.broadcast %shift_right_logical3A_1324 : i32 to vector<16xi32>
      %shift_right_logical3A_1326 = arith.shrui %get3A_1320, %shift_right_logical3A_1325 : vector<16xi32>
      %and3A_1327 = arith.constant 255 : i32
      %and3A_1328 = vector.broadcast %and3A_1327 : i32 to vector<16xi32>
      %and3A_1329 = arith.andi %get3A_1320, %and3A_1328 : vector<16xi32>
      %get3A_1330 = arith.index_cast %mul3A_1318 : i32 to index
      %get3A_1331 = tpu.vector_load %arg8[%get3A_1330] {strides = array<i32>} : memref<4224xf32, #tpu.memory_space<vmem>>, vector<16xf32>,
      tpu.vector_store_idx %arg5[%shift_right_logical3A_1326, %and3A_1329], %get3A_1331 masked %lt3A_1323 {add = true} : memref<256x256xf32, #tpu.memory_space<vmem>>[vector<16xi32>, vector<16xi32>], vector<16xf32>, vector<16xi1>
      %mul3A_1332 = arith.constant 4 : i32
      %mul3A_1333 = arith.muli %scan3A_1295, %mul3A_1332 : i32
      %add3A_1334 = arith.constant 2 : i32
      %add3A_1335 = arith.addi %mul3A_1333, %add3A_1334 : i32
      %mul3A_1336 = arith.constant 16 : i32
      %mul3A_1337 = arith.muli %add3A_1335, %mul3A_1336 : i32
      %get3A_1338 = arith.index_cast %mul3A_1337 : i32 to index
      %get3A_1339 = tpu.vector_load %arg6[%get3A_1338] {strides = array<i32>} : memref<4224xi32, #tpu.memory_space<vmem>>, vector<16xi32>,
      %lt3A_1340 = arith.constant 65536 : i32
      %lt3A_1341 = vector.broadcast %lt3A_1340 : i32 to vector<16xi32>
      %lt3A_1342 = arith.cmpi slt, %get3A_1339, %lt3A_1341 : vector<16xi32>
      %shift_right_logical3A_1343 = arith.constant 8 : i32
      %shift_right_logical3A_1344 = vector.broadcast %shift_right_logical3A_1343 : i32 to vector<16xi32>
      %shift_right_logical3A_1345 = arith.shrui %get3A_1339, %shift_right_logical3A_1344 : vector<16xi32>
      %and3A_1346 = arith.constant 255 : i32
      %and3A_1347 = vector.broadcast %and3A_1346 : i32 to vector<16xi32>
      %and3A_1348 = arith.andi %get3A_1339, %and3A_1347 : vector<16xi32>
      %get3A_1349 = arith.index_cast %mul3A_1337 : i32 to index
      %get3A_1350 = tpu.vector_load %arg8[%get3A_1349] {strides = array<i32>} : memref<4224xf32, #tpu.memory_space<vmem>>, vector<16xf32>,
      tpu.vector_store_idx %arg5[%shift_right_logical3A_1345, %and3A_1348], %get3A_1350 masked %lt3A_1342 {add = true} : memref<256x256xf32, #tpu.memory_space<vmem>>[vector<16xi32>, vector<16xi32>], vector<16xf32>, vector<16xi1>
      %mul3A_1351 = arith.constant 4 : i32
      %mul3A_1352 = arith.muli %scan3A_1295, %mul3A_1351 : i32
      %add3A_1353 = arith.constant 3 : i32
      %add3A_1354 = arith.addi %mul3A_1352, %add3A_1353 : i32
      %mul3A_1355 = arith.constant 16 : i32
      %mul3A_1356 = arith.muli %add3A_1354, %mul3A_1355 : i32
      %get3A_1357 = arith.index_cast %mul3A_1356 : i32 to index
      %get3A_1358 = tpu.vector_load %arg6[%get3A_1357] {strides = array<i32>} : memref<4224xi32, #tpu.memory_space<vmem>>, vector<16xi32>,
      %lt3A_1359 = arith.constant 65536 : i32
      %lt3A_1360 = vector.broadcast %lt3A_1359 : i32 to vector<16xi32>
      %lt3A_1361 = arith.cmpi slt, %get3A_1358, %lt3A_1360 : vector<16xi32>
      %shift_right_logical3A_1362 = arith.constant 8 : i32
      %shift_right_logical3A_1363 = vector.broadcast %shift_right_logical3A_1362 : i32 to vector<16xi32>
      %shift_right_logical3A_1364 = arith.shrui %get3A_1358, %shift_right_logical3A_1363 : vector<16xi32>
      %and3A_1365 = arith.constant 255 : i32
      %and3A_1366 = vector.broadcast %and3A_1365 : i32 to vector<16xi32>
      %and3A_1367 = arith.andi %get3A_1358, %and3A_1366 : vector<16xi32>
      %get3A_1368 = arith.index_cast %mul3A_1356 : i32 to index
      %get3A_1369 = tpu.vector_load %arg8[%get3A_1368] {strides = array<i32>} : memref<4224xf32, #tpu.memory_space<vmem>>, vector<16xf32>,
      tpu.vector_store_idx %arg5[%shift_right_logical3A_1364, %and3A_1367], %get3A_1369 masked %lt3A_1361 {add = true} : memref<256x256xf32, #tpu.memory_space<vmem>>[vector<16xi32>, vector<16xi32>], vector<16xf32>, vector<16xi1>
    }
    %scan3A_1278 = arith.constant 66 : i32
    %dma_start3A_1279 = arith.constant 0 : i32
    %dma_start3A_1280 = arith.constant 0 : i32
    %dma_start3A_1281 = tpu.memref_slice %arg4[%select_n3A, %add3A_1236, %dma_start3A_1279, %dma_start3A_1280] : memref<4x64x256x256xf32, #tpu.memory_space<hbm>> -> memref<1x1x256x256xf32, #tpu.memory_space<hbm>>
    %dma_start3A_1282 = tpu.memref_squeeze %dma_start3A_1281 : memref<1x1x256x256xf32, #tpu.memory_space<hbm>> -> memref<256x256xf32, #tpu.memory_space<hbm>>
    %dma_start3A_1283 = arith.constant 0 : i32
    %dma_start3A_1284 = arith.constant 0 : i32
    %dma_start3A_1285 = tpu.memref_slice %arg4[%select_n3A, %add3A_1236, %dma_start3A_1283, %dma_start3A_1284] : memref<4x64x256x256xf32, #tpu.memory_space<hbm>> -> memref<1x1x256x256xf32, #tpu.memory_space<hbm>>
    %dma_start3A_1286 = tpu.memref_squeeze %dma_start3A_1285 : memref<1x1x256x256xf32, #tpu.memory_space<hbm>> -> memref<256x256xf32, #tpu.memory_space<hbm>>
    tpu.enqueue_dma source(%arg5 : memref<256x256xf32, #tpu.memory_space<vmem>>) target(%dma_start3A_1286 : memref<256x256xf32, #tpu.memory_space<hbm>>) target_semaphore(%arg10 : memref<!tpu.dma_semaphore, #tpu.memory_space<semaphore_mem>>)
    %dma_wait3A_1287 = arith.constant 0 : i32
    %dma_wait3A_1288 = arith.constant 0 : i32
    %dma_wait3A_1289 = tpu.memref_slice %arg4[%select_n3A, %add3A_1236, %dma_wait3A_1287, %dma_wait3A_1288] : memref<4x64x256x256xf32, #tpu.memory_space<hbm>> -> memref<1x1x256x256xf32, #tpu.memory_space<hbm>>
    %dma_wait3A_1290 = tpu.memref_squeeze %dma_wait3A_1289 : memref<1x1x256x256xf32, #tpu.memory_space<hbm>> -> memref<256x256xf32, #tpu.memory_space<hbm>>
    %dma_wait3A_1291 = arith.constant 0 : i32
    %dma_wait3A_1292 = arith.constant 0 : i32
    %dma_wait3A_1293 = tpu.memref_slice %arg4[%select_n3A, %add3A_1236, %dma_wait3A_1291, %dma_wait3A_1292] : memref<4x64x256x256xf32, #tpu.memory_space<hbm>> -> memref<1x1x256x256xf32, #tpu.memory_space<hbm>>
    %dma_wait3A_1294 = tpu.memref_squeeze %dma_wait3A_1293 : memref<1x1x256x256xf32, #tpu.memory_space<hbm>> -> memref<256x256xf32, #tpu.memory_space<hbm>>
    tpu.wait_dma2 semaphore(%arg10 : memref<!tpu.dma_semaphore, #tpu.memory_space<semaphore_mem>>) src(%arg5 : memref<256x256xf32, #tpu.memory_space<vmem>>) dst(%dma_wait3A_1294 : memref<256x256xf32, #tpu.memory_space<hbm>>)
    return
  }
}

module attributes {stable_mosaic.version = 14 : i64} {
  func.func @_tc_pool_body(%arg0: i32, %arg1: memref<1x256x704xf32, #tpu.memory_space<vmem>>, %arg2: memref<1x16x44xf32, #tpu.memory_space<vmem>>) attributes {dimension_semantics = [#tpu.dimension_semantics<arbitrary>], iteration_bounds = array<i64: 24>, scalar_prefetch = 0 : i64, scratch_operands = 0 : i64, tpu.core_type = #tpu.core_type<tc>, window_params = [{transform_indices = @transform_0, window_bounds = array<i64: 1, 256, 704>}, {transform_indices = @transform_1, window_bounds = array<i64: 1, 16, 44>}]} {
    %get3A = arith.constant 0 : index
    %get3A_0 = arith.constant 0 : index
    %get3A_1 = arith.constant 0 : index
    %get3A_2 = vector.load %arg1[%get3A, %get3A_0, %get3A_1] : memref<1x256x704xf32, #tpu.memory_space<vmem>>, vector<1x256x704xf32>
    %get3A_3 = vector.shape_cast %get3A_2 : vector<1x256x704xf32> to vector<256x704xf32>
    %reshape3A = vector.shape_cast %get3A_3 : vector<256x704xf32> to vector<16x16x704xf32>
    %reduce_max3A = arith.constant dense<0xFF800000> : vector<16x704xf32>
    %reduce_max3A_4 = vector.multi_reduction <maximumf>, %reshape3A, %reduce_max3A [1] : vector<16x16x704xf32> to vector<16x704xf32>
    %transpose3A = tpu.transpose %reduce_max3A_4, [1, 0] : vector<16x704xf32> -> vector<704x16xf32>
    %reshape3A_5 = vector.shape_cast %transpose3A : vector<704x16xf32> to vector<44x16x16xf32>
    %reduce_max3A_6 = arith.constant dense<0xFF800000> : vector<44x16xf32>
    %reduce_max3A_7 = vector.multi_reduction <maximumf>, %reshape3A_5, %reduce_max3A_6 [1] : vector<44x16x16xf32> to vector<44x16xf32>
    %transpose3A_8 = tpu.transpose %reduce_max3A_7, [1, 0] : vector<44x16xf32> -> vector<16x44xf32>
    %swap3A = arith.constant 0 : index
    %swap3A_9 = arith.constant 0 : index
    %swap3A_10 = arith.constant 0 : index
    %swap3A_11 = vector.load %arg2[%swap3A, %swap3A_9, %swap3A_10] : memref<1x16x44xf32, #tpu.memory_space<vmem>>, vector<1x16x44xf32>
    %swap3A_12 = vector.shape_cast %swap3A_11 : vector<1x16x44xf32> to vector<16x44xf32>
    %swap3A_13 = vector.shape_cast %transpose3A_8 : vector<16x44xf32> to vector<1x16x44xf32>
    tpu.vector_store %arg2[%swap3A, %swap3A_9, %swap3A_10], %swap3A_13 {strides = array<i32>} : memref<1x16x44xf32, #tpu.memory_space<vmem>>, vector<1x16x44xf32>,
    return
  }
  func.func @transform_0(%arg0: i32) -> (i32, i32, i32) {
    %c0_i32 = arith.constant 0 : i32
    %c0_i32_0 = arith.constant 0 : i32
    %c0_i32_1 = arith.constant 0 : i32
    return %arg0, %c0_i32, %c0_i32_0 : i32, i32, i32
  }
  func.func @transform_1(%arg0: i32) -> (i32, i32, i32) {
    %c0_i32 = arith.constant 0 : i32
    %c0_i32_0 = arith.constant 0 : i32
    %c0_i32_1 = arith.constant 0 : i32
    return %arg0, %c0_i32, %c0_i32_0 : i32, i32, i32
  }
}

</mosaic_0001>

<sc_bundles>
// kernel: kernel.4.cloned.1.call-start
scs
__scs_entry_jumppad:
0x0: {  	(pc) =	sbr.rel $0x88, $3  }
0x1: {  	(tag) =	ssettag $0x0;
	lr =	simm.s32 $0x1  }
0x2: {  	[smem:$0x3F9A] =	sst lr;
	_ =	strace $0xD0000000  }
0x3: {  	_ = 	snop  }
0x4: {  	_ = 	snop  }
0x5: {  	_ = 	snop  }
0x6: {  	_ = 	snop  }
0x7: {  	_ = 	snop  }
__scs_overlays_trampoline_lowered:
0x8: {  	[smem:$0x3FA9] =	sst s0  }
0x9: {  	[smem:$0x3FAA] =	sst s1  }
0xa: {  	[smem:$0x3FAB] =	sst s2  }
0xb: {  	[smem:$0x3FAC] =	sst s3  }
0xc: {  	[smem:$0x3FAD] =	sst s4  }
0xd: {  	[smem:$0x3FAE] =	sst s5  }
0xe: {  	[smem:$0x3FAF] =	sst s6  }
0xf: {  	[smem:$0x3FB0] =	sst s7  }
0x10: {  	[smem:$0x3FB1] =	sst s8  }
0x11: {  	[smem:$0x3FB2] =	sst s9;
	s0 =	simm.s32 @!p0 $0x0  }
0x12: {  	s1 =	sld [smem:$0x3F98];
	s0 =	simm.s32 @p0 $0x1  }
0x13: {  	[smem:$0x3FB3] =	sst s0;
	s0 =	simm.s32 @!p1 $0x0  }
0x14: {  	s2 =	sld [smem:$0x3F97];
	s0 =	simm.s32 @p1 $0x1  }
0x15: {  	[smem:$0x3FB4] =	sst s0;
	s0 =	simm.s32 @!p2 $0x0  }
0x16: {  	s3 =	sld [smem:$0x3FDB];
	s0 =	simm.s32 @p2 $0x1  }
0x17: {  	s4 =	simm.s32 $0x1BF5;
	[smem:$0x3FB6] =	sst s0  }
0x18: {  	s0 =	sld [smem:$0x3F99];
	_ =	swait.ge [sflag:s4], $0x0  }
0x19: {  	s7 =	sld [smem:$0x3F9A]  }
0x1a: {  	s8 =	sadd.s32 $0xFFFFE003, lr  }
0x1b: {  	s9 =	sadd.s32 $0xFFFFFEF7, lr;
	s5 =	simm.s32 $0xFFFFFFFF;
	p2 =	slt.u32 s8, $0xFFFFF086  }
0x1c: {  	p1 =	slt.u32 s9, $0xF7A;
	s5 =	simm.s32 @!p2 $0x0  }
0x1d: {  	s5 =	simm.s32 @p1 $0x1;
	p0 =	seq.s32 s7, s2  }
0x1e: {  	s7 =	smul.u32 @!p0 $0xF7A, s2;
	p2 =	seq.s32 @!p0 s5, $0x0  }
0x1f: {  	s9 =	smul.u32 $0xF7A, s1;
	s8 =	simm.s32 @!p0 $0x1BF5;
	p2 =	por !p2, p0  }
0x20: {  	[sflag:s8] =	ssyncset.s32 @!p0 $0xFFFFF086;
	s6 =	sadd.s32 @!p0 s3, s7;
	s7 =	simm.s32 @!p0 $0x108  }
0x21: {  	s3 =	sadd.s32 s3, s9;
	s6 =	sadd.s32 @!p0 $0x88, s6;
	s7 =	simm.s32 @p2 $0x1082  }
0x22: {  	[simem:s7], [sflag:s8] =	dma.local @!p0 [hbm:s6], $0xF7A  }
0x23: {  	s9 =	sor.u32 $0xD0000000, s2;
	s6 =	simm.s32 $0x108;
	_ =	swait.ge @!p0 [sflag:s8], $0x0  }
0x24: {  	s3 =	sadd.s32 $0x88, s3;
	s6 =	simm.s32 @!p1 $0x1082;
	[sflag:s4] =	ssyncset.s32 $0xFFFFF086  }
0x25: {  	[simem:s6], [sflag:s4] =	dma.local [hbm:s3], $0xF7A  }
0x26: {  	[smem:$0x3F9A] =	sst s1;
	(tag) =	ssettag s2;
	_ =	strace s9  }
0x27: {  	s1 =	sld [smem:$0x3FAA]  }
0x28: {  	s2 =	sld [smem:$0x3FAB]  }
0x29: {  	s4 =	sld [smem:$0x3FAD]  }
0x2a: {  	p0 =	seq.s32 s5, $0x0;
	s5 =	sld [smem:$0x3FAE]  }
0x2b: {  	s6 =	sld [smem:$0x3FAF]  }
0x2c: {  	s7 =	sld [smem:$0x3FB0]  }
0x2d: {  	s3 =	simm.s32 $0x108;
	s8 =	sld [smem:$0x3FB1]  }
0x2e: {  	s3 =	simm.s32 @!p0 $0x1082;
	s9 =	sld [smem:$0x3FB2]  }
0x2f: {  	lr =	sadd.s32 s0, s3;
	s0 =	sld [smem:$0x3FA9]  }
0x30: {  	s3 =	sld [smem:$0x3FAC]  }
0x31: {  	[smem:$0x3FB5] =	sst s10  }
0x32: {  	s10 =	sld [smem:$0x3FB3];
	_ =	sdelay $0x3  }
0x33: {  	p0 =	seq.s32 s10, $0x1;
	s10 =	sld [smem:$0x3FB5];
	_ =	sdelay $0x3  }
0x34: {  	[smem:$0x3FB5] =	sst s10  }
0x35: {  	s10 =	sld [smem:$0x3FB4];
	_ =	sdelay $0x3  }
0x36: {  	p1 =	seq.s32 s10, $0x1;
	s10 =	sld [smem:$0x3FB5];
	_ =	sdelay $0x3  }
0x37: {  	[smem:$0x3FB5] =	sst s10  }
0x38: {  	s10 =	sld [smem:$0x3FB6]  }
0x39: {  	_ = 	snop;
	(pc) =	sbr.ind lr, $3  }
0x3a: {  	_ = 	snop  }
0x3b: {  	_ = 	snop  }
0x3c: {  	p2 =	seq.s32 s10, $0x1;
	s10 =	sld [smem:$0x3FB5]  }
0x3d: {  	_ =	shalt  }
0x3e: {  	_ =	shalt  }
0x3f: {  	_ =	shalt  }
0x40: {  	_ =	shalt  }
0x41: {  	_ =	shalt  }
0x42: {  	_ =	shalt  }
0x43: {  	_ =	shalt  }
0x44: {  	_ =	shalt  }
0x45: {  	_ =	shalt  }
0x46: {  	_ =	shalt  }
0x47: {  	_ =	shalt  }
0x48: {  	_ =	shalt  }
0x49: {  	_ =	shalt  }
0x4a: {  	_ =	shalt  }
0x4b: {  	_ =	shalt  }
0x4c: {  	_ =	shalt  }
0x4d: {  	_ =	shalt  }
0x4e: {  	_ =	shalt  }
0x4f: {  	_ =	shalt  }
0x50: {  	_ =	shalt  }
0x51: {  	_ =	shalt  }
0x52: {  	_ =	shalt  }
0x53: {  	_ =	shalt  }
0x54: {  	_ =	shalt  }
0x55: {  	_ =	shalt  }
0x56: {  	_ =	shalt  }
0x57: {  	_ =	shalt  }
0x58: {  	_ =	shalt  }
0x59: {  	_ =	shalt  }
0x5a: {  	_ =	shalt  }
0x5b: {  	_ =	shalt  }
0x5c: {  	_ =	shalt  }
0x5d: {  	_ =	shalt  }
0x5e: {  	_ =	shalt  }
0x5f: {  	_ =	shalt  }
0x60: {  	_ =	shalt  }
0x61: {  	_ =	shalt  }
0x62: {  	_ =	shalt  }
0x63: {  	_ =	shalt  }
0x64: {  	_ =	shalt  }
0x65: {  	_ =	shalt  }
0x66: {  	_ =	shalt  }
0x67: {  	_ =	shalt  }
0x68: {  	_ =	shalt  }
0x69: {  	_ =	shalt  }
0x6a: {  	_ =	shalt  }
0x6b: {  	_ =	shalt  }
0x6c: {  	_ =	shalt  }
0x6d: {  	_ =	shalt  }
0x6e: {  	_ =	shalt  }
0x6f: {  	_ =	shalt  }
0x70: {  	_ =	shalt  }
0x71: {  	_ =	shalt  }
0x72: {  	_ =	shalt  }
0x73: {  	_ =	shalt  }
0x74: {  	_ =	shalt  }
0x75: {  	_ =	shalt  }
0x76: {  	_ =	shalt  }
0x77: {  	_ =	shalt  }
0x78: {  	_ =	shalt  }
0x79: {  	_ =	shalt  }
0x7a: {  	_ =	shalt  }
0x7b: {  	_ =	shalt  }
0x7c: {  	_ =	shalt  }
0x7d: {  	_ =	shalt  }
0x7e: {  	_ =	shalt  }
0x7f: {  	_ =	shalt  }
0x80: {  	_ =	shalt  }
0x81: {  	_ =	shalt  }
0x82: {  	_ =	shalt  }
0x83: {  	_ =	shalt  }
0x84: {  	_ =	shalt  }
0x85: {  	_ =	shalt  }
0x86: {  	_ =	shalt  }
0x87: {  	_ =	shalt  }
.Lfunc_end0:
.L_simem_size_0:
called_computation_lowered:
.L_overlay_start_0:
0x88: {  	s2 =	sld [smem:$0x3FD9]  }
0x89: {  	s3 =	sld [smem:$0x3FFE];
	_ =	sdelay $0x1  }
0x8a: {  	s1 =	srdreg.scid  }
0x8b: {  	s0 =	sand.u32 $0x1, s1  }
0x8c: {  	s17 =	sshll.u32 s0, $0xA;
	s2 =	sadd.s32 s3, s2  }
0x8d: {  	s2 =	sadd.s32 s2, s17  }
0x8e: {  	[smem:$0x3FC1] =	sst s2  }
0x8f: {  	_ = 	snop  }
0x90: {  	s2 =	sld [smem:$0x3FD0];
	(tm) =	ssettm $0x1  }
0x91: {  	s18 =	sld [smem:$0x3FFB];
	_ =	sdelay $0x3  }
0x92: {  	_ =	strace s18  }
0x93: {  	s3 =	sld [smem:$0x3FFC];
	_ =	sdelay $0x3  }
0x94: {  	_ =	strace s3  }
0x95: {  	s3 =	sld [smem:$0x3FFD];
	_ =	sdelay $0x3  }
0x96: {  	_ =	strace s3  }
0x97: {  	_ =	strace $0x8FFFFFFF  }
0x98: {  	s19 =	sld [smem:$0x3FDB];
	_ =	sdelay $0x1  }
0x99: {  	s4 =	simm.s32 $_scs_section_size  }
0x9a: {  	s5 =	simm.s32 $_size__tile_overlayer_lowered;
	s6 =	simm.s32 $_tile_overlayer_lowered  }
0x9b: {  	s22 =	simm.s32 $0x1BFF;
	s21 =	sshll.u32 s6, $0x1;
	s3 =	sadd.s32 s4, s19  }
0x9c: {  	s7 =	simm.s32 $0x0;
	s20 =	sshll.u32 s5, $0x1;
	s5 =	sadd.s32 s21, s3  }
0x9d: {  	[timem:s7], [sflag:s22] =	dma.local [hbm:s5], s20  }
0x9e: {  	_ =	swait.ge [sflag:s22], s20  }
0x9f: {  	s4 =	ssub.s32 $0x0, s20;
	[sflag:s22] =	ssyncset.done $0x0  }
0xa0: {  	[sflag:s22] =	ssyncadd.s32 s4;
	_ =	sdelay $0x1  }
0xa1: {  	s23 =	simm.s32 $0x1B8B  }
0xa2: {  	_ =	swait.ge [sflag:s23], $0x1  }
0xa3: {  	[sflag:s23] =	ssyncset.done $0x0  }
0xa4: {  	s25 =	simm.s32 $0x1B8E;
	s24 =	sld [smem:$0x3FFE];
	[sflag:s23] =	ssyncadd.s32 $0xFFFFFFFF  }
0xa5: {  	s26 =	simm.s32 $execute0_lowered;
	[smem:$0x3FD2] =	sst s25  }
0xa6: {  	s5 =	sshll.u32 s26, $0x1;
	_ =	strace $0x80000046;
	[dreg:$0x1] =	wrdreg $0xFFFFFFFF  }
0xa7: {  	s28 =	simm.s32 $_size_execute0_lowered;
	s3 =	sadd.s32 s3, s5;
	[dreg:$0x0] =	wrdreg $0x0  }
0xa8: {  	s5 =	sshll.u32 s28, $0x1;
	[dreg:$0x2] =	wrdreg s3  }
0xa9: {  	[dreg:$0x3] =	wrdreg s5  }
0xaa: {  	[dreg:$0x4] =	wrdreg $0xC0  }
0xab: {  	_ =	task [dreg:s7], $0x5FFFF  }
0xac: {  	[dreg:$0x1] =	wrdreg $0xFFFFFFFF  }
0xad: {  	[dreg:$0x0] =	wrdreg $0x60  }
0xae: {  	[dreg:$0x2] =	wrdreg s24  }
0xaf: {  	[dreg:$0x3] =	wrdreg s2  }
0xb0: {  	[dreg:$0x4] =	wrdreg $0x9  }
0xb1: {  	_ =	task.clear_ibuf [dreg:s7], $0x5FFFF;
	_ =	strace $0x90000046  }
0xb2: {  	s29 =	simm.s32 $0x9;
	_ =	strace $0x80000048  }
0xb3: {  	_ =	swait.ge [sflag:s29], $0x1  }
0xb4: {  	[sflag:s29] =	ssyncadd.s32 $0xFFFFFFFF  }
0xb5: {  	_ =	strace $0x90000048  }
0xb6: {  	_ =	sfence  }
0xb7: {  	s30 =	sld [smem:$0x0];
	_ =	sdelay $0x2  }
0xb8: {  	s31 =	sshll.u32 s1, $0xD;
	s1 =	sshrl.u32 s1, $0x2  }
0xb9: {  	s3 =	sand.u32 $0x4000, s31;
	s1 =	sadd.s32 s1, s30  }
0xba: {  	s0 =	sor.u32 s3, s0;
	s1 =	sshll.u32 s1, $0x11  }
0xbb: {  	s0 =	sor.u32 s1, s0  }
0xbc: {  	s0 =	sadd.s32 $0x8F2B, s0  }
0xbd: {  	[sflag:s0] =	ssyncadd.remote.s32 $0x1  }
0xbe: {  	_ =	sfence.sel $0xFFFF  }
0xbf: {  	[dreg:$0x0] =	wrdreg $0xFFFFFFFF;
	(pc) =	sbr.abs _section_cstart, $3  }
0xc0: {  	[dreg:$0x1] =	wrdreg $0xFFFFFFFF  }
0xc1: {  	_ =	task.clear_ibuf [dreg:s7], $0x2FFFF;
	_ =	strace $0x9FFFFFFF  }
0xc2: {  	(tm) =	ssettm $0x7FFFFFFF  }
0xc3: {  	_ =	shalt  }
tec
execute0_lowered:
.L_overlay_start_1:
0x0: {  	(tag) =	ssettag $0x1  }
0x1: {  	s2 =	stileid.u32  }
0x2: {  	s0 =	srdreg.scid;
	s15 =	rddreg [dreg:$0x0]  }
0x3: {  	s30 =	simm.s32 $0x3;
	s1 =	sshll.u32 s2, $0x1;
	s2 =	sshrl.u32 s2, $0x2  }
0x4: {  	s31 =	simm.s32 $0x11080;
	s0 =	sand.u32 $0x1, s0;
	s6 =	smul.u32 $0x180, s2  }
0x5: {  	s4 =	sadd.s32 $0x2000, s15;
	s1 =	sand.u32 $0x6, s1;
	s5 =	smul.u32 $0x210, s2  }
0x6: {  	s7 =	ssub.s32 $0x2, s0;
	s2 =	sshll.u32 s2, $0x16;
	s3 =	sor.u32 s0, s1  }
0x7: {  	s8 =	sshrl.u32 s7, $0x1;
	s13 =	sshll.u32 s3, $0x3;
	s0 =	sadd.s32 s5, s15  }
0x8: {  	s1 =	ssub.s32 s7, s8;
	s7 =	sor.u32 $0x40, s6;
	s16 =	sor.u32 s6, s13  }
0x9: {  	s8 =	sadd.s32 $0x80, s6;
	s18 =	sor.u32 s7, s13;
	s9 =	smul.u32 $0x58, s16  }
0xa: {  	s10 =	sadd.s32 $0x100, s6;
	s19 =	sor.u32 s8, s13;
	s12 =	smul.u32 $0x58, s18  }
0xb: {  	s21 =	sor.u32 s10, s13;
	s5 =	sor.u32 $0x1, s13;
	s14 =	smul.u32 $0x58, s19  }
0xc: {  	s11 =	sadd.s32 $0x140, s6;
	s16 =	smul.u32 $0x58, s21;
	s23 =	sor.u32 s6, s5  }
0xd: {  	s28 =	sadd.s32 $0x23000, s0;
	s25 =	sor.u32 s7, s5;
	s24 =	smul.u32 $0x58, s23  }
0xe: {  	s29 =	smax.u32 s1, $0x1;
	s18 =	sor.u32 s8, s5;
	s26 =	smul.u32 $0x58, s25  }
0xf: {  	s19 =	smul.u32 $0x58, s18;
	s17 =	sadd.s32 s4, s9;
	s9 =	sadd.s32 $0xC0, s6  }
0x10: {  	s12 =	sadd.s32 s4, s12;
	s14 =	sadd.s32 s4, s14;
	[dreg:$0x3] =	wrdreg s17  }
0x11: {  	s16 =	sadd.s32 s4, s16;
	s20 =	sor.u32 s9, s13;
	[dreg:$0x4] =	wrdreg s12  }
0x12: {  	s17 =	sor.u32 s11, s13;
	[dreg:$0x5] =	wrdreg s14;
	s15 =	smul.u32 $0x58, s20  }
0x13: {  	s14 =	sadd.s32 s4, s24;
	s21 =	sor.u32 s9, s5;
	s22 =	smul.u32 $0x58, s17  }
0x14: {  	s24 =	sor.u32 s11, s5;
	[dreg:$0x9] =	wrdreg s14;
	s14 =	smul.u32 $0x58, s21  }
0x15: {  	[dreg:$0x7] =	wrdreg s16;
	s20 =	sadd.s32 s4, s26;
	s25 =	smul.u32 $0x58, s24  }
0x16: {  	[dreg:$0xa] =	wrdreg s20;
	s15 =	sadd.s32 s4, s15;
	s12 =	sadd.s32 s4, s22  }
0x17: {  	s22 =	sor.u32 s10, s5;
	[dreg:$0x8] =	wrdreg s12;
	s12 =	sadd.s32 s4, s19  }
0x18: {  	s14 =	sadd.s32 s4, s14;
	[dreg:$0xb] =	wrdreg s12;
	s12 =	sor.u32 $0x2, s13  }
0x19: {  	[dreg:$0x6] =	wrdreg s15;
	s23 =	smul.u32 $0x58, s22;
	s26 =	sor.u32 s6, s12  }
0x1a: {  	[dreg:$0xc] =	wrdreg s14;
	s18 =	sor.u32 s7, s12;
	s17 =	smul.u32 $0x58, s26  }
0x1b: {  	s14 =	sadd.s32 s4, s25;
	s20 =	sor.u32 s8, s12;
	s19 =	smul.u32 $0x58, s18  }
0x1c: {  	[dreg:$0xe] =	wrdreg s14;
	s22 =	sor.u32 s9, s12;
	s21 =	smul.u32 $0x58, s20  }
0x1d: {  	s15 =	sadd.s32 s4, s23;
	s24 =	sor.u32 s10, s12;
	s23 =	smul.u32 $0x58, s22  }
0x1e: {  	s25 =	sor.u32 s11, s12;
	[dreg:$0xd] =	wrdreg s15;
	s16 =	smul.u32 $0x58, s24  }
0x1f: {  	s26 =	smul.u32 $0x58, s25;
	s15 =	sadd.s32 s4, s17;
	s14 =	sadd.s32 s4, s19  }
0x20: {  	s19 =	sor.u32 $0x3, s13;
	s16 =	sadd.s32 s4, s16;
	[dreg:$0xf] =	wrdreg s15  }
0x21: {  	[dreg:$0x10] =	wrdreg s14;
	s15 =	sadd.s32 s4, s21;
	s18 =	sor.u32 s6, s19  }
0x22: {  	s14 =	sadd.s32 s4, s23;
	s21 =	sor.u32 s7, s19;
	s20 =	smul.u32 $0x58, s18  }
0x23: {  	[dreg:$0x13] =	wrdreg s16;
	s23 =	sor.u32 s8, s19;
	s22 =	smul.u32 $0x58, s21  }
0x24: {  	s25 =	sor.u32 s9, s19;
	[dreg:$0x11] =	wrdreg s15;
	s24 =	smul.u32 $0x58, s23  }
0x25: {  	[dreg:$0x12] =	wrdreg s14;
	s15 =	sadd.s32 s4, s26;
	s26 =	smul.u32 $0x58, s25  }
0x26: {  	s18 =	sor.u32 s11, s19;
	[dreg:$0x14] =	wrdreg s15;
	s14 =	sadd.s32 s4, s20  }
0x27: {  	s21 =	smul.u32 $0x58, s18;
	s16 =	sadd.s32 s4, s22;
	[dreg:$0x15] =	wrdreg s14  }
0x28: {  	s20 =	sor.u32 s10, s19;
	s15 =	sadd.s32 s4, s24;
	[dreg:$0x16] =	wrdreg s16  }
0x29: {  	s17 =	smul.u32 $0x58, s20;
	s20 =	sor.u32 $0x4, s13;
	[dreg:$0x17] =	wrdreg s15  }
0x2a: {  	s14 =	sadd.s32 s4, s26;
	s16 =	sadd.s32 s4, s21;
	s23 =	sor.u32 s6, s20  }
0x2b: {  	s24 =	sor.u32 s7, s20;
	[dreg:$0x18] =	wrdreg s14;
	s15 =	smul.u32 $0x58, s23  }
0x2c: {  	s25 =	sor.u32 s8, s20;
	s22 =	sor.u32 s9, s20;
	s18 =	smul.u32 $0x58, s24  }
0x2d: {  	[dreg:$0x1a] =	wrdreg s16;
	s14 =	sor.u32 $0x5, s13;
	s26 =	smul.u32 $0x58, s25  }
0x2e: {  	s13 =	sor.u32 $0x6, s13;
	s17 =	sadd.s32 s4, s17;
	s16 =	smul.u32 $0x58, s22  }
0x2f: {  	s23 =	sor.u32 s10, s20;
	s22 =	sor.u32 s11, s20;
	s24 =	sor.u32 s6, s14  }
0x30: {  	s25 =	sor.u32 s7, s14;
	[dreg:$0x19] =	wrdreg s17;
	s21 =	smul.u32 $0x58, s23  }
0x31: {  	s23 =	sor.u32 s9, s14;
	s15 =	sadd.s32 s4, s15;
	s18 =	sadd.s32 s4, s18  }
0x32: {  	s17 =	sadd.s32 s4, s26;
	[dreg:$0x1b] =	wrdreg s15;
	s15 =	smul.u32 $0x58, s22  }
0x33: {  	s26 =	sor.u32 s8, s14;
	[dreg:$0x1c] =	wrdreg s18;
	s18 =	smul.u32 $0x58, s24  }
0x34: {  	s16 =	sadd.s32 s4, s16;
	[dreg:$0x1d] =	wrdreg s17;
	s17 =	smul.u32 $0x58, s25  }
0x35: {  	[dreg:$0x1e] =	wrdreg s16;
	s16 =	smul.u32 $0x58, s26;
	s21 =	sadd.s32 s4, s21  }
0x36: {  	s24 =	sor.u32 s10, s14;
	[dreg:$0x1f] =	wrdreg s21;
	s21 =	smul.u32 $0x58, s23  }
0x37: {  	s25 =	sor.u32 s6, s13;
	s26 =	sor.u32 s7, s13;
	s22 =	smul.u32 $0x58, s24  }
0x38: {  	s23 =	sor.u32 s11, s14;
	s24 =	sor.u32 s8, s13;
	s15 =	sadd.s32 s4, s15  }
0x39: {  	s18 =	sadd.s32 s4, s18;
	[smem:$0x7EA] =	sst s15;
	s15 =	smul.u32 $0x58, s23  }
0x3a: {  	s17 =	sadd.s32 s4, s17;
	[smem:$0x7EB] =	sst s18;
	s18 =	smul.u32 $0x58, s25  }
0x3b: {  	s16 =	sadd.s32 s4, s16;
	[smem:$0x7EC] =	sst s17;
	s17 =	smul.u32 $0x58, s26  }
0x3c: {  	s0 =	simm.s32 $0x11340;
	[smem:$0x7ED] =	sst s16;
	s16 =	smul.u32 $0x58, s24  }
0x3d: {  	s25 =	sor.u32 s9, s13;
	s21 =	sadd.s32 s4, s21;
	s26 =	sor.u32 s10, s13  }
0x3e: {  	s24 =	sor.u32 s11, s13;
	[smem:$0x7EE] =	sst s21;
	s21 =	smul.u32 $0x58, s25  }
0x3f: {  	s22 =	sadd.s32 s4, s22;
	s23 =	smul.u32 $0x58, s26;
	s25 =	sshllo.u32 s3, $0x3  }
0x40: {  	[smem:$0x7EF] =	sst s22;
	s22 =	smul.u32 $0x58, s24;
	s3 =	sshll.u32 s3, $0x13  }
0x41: {  	s6 =	sor.u32 s6, s25;
	s15 =	sadd.s32 s4, s15;
	s7 =	sor.u32 s7, s25  }
0x42: {  	s24 =	sadd.s32 s4, s18;
	s8 =	sor.u32 s8, s25;
	s26 =	sadd.s32 s4, s17  }
0x43: {  	s9 =	sor.u32 s9, s25;
	s17 =	sadd.s32 s4, s16;
	[smem:$0x7F0] =	sst s15  }
0x44: {  	s10 =	sor.u32 s10, s25;
	s6 =	smul.u32 $0x58, s6;
	[smem:$0x7F1] =	sst s24  }
0x45: {  	s11 =	sor.u32 s11, s25;
	s7 =	smul.u32 $0x58, s7;
	[smem:$0x7F2] =	sst s26  }
0x46: {  	s8 =	smul.u32 $0x58, s8;
	[smem:$0x7F3] =	sst s17;
	s18 =	sadd.s32 s4, s21  }
0x47: {  	s9 =	smul.u32 $0x58, s9;
	s21 =	sadd.s32 s4, s23;
	[smem:$0x7F4] =	sst s18  }
0x48: {  	s10 =	smul.u32 $0x58, s10;
	s23 =	sadd.s32 s4, s22;
	[smem:$0x7F5] =	sst s21  }
0x49: {  	s11 =	smul.u32 $0x58, s11;
	[smem:$0x7F6] =	sst s23;
	s18 =	simm.s32 $0x0  }
0x4a: {  	s6 =	sadd.s32 s4, s6;
	s24 =	sadd.s32 s4, s7;
	s26 =	sadd.s32 s4, s8  }
0x4b: {  	s7 =	sadd.s32 s4, s9;
	s8 =	sadd.s32 s4, s10;
	[smem:$0x7FF] =	sst s18  }
0x4c: {  	s4 =	sadd.s32 s4, s11;
	s11 =	sshll.u32 s19, $0x10;
	s19 =	rddreg [dreg:$0x1]  }
0x4d: {  	s1 =	simm.s32 $0x11600;
	s3 =	sor.u32 s2, s3;
	[smem:$0x7F7] =	sst s6  }
0x4e: {  	s16 =	sshll.u32 s13, $0x10;
	s13 =	simm.s32 $0x0;
	[smem:$0x7F8] =	sst s24  }
0x4f: {  	s15 =	sshll.u32 s14, $0x10;
	s17 =	sshll.u32 s25, $0x10;
	[smem:$0x7F9] =	sst s26  }
0x50: {  	s3 =	sshrl.u32 s3, $0x3;
	s9 =	sshll.u32 s5, $0x10;
	[smem:$0x7FA] =	sst s7  }
0x51: {  	s10 =	sshll.u32 s12, $0x10;
	s12 =	sshll.u32 s20, $0x10;
	[smem:$0x7FB] =	sst s8  }
0x52: {  	[smem:$0x7FC] =	sst s4;
	s4 =	sor.u32 s2, s9;
	s5 =	sor.u32 s2, s10  }
0x53: {  	s6 =	sor.u32 s2, s11;
	s7 =	sor.u32 s2, s12;
	s8 =	sor.u32 s2, s15  }
0x54: {  	s9 =	sor.u32 s2, s16;
	s2 =	sor.u32 s2, s17;
	s3 =	sadd.s32 s19, s3  }
0x55: {  	s10 =	simm.s32 $0x12C00;
	s11 =	simm.s32 $0x12EC0;
	s12 =	simm.s32 $0x2  }
0x56: {  	[smem:$0x7FD] =	sst s3;
	s21 =	sshrl.u32 s4, $0x3;
	s22 =	sshrl.u32 s5, $0x3  }
0x57: {  	s23 =	sshrl.u32 s6, $0x3;
	s24 =	sshrl.u32 s7, $0x3;
	s25 =	sshrl.u32 s8, $0x3  }
0x58: {  	s26 =	sshrl.u32 s9, $0x3;
	s2 =	sshrl.u32 s2, $0x3;
	s3 =	simm.s32 $0x11B80  }
0x59: {  	s4 =	simm.s32 $0x11E40;
	s5 =	simm.s32 $0x1;
	s6 =	simm.s32 $0x12100  }
0x5a: {  	s7 =	simm.s32 $0x123C0;
	s8 =	simm.s32 $0x12680;
	s9 =	simm.s32 $0x12940  }
0x5b: {  	s20 =	sadd.s32 s19, s21;
	s21 =	sadd.s32 s19, s22;
	s22 =	sadd.s32 s19, s23  }
0x5c: {  	s23 =	sadd.s32 s19, s24;
	s24 =	sadd.s32 s19, s25;
	s25 =	sadd.s32 s19, s26  }
0x5d: {  	v0 =	vimm.f32 $0.0e+00;
	s26 =	sadd.s32 s19, s2;
	_ =	strace $0x80000047;
	s2 =	simm.s32 $0x118C0  }
.LBB2_1:
0x5e: {  	s14 =	simm.s32 $0x10000  }
0x5f: {  	[tilespmem:s14], [sflag:$0x3] =	stream.linear.gather [hbm4b:s28+s18], $0x1080, $0x38;
	[tilespmem:$0x13180] =	vst v63  }
0x60: {  	_ =	swait.ge [sflag:s30], $0x1080  }
0x61: {  	s19 =	sand.u32 $0xF800, s18;
	s15 =	sand.u32 $0x380, s18;
	[sflag:s30] =	ssyncset.done $0x0  }
0x62: {  	s14 =	sor.u32 s15, s19;
	[sflag:s30] =	ssyncadd.s32 $0xFFFFEF80  }
0x63: {  	[tilespmem:s14+$0x470] =	vst v0  }
0x64: {  	[tilespmem:s14+$0x0] =	vst v0  }
0x65: {  	[tilespmem:s14+$0x10] =	vst v0  }
0x66: {  	[tilespmem:s14+$0x20] =	vst v0  }
0x67: {  	[tilespmem:s14+$0x30] =	vst v0  }
0x68: {  	[tilespmem:s14+$0x40] =	vst v0  }
0x69: {  	[tilespmem:s14+$0x50] =	vst v0  }
0x6a: {  	[tilespmem:s14+$0x60] =	vst v0  }
0x6b: {  	[tilespmem:s14+$0x70] =	vst v0  }
0x6c: {  	[tilespmem:s14+$0x400] =	vst v0  }
0x6d: {  	[tilespmem:s14+$0x410] =	vst v0  }
0x6e: {  	[tilespmem:s14+$0x420] =	vst v0  }
0x6f: {  	[tilespmem:s14+$0x430] =	vst v0  }
0x70: {  	s16 =	simm.s32 $0x100;
	s15 =	simm.s32 $0x80;
	[tilespmem:s14+$0x440] =	vst v0  }
0x71: {  	s17 =	sand.u32 $0xF800, s16;
	s16 =	simm.s32 $0x200;
	s19 =	sand.u32 $0x380, s15;
	[tilespmem:s14+$0x450] =	vst v0  }
.LBB2_2:
0x72: {  	p0 =	sne.s32 s16, $0xFF00;
	[tilespmem:s14+$0x460] =	vst v0;
	s14 =	sor.u32 s19, s17  }
0x73: {  	[tilespmem:s14+$0x470] =	vst v0  }
0x74: {  	[tilespmem:s14+$0x0] =	vst v0  }
0x75: {  	[tilespmem:s14+$0x10] =	vst v0  }
0x76: {  	[tilespmem:s14+$0x20] =	vst v0  }
0x77: {  	[tilespmem:s14+$0x30] =	vst v0  }
0x78: {  	[tilespmem:s14+$0x40] =	vst v0  }
0x79: {  	[tilespmem:s14+$0x50] =	vst v0  }
0x7a: {  	[tilespmem:s14+$0x60] =	vst v0  }
0x7b: {  	[tilespmem:s14+$0x70] =	vst v0  }
0x7c: {  	[tilespmem:s14+$0x400] =	vst v0  }
.Ltmp0:
0x7d: {  	[tilespmem:s14+$0x410] =	vst v0;
	(pc) =	sbr.rel @p0 .LBB2_2-.Ltmp0, $4  }
0x7e: {  	[tilespmem:s14+$0x420] =	vst v0  }
0x7f: {  	[tilespmem:s14+$0x430] =	vst v0  }
0x80: {  	s15 =	sadd.s32 $0x80, s15;
	[tilespmem:s14+$0x440] =	vst v0  }
0x81: {  	s17 =	sand.u32 $0xF800, s16;
	s16 =	sadd.s32 $0x100, s16;
	s19 =	sand.u32 $0x380, s15;
	[tilespmem:s14+$0x450] =	vst v0  }
0x82: {  	s15 =	sor.u32 s19, s17;
	[tilespmem:s14+$0x460] =	vst v0  }
0x83: {  	[tilespmem:s15+$0x470] =	vst v0  }
0x84: {  	[tilespmem:s15+$0x0] =	vst v0  }
0x85: {  	[tilespmem:s15+$0x10] =	vst v0  }
0x86: {  	[tilespmem:s15+$0x20] =	vst v0  }
0x87: {  	[tilespmem:s15+$0x30] =	vst v0  }
0x88: {  	[tilespmem:s15+$0x40] =	vst v0  }
0x89: {  	[tilespmem:s15+$0x50] =	vst v0  }
0x8a: {  	[tilespmem:s15+$0x60] =	vst v0  }
0x8b: {  	[tilespmem:s15+$0x70] =	vst v0  }
0x8c: {  	[tilespmem:s15+$0x400] =	vst v0  }
0x8d: {  	[tilespmem:s15+$0x410] =	vst v0  }
0x8e: {  	[tilespmem:s15+$0x420] =	vst v0  }
0x8f: {  	[tilespmem:s15+$0x430] =	vst v0  }
0x90: {  	[tilespmem:s15+$0x440] =	vst v0  }
0x91: {  	[tilespmem:s15+$0x450] =	vst v0  }
0x92: {  	s14 =	simm.s32 $0x0;
	s16 =	rddreg [dreg:$0x3];
	[tilespmem:s15+$0x460] =	vst v0  }
0x93: {  	[tilespmem:s31], [sflag:$0x1] =	stream.linear.gather [hbm4b:s16+s14], $0x2C0, $0x38;
	[tilespmem:$0x13180] =	vst v63  }
0x94: {  	s17 =	rddreg [dreg:$0x4]  }
0x95: {  	[tilespmem:s0], [sflag:$0x1] =	stream.linear.gather [hbm4b:s17+s14], $0x2C0, $0x38;
	[tilespmem:$0x13180] =	vst v63  }
0x96: {  	s19 =	rddreg [dreg:$0x5]  }
0x97: {  	[tilespmem:s1], [sflag:$0x1] =	stream.linear.gather [hbm4b:s19+s14], $0x2C0, $0x38;
	[tilespmem:$0x13180] =	vst v63  }
0x98: {  	s16 =	rddreg [dreg:$0x6]  }
0x99: {  	[tilespmem:s2], [sflag:$0x1] =	stream.linear.gather [hbm4b:s16+s14], $0x2C0, $0x38;
	[tilespmem:$0x13180] =	vst v63  }
0x9a: {  	s17 =	rddreg [dreg:$0x7]  }
0x9b: {  	[tilespmem:s3], [sflag:$0x1] =	stream.linear.gather [hbm4b:s17+s14], $0x2C0, $0x38;
	[tilespmem:$0x13180] =	vst v63  }
0x9c: {  	s19 =	rddreg [dreg:$0x8]  }
0x9d: {  	[tilespmem:s4], [sflag:$0x1] =	stream.linear.gather [hbm4b:s19+s14], $0x2C0, $0x38;
	[tilespmem:$0x13180] =	vst v63  }
0x9e: {  	_ =	swait.ge [sflag:s5], $0x2C0  }
0x9f: {  	[sflag:s5] =	ssyncset.done $0x0  }
0xa0: {  	[sflag:s5] =	ssyncadd.s32 $0xFFFFFD40  }
0xa1: {  	_ =	swait.ge [sflag:s5], $0x2C0  }
0xa2: {  	[sflag:s5] =	ssyncset.done $0x0  }
0xa3: {  	[sflag:s5] =	ssyncadd.s32 $0xFFFFFD40  }
0xa4: {  	_ =	swait.ge [sflag:s5], $0x2C0  }
0xa5: {  	[sflag:s5] =	ssyncset.done $0x0  }
0xa6: {  	[sflag:s5] =	ssyncadd.s32 $0xFFFFFD40  }
0xa7: {  	_ =	swait.ge [sflag:s5], $0x2C0  }
0xa8: {  	[sflag:s5] =	ssyncset.done $0x0  }
0xa9: {  	[sflag:s5] =	ssyncadd.s32 $0xFFFFFD40  }
0xaa: {  	_ =	swait.ge [sflag:s5], $0x2C0  }
0xab: {  	[sflag:s5] =	ssyncset.done $0x0  }
0xac: {  	[sflag:s5] =	ssyncadd.s32 $0xFFFFFD40  }
0xad: {  	_ =	swait.ge [sflag:s5], $0x2C0  }
0xae: {  	[sflag:s5] =	ssyncset.done $0x0  }
0xaf: {  	s16 =	rddreg [dreg:$0x9];
	[sflag:s5] =	ssyncadd.s32 $0xFFFFFD40  }
0xb0: {  	[tilespmem:s6], [sflag:$0x1] =	stream.linear.gather [hbm4b:s16+s14], $0x2C0, $0x38;
	[tilespmem:$0x13180] =	vst v63  }
0xb1: {  	s17 =	rddreg [dreg:$0xa]  }
0xb2: {  	[tilespmem:s7], [sflag:$0x1] =	stream.linear.gather [hbm4b:s17+s14], $0x2C0, $0x38;
	[tilespmem:$0x13180] =	vst v63  }
0xb3: {  	s19 =	rddreg [dreg:$0xb]  }
0xb4: {  	[tilespmem:s8], [sflag:$0x1] =	stream.linear.gather [hbm4b:s19+s14], $0x2C0, $0x38;
	[tilespmem:$0x13180] =	vst v63  }
0xb5: {  	s16 =	rddreg [dreg:$0xc]  }
0xb6: {  	[tilespmem:s9], [sflag:$0x1] =	stream.linear.gather [hbm4b:s16+s14], $0x2C0, $0x38;
	[tilespmem:$0x13180] =	vst v63  }
0xb7: {  	s17 =	rddreg [dreg:$0xd]  }
0xb8: {  	[tilespmem:s10], [sflag:$0x1] =	stream.linear.gather [hbm4b:s17+s14], $0x2C0, $0x38;
	[tilespmem:$0x13180] =	vst v63  }
0xb9: {  	s19 =	rddreg [dreg:$0xe]  }
0xba: {  	[tilespmem:s11], [sflag:$0x1] =	stream.linear.gather [hbm4b:s19+s14], $0x2C0, $0x38;
	[tilespmem:$0x13180] =	vst v63  }
.LBB2_4:
0xbb: {  	s15 =	sshra.s32 s14, $0x2  }
0xbc: {  	v1 =	vld [tilespmem:s15+$0x10000];
	_ =	sdelay $0x4  }
0xbd: {  	v2 =	vshll.u32 v1, $0x3  }
0xbe: {  	v3 =	vshrl.u32 v1, $0x1;
	v4 =	vand.u32 $0xFFFFF87F, v1;
	v2 =	vand.u32 $0x400, v2  }
0xbf: {  	vm0 =	vlt.s32 v1, $0x10000;
	v1 =	vand.u32 $0x380, v3;
	v2 =	vor.u32 v2, v4  }
0xc0: {  	v3 =	vld [tilespmem:s15+$0x11080];
	v1 =	vor.u32 v1, v2;
	_ =	sdelay $0x4  }
0xc1: {  	[tilespmem:v1+s18+$0x0] =	vst.idx.add.f32.msk vm0, v3  }
0xc2: {  	v1 =	vld [tilespmem:s15+$0x10010];
	_ =	sdelay $0x4  }
0xc3: {  	v2 =	vshll.u32 v1, $0x3  }
0xc4: {  	v3 =	vshrl.u32 v1, $0x1;
	v61 =	vand.u32 $0xFFFFF87F, v1;
	v2 =	vand.u32 $0x400, v2  }
0xc5: {  	vm13 =	vlt.s32 v1, $0x10000;
	v1 =	vand.u32 $0x380, v3;
	v2 =	vor.u32 v2, v61  }
0xc6: {  	v3 =	vld [tilespmem:s15+$0x11090];
	v1 =	vor.u32 v1, v2;
	_ =	sdelay $0x4  }
0xc7: {  	[tilespmem:v1+s18+$0x0] =	vst.idx.add.f32.msk vm13, v3  }
0xc8: {  	v1 =	vld [tilespmem:s15+$0x10020];
	_ =	sdelay $0x4  }
0xc9: {  	v2 =	vshll.u32 v1, $0x3  }
0xca: {  	v3 =	vshrl.u32 v1, $0x1;
	v62 =	vand.u32 $0xFFFFF87F, v1;
	v2 =	vand.u32 $0x400, v2  }
0xcb: {  	vm14 =	vlt.s32 v1, $0x10000;
	v1 =	vand.u32 $0x380, v3;
	v2 =	vor.u32 v2, v62  }
0xcc: {  	v3 =	vld [tilespmem:s15+$0x110A0];
	v1 =	vor.u32 v1, v2;
	_ =	sdelay $0x4  }
0xcd: {  	[tilespmem:v1+s18+$0x0] =	vst.idx.add.f32.msk vm14, v3  }
0xce: {  	v1 =	vld [tilespmem:s15+$0x10030];
	_ =	sdelay $0x4  }
0xcf: {  	v2 =	vshll.u32 v1, $0x3  }
0xd0: {  	v3 =	vshrl.u32 v1, $0x1;
	v63 =	vand.u32 $0xFFFFF87F, v1;
	v2 =	vand.u32 $0x400, v2  }
0xd1: {  	vm15 =	vlt.s32 v1, $0x10000;
	v1 =	vand.u32 $0x380, v3;
	v2 =	vor.u32 v2, v63  }
0xd2: {  	p0 =	sne.s32 s14, $0x4100;
	v3 =	vld [tilespmem:s15+$0x110B0];
	v1 =	vor.u32 v1, v2  }
.Ltmp1:
0xd3: {  	_ = 	snop;
	(pc) =	sbr.rel @p0 .LBB2_4-.Ltmp1, $2  }
0xd4: {  	_ =	sdelay $0x2  }
0xd5: {  	s14 =	sadd.s32 $0x100, s14;
	[tilespmem:v1+s18+$0x0] =	vst.idx.add.f32.msk vm15, v3  }
0xd6: {  	s15 =	sld [smem:$0x7FD];
	_ =	sdelay $0x1  }
0xd7: {  	s14 =	simm.s32 $0x0  }
0xd8: {  	[hbm4b:s15+s14] =	stream.linear.scatter [tilespmem:s14], [sflag:$0x2], $0x10000, $0x38;
	[tilespmem:$0x13180] =	vst v63  }
0xd9: {  	_ =	swait.ge [sflag:s12], $0x10000  }
0xda: {  	[sflag:s12] =	ssyncset.done $0x0  }
0xdb: {  	[sflag:s12] =	ssyncadd.s32 $0xFFFF0000  }
.LBB2_6:
0xdc: {  	s15 =	sshra.s32 s14, $0x2  }
0xdd: {  	v1 =	vld [tilespmem:s15+$0x10000];
	_ =	sdelay $0x4  }
0xde: {  	v2 =	vshll.u32 v1, $0x3  }
0xdf: {  	v3 =	vshrl.u32 v1, $0x1;
	v4 =	vand.u32 $0xFFFFF87F, v1;
	v2 =	vand.u32 $0x400, v2  }
0xe0: {  	vm0 =	vlt.s32 v1, $0x10000;
	v1 =	vand.u32 $0x380, v3;
	v2 =	vor.u32 v2, v4  }
0xe1: {  	v1 =	vor.u32 v1, v2;
	_ =	sdelay $0x4  }
0xe2: {  	[tilespmem:v1+s18+$0x0] =	vst.idx.msk vm0, v0  }
0xe3: {  	v1 =	vld [tilespmem:s15+$0x10010];
	_ =	sdelay $0x4  }
0xe4: {  	v2 =	vshll.u32 v1, $0x3  }
0xe5: {  	v3 =	vshrl.u32 v1, $0x1;
	v61 =	vand.u32 $0xFFFFF87F, v1;
	v2 =	vand.u32 $0x400, v2  }
0xe6: {  	vm13 =	vlt.s32 v1, $0x10000;
	v1 =	vand.u32 $0x380, v3;
	v2 =	vor.u32 v2, v61  }
0xe7: {  	v1 =	vor.u32 v1, v2;
	_ =	sdelay $0x4  }
0xe8: {  	[tilespmem:v1+s18+$0x0] =	vst.idx.msk vm13, v0  }
0xe9: {  	v1 =	vld [tilespmem:s15+$0x10020];
	_ =	sdelay $0x4  }
0xea: {  	v2 =	vshll.u32 v1, $0x3  }
0xeb: {  	v3 =	vshrl.u32 v1, $0x1;
	v62 =	vand.u32 $0xFFFFF87F, v1;
	v2 =	vand.u32 $0x400, v2  }
0xec: {  	vm14 =	vlt.s32 v1, $0x10000;
	v1 =	vand.u32 $0x380, v3;
	v2 =	vor.u32 v2, v62  }
0xed: {  	v1 =	vor.u32 v1, v2;
	_ =	sdelay $0x4  }
0xee: {  	[tilespmem:v1+s18+$0x0] =	vst.idx.msk vm14, v0  }
0xef: {  	v1 =	vld [tilespmem:s15+$0x10030];
	_ =	sdelay $0x4  }
0xf0: {  	v2 =	vshll.u32 v1, $0x3  }
0xf1: {  	v3 =	vshrl.u32 v1, $0x1;
	v63 =	vand.u32 $0xFFFFF87F, v1;
	v2 =	vand.u32 $0x400, v2  }
0xf2: {  	vm15 =	vlt.s32 v1, $0x10000;
	v1 =	vand.u32 $0x380, v3;
	v2 =	vor.u32 v2, v63  }
0xf3: {  	p0 =	sne.s32 s14, $0x4100;
	v1 =	vor.u32 v1, v2  }
.Ltmp2:
0xf4: {  	_ = 	snop;
	(pc) =	sbr.rel @p0 .LBB2_6-.Ltmp2, $2  }
0xf5: {  	_ =	sdelay $0x2  }
0xf6: {  	s14 =	sadd.s32 $0x100, s14;
	[tilespmem:v1+s18+$0x0] =	vst.idx.msk vm15, v0  }
0xf7: {  	_ =	swait.ge [sflag:s5], $0x2C0  }
0xf8: {  	[sflag:s5] =	ssyncset.done $0x0  }
0xf9: {  	[sflag:s5] =	ssyncadd.s32 $0xFFFFFD40  }
0xfa: {  	_ =	swait.ge [sflag:s5], $0x2C0  }
0xfb: {  	[sflag:s5] =	ssyncset.done $0x0  }
0xfc: {  	[sflag:s5] =	ssyncadd.s32 $0xFFFFFD40  }
0xfd: {  	_ =	swait.ge [sflag:s5], $0x2C0  }
0xfe: {  	[sflag:s5] =	ssyncset.done $0x0  }
0xff: {  	[sflag:s5] =	ssyncadd.s32 $0xFFFFFD40  }
0x100: {  	_ =	swait.ge [sflag:s5], $0x2C0  }
0x101: {  	[sflag:s5] =	ssyncset.done $0x0  }
0x102: {  	[sflag:s5] =	ssyncadd.s32 $0xFFFFFD40  }
0x103: {  	_ =	swait.ge [sflag:s5], $0x2C0  }
0x104: {  	[sflag:s5] =	ssyncset.done $0x0  }
0x105: {  	[sflag:s5] =	ssyncadd.s32 $0xFFFFFD40  }
0x106: {  	_ =	swait.ge [sflag:s5], $0x2C0  }
0x107: {  	[sflag:s5] =	ssyncset.done $0x0  }
0x108: {  	s14 =	simm.s32 $0x0;
	s15 =	rddreg [dreg:$0xf];
	[sflag:s5] =	ssyncadd.s32 $0xFFFFFD40  }
0x109: {  	[tilespmem:s31], [sflag:$0x1] =	stream.linear.gather [hbm4b:s15+s14], $0x2C0, $0x38;
	[tilespmem:$0x13180] =	vst v63  }
0x10a: {  	s17 =	rddreg [dreg:$0x10]  }
0x10b: {  	[tilespmem:s0], [sflag:$0x1] =	stream.linear.gather [hbm4b:s17+s14], $0x2C0, $0x38;
	[tilespmem:$0x13180] =	vst v63  }
0x10c: {  	s19 =	rddreg [dreg:$0x11]  }
0x10d: {  	[tilespmem:s1], [sflag:$0x1] =	stream.linear.gather [hbm4b:s19+s14], $0x2C0, $0x38;
	[tilespmem:$0x13180] =	vst v63  }
0x10e: {  	s16 =	rddreg [dreg:$0x12]  }
0x10f: {  	[tilespmem:s2], [sflag:$0x1] =	stream.linear.gather [hbm4b:s16+s14], $0x2C0, $0x38;
	[tilespmem:$0x13180] =	vst v63  }
0x110: {  	s17 =	rddreg [dreg:$0x13]  }
0x111: {  	[tilespmem:s3], [sflag:$0x1] =	stream.linear.gather [hbm4b:s17+s14], $0x2C0, $0x38;
	[tilespmem:$0x13180] =	vst v63  }
0x112: {  	s19 =	rddreg [dreg:$0x14]  }
0x113: {  	[tilespmem:s4], [sflag:$0x1] =	stream.linear.gather [hbm4b:s19+s14], $0x2C0, $0x38;
	[tilespmem:$0x13180] =	vst v63  }
.LBB2_8:
0x114: {  	s15 =	sshra.s32 s14, $0x2  }
0x115: {  	v1 =	vld [tilespmem:s15+$0x10000];
	_ =	sdelay $0x4  }
0x116: {  	v2 =	vshll.u32 v1, $0x3  }
0x117: {  	v3 =	vshrl.u32 v1, $0x1;
	v4 =	vand.u32 $0xFFFFF87F, v1;
	v2 =	vand.u32 $0x400, v2  }
0x118: {  	vm0 =	vlt.s32 v1, $0x10000;
	v1 =	vand.u32 $0x380, v3;
	v2 =	vor.u32 v2, v4  }
0x119: {  	v3 =	vld [tilespmem:s15+$0x12100];
	v1 =	vor.u32 v1, v2;
	_ =	sdelay $0x4  }
0x11a: {  	[tilespmem:v1+s18+$0x0] =	vst.idx.add.f32.msk vm0, v3  }
0x11b: {  	v1 =	vld [tilespmem:s15+$0x10010];
	_ =	sdelay $0x4  }
0x11c: {  	v2 =	vshll.u32 v1, $0x3  }
0x11d: {  	v3 =	vshrl.u32 v1, $0x1;
	v61 =	vand.u32 $0xFFFFF87F, v1;
	v2 =	vand.u32 $0x400, v2  }
0x11e: {  	vm13 =	vlt.s32 v1, $0x10000;
	v1 =	vand.u32 $0x380, v3;
	v2 =	vor.u32 v2, v61  }
0x11f: {  	v3 =	vld [tilespmem:s15+$0x12110];
	v1 =	vor.u32 v1, v2;
	_ =	sdelay $0x4  }
0x120: {  	[tilespmem:v1+s18+$0x0] =	vst.idx.add.f32.msk vm13, v3  }
0x121: {  	v1 =	vld [tilespmem:s15+$0x10020];
	_ =	sdelay $0x4  }
0x122: {  	v2 =	vshll.u32 v1, $0x3  }
0x123: {  	v3 =	vshrl.u32 v1, $0x1;
	v62 =	vand.u32 $0xFFFFF87F, v1;
	v2 =	vand.u32 $0x400, v2  }
0x124: {  	vm14 =	vlt.s32 v1, $0x10000;
	v1 =	vand.u32 $0x380, v3;
	v2 =	vor.u32 v2, v62  }
0x125: {  	v3 =	vld [tilespmem:s15+$0x12120];
	v1 =	vor.u32 v1, v2;
	_ =	sdelay $0x4  }
0x126: {  	[tilespmem:v1+s18+$0x0] =	vst.idx.add.f32.msk vm14, v3  }
0x127: {  	v1 =	vld [tilespmem:s15+$0x10030];
	_ =	sdelay $0x4  }
0x128: {  	v2 =	vshll.u32 v1, $0x3  }
0x129: {  	v3 =	vshrl.u32 v1, $0x1;
	v63 =	vand.u32 $0xFFFFF87F, v1;
	v2 =	vand.u32 $0x400, v2  }
0x12a: {  	vm15 =	vlt.s32 v1, $0x10000;
	v1 =	vand.u32 $0x380, v3;
	v2 =	vor.u32 v2, v63  }
0x12b: {  	p0 =	sne.s32 s14, $0x4100;
	v3 =	vld [tilespmem:s15+$0x12130];
	v1 =	vor.u32 v1, v2  }
.Ltmp3:
0x12c: {  	_ = 	snop;
	(pc) =	sbr.rel @p0 .LBB2_8-.Ltmp3, $2  }
0x12d: {  	_ =	sdelay $0x2  }
0x12e: {  	s14 =	sadd.s32 $0x100, s14;
	[tilespmem:v1+s18+$0x0] =	vst.idx.add.f32.msk vm15, v3  }
0x12f: {  	s14 =	simm.s32 $0x0  }
0x130: {  	[hbm4b:s20+s14] =	stream.linear.scatter [tilespmem:s14], [sflag:$0x2], $0x10000, $0x38;
	[tilespmem:$0x13180] =	vst v63  }
0x131: {  	_ =	swait.ge [sflag:s12], $0x10000  }
0x132: {  	[sflag:s12] =	ssyncset.done $0x0  }
0x133: {  	[sflag:s12] =	ssyncadd.s32 $0xFFFF0000  }
.LBB2_10:
0x134: {  	s15 =	sshra.s32 s14, $0x2  }
0x135: {  	v1 =	vld [tilespmem:s15+$0x10000];
	_ =	sdelay $0x4  }
0x136: {  	v2 =	vshll.u32 v1, $0x3  }
0x137: {  	v3 =	vshrl.u32 v1, $0x1;
	v4 =	vand.u32 $0xFFFFF87F, v1;
	v2 =	vand.u32 $0x400, v2  }
0x138: {  	vm0 =	vlt.s32 v1, $0x10000;
	v1 =	vand.u32 $0x380, v3;
	v2 =	vor.u32 v2, v4  }
0x139: {  	v1 =	vor.u32 v1, v2;
	_ =	sdelay $0x4  }
0x13a: {  	[tilespmem:v1+s18+$0x0] =	vst.idx.msk vm0, v0  }
0x13b: {  	v1 =	vld [tilespmem:s15+$0x10010];
	_ =	sdelay $0x4  }
0x13c: {  	v2 =	vshll.u32 v1, $0x3  }
0x13d: {  	v3 =	vshrl.u32 v1, $0x1;
	v61 =	vand.u32 $0xFFFFF87F, v1;
	v2 =	vand.u32 $0x400, v2  }
0x13e: {  	vm13 =	vlt.s32 v1, $0x10000;
	v1 =	vand.u32 $0x380, v3;
	v2 =	vor.u32 v2, v61  }
0x13f: {  	v1 =	vor.u32 v1, v2;
	_ =	sdelay $0x4  }
0x140: {  	[tilespmem:v1+s18+$0x0] =	vst.idx.msk vm13, v0  }
0x141: {  	v1 =	vld [tilespmem:s15+$0x10020];
	_ =	sdelay $0x4  }
0x142: {  	v2 =	vshll.u32 v1, $0x3  }
0x143: {  	v3 =	vshrl.u32 v1, $0x1;
	v62 =	vand.u32 $0xFFFFF87F, v1;
	v2 =	vand.u32 $0x400, v2  }
0x144: {  	vm14 =	vlt.s32 v1, $0x10000;
	v1 =	vand.u32 $0x380, v3;
	v2 =	vor.u32 v2, v62  }
0x145: {  	v1 =	vor.u32 v1, v2;
	_ =	sdelay $0x4  }
0x146: {  	[tilespmem:v1+s18+$0x0] =	vst.idx.msk vm14, v0  }
0x147: {  	v1 =	vld [tilespmem:s15+$0x10030];
	_ =	sdelay $0x4  }
0x148: {  	v2 =	vshll.u32 v1, $0x3  }
0x149: {  	v3 =	vshrl.u32 v1, $0x1;
	v63 =	vand.u32 $0xFFFFF87F, v1;
	v2 =	vand.u32 $0x400, v2  }
0x14a: {  	vm15 =	vlt.s32 v1, $0x10000;
	v1 =	vand.u32 $0x380, v3;
	v2 =	vor.u32 v2, v63  }
0x14b: {  	p0 =	sne.s32 s14, $0x4100;
	v1 =	vor.u32 v1, v2  }
.Ltmp4:
0x14c: {  	_ = 	snop;
	(pc) =	sbr.rel @p0 .LBB2_10-.Ltmp4, $2  }
0x14d: {  	_ =	sdelay $0x2  }
0x14e: {  	s14 =	sadd.s32 $0x100, s14;
	[tilespmem:v1+s18+$0x0] =	vst.idx.msk vm15, v0  }
0x14f: {  	_ =	swait.ge [sflag:s5], $0x2C0  }
0x150: {  	[sflag:s5] =	ssyncset.done $0x0  }
0x151: {  	[sflag:s5] =	ssyncadd.s32 $0xFFFFFD40  }
0x152: {  	_ =	swait.ge [sflag:s5], $0x2C0  }
0x153: {  	[sflag:s5] =	ssyncset.done $0x0  }
0x154: {  	[sflag:s5] =	ssyncadd.s32 $0xFFFFFD40  }
0x155: {  	_ =	swait.ge [sflag:s5], $0x2C0  }
0x156: {  	[sflag:s5] =	ssyncset.done $0x0  }
0x157: {  	[sflag:s5] =	ssyncadd.s32 $0xFFFFFD40  }
0x158: {  	_ =	swait.ge [sflag:s5], $0x2C0  }
0x159: {  	[sflag:s5] =	ssyncset.done $0x0  }
0x15a: {  	[sflag:s5] =	ssyncadd.s32 $0xFFFFFD40  }
0x15b: {  	_ =	swait.ge [sflag:s5], $0x2C0  }
0x15c: {  	[sflag:s5] =	ssyncset.done $0x0  }
0x15d: {  	[sflag:s5] =	ssyncadd.s32 $0xFFFFFD40  }
0x15e: {  	_ =	swait.ge [sflag:s5], $0x2C0  }
0x15f: {  	[sflag:s5] =	ssyncset.done $0x0  }
0x160: {  	s14 =	simm.s32 $0x0;
	s15 =	rddreg [dreg:$0x15];
	[sflag:s5] =	ssyncadd.s32 $0xFFFFFD40  }
0x161: {  	[tilespmem:s6], [sflag:$0x1] =	stream.linear.gather [hbm4b:s15+s14], $0x2C0, $0x38;
	[tilespmem:$0x13180] =	vst v63  }
0x162: {  	s17 =	rddreg [dreg:$0x16]  }
0x163: {  	[tilespmem:s7], [sflag:$0x1] =	stream.linear.gather [hbm4b:s17+s14], $0x2C0, $0x38;
	[tilespmem:$0x13180] =	vst v63  }
0x164: {  	s19 =	rddreg [dreg:$0x17]  }
0x165: {  	[tilespmem:s8], [sflag:$0x1] =	stream.linear.gather [hbm4b:s19+s14], $0x2C0, $0x38;
	[tilespmem:$0x13180] =	vst v63  }
0x166: {  	s16 =	rddreg [dreg:$0x18]  }
0x167: {  	[tilespmem:s9], [sflag:$0x1] =	stream.linear.gather [hbm4b:s16+s14], $0x2C0, $0x38;
	[tilespmem:$0x13180] =	vst v63  }
0x168: {  	s17 =	rddreg [dreg:$0x19]  }
0x169: {  	[tilespmem:s10], [sflag:$0x1] =	stream.linear.gather [hbm4b:s17+s14], $0x2C0, $0x38;
	[tilespmem:$0x13180] =	vst v63  }
0x16a: {  	s19 =	rddreg [dreg:$0x1a]  }
0x16b: {  	[tilespmem:s11], [sflag:$0x1] =	stream.linear.gather [hbm4b:s19+s14], $0x2C0, $0x38;
	[tilespmem:$0x13180] =	vst v63  }
.LBB2_12:
0x16c: {  	s15 =	sshra.s32 s14, $0x2  }
0x16d: {  	v1 =	vld [tilespmem:s15+$0x10000];
	_ =	sdelay $0x4  }
0x16e: {  	v2 =	vshll.u32 v1, $0x3  }
0x16f: {  	v3 =	vshrl.u32 v1, $0x1;
	v4 =	vand.u32 $0xFFFFF87F, v1;
	v2 =	vand.u32 $0x400, v2  }
0x170: {  	vm0 =	vlt.s32 v1, $0x10000;
	v1 =	vand.u32 $0x380, v3;
	v2 =	vor.u32 v2, v4  }
0x171: {  	v3 =	vld [tilespmem:s15+$0x11080];
	v1 =	vor.u32 v1, v2;
	_ =	sdelay $0x4  }
0x172: {  	[tilespmem:v1+s18+$0x0] =	vst.idx.add.f32.msk vm0, v3  }
0x173: {  	v1 =	vld [tilespmem:s15+$0x10010];
	_ =	sdelay $0x4  }
0x174: {  	v2 =	vshll.u32 v1, $0x3  }
0x175: {  	v3 =	vshrl.u32 v1, $0x1;
	v61 =	vand.u32 $0xFFFFF87F, v1;
	v2 =	vand.u32 $0x400, v2  }
0x176: {  	vm13 =	vlt.s32 v1, $0x10000;
	v1 =	vand.u32 $0x380, v3;
	v2 =	vor.u32 v2, v61  }
0x177: {  	v3 =	vld [tilespmem:s15+$0x11090];
	v1 =	vor.u32 v1, v2;
	_ =	sdelay $0x4  }
0x178: {  	[tilespmem:v1+s18+$0x0] =	vst.idx.add.f32.msk vm13, v3  }
0x179: {  	v1 =	vld [tilespmem:s15+$0x10020];
	_ =	sdelay $0x4  }
0x17a: {  	v2 =	vshll.u32 v1, $0x3  }
0x17b: {  	v3 =	vshrl.u32 v1, $0x1;
	v62 =	vand.u32 $0xFFFFF87F, v1;
	v2 =	vand.u32 $0x400, v2  }
0x17c: {  	vm14 =	vlt.s32 v1, $0x10000;
	v1 =	vand.u32 $0x380, v3;
	v2 =	vor.u32 v2, v62  }
0x17d: {  	v3 =	vld [tilespmem:s15+$0x110A0];
	v1 =	vor.u32 v1, v2;
	_ =	sdelay $0x4  }
0x17e: {  	[tilespmem:v1+s18+$0x0] =	vst.idx.add.f32.msk vm14, v3  }
0x17f: {  	v1 =	vld [tilespmem:s15+$0x10030];
	_ =	sdelay $0x4  }
0x180: {  	v2 =	vshll.u32 v1, $0x3  }
0x181: {  	v3 =	vshrl.u32 v1, $0x1;
	v63 =	vand.u32 $0xFFFFF87F, v1;
	v2 =	vand.u32 $0x400, v2  }
0x182: {  	vm15 =	vlt.s32 v1, $0x10000;
	v1 =	vand.u32 $0x380, v3;
	v2 =	vor.u32 v2, v63  }
0x183: {  	p0 =	sne.s32 s14, $0x4100;
	v3 =	vld [tilespmem:s15+$0x110B0];
	v1 =	vor.u32 v1, v2  }
.Ltmp5:
0x184: {  	_ = 	snop;
	(pc) =	sbr.rel @p0 .LBB2_12-.Ltmp5, $2  }
0x185: {  	_ =	sdelay $0x2  }
0x186: {  	s14 =	sadd.s32 $0x100, s14;
	[tilespmem:v1+s18+$0x0] =	vst.idx.add.f32.msk vm15, v3  }
0x187: {  	s14 =	simm.s32 $0x0  }
0x188: {  	[hbm4b:s21+s14] =	stream.linear.scatter [tilespmem:s14], [sflag:$0x2], $0x10000, $0x38;
	[tilespmem:$0x13180] =	vst v63  }
0x189: {  	_ =	swait.ge [sflag:s12], $0x10000  }
0x18a: {  	[sflag:s12] =	ssyncset.done $0x0  }
0x18b: {  	[sflag:s12] =	ssyncadd.s32 $0xFFFF0000  }
.LBB2_14:
0x18c: {  	s15 =	sshra.s32 s14, $0x2  }
0x18d: {  	v1 =	vld [tilespmem:s15+$0x10000];
	_ =	sdelay $0x4  }
0x18e: {  	v2 =	vshll.u32 v1, $0x3  }
0x18f: {  	v3 =	vshrl.u32 v1, $0x1;
	v4 =	vand.u32 $0xFFFFF87F, v1;
	v2 =	vand.u32 $0x400, v2  }
0x190: {  	vm0 =	vlt.s32 v1, $0x10000;
	v1 =	vand.u32 $0x380, v3;
	v2 =	vor.u32 v2, v4  }
0x191: {  	v1 =	vor.u32 v1, v2;
	_ =	sdelay $0x4  }
0x192: {  	[tilespmem:v1+s18+$0x0] =	vst.idx.msk vm0, v0  }
0x193: {  	v1 =	vld [tilespmem:s15+$0x10010];
	_ =	sdelay $0x4  }
0x194: {  	v2 =	vshll.u32 v1, $0x3  }
0x195: {  	v3 =	vshrl.u32 v1, $0x1;
	v61 =	vand.u32 $0xFFFFF87F, v1;
	v2 =	vand.u32 $0x400, v2  }
0x196: {  	vm13 =	vlt.s32 v1, $0x10000;
	v1 =	vand.u32 $0x380, v3;
	v2 =	vor.u32 v2, v61  }
0x197: {  	v1 =	vor.u32 v1, v2;
	_ =	sdelay $0x4  }
0x198: {  	[tilespmem:v1+s18+$0x0] =	vst.idx.msk vm13, v0  }
0x199: {  	v1 =	vld [tilespmem:s15+$0x10020];
	_ =	sdelay $0x4  }
0x19a: {  	v2 =	vshll.u32 v1, $0x3  }
0x19b: {  	v3 =	vshrl.u32 v1, $0x1;
	v62 =	vand.u32 $0xFFFFF87F, v1;
	v2 =	vand.u32 $0x400, v2  }
0x19c: {  	vm14 =	vlt.s32 v1, $0x10000;
	v1 =	vand.u32 $0x380, v3;
	v2 =	vor.u32 v2, v62  }
0x19d: {  	v1 =	vor.u32 v1, v2;
	_ =	sdelay $0x4  }
0x19e: {  	[tilespmem:v1+s18+$0x0] =	vst.idx.msk vm14, v0  }
0x19f: {  	v1 =	vld [tilespmem:s15+$0x10030];
	_ =	sdelay $0x4  }
0x1a0: {  	v2 =	vshll.u32 v1, $0x3  }
0x1a1: {  	v3 =	vshrl.u32 v1, $0x1;
	v63 =	vand.u32 $0xFFFFF87F, v1;
	v2 =	vand.u32 $0x400, v2  }
0x1a2: {  	vm15 =	vlt.s32 v1, $0x10000;
	v1 =	vand.u32 $0x380, v3;
	v2 =	vor.u32 v2, v63  }
0x1a3: {  	p0 =	sne.s32 s14, $0x4100;
	v1 =	vor.u32 v1, v2  }
.Ltmp6:
0x1a4: {  	_ = 	snop;
	(pc) =	sbr.rel @p0 .LBB2_14-.Ltmp6, $2  }
0x1a5: {  	_ =	sdelay $0x2  }
0x1a6: {  	s14 =	sadd.s32 $0x100, s14;
	[tilespmem:v1+s18+$0x0] =	vst.idx.msk vm15, v0  }
0x1a7: {  	_ =	swait.ge [sflag:s5], $0x2C0  }
0x1a8: {  	[sflag:s5] =	ssyncset.done $0x0  }
0x1a9: {  	[sflag:s5] =	ssyncadd.s32 $0xFFFFFD40  }
0x1aa: {  	_ =	swait.ge [sflag:s5], $0x2C0  }
0x1ab: {  	[sflag:s5] =	ssyncset.done $0x0  }
0x1ac: {  	[sflag:s5] =	ssyncadd.s32 $0xFFFFFD40  }
0x1ad: {  	_ =	swait.ge [sflag:s5], $0x2C0  }
0x1ae: {  	[sflag:s5] =	ssyncset.done $0x0  }
0x1af: {  	[sflag:s5] =	ssyncadd.s32 $0xFFFFFD40  }
0x1b0: {  	_ =	swait.ge [sflag:s5], $0x2C0  }
0x1b1: {  	[sflag:s5] =	ssyncset.done $0x0  }
0x1b2: {  	[sflag:s5] =	ssyncadd.s32 $0xFFFFFD40  }
0x1b3: {  	_ =	swait.ge [sflag:s5], $0x2C0  }
0x1b4: {  	[sflag:s5] =	ssyncset.done $0x0  }
0x1b5: {  	[sflag:s5] =	ssyncadd.s32 $0xFFFFFD40  }
0x1b6: {  	_ =	swait.ge [sflag:s5], $0x2C0  }
0x1b7: {  	[sflag:s5] =	ssyncset.done $0x0;
	s15 =	rddreg [dreg:$0x1b]  }
0x1b8: {  	s14 =	simm.s32 $0x0;
	s17 =	rddreg [dreg:$0x1c];
	[sflag:s5] =	ssyncadd.s32 $0xFFFFFD40  }
0x1b9: {  	[tilespmem:s31], [sflag:$0x1] =	stream.linear.gather [hbm4b:s15+s14], $0x2C0, $0x38;
	[tilespmem:$0x13180] =	vst v63  }
0x1ba: {  	s19 =	rddreg [dreg:$0x1d]  }
0x1bb: {  	[tilespmem:s0], [sflag:$0x1] =	stream.linear.gather [hbm4b:s17+s14], $0x2C0, $0x38;
	[tilespmem:$0x13180] =	vst v63  }
0x1bc: {  	s16 =	rddreg [dreg:$0x1e]  }
0x1bd: {  	[tilespmem:s1], [sflag:$0x1] =	stream.linear.gather [hbm4b:s19+s14], $0x2C0, $0x38;
	[tilespmem:$0x13180] =	vst v63  }
0x1be: {  	s17 =	rddreg [dreg:$0x1f]  }
0x1bf: {  	[tilespmem:s2], [sflag:$0x1] =	stream.linear.gather [hbm4b:s16+s14], $0x2C0, $0x38;
	[tilespmem:$0x13180] =	vst v63  }
0x1c0: {  	s19 =	sld [smem:$0x7EA]  }
0x1c1: {  	[tilespmem:s3], [sflag:$0x1] =	stream.linear.gather [hbm4b:s17+s14], $0x2C0, $0x38;
	[tilespmem:$0x13180] =	vst v63  }
0x1c2: {  	_ = 	snop  }
0x1c3: {  	[tilespmem:s4], [sflag:$0x1] =	stream.linear.gather [hbm4b:s19+s14], $0x2C0, $0x38;
	[tilespmem:$0x13180] =	vst v63  }
.LBB2_16:
0x1c4: {  	s15 =	sshra.s32 s14, $0x2  }
0x1c5: {  	v1 =	vld [tilespmem:s15+$0x10000];
	_ =	sdelay $0x4  }
0x1c6: {  	v2 =	vshll.u32 v1, $0x3  }
0x1c7: {  	v3 =	vshrl.u32 v1, $0x1;
	v4 =	vand.u32 $0xFFFFF87F, v1;
	v2 =	vand.u32 $0x400, v2  }
0x1c8: {  	vm0 =	vlt.s32 v1, $0x10000;
	v1 =	vand.u32 $0x380, v3;
	v2 =	vor.u32 v2, v4  }
0x1c9: {  	v3 =	vld [tilespmem:s15+$0x12100];
	v1 =	vor.u32 v1, v2;
	_ =	sdelay $0x4  }
0x1ca: {  	[tilespmem:v1+s18+$0x0] =	vst.idx.add.f32.msk vm0, v3  }
0x1cb: {  	v1 =	vld [tilespmem:s15+$0x10010];
	_ =	sdelay $0x4  }
0x1cc: {  	v2 =	vshll.u32 v1, $0x3  }
0x1cd: {  	v3 =	vshrl.u32 v1, $0x1;
	v61 =	vand.u32 $0xFFFFF87F, v1;
	v2 =	vand.u32 $0x400, v2  }
0x1ce: {  	vm13 =	vlt.s32 v1, $0x10000;
	v1 =	vand.u32 $0x380, v3;
	v2 =	vor.u32 v2, v61  }
0x1cf: {  	v3 =	vld [tilespmem:s15+$0x12110];
	v1 =	vor.u32 v1, v2;
	_ =	sdelay $0x4  }
0x1d0: {  	[tilespmem:v1+s18+$0x0] =	vst.idx.add.f32.msk vm13, v3  }
0x1d1: {  	v1 =	vld [tilespmem:s15+$0x10020];
	_ =	sdelay $0x4  }
0x1d2: {  	v2 =	vshll.u32 v1, $0x3  }
0x1d3: {  	v3 =	vshrl.u32 v1, $0x1;
	v62 =	vand.u32 $0xFFFFF87F, v1;
	v2 =	vand.u32 $0x400, v2  }
0x1d4: {  	vm14 =	vlt.s32 v1, $0x10000;
	v1 =	vand.u32 $0x380, v3;
	v2 =	vor.u32 v2, v62  }
0x1d5: {  	v3 =	vld [tilespmem:s15+$0x12120];
	v1 =	vor.u32 v1, v2;
	_ =	sdelay $0x4  }
0x1d6: {  	[tilespmem:v1+s18+$0x0] =	vst.idx.add.f32.msk vm14, v3  }
0x1d7: {  	v1 =	vld [tilespmem:s15+$0x10030];
	_ =	sdelay $0x4  }
0x1d8: {  	v2 =	vshll.u32 v1, $0x3  }
0x1d9: {  	v3 =	vshrl.u32 v1, $0x1;
	v63 =	vand.u32 $0xFFFFF87F, v1;
	v2 =	vand.u32 $0x400, v2  }
0x1da: {  	vm15 =	vlt.s32 v1, $0x10000;
	v1 =	vand.u32 $0x380, v3;
	v2 =	vor.u32 v2, v63  }
0x1db: {  	p0 =	sne.s32 s14, $0x4100;
	v3 =	vld [tilespmem:s15+$0x12130];
	v1 =	vor.u32 v1, v2  }
.Ltmp7:
0x1dc: {  	_ = 	snop;
	(pc) =	sbr.rel @p0 .LBB2_16-.Ltmp7, $2  }
0x1dd: {  	_ =	sdelay $0x2  }
0x1de: {  	s14 =	sadd.s32 $0x100, s14;
	[tilespmem:v1+s18+$0x0] =	vst.idx.add.f32.msk vm15, v3  }
0x1df: {  	s14 =	simm.s32 $0x0  }
0x1e0: {  	[hbm4b:s22+s14] =	stream.linear.scatter [tilespmem:s14], [sflag:$0x2], $0x10000, $0x38;
	[tilespmem:$0x13180] =	vst v63  }
0x1e1: {  	_ =	swait.ge [sflag:s12], $0x10000  }
0x1e2: {  	[sflag:s12] =	ssyncset.done $0x0  }
0x1e3: {  	[sflag:s12] =	ssyncadd.s32 $0xFFFF0000  }
.LBB2_18:
0x1e4: {  	s15 =	sshra.s32 s14, $0x2  }
0x1e5: {  	v1 =	vld [tilespmem:s15+$0x10000];
	_ =	sdelay $0x4  }
0x1e6: {  	v2 =	vshll.u32 v1, $0x3  }
0x1e7: {  	v3 =	vshrl.u32 v1, $0x1;
	v4 =	vand.u32 $0xFFFFF87F, v1;
	v2 =	vand.u32 $0x400, v2  }
0x1e8: {  	vm0 =	vlt.s32 v1, $0x10000;
	v1 =	vand.u32 $0x380, v3;
	v2 =	vor.u32 v2, v4  }
0x1e9: {  	v1 =	vor.u32 v1, v2;
	_ =	sdelay $0x4  }
0x1ea: {  	[tilespmem:v1+s18+$0x0] =	vst.idx.msk vm0, v0  }
0x1eb: {  	v1 =	vld [tilespmem:s15+$0x10010];
	_ =	sdelay $0x4  }
0x1ec: {  	v2 =	vshll.u32 v1, $0x3  }
0x1ed: {  	v3 =	vshrl.u32 v1, $0x1;
	v61 =	vand.u32 $0xFFFFF87F, v1;
	v2 =	vand.u32 $0x400, v2  }
0x1ee: {  	vm13 =	vlt.s32 v1, $0x10000;
	v1 =	vand.u32 $0x380, v3;
	v2 =	vor.u32 v2, v61  }
0x1ef: {  	v1 =	vor.u32 v1, v2;
	_ =	sdelay $0x4  }
0x1f0: {  	[tilespmem:v1+s18+$0x0] =	vst.idx.msk vm13, v0  }
0x1f1: {  	v1 =	vld [tilespmem:s15+$0x10020];
	_ =	sdelay $0x4  }
0x1f2: {  	v2 =	vshll.u32 v1, $0x3  }
0x1f3: {  	v3 =	vshrl.u32 v1, $0x1;
	v62 =	vand.u32 $0xFFFFF87F, v1;
	v2 =	vand.u32 $0x400, v2  }
0x1f4: {  	vm14 =	vlt.s32 v1, $0x10000;
	v1 =	vand.u32 $0x380, v3;
	v2 =	vor.u32 v2, v62  }
0x1f5: {  	v1 =	vor.u32 v1, v2;
	_ =	sdelay $0x4  }
0x1f6: {  	[tilespmem:v1+s18+$0x0] =	vst.idx.msk vm14, v0  }
0x1f7: {  	v1 =	vld [tilespmem:s15+$0x10030];
	_ =	sdelay $0x4  }
0x1f8: {  	v2 =	vshll.u32 v1, $0x3  }
0x1f9: {  	v3 =	vshrl.u32 v1, $0x1;
	v63 =	vand.u32 $0xFFFFF87F, v1;
	v2 =	vand.u32 $0x400, v2  }
0x1fa: {  	vm15 =	vlt.s32 v1, $0x10000;
	v1 =	vand.u32 $0x380, v3;
	v2 =	vor.u32 v2, v63  }
0x1fb: {  	p0 =	sne.s32 s14, $0x4100;
	v1 =	vor.u32 v1, v2  }
.Ltmp8:
0x1fc: {  	_ = 	snop;
	(pc) =	sbr.rel @p0 .LBB2_18-.Ltmp8, $2  }
0x1fd: {  	_ =	sdelay $0x2  }
0x1fe: {  	s14 =	sadd.s32 $0x100, s14;
	[tilespmem:v1+s18+$0x0] =	vst.idx.msk vm15, v0  }
0x1ff: {  	_ =	swait.ge [sflag:s5], $0x2C0  }
0x200: {  	[sflag:s5] =	ssyncset.done $0x0  }
0x201: {  	[sflag:s5] =	ssyncadd.s32 $0xFFFFFD40  }
0x202: {  	_ =	swait.ge [sflag:s5], $0x2C0  }
0x203: {  	[sflag:s5] =	ssyncset.done $0x0  }
0x204: {  	[sflag:s5] =	ssyncadd.s32 $0xFFFFFD40  }
0x205: {  	_ =	swait.ge [sflag:s5], $0x2C0  }
0x206: {  	[sflag:s5] =	ssyncset.done $0x0  }
0x207: {  	[sflag:s5] =	ssyncadd.s32 $0xFFFFFD40  }
0x208: {  	_ =	swait.ge [sflag:s5], $0x2C0  }
0x209: {  	[sflag:s5] =	ssyncset.done $0x0  }
0x20a: {  	[sflag:s5] =	ssyncadd.s32 $0xFFFFFD40  }
0x20b: {  	_ =	swait.ge [sflag:s5], $0x2C0  }
0x20c: {  	[sflag:s5] =	ssyncset.done $0x0  }
0x20d: {  	[sflag:s5] =	ssyncadd.s32 $0xFFFFFD40  }
0x20e: {  	_ =	swait.ge [sflag:s5], $0x2C0  }
0x20f: {  	s15 =	sld [smem:$0x7EB]  }
0x210: {  	[sflag:s5] =	ssyncset.done $0x0  }
0x211: {  	s14 =	simm.s32 $0x0;
	s17 =	sld [smem:$0x7EC];
	[sflag:s5] =	ssyncadd.s32 $0xFFFFFD40  }
0x212: {  	[tilespmem:s6], [sflag:$0x1] =	stream.linear.gather [hbm4b:s15+s14], $0x2C0, $0x38;
	[tilespmem:$0x13180] =	vst v63  }
0x213: {  	s19 =	sld [smem:$0x7ED]  }
0x214: {  	[tilespmem:s7], [sflag:$0x1] =	stream.linear.gather [hbm4b:s17+s14], $0x2C0, $0x38;
	[tilespmem:$0x13180] =	vst v63  }
0x215: {  	s16 =	sld [smem:$0x7EE]  }
0x216: {  	[tilespmem:s8], [sflag:$0x1] =	stream.linear.gather [hbm4b:s19+s14], $0x2C0, $0x38;
	[tilespmem:$0x13180] =	vst v63  }
0x217: {  	s17 =	sld [smem:$0x7EF]  }
0x218: {  	[tilespmem:s9], [sflag:$0x1] =	stream.linear.gather [hbm4b:s16+s14], $0x2C0, $0x38;
	[tilespmem:$0x13180] =	vst v63  }
0x219: {  	s19 =	sld [smem:$0x7F0]  }
0x21a: {  	[tilespmem:s10], [sflag:$0x1] =	stream.linear.gather [hbm4b:s17+s14], $0x2C0, $0x38;
	[tilespmem:$0x13180] =	vst v63  }
0x21b: {  	_ = 	snop  }
0x21c: {  	[tilespmem:s11], [sflag:$0x1] =	stream.linear.gather [hbm4b:s19+s14], $0x2C0, $0x38;
	[tilespmem:$0x13180] =	vst v63  }
.LBB2_20:
0x21d: {  	s15 =	sshra.s32 s14, $0x2  }
0x21e: {  	v1 =	vld [tilespmem:s15+$0x10000];
	_ =	sdelay $0x4  }
0x21f: {  	v2 =	vshll.u32 v1, $0x3  }
0x220: {  	v3 =	vshrl.u32 v1, $0x1;
	v4 =	vand.u32 $0xFFFFF87F, v1;
	v2 =	vand.u32 $0x400, v2  }
0x221: {  	vm0 =	vlt.s32 v1, $0x10000;
	v1 =	vand.u32 $0x380, v3;
	v2 =	vor.u32 v2, v4  }
0x222: {  	v3 =	vld [tilespmem:s15+$0x11080];
	v1 =	vor.u32 v1, v2;
	_ =	sdelay $0x4  }
0x223: {  	[tilespmem:v1+s18+$0x0] =	vst.idx.add.f32.msk vm0, v3  }
0x224: {  	v1 =	vld [tilespmem:s15+$0x10010];
	_ =	sdelay $0x4  }
0x225: {  	v2 =	vshll.u32 v1, $0x3  }
0x226: {  	v3 =	vshrl.u32 v1, $0x1;
	v61 =	vand.u32 $0xFFFFF87F, v1;
	v2 =	vand.u32 $0x400, v2  }
0x227: {  	vm13 =	vlt.s32 v1, $0x10000;
	v1 =	vand.u32 $0x380, v3;
	v2 =	vor.u32 v2, v61  }
0x228: {  	v3 =	vld [tilespmem:s15+$0x11090];
	v1 =	vor.u32 v1, v2;
	_ =	sdelay $0x4  }
0x229: {  	[tilespmem:v1+s18+$0x0] =	vst.idx.add.f32.msk vm13, v3  }
0x22a: {  	v1 =	vld [tilespmem:s15+$0x10020];
	_ =	sdelay $0x4  }
0x22b: {  	v2 =	vshll.u32 v1, $0x3  }
0x22c: {  	v3 =	vshrl.u32 v1, $0x1;
	v62 =	vand.u32 $0xFFFFF87F, v1;
	v2 =	vand.u32 $0x400, v2  }
0x22d: {  	vm14 =	vlt.s32 v1, $0x10000;
	v1 =	vand.u32 $0x380, v3;
	v2 =	vor.u32 v2, v62  }
0x22e: {  	v3 =	vld [tilespmem:s15+$0x110A0];
	v1 =	vor.u32 v1, v2;
	_ =	sdelay $0x4  }
0x22f: {  	[tilespmem:v1+s18+$0x0] =	vst.idx.add.f32.msk vm14, v3  }
0x230: {  	v1 =	vld [tilespmem:s15+$0x10030];
	_ =	sdelay $0x4  }
0x231: {  	v2 =	vshll.u32 v1, $0x3  }
0x232: {  	v3 =	vshrl.u32 v1, $0x1;
	v63 =	vand.u32 $0xFFFFF87F, v1;
	v2 =	vand.u32 $0x400, v2  }
0x233: {  	vm15 =	vlt.s32 v1, $0x10000;
	v1 =	vand.u32 $0x380, v3;
	v2 =	vor.u32 v2, v63  }
0x234: {  	p0 =	sne.s32 s14, $0x4100;
	v3 =	vld [tilespmem:s15+$0x110B0];
	v1 =	vor.u32 v1, v2  }
.Ltmp9:
0x235: {  	_ = 	snop;
	(pc) =	sbr.rel @p0 .LBB2_20-.Ltmp9, $2  }
0x236: {  	_ =	sdelay $0x2  }
0x237: {  	s14 =	sadd.s32 $0x100, s14;
	[tilespmem:v1+s18+$0x0] =	vst.idx.add.f32.msk vm15, v3  }
0x238: {  	s14 =	simm.s32 $0x0  }
0x239: {  	[hbm4b:s23+s14] =	stream.linear.scatter [tilespmem:s14], [sflag:$0x2], $0x10000, $0x38;
	[tilespmem:$0x13180] =	vst v63  }
0x23a: {  	_ =	swait.ge [sflag:s12], $0x10000  }
0x23b: {  	[sflag:s12] =	ssyncset.done $0x0  }
0x23c: {  	[sflag:s12] =	ssyncadd.s32 $0xFFFF0000  }
.LBB2_22:
0x23d: {  	s15 =	sshra.s32 s14, $0x2  }
0x23e: {  	v1 =	vld [tilespmem:s15+$0x10000];
	_ =	sdelay $0x4  }
0x23f: {  	v2 =	vshll.u32 v1, $0x3  }
0x240: {  	v3 =	vshrl.u32 v1, $0x1;
	v4 =	vand.u32 $0xFFFFF87F, v1;
	v2 =	vand.u32 $0x400, v2  }
0x241: {  	vm0 =	vlt.s32 v1, $0x10000;
	v1 =	vand.u32 $0x380, v3;
	v2 =	vor.u32 v2, v4  }
0x242: {  	v1 =	vor.u32 v1, v2;
	_ =	sdelay $0x4  }
0x243: {  	[tilespmem:v1+s18+$0x0] =	vst.idx.msk vm0, v0  }
0x244: {  	v1 =	vld [tilespmem:s15+$0x10010];
	_ =	sdelay $0x4  }
0x245: {  	v2 =	vshll.u32 v1, $0x3  }
0x246: {  	v3 =	vshrl.u32 v1, $0x1;
	v61 =	vand.u32 $0xFFFFF87F, v1;
	v2 =	vand.u32 $0x400, v2  }
0x247: {  	vm13 =	vlt.s32 v1, $0x10000;
	v1 =	vand.u32 $0x380, v3;
	v2 =	vor.u32 v2, v61  }
0x248: {  	v1 =	vor.u32 v1, v2;
	_ =	sdelay $0x4  }
0x249: {  	[tilespmem:v1+s18+$0x0] =	vst.idx.msk vm13, v0  }
0x24a: {  	v1 =	vld [tilespmem:s15+$0x10020];
	_ =	sdelay $0x4  }
0x24b: {  	v2 =	vshll.u32 v1, $0x3  }
0x24c: {  	v3 =	vshrl.u32 v1, $0x1;
	v62 =	vand.u32 $0xFFFFF87F, v1;
	v2 =	vand.u32 $0x400, v2  }
0x24d: {  	vm14 =	vlt.s32 v1, $0x10000;
	v1 =	vand.u32 $0x380, v3;
	v2 =	vor.u32 v2, v62  }
0x24e: {  	v1 =	vor.u32 v1, v2;
	_ =	sdelay $0x4  }
0x24f: {  	[tilespmem:v1+s18+$0x0] =	vst.idx.msk vm14, v0  }
0x250: {  	v1 =	vld [tilespmem:s15+$0x10030];
	_ =	sdelay $0x4  }
0x251: {  	v2 =	vshll.u32 v1, $0x3  }
0x252: {  	v3 =	vshrl.u32 v1, $0x1;
	v63 =	vand.u32 $0xFFFFF87F, v1;
	v2 =	vand.u32 $0x400, v2  }
0x253: {  	vm15 =	vlt.s32 v1, $0x10000;
	v1 =	vand.u32 $0x380, v3;
	v2 =	vor.u32 v2, v63  }
0x254: {  	p0 =	sne.s32 s14, $0x4100;
	v1 =	vor.u32 v1, v2  }
.Ltmp10:
0x255: {  	_ = 	snop;
	(pc) =	sbr.rel @p0 .LBB2_22-.Ltmp10, $2  }
0x256: {  	_ =	sdelay $0x2  }
0x257: {  	s14 =	sadd.s32 $0x100, s14;
	[tilespmem:v1+s18+$0x0] =	vst.idx.msk vm15, v0  }
0x258: {  	_ =	swait.ge [sflag:s5], $0x2C0  }
0x259: {  	[sflag:s5] =	ssyncset.done $0x0  }
0x25a: {  	[sflag:s5] =	ssyncadd.s32 $0xFFFFFD40  }
0x25b: {  	_ =	swait.ge [sflag:s5], $0x2C0  }
0x25c: {  	[sflag:s5] =	ssyncset.done $0x0  }
0x25d: {  	[sflag:s5] =	ssyncadd.s32 $0xFFFFFD40  }
0x25e: {  	_ =	swait.ge [sflag:s5], $0x2C0  }
0x25f: {  	[sflag:s5] =	ssyncset.done $0x0  }
0x260: {  	[sflag:s5] =	ssyncadd.s32 $0xFFFFFD40  }
0x261: {  	_ =	swait.ge [sflag:s5], $0x2C0  }
0x262: {  	[sflag:s5] =	ssyncset.done $0x0  }
0x263: {  	[sflag:s5] =	ssyncadd.s32 $0xFFFFFD40  }
0x264: {  	_ =	swait.ge [sflag:s5], $0x2C0  }
0x265: {  	[sflag:s5] =	ssyncset.done $0x0  }
0x266: {  	[sflag:s5] =	ssyncadd.s32 $0xFFFFFD40  }
0x267: {  	_ =	swait.ge [sflag:s5], $0x2C0  }
0x268: {  	s15 =	sld [smem:$0x7F1]  }
0x269: {  	[sflag:s5] =	ssyncset.done $0x0  }
0x26a: {  	s14 =	simm.s32 $0x0;
	s17 =	sld [smem:$0x7F2];
	[sflag:s5] =	ssyncadd.s32 $0xFFFFFD40  }
0x26b: {  	[tilespmem:s31], [sflag:$0x1] =	stream.linear.gather [hbm4b:s15+s14], $0x2C0, $0x38;
	[tilespmem:$0x13180] =	vst v63  }
0x26c: {  	s19 =	sld [smem:$0x7F3]  }
0x26d: {  	[tilespmem:s0], [sflag:$0x1] =	stream.linear.gather [hbm4b:s17+s14], $0x2C0, $0x38;
	[tilespmem:$0x13180] =	vst v63  }
0x26e: {  	s16 =	sld [smem:$0x7F4]  }
0x26f: {  	[tilespmem:s1], [sflag:$0x1] =	stream.linear.gather [hbm4b:s19+s14], $0x2C0, $0x38;
	[tilespmem:$0x13180] =	vst v63  }
0x270: {  	s17 =	sld [smem:$0x7F5]  }
0x271: {  	[tilespmem:s2], [sflag:$0x1] =	stream.linear.gather [hbm4b:s16+s14], $0x2C0, $0x38;
	[tilespmem:$0x13180] =	vst v63  }
0x272: {  	s19 =	sld [smem:$0x7F6]  }
0x273: {  	[tilespmem:s3], [sflag:$0x1] =	stream.linear.gather [hbm4b:s17+s14], $0x2C0, $0x38;
	[tilespmem:$0x13180] =	vst v63  }
0x274: {  	_ = 	snop  }
0x275: {  	[tilespmem:s4], [sflag:$0x1] =	stream.linear.gather [hbm4b:s19+s14], $0x2C0, $0x38;
	[tilespmem:$0x13180] =	vst v63  }
.LBB2_24:
0x276: {  	s15 =	sshra.s32 s14, $0x2  }
0x277: {  	v1 =	vld [tilespmem:s15+$0x10000];
	_ =	sdelay $0x4  }
0x278: {  	v2 =	vshll.u32 v1, $0x3  }
0x279: {  	v3 =	vshrl.u32 v1, $0x1;
	v4 =	vand.u32 $0xFFFFF87F, v1;
	v2 =	vand.u32 $0x400, v2  }
0x27a: {  	vm0 =	vlt.s32 v1, $0x10000;
	v1 =	vand.u32 $0x380, v3;
	v2 =	vor.u32 v2, v4  }
0x27b: {  	v3 =	vld [tilespmem:s15+$0x12100];
	v1 =	vor.u32 v1, v2;
	_ =	sdelay $0x4  }
0x27c: {  	[tilespmem:v1+s18+$0x0] =	vst.idx.add.f32.msk vm0, v3  }
0x27d: {  	v1 =	vld [tilespmem:s15+$0x10010];
	_ =	sdelay $0x4  }
0x27e: {  	v2 =	vshll.u32 v1, $0x3  }
0x27f: {  	v3 =	vshrl.u32 v1, $0x1;
	v61 =	vand.u32 $0xFFFFF87F, v1;
	v2 =	vand.u32 $0x400, v2  }
0x280: {  	vm13 =	vlt.s32 v1, $0x10000;
	v1 =	vand.u32 $0x380, v3;
	v2 =	vor.u32 v2, v61  }
0x281: {  	v3 =	vld [tilespmem:s15+$0x12110];
	v1 =	vor.u32 v1, v2;
	_ =	sdelay $0x4  }
0x282: {  	[tilespmem:v1+s18+$0x0] =	vst.idx.add.f32.msk vm13, v3  }
0x283: {  	v1 =	vld [tilespmem:s15+$0x10020];
	_ =	sdelay $0x4  }
0x284: {  	v2 =	vshll.u32 v1, $0x3  }
0x285: {  	v3 =	vshrl.u32 v1, $0x1;
	v62 =	vand.u32 $0xFFFFF87F, v1;
	v2 =	vand.u32 $0x400, v2  }
0x286: {  	vm14 =	vlt.s32 v1, $0x10000;
	v1 =	vand.u32 $0x380, v3;
	v2 =	vor.u32 v2, v62  }
0x287: {  	v3 =	vld [tilespmem:s15+$0x12120];
	v1 =	vor.u32 v1, v2;
	_ =	sdelay $0x4  }
0x288: {  	[tilespmem:v1+s18+$0x0] =	vst.idx.add.f32.msk vm14, v3  }
0x289: {  	v1 =	vld [tilespmem:s15+$0x10030];
	_ =	sdelay $0x4  }
0x28a: {  	v2 =	vshll.u32 v1, $0x3  }
0x28b: {  	v3 =	vshrl.u32 v1, $0x1;
	v63 =	vand.u32 $0xFFFFF87F, v1;
	v2 =	vand.u32 $0x400, v2  }
0x28c: {  	vm15 =	vlt.s32 v1, $0x10000;
	v1 =	vand.u32 $0x380, v3;
	v2 =	vor.u32 v2, v63  }
0x28d: {  	p0 =	sne.s32 s14, $0x4100;
	v3 =	vld [tilespmem:s15+$0x12130];
	v1 =	vor.u32 v1, v2  }
.Ltmp11:
0x28e: {  	_ = 	snop;
	(pc) =	sbr.rel @p0 .LBB2_24-.Ltmp11, $2  }
0x28f: {  	_ =	sdelay $0x2  }
0x290: {  	s14 =	sadd.s32 $0x100, s14;
	[tilespmem:v1+s18+$0x0] =	vst.idx.add.f32.msk vm15, v3  }
0x291: {  	s14 =	simm.s32 $0x0  }
0x292: {  	[hbm4b:s24+s14] =	stream.linear.scatter [tilespmem:s14], [sflag:$0x2], $0x10000, $0x38;
	[tilespmem:$0x13180] =	vst v63  }
0x293: {  	_ =	swait.ge [sflag:s12], $0x10000  }
0x294: {  	[sflag:s12] =	ssyncset.done $0x0  }
0x295: {  	[sflag:s12] =	ssyncadd.s32 $0xFFFF0000  }
.LBB2_26:
0x296: {  	s15 =	sshra.s32 s14, $0x2  }
0x297: {  	v1 =	vld [tilespmem:s15+$0x10000];
	_ =	sdelay $0x4  }
0x298: {  	v2 =	vshll.u32 v1, $0x3  }
0x299: {  	v3 =	vshrl.u32 v1, $0x1;
	v4 =	vand.u32 $0xFFFFF87F, v1;
	v2 =	vand.u32 $0x400, v2  }
0x29a: {  	vm0 =	vlt.s32 v1, $0x10000;
	v1 =	vand.u32 $0x380, v3;
	v2 =	vor.u32 v2, v4  }
0x29b: {  	v1 =	vor.u32 v1, v2;
	_ =	sdelay $0x4  }
0x29c: {  	[tilespmem:v1+s18+$0x0] =	vst.idx.msk vm0, v0  }
0x29d: {  	v1 =	vld [tilespmem:s15+$0x10010];
	_ =	sdelay $0x4  }
0x29e: {  	v2 =	vshll.u32 v1, $0x3  }
0x29f: {  	v3 =	vshrl.u32 v1, $0x1;
	v61 =	vand.u32 $0xFFFFF87F, v1;
	v2 =	vand.u32 $0x400, v2  }
0x2a0: {  	vm13 =	vlt.s32 v1, $0x10000;
	v1 =	vand.u32 $0x380, v3;
	v2 =	vor.u32 v2, v61  }
0x2a1: {  	v1 =	vor.u32 v1, v2;
	_ =	sdelay $0x4  }
0x2a2: {  	[tilespmem:v1+s18+$0x0] =	vst.idx.msk vm13, v0  }
0x2a3: {  	v1 =	vld [tilespmem:s15+$0x10020];
	_ =	sdelay $0x4  }
0x2a4: {  	v2 =	vshll.u32 v1, $0x3  }
0x2a5: {  	v3 =	vshrl.u32 v1, $0x1;
	v62 =	vand.u32 $0xFFFFF87F, v1;
	v2 =	vand.u32 $0x400, v2  }
0x2a6: {  	vm14 =	vlt.s32 v1, $0x10000;
	v1 =	vand.u32 $0x380, v3;
	v2 =	vor.u32 v2, v62  }
0x2a7: {  	v1 =	vor.u32 v1, v2;
	_ =	sdelay $0x4  }
0x2a8: {  	[tilespmem:v1+s18+$0x0] =	vst.idx.msk vm14, v0  }
0x2a9: {  	v1 =	vld [tilespmem:s15+$0x10030];
	_ =	sdelay $0x4  }
0x2aa: {  	v2 =	vshll.u32 v1, $0x3  }
0x2ab: {  	v3 =	vshrl.u32 v1, $0x1;
	v63 =	vand.u32 $0xFFFFF87F, v1;
	v2 =	vand.u32 $0x400, v2  }
0x2ac: {  	vm15 =	vlt.s32 v1, $0x10000;
	v1 =	vand.u32 $0x380, v3;
	v2 =	vor.u32 v2, v63  }
0x2ad: {  	p0 =	sne.s32 s14, $0x4100;
	v1 =	vor.u32 v1, v2  }
.Ltmp12:
0x2ae: {  	_ = 	snop;
	(pc) =	sbr.rel @p0 .LBB2_26-.Ltmp12, $2  }
0x2af: {  	_ =	sdelay $0x2  }
0x2b0: {  	s14 =	sadd.s32 $0x100, s14;
	[tilespmem:v1+s18+$0x0] =	vst.idx.msk vm15, v0  }
0x2b1: {  	_ =	swait.ge [sflag:s5], $0x2C0  }
0x2b2: {  	[sflag:s5] =	ssyncset.done $0x0  }
0x2b3: {  	[sflag:s5] =	ssyncadd.s32 $0xFFFFFD40  }
0x2b4: {  	_ =	swait.ge [sflag:s5], $0x2C0  }
0x2b5: {  	[sflag:s5] =	ssyncset.done $0x0  }
0x2b6: {  	[sflag:s5] =	ssyncadd.s32 $0xFFFFFD40  }
0x2b7: {  	_ =	swait.ge [sflag:s5], $0x2C0  }
0x2b8: {  	[sflag:s5] =	ssyncset.done $0x0  }
0x2b9: {  	[sflag:s5] =	ssyncadd.s32 $0xFFFFFD40  }
0x2ba: {  	_ =	swait.ge [sflag:s5], $0x2C0  }
0x2bb: {  	[sflag:s5] =	ssyncset.done $0x0  }
0x2bc: {  	[sflag:s5] =	ssyncadd.s32 $0xFFFFFD40  }
0x2bd: {  	_ =	swait.ge [sflag:s5], $0x2C0  }
0x2be: {  	[sflag:s5] =	ssyncset.done $0x0  }
0x2bf: {  	[sflag:s5] =	ssyncadd.s32 $0xFFFFFD40  }
0x2c0: {  	_ =	swait.ge [sflag:s5], $0x2C0  }
0x2c1: {  	s15 =	sld [smem:$0x7F7]  }
0x2c2: {  	[sflag:s5] =	ssyncset.done $0x0  }
0x2c3: {  	s14 =	simm.s32 $0x0;
	s17 =	sld [smem:$0x7F8];
	[sflag:s5] =	ssyncadd.s32 $0xFFFFFD40  }
0x2c4: {  	[tilespmem:s6], [sflag:$0x1] =	stream.linear.gather [hbm4b:s15+s14], $0x2C0, $0x38;
	[tilespmem:$0x13180] =	vst v63  }
0x2c5: {  	s19 =	sld [smem:$0x7F9]  }
0x2c6: {  	[tilespmem:s7], [sflag:$0x1] =	stream.linear.gather [hbm4b:s17+s14], $0x2C0, $0x38;
	[tilespmem:$0x13180] =	vst v63  }
0x2c7: {  	s16 =	sld [smem:$0x7FA]  }
0x2c8: {  	[tilespmem:s8], [sflag:$0x1] =	stream.linear.gather [hbm4b:s19+s14], $0x2C0, $0x38;
	[tilespmem:$0x13180] =	vst v63  }
0x2c9: {  	s17 =	sld [smem:$0x7FB]  }
0x2ca: {  	[tilespmem:s9], [sflag:$0x1] =	stream.linear.gather [hbm4b:s16+s14], $0x2C0, $0x38;
	[tilespmem:$0x13180] =	vst v63  }
0x2cb: {  	s19 =	sld [smem:$0x7FC]  }
0x2cc: {  	[tilespmem:s10], [sflag:$0x1] =	stream.linear.gather [hbm4b:s17+s14], $0x2C0, $0x38;
	[tilespmem:$0x13180] =	vst v63  }
0x2cd: {  	_ = 	snop  }
0x2ce: {  	[tilespmem:s11], [sflag:$0x1] =	stream.linear.gather [hbm4b:s19+s14], $0x2C0, $0x38;
	[tilespmem:$0x13180] =	vst v63  }
.LBB2_28:
0x2cf: {  	s15 =	sshra.s32 s14, $0x2  }
0x2d0: {  	v1 =	vld [tilespmem:s15+$0x10000];
	_ =	sdelay $0x4  }
0x2d1: {  	v2 =	vshll.u32 v1, $0x3  }
0x2d2: {  	v3 =	vshrl.u32 v1, $0x1;
	v4 =	vand.u32 $0xFFFFF87F, v1;
	v2 =	vand.u32 $0x400, v2  }
0x2d3: {  	vm0 =	vlt.s32 v1, $0x10000;
	v1 =	vand.u32 $0x380, v3;
	v2 =	vor.u32 v2, v4  }
0x2d4: {  	v3 =	vld [tilespmem:s15+$0x11080];
	v1 =	vor.u32 v1, v2;
	_ =	sdelay $0x4  }
0x2d5: {  	[tilespmem:v1+s18+$0x0] =	vst.idx.add.f32.msk vm0, v3  }
0x2d6: {  	v1 =	vld [tilespmem:s15+$0x10010];
	_ =	sdelay $0x4  }
0x2d7: {  	v2 =	vshll.u32 v1, $0x3  }
0x2d8: {  	v3 =	vshrl.u32 v1, $0x1;
	v61 =	vand.u32 $0xFFFFF87F, v1;
	v2 =	vand.u32 $0x400, v2  }
0x2d9: {  	vm13 =	vlt.s32 v1, $0x10000;
	v1 =	vand.u32 $0x380, v3;
	v2 =	vor.u32 v2, v61  }
0x2da: {  	v3 =	vld [tilespmem:s15+$0x11090];
	v1 =	vor.u32 v1, v2;
	_ =	sdelay $0x4  }
0x2db: {  	[tilespmem:v1+s18+$0x0] =	vst.idx.add.f32.msk vm13, v3  }
0x2dc: {  	v1 =	vld [tilespmem:s15+$0x10020];
	_ =	sdelay $0x4  }
0x2dd: {  	v2 =	vshll.u32 v1, $0x3  }
0x2de: {  	v3 =	vshrl.u32 v1, $0x1;
	v62 =	vand.u32 $0xFFFFF87F, v1;
	v2 =	vand.u32 $0x400, v2  }
0x2df: {  	vm14 =	vlt.s32 v1, $0x10000;
	v1 =	vand.u32 $0x380, v3;
	v2 =	vor.u32 v2, v62  }
0x2e0: {  	v3 =	vld [tilespmem:s15+$0x110A0];
	v1 =	vor.u32 v1, v2;
	_ =	sdelay $0x4  }
0x2e1: {  	[tilespmem:v1+s18+$0x0] =	vst.idx.add.f32.msk vm14, v3  }
0x2e2: {  	v1 =	vld [tilespmem:s15+$0x10030];
	_ =	sdelay $0x4  }
0x2e3: {  	v2 =	vshll.u32 v1, $0x3  }
0x2e4: {  	v3 =	vshrl.u32 v1, $0x1;
	v63 =	vand.u32 $0xFFFFF87F, v1;
	v2 =	vand.u32 $0x400, v2  }
0x2e5: {  	vm15 =	vlt.s32 v1, $0x10000;
	v1 =	vand.u32 $0x380, v3;
	v2 =	vor.u32 v2, v63  }
0x2e6: {  	p0 =	sne.s32 s14, $0x4100;
	v3 =	vld [tilespmem:s15+$0x110B0];
	v1 =	vor.u32 v1, v2  }
.Ltmp13:
0x2e7: {  	_ = 	snop;
	(pc) =	sbr.rel @p0 .LBB2_28-.Ltmp13, $2  }
0x2e8: {  	_ =	sdelay $0x2  }
0x2e9: {  	s14 =	sadd.s32 $0x100, s14;
	[tilespmem:v1+s18+$0x0] =	vst.idx.add.f32.msk vm15, v3  }
0x2ea: {  	s14 =	simm.s32 $0x0  }
0x2eb: {  	[hbm4b:s25+s14] =	stream.linear.scatter [tilespmem:s14], [sflag:$0x2], $0x10000, $0x38;
	[tilespmem:$0x13180] =	vst v63  }
0x2ec: {  	_ =	swait.ge [sflag:s12], $0x10000  }
0x2ed: {  	[sflag:s12] =	ssyncset.done $0x0  }
0x2ee: {  	[sflag:s12] =	ssyncadd.s32 $0xFFFF0000  }
.LBB2_30:
0x2ef: {  	s15 =	sshra.s32 s14, $0x2  }
0x2f0: {  	v1 =	vld [tilespmem:s15+$0x10000];
	_ =	sdelay $0x4  }
0x2f1: {  	v2 =	vshll.u32 v1, $0x3  }
0x2f2: {  	v3 =	vshrl.u32 v1, $0x1;
	v4 =	vand.u32 $0xFFFFF87F, v1;
	v2 =	vand.u32 $0x400, v2  }
0x2f3: {  	vm0 =	vlt.s32 v1, $0x10000;
	v1 =	vand.u32 $0x380, v3;
	v2 =	vor.u32 v2, v4  }
0x2f4: {  	v1 =	vor.u32 v1, v2;
	_ =	sdelay $0x4  }
0x2f5: {  	[tilespmem:v1+s18+$0x0] =	vst.idx.msk vm0, v0  }
0x2f6: {  	v1 =	vld [tilespmem:s15+$0x10010];
	_ =	sdelay $0x4  }
0x2f7: {  	v2 =	vshll.u32 v1, $0x3  }
0x2f8: {  	v3 =	vshrl.u32 v1, $0x1;
	v61 =	vand.u32 $0xFFFFF87F, v1;
	v2 =	vand.u32 $0x400, v2  }
0x2f9: {  	vm13 =	vlt.s32 v1, $0x10000;
	v1 =	vand.u32 $0x380, v3;
	v2 =	vor.u32 v2, v61  }
0x2fa: {  	v1 =	vor.u32 v1, v2;
	_ =	sdelay $0x4  }
0x2fb: {  	[tilespmem:v1+s18+$0x0] =	vst.idx.msk vm13, v0  }
0x2fc: {  	v1 =	vld [tilespmem:s15+$0x10020];
	_ =	sdelay $0x4  }
0x2fd: {  	v2 =	vshll.u32 v1, $0x3  }
0x2fe: {  	v3 =	vshrl.u32 v1, $0x1;
	v62 =	vand.u32 $0xFFFFF87F, v1;
	v2 =	vand.u32 $0x400, v2  }
0x2ff: {  	vm14 =	vlt.s32 v1, $0x10000;
	v1 =	vand.u32 $0x380, v3;
	v2 =	vor.u32 v2, v62  }
0x300: {  	v1 =	vor.u32 v1, v2;
	_ =	sdelay $0x4  }
0x301: {  	[tilespmem:v1+s18+$0x0] =	vst.idx.msk vm14, v0  }
0x302: {  	v1 =	vld [tilespmem:s15+$0x10030];
	_ =	sdelay $0x4  }
0x303: {  	v2 =	vshll.u32 v1, $0x3  }
0x304: {  	v3 =	vshrl.u32 v1, $0x1;
	v63 =	vand.u32 $0xFFFFF87F, v1;
	v2 =	vand.u32 $0x400, v2  }
0x305: {  	vm15 =	vlt.s32 v1, $0x10000;
	v1 =	vand.u32 $0x380, v3;
	v2 =	vor.u32 v2, v63  }
0x306: {  	p0 =	sne.s32 s14, $0x4100;
	v1 =	vor.u32 v1, v2  }
.Ltmp14:
0x307: {  	_ = 	snop;
	(pc) =	sbr.rel @p0 .LBB2_30-.Ltmp14, $2  }
0x308: {  	_ =	sdelay $0x2  }
0x309: {  	s14 =	sadd.s32 $0x100, s14;
	[tilespmem:v1+s18+$0x0] =	vst.idx.msk vm15, v0  }
0x30a: {  	_ =	swait.ge [sflag:s5], $0x2C0  }
0x30b: {  	[sflag:s5] =	ssyncset.done $0x0  }
0x30c: {  	[sflag:s5] =	ssyncadd.s32 $0xFFFFFD40  }
0x30d: {  	_ =	swait.ge [sflag:s5], $0x2C0  }
0x30e: {  	[sflag:s5] =	ssyncset.done $0x0  }
0x30f: {  	[sflag:s5] =	ssyncadd.s32 $0xFFFFFD40  }
0x310: {  	_ =	swait.ge [sflag:s5], $0x2C0  }
0x311: {  	[sflag:s5] =	ssyncset.done $0x0  }
0x312: {  	[sflag:s5] =	ssyncadd.s32 $0xFFFFFD40  }
0x313: {  	_ =	swait.ge [sflag:s5], $0x2C0  }
0x314: {  	[sflag:s5] =	ssyncset.done $0x0  }
0x315: {  	[sflag:s5] =	ssyncadd.s32 $0xFFFFFD40  }
0x316: {  	_ =	swait.ge [sflag:s5], $0x2C0  }
0x317: {  	[sflag:s5] =	ssyncset.done $0x0  }
0x318: {  	[sflag:s5] =	ssyncadd.s32 $0xFFFFFD40  }
0x319: {  	_ =	swait.ge [sflag:s5], $0x2C0  }
0x31a: {  	[sflag:s5] =	ssyncset.done $0x0  }
0x31b: {  	s14 =	simm.s32 $0x0;
	[sflag:s5] =	ssyncadd.s32 $0xFFFFFD40  }
.LBB2_32:
0x31c: {  	s15 =	sshra.s32 s14, $0x2  }
0x31d: {  	v1 =	vld [tilespmem:s15+$0x10000];
	_ =	sdelay $0x4  }
0x31e: {  	v2 =	vshll.u32 v1, $0x3  }
0x31f: {  	v3 =	vshrl.u32 v1, $0x1;
	v4 =	vand.u32 $0xFFFFF87F, v1;
	v2 =	vand.u32 $0x400, v2  }
0x320: {  	vm0 =	vlt.s32 v1, $0x10000;
	v1 =	vand.u32 $0x380, v3;
	v2 =	vor.u32 v2, v4  }
0x321: {  	v3 =	vld [tilespmem:s15+$0x12100];
	v1 =	vor.u32 v1, v2;
	_ =	sdelay $0x4  }
0x322: {  	[tilespmem:v1+s18+$0x0] =	vst.idx.add.f32.msk vm0, v3  }
0x323: {  	v1 =	vld [tilespmem:s15+$0x10010];
	_ =	sdelay $0x4  }
0x324: {  	v2 =	vshll.u32 v1, $0x3  }
0x325: {  	v3 =	vshrl.u32 v1, $0x1;
	v61 =	vand.u32 $0xFFFFF87F, v1;
	v2 =	vand.u32 $0x400, v2  }
0x326: {  	vm13 =	vlt.s32 v1, $0x10000;
	v1 =	vand.u32 $0x380, v3;
	v2 =	vor.u32 v2, v61  }
0x327: {  	v3 =	vld [tilespmem:s15+$0x12110];
	v1 =	vor.u32 v1, v2;
	_ =	sdelay $0x4  }
0x328: {  	[tilespmem:v1+s18+$0x0] =	vst.idx.add.f32.msk vm13, v3  }
0x329: {  	v1 =	vld [tilespmem:s15+$0x10020];
	_ =	sdelay $0x4  }
0x32a: {  	v2 =	vshll.u32 v1, $0x3  }
0x32b: {  	v3 =	vshrl.u32 v1, $0x1;
	v62 =	vand.u32 $0xFFFFF87F, v1;
	v2 =	vand.u32 $0x400, v2  }
0x32c: {  	vm14 =	vlt.s32 v1, $0x10000;
	v1 =	vand.u32 $0x380, v3;
	v2 =	vor.u32 v2, v62  }
0x32d: {  	v3 =	vld [tilespmem:s15+$0x12120];
	v1 =	vor.u32 v1, v2;
	_ =	sdelay $0x4  }
0x32e: {  	[tilespmem:v1+s18+$0x0] =	vst.idx.add.f32.msk vm14, v3  }
0x32f: {  	v1 =	vld [tilespmem:s15+$0x10030];
	_ =	sdelay $0x4  }
0x330: {  	v2 =	vshll.u32 v1, $0x3  }
0x331: {  	v3 =	vshrl.u32 v1, $0x1;
	v63 =	vand.u32 $0xFFFFF87F, v1;
	v2 =	vand.u32 $0x400, v2  }
0x332: {  	vm15 =	vlt.s32 v1, $0x10000;
	v1 =	vand.u32 $0x380, v3;
	v2 =	vor.u32 v2, v63  }
0x333: {  	p0 =	sne.s32 s14, $0x4100;
	v3 =	vld [tilespmem:s15+$0x12130];
	v1 =	vor.u32 v1, v2  }
.Ltmp15:
0x334: {  	_ = 	snop;
	(pc) =	sbr.rel @p0 .LBB2_32-.Ltmp15, $2  }
0x335: {  	_ =	sdelay $0x2  }
0x336: {  	s14 =	sadd.s32 $0x100, s14;
	[tilespmem:v1+s18+$0x0] =	vst.idx.add.f32.msk vm15, v3  }
0x337: {  	s13 =	sadd.s32 $0x1, s13  }
0x338: {  	p0 =	sne.s32 s13, s29  }
.Ltmp16:
0x339: {  	_ = 	snop;
	(pc) =	sbr.rel @p0 .LBB2_1-.Ltmp16, $4  }
0x33a: {  	[hbm4b:s26+s18] =	stream.linear.scatter [tilespmem:s18], [sflag:$0x2], $0x10000, $0x38;
	[tilespmem:$0x13180] =	vst v63  }
0x33b: {  	_ =	swait.ge [sflag:s12], $0x10000  }
0x33c: {  	[sflag:s12] =	ssyncset.done $0x0  }
0x33d: {  	[sflag:s12] =	ssyncadd.s32 $0xFFFF0000  }
0x33e: {  	_ =	sfence.sel $0x180000  }
0x33f: {  	[bflag:$0x0] =	sbarrier.arrive $0xFFFF  }
0x340: {  	_ =	strace $0x90000047  }
0x341: {  	s0 =	stileid.u32;
	[bflag:$0x2] =	sbarrier.arrive $0xFFFF  }
0x342: {  	p0 =	sne.s32 s0, $0x0;
	s0 =	rddreg [dreg:$0x2]  }
0x343: {  	s0 =	sadd.s32 @!p0 $0x100000, s0  }
0x344: {  	[sflag:s0] =	ssyncadd.tile.s32 @!p0 $0x1;
	_ =	shalt  }
.Lfunc_end2:
_tile_overlayer_lowered:
.L_overlay_start_2:
0x345: {  	(tag) =	ssettag $0x2  }
0x346: {  	s0 =	rddreg [dreg:$0x0];
	s2 =	stileid.u32  }
0x347: {  	s1 =	rddreg [dreg:$0x1];
	p0 =	sne.s32 s2, $0x0  }
0x348: {  	s3 =	rddreg [dreg:$0x2];
	[bflag:$0x3] =	sbarrier.arrive $0xFFFF;
	s2 =	simm.s32 @!p0 $0x1C03  }
0x349: {  	[timem:s3], [sflag:s2] =	dma.local @!p0 [hbm:s0], s1  }
0x34a: {  	s0 =	simm.s32 @!p0 $0x3  }
0x34b: {  	_ =	swait.ge @!p0 [sflag:s0], s1  }
0x34c: {  	s1 =	ssub.s32 @!p0 $0x0, s1;
	[sflag:s0] =	ssyncset.done @!p0 $0x0  }
0x34d: {  	[sflag:s0] =	ssyncadd.s32 @!p0 s1  }
0x34e: {  	[bflag:$0x3] =	sbarrier.arrive $0xFFFF  }
0x34f: {  	_ =	shalt  }

</sc_bundles>
